<compile_context>
chip_gen: v7x
topology: tpu7x:2x2x1
jax: 0.10.2.dev20260603
libtpu: 0.0.44.dev20260713+nightly
codegen_flags: <defaults>
</compile_context>

<pallas_src>
import functools

import jax
import jax.numpy as jnp
from jax import lax
from jax.experimental import pallas as pl
from jax.experimental.pallas import tpu as pltpu
from jax.experimental.pallas import tpu_sc as plsc

N = 10000
E = 320000
D = 128
EPS = 1e-5

NC = 2
NS = 16
NW = NC * NS
EPT = E // NW
K = 40
NCHUNK = EPT // K
NB = 3
M = (NCHUNK - 4) // NB
RPT = 624
TAIL = N - NS * RPT


def _lin_body(x_ref, w_ref, o_ref):
    o_ref[...] = lax.dot_general(
        x_ref[...], w_ref[...], (((1,), (1,)), ((), ())),
        preferred_element_type=jnp.float32)


def _bn(y, g, b):
    m = jnp.mean(y, axis=0, keepdims=True)
    c = y - m
    v = jnp.mean(c * c, axis=0, keepdims=True)
    return c * lax.rsqrt(v + EPS) * g + b


def _post_body(p_ref, x_ref, b_ref, bng_ref, bnb_ref, n1g_ref, n1b_ref,
               w1_ref, b1_ref, w2_ref, b2_ref, n2g_ref, n2b_ref, o_ref):
    agg = p_ref[0] + p_ref[1] + b_ref[...]
    out = jnp.maximum(_bn(agg, bng_ref[...], bnb_ref[...]), 0.0) + x_ref[...]
    out = _bn(out, n1g_ref[...], n1b_ref[...])
    ff = jnp.maximum(
        lax.dot_general(out, w1_ref[...], (((1,), (1,)), ((), ())),
                        preferred_element_type=jnp.float32) + b1_ref[...], 0.0)
    ff = lax.dot_general(ff, w2_ref[...], (((1,), (1,)), ((), ())),
                         preferred_element_type=jnp.float32) + b2_ref[...]
    o_ref[...] = _bn(out + ff, n2g_ref[...], n2b_ref[...])


def _sc_body(h_hbm, src_hbm, dst_hbm, ea_hbm, out_hbm,
             src_v, dst0, dst1, dst2, hrow0, hrow1, hrow2, ea0, ea1, ea2,
             agg_sh, sem0, sem1, sem2, ssem0, ssem1, ssem2):
    cid = lax.axis_index("c")
    sid = lax.axis_index("s")
    wid = cid * NS + sid

    zf = jnp.zeros((16,), jnp.float32)

    @plsc.parallel_loop(0, K, step=1, unroll=4)
    def _zrow(r):
        for l in range(D // 16):
            ea0[r, pl.ds(l * 16, 16)] = zf

    for t in range(RPT // K):
        pltpu.sync_copy(ea0, agg_sh.at[pl.ds(sid * RPT + t * K, K)])
    pltpu.sync_copy(ea0.at[pl.ds(0, RPT % K)],
                    agg_sh.at[pl.ds(sid * RPT + (RPT // K) * K, RPT % K)])

    @pl.when(sid == NS - 1)
    def _():
        pltpu.sync_copy(ea0.at[pl.ds(0, TAIL)],
                        agg_sh.at[pl.ds(NS * RPT, TAIL)])

    plsc.subcore_barrier()

    pltpu.sync_copy(src_hbm.at[wid], src_v)

    bufs = ((dst0, hrow0, ea0, sem0, ssem0),
            (dst1, hrow1, ea1, sem1, ssem1),
            (dst2, hrow2, ea2, sem2, ssem2))

    def start(i, b, drain=True):
        dst_b, hrow_b, ea_b, sem_b, ssem_b = bufs[b]
        if drain:
            pltpu.make_async_copy(ea_b, agg_sh.at[dst_b], ssem_b).wait()
        eo = wid * EPT + i * K
        pltpu.async_copy(h_hbm.at[src_v.at[pl.ds(i * K, K)]], hrow_b, sem_b)
        pltpu.async_copy(ea_hbm.at[pl.ds(eo, K)], ea_b, sem_b)
        pltpu.async_copy(dst_hbm.at[pl.ds(eo, K)], dst_b, sem_b)

    def proc(b):
        dst_b, hrow_b, ea_b, sem_b, ssem_b = bufs[b]
        pltpu.make_async_copy(h_hbm.at[src_v.at[pl.ds(0, K)]], hrow_b,
                              sem_b).wait()
        pltpu.make_async_copy(ea_hbm.at[pl.ds(0, K)], ea_b, sem_b).wait()
        pltpu.make_async_copy(dst_hbm.at[pl.ds(0, K)], dst_b, sem_b).wait()

        @plsc.parallel_loop(0, K, step=1, unroll=4)
        def _row(rr):
            for g in range(D // 16):
                sl = pl.ds(g * 16, 16)
                ea_b[rr, sl] = jnp.maximum(hrow_b[rr, sl] + ea_b[rr, sl], 0.0)

        pltpu.async_copy(ea_b, agg_sh.at[dst_b], ssem_b, add=True)

    def drain(b):
        dst_b, hrow_b, ea_b, sem_b, ssem_b = bufs[b]
        pltpu.make_async_copy(ea_b, agg_sh.at[dst_b], ssem_b).wait()

    start(0, 0, drain=False)
    start(1, 1, drain=False)

    def body(g, carry):
        i = NB * g
        proc(0)
        start(i + 2, 2, drain=False)
        proc(1)
        start(i + 3, 0)
        proc(2)
        start(i + 4, 1)
        return carry

    body(0, 0)

    def body_drain(g, carry):
        i = NB * g
        proc(0)
        start(i + 2, 2)
        proc(1)
        start(i + 3, 0)
        proc(2)
        start(i + 4, 1)
        return carry

    lax.fori_loop(1, M, body_drain, 0)
    i = NB * M
    proc(0)
    start(i + 2, 2)
    proc(1)
    start(i + 3, 0)
    proc(2)
    proc(0)
    drain(1)
    drain(2)
    drain(0)
    plsc.subcore_barrier()

    r0 = sid * RPT
    pltpu.sync_copy(agg_sh.at[pl.ds(r0, RPT)], out_hbm.at[cid, pl.ds(r0, RPT)])

    @pl.when(sid == NS - 1)
    def _():
        pltpu.sync_copy(agg_sh.at[pl.ds(NS * RPT, TAIL)],
                        out_hbm.at[cid, pl.ds(NS * RPT, TAIL)])


_sc_propagate = functools.partial(
    pl.kernel,
    out_type=jax.ShapeDtypeStruct((NC, N, D), jnp.float32),
    mesh=plsc.VectorSubcoreMesh(core_axis_name="c", subcore_axis_name="s"),
    scratch_types=[
        pltpu.VMEM((EPT,), jnp.int32),
        pltpu.VMEM((K,), jnp.int32),
        pltpu.VMEM((K,), jnp.int32),
        pltpu.VMEM((K,), jnp.int32),
        pltpu.VMEM((K, D), jnp.float32),
        pltpu.VMEM((K, D), jnp.float32),
        pltpu.VMEM((K, D), jnp.float32),
        pltpu.VMEM((K, D), jnp.float32),
        pltpu.VMEM((K, D), jnp.float32),
        pltpu.VMEM((K, D), jnp.float32),
        pltpu.VMEM_SHARED((N, D), jnp.float32),
        pltpu.SemaphoreType.DMA,
        pltpu.SemaphoreType.DMA,
        pltpu.SemaphoreType.DMA,
        pltpu.SemaphoreType.DMA,
        pltpu.SemaphoreType.DMA,
        pltpu.SemaphoreType.DMA,
    ],
)(_sc_body)


def kernel(x, edge_index, edge_attr, W, b, bn_g, bn_b, n1_g, n1_b, W1, b1,
           W2, b2, n2_g, n2_b):
    src = edge_index[0].astype(jnp.int32).reshape(NW, EPT)
    dst = edge_index[1].astype(jnp.int32)

    h = pl.pallas_call(
        _lin_body,
        out_shape=jax.ShapeDtypeStruct((N, D), jnp.float32),
    )(x, W)

    partials = _sc_propagate(h, src, dst, edge_attr)

    out = pl.pallas_call(
        _post_body,
        out_shape=jax.ShapeDtypeStruct((N, D), jnp.float32),
    )(partials, x, b.reshape(1, D), bn_g.reshape(1, D), bn_b.reshape(1, D),
      n1_g.reshape(1, D), n1_b.reshape(1, D), W1, b1.reshape(1, 2 * D),
      W2, b2.reshape(1, D), n2_g.reshape(1, D), n2_b.reshape(1, D))
    return out

# --- scband reference (transcript-rebuilt; emitter-appended) ---
"""Pipeline reference for scband-gcnconv-layer-85203561218535 (READ-ONLY COPY).

The authoritative reference and input builder live on the scoring server;
editing this copy changes nothing except your own understanding.
"""

import jax, jax.numpy as jnp
import numpy as np

N_NODES = 10000
N_EDGES = 320000
D = 128
EPS = 1e-5


def _bn(x, gamma, beta):
    # BatchNorm1d in training mode: biased batch stats over node axis
    m = jnp.mean(x, axis=0)
    v = jnp.var(x, axis=0)
    return (x - m) / jnp.sqrt(v + EPS) * gamma + beta


def setup_inputs(seed: int = 0) -> dict:
    key = jax.random.key(seed)
    ks = jax.random.split(key, 12)
    x = jax.random.normal(ks[0], (N_NODES, D), dtype=jnp.float32)
    edge_index = jax.random.randint(ks[1], (2, N_EDGES), 0, N_NODES, dtype=jnp.int64 if jax.config.jax_enable_x64 else jnp.int32)
    edge_attr = jax.random.normal(ks[2], (N_EDGES, D), dtype=jnp.float32)
    s = 1.0 / np.sqrt(D)
    W = jax.random.uniform(ks[3], (D, D), minval=-s, maxval=s, dtype=jnp.float32)
    b = jax.random.uniform(ks[4], (D,), minval=-s, maxval=s, dtype=jnp.float32)
    bn_g = jnp.ones((D,), jnp.float32); bn_b = jnp.zeros((D,), jnp.float32)
    n1_g = jnp.ones((D,), jnp.float32); n1_b = jnp.zeros((D,), jnp.float32)
    n2_g = jnp.ones((D,), jnp.float32); n2_b = jnp.zeros((D,), jnp.float32)
    W1 = jax.random.uniform(ks[5], (2 * D, D), minval=-s, maxval=s, dtype=jnp.float32)
    b1 = jax.random.uniform(ks[6], (2 * D,), minval=-s, maxval=s, dtype=jnp.float32)
    s2 = 1.0 / np.sqrt(2 * D)
    W2 = jax.random.uniform(ks[7], (D, 2 * D), minval=-s2, maxval=s2, dtype=jnp.float32)
    b2 = jax.random.uniform(ks[8], (D,), minval=-s2, maxval=s2, dtype=jnp.float32)
    return {"x": x, "edge_index": edge_index, "edge_attr": edge_attr,
            "W": W, "b": b, "bn_g": bn_g, "bn_b": bn_b,
            "n1_g": n1_g, "n1_b": n1_b, "W1": W1, "b1": b1,
            "W2": W2, "b2": b2, "n2_g": n2_g, "n2_b": n2_b}


def reference(x, edge_index, edge_attr, W, b, bn_g, bn_b, n1_g, n1_b, W1, b1, W2, b2, n2_g, n2_b):
    x_in = x
    # GCNConvWithEdges (normalize=False, add_self_loops=False)
    h = x @ W.T  # lin, no bias
    src = edge_index[0]
    dst = edge_index[1]
    msg = jax.nn.relu(h[src] + edge_attr)  # message
    agg = jax.ops.segment_sum(msg, dst, num_segments=x.shape[0])  # aggr='add'
    out = agg + b  # conv bias
    # bn_node_x + act (relu), dropout p=0 -> identity
    out = _bn(out, bn_g, bn_b)
    out = jax.nn.relu(out)
    # residual
    out = x_in + out
    # ffn block
    out = _bn(out, n1_g, n1_b)
    ff = jax.nn.relu(out @ W1.T + b1) @ W2.T + b2
    out = out + ff
    out = _bn(out, n2_g, n2_b)
    return out

if __name__ == "__main__":
    import jax
    _d = setup_inputs()
    print(jax.jit(kernel)(*tuple(_d.values())))

</pallas_src>

<mosaic_0001>
#map = affine_map<(d0, d1) -> (0, 0)>
#map1 = affine_map<(d0, d1) -> (0)>
#map2 = affine_map<(d0, d1) -> (0, 0, 0)>
module attributes {stable_mosaic.version = 14 : i64} {
  func.func @_sc_body(%arg0: i32, %arg1: i32, %arg2: memref<10000x128xf32, #tpu.memory_space<hbm>>, %arg3: memref<32x10000xi32, #tpu.memory_space<hbm>>, %arg4: memref<320000xi32, #tpu.memory_space<hbm>>, %arg5: memref<320000x128xf32, #tpu.memory_space<hbm>>, %arg6: memref<2x10000x128xf32, #tpu.memory_space<hbm>>, %arg7: memref<10000xi32, #tpu.memory_space<vmem>>, %arg8: memref<40xi32, #tpu.memory_space<vmem>>, %arg9: memref<40xi32, #tpu.memory_space<vmem>>, %arg10: memref<40xi32, #tpu.memory_space<vmem>>, %arg11: memref<40x128xf32, #tpu.memory_space<vmem>>, %arg12: memref<40x128xf32, #tpu.memory_space<vmem>>, %arg13: memref<40x128xf32, #tpu.memory_space<vmem>>, %arg14: memref<40x128xf32, #tpu.memory_space<vmem>>, %arg15: memref<40x128xf32, #tpu.memory_space<vmem>>, %arg16: memref<40x128xf32, #tpu.memory_space<vmem>>, %arg17: memref<10000x128xf32, #tpu.memory_space<vmem_shared>>, %arg18: memref<!tpu.dma_semaphore, #tpu.memory_space<semaphore_mem>>, %arg19: memref<!tpu.dma_semaphore, #tpu.memory_space<semaphore_mem>>, %arg20: memref<!tpu.dma_semaphore, #tpu.memory_space<semaphore_mem>>, %arg21: memref<!tpu.dma_semaphore, #tpu.memory_space<semaphore_mem>>, %arg22: memref<!tpu.dma_semaphore, #tpu.memory_space<semaphore_mem>>, %arg23: memref<!tpu.dma_semaphore, #tpu.memory_space<semaphore_mem>>) attributes {dimension_semantics = [#tpu.dimension_semantics<core_parallel>, #tpu.dimension_semantics<subcore_parallel>], iteration_bounds = array<i64: 2, 16>, scalar_prefetch = 0 : i64, scratch_operands = 17 : i64, tpu.core_type = #tpu.core_type<sc_vector_subcore>, window_params = [{transform_indices = #map}, {transform_indices = #map}, {transform_indices = #map1}, {transform_indices = #map}, {transform_indices = #map2}]} {
    %mul3A = arith.constant 16 : i32
    %mul3A_0 = arith.muli %arg0, %mul3A : i32
    %add3A = arith.addi %mul3A_0, %arg1 : i32
    %broadcast_in_dim3A = arith.constant 0.000000e+00 : f32
    %broadcast_in_dim3A_1 = vector.broadcast %broadcast_in_dim3A : f32 to vector<16xf32>
    %parallel_loop3A = arith.constant 0 : i32
    %parallel_loop3A_2 = arith.constant 40 : i32
    %parallel_loop3A_3 = arith.constant 1 : i32
    scf.for %parallel_loop3A_354 = %parallel_loop3A to %parallel_loop3A_2 step %parallel_loop3A_3  : i32 {
      %parallel_loop3A_355 = arith.index_cast %parallel_loop3A_354 : i32 to index
      %parallel_loop3A_356 = arith.constant 0 : index
      %parallel_loop3A_357 = tpu.vector_load %arg14[%parallel_loop3A_355, %parallel_loop3A_356] {strides = array<i32>} : memref<40x128xf32, #tpu.memory_space<vmem>>, vector<1x16xf32>,
      %parallel_loop3A_358 = vector.shape_cast %parallel_loop3A_357 : vector<1x16xf32> to vector<16xf32>
      %parallel_loop3A_359 = vector.shape_cast %broadcast_in_dim3A_1 : vector<16xf32> to vector<1x16xf32>
      tpu.vector_store %arg14[%parallel_loop3A_355, %parallel_loop3A_356], %parallel_loop3A_359 {strides = array<i32>} : memref<40x128xf32, #tpu.memory_space<vmem>>, vector<1x16xf32>,
      %parallel_loop3A_360 = arith.index_cast %parallel_loop3A_354 : i32 to index
      %parallel_loop3A_361 = arith.constant 16 : index
      %parallel_loop3A_362 = tpu.vector_load %arg14[%parallel_loop3A_360, %parallel_loop3A_361] {strides = array<i32>} : memref<40x128xf32, #tpu.memory_space<vmem>>, vector<1x16xf32>,
      %parallel_loop3A_363 = vector.shape_cast %parallel_loop3A_362 : vector<1x16xf32> to vector<16xf32>
      %parallel_loop3A_364 = vector.shape_cast %broadcast_in_dim3A_1 : vector<16xf32> to vector<1x16xf32>
      tpu.vector_store %arg14[%parallel_loop3A_360, %parallel_loop3A_361], %parallel_loop3A_364 {strides = array<i32>} : memref<40x128xf32, #tpu.memory_space<vmem>>, vector<1x16xf32>,
      %parallel_loop3A_365 = arith.index_cast %parallel_loop3A_354 : i32 to index
      %parallel_loop3A_366 = arith.constant 32 : index
      %parallel_loop3A_367 = tpu.vector_load %arg14[%parallel_loop3A_365, %parallel_loop3A_366] {strides = array<i32>} : memref<40x128xf32, #tpu.memory_space<vmem>>, vector<1x16xf32>,
      %parallel_loop3A_368 = vector.shape_cast %parallel_loop3A_367 : vector<1x16xf32> to vector<16xf32>
      %parallel_loop3A_369 = vector.shape_cast %broadcast_in_dim3A_1 : vector<16xf32> to vector<1x16xf32>
      tpu.vector_store %arg14[%parallel_loop3A_365, %parallel_loop3A_366], %parallel_loop3A_369 {strides = array<i32>} : memref<40x128xf32, #tpu.memory_space<vmem>>, vector<1x16xf32>,
      %parallel_loop3A_370 = arith.index_cast %parallel_loop3A_354 : i32 to index
      %parallel_loop3A_371 = arith.constant 48 : index
      %parallel_loop3A_372 = tpu.vector_load %arg14[%parallel_loop3A_370, %parallel_loop3A_371] {strides = array<i32>} : memref<40x128xf32, #tpu.memory_space<vmem>>, vector<1x16xf32>,
      %parallel_loop3A_373 = vector.shape_cast %parallel_loop3A_372 : vector<1x16xf32> to vector<16xf32>
      %parallel_loop3A_374 = vector.shape_cast %broadcast_in_dim3A_1 : vector<16xf32> to vector<1x16xf32>
      tpu.vector_store %arg14[%parallel_loop3A_370, %parallel_loop3A_371], %parallel_loop3A_374 {strides = array<i32>} : memref<40x128xf32, #tpu.memory_space<vmem>>, vector<1x16xf32>,
      %parallel_loop3A_375 = arith.index_cast %parallel_loop3A_354 : i32 to index
      %parallel_loop3A_376 = arith.constant 64 : index
      %parallel_loop3A_377 = tpu.vector_load %arg14[%parallel_loop3A_375, %parallel_loop3A_376] {strides = array<i32>} : memref<40x128xf32, #tpu.memory_space<vmem>>, vector<1x16xf32>,
      %parallel_loop3A_378 = vector.shape_cast %parallel_loop3A_377 : vector<1x16xf32> to vector<16xf32>
      %parallel_loop3A_379 = vector.shape_cast %broadcast_in_dim3A_1 : vector<16xf32> to vector<1x16xf32>
      tpu.vector_store %arg14[%parallel_loop3A_375, %parallel_loop3A_376], %parallel_loop3A_379 {strides = array<i32>} : memref<40x128xf32, #tpu.memory_space<vmem>>, vector<1x16xf32>,
      %parallel_loop3A_380 = arith.index_cast %parallel_loop3A_354 : i32 to index
      %parallel_loop3A_381 = arith.constant 80 : index
      %parallel_loop3A_382 = tpu.vector_load %arg14[%parallel_loop3A_380, %parallel_loop3A_381] {strides = array<i32>} : memref<40x128xf32, #tpu.memory_space<vmem>>, vector<1x16xf32>,
      %parallel_loop3A_383 = vector.shape_cast %parallel_loop3A_382 : vector<1x16xf32> to vector<16xf32>
      %parallel_loop3A_384 = vector.shape_cast %broadcast_in_dim3A_1 : vector<16xf32> to vector<1x16xf32>
      tpu.vector_store %arg14[%parallel_loop3A_380, %parallel_loop3A_381], %parallel_loop3A_384 {strides = array<i32>} : memref<40x128xf32, #tpu.memory_space<vmem>>, vector<1x16xf32>,
      %parallel_loop3A_385 = arith.index_cast %parallel_loop3A_354 : i32 to index
      %parallel_loop3A_386 = arith.constant 96 : index
      %parallel_loop3A_387 = tpu.vector_load %arg14[%parallel_loop3A_385, %parallel_loop3A_386] {strides = array<i32>} : memref<40x128xf32, #tpu.memory_space<vmem>>, vector<1x16xf32>,
      %parallel_loop3A_388 = vector.shape_cast %parallel_loop3A_387 : vector<1x16xf32> to vector<16xf32>
      %parallel_loop3A_389 = vector.shape_cast %broadcast_in_dim3A_1 : vector<16xf32> to vector<1x16xf32>
      tpu.vector_store %arg14[%parallel_loop3A_385, %parallel_loop3A_386], %parallel_loop3A_389 {strides = array<i32>} : memref<40x128xf32, #tpu.memory_space<vmem>>, vector<1x16xf32>,
      %parallel_loop3A_390 = arith.index_cast %parallel_loop3A_354 : i32 to index
      %parallel_loop3A_391 = arith.constant 112 : index
      %parallel_loop3A_392 = tpu.vector_load %arg14[%parallel_loop3A_390, %parallel_loop3A_391] {strides = array<i32>} : memref<40x128xf32, #tpu.memory_space<vmem>>, vector<1x16xf32>,
      %parallel_loop3A_393 = vector.shape_cast %parallel_loop3A_392 : vector<1x16xf32> to vector<16xf32>
      %parallel_loop3A_394 = vector.shape_cast %broadcast_in_dim3A_1 : vector<16xf32> to vector<1x16xf32>
      tpu.vector_store %arg14[%parallel_loop3A_390, %parallel_loop3A_391], %parallel_loop3A_394 {strides = array<i32>} : memref<40x128xf32, #tpu.memory_space<vmem>>, vector<1x16xf32>,
    } {sc.loop_unroll_factor = 4 : i64, sc.parallel_access}
    %mul3A_4 = arith.constant 624 : i32
    %mul3A_5 = arith.muli %arg1, %mul3A_4 : i32
    %add3A_6 = arith.constant 0 : i32
    %add3A_7 = arith.addi %mul3A_5, %add3A_6 : i32
    "tpu.region"() ({
      %run_scoped3A = tpu.sem_alloc : memref<!tpu.dma_semaphore, #tpu.memory_space<semaphore_mem>>
      %dma_start3A_354 = arith.constant 0 : i32
      %dma_start3A_355 = tpu.memref_slice %arg17[%add3A_7, %dma_start3A_354] : memref<10000x128xf32, #tpu.memory_space<vmem_shared>> -> memref<40x128xf32, #tpu.memory_space<vmem_shared>>
      %dma_start3A_356 = arith.constant 0 : i32
      %dma_start3A_357 = tpu.memref_slice %arg17[%add3A_7, %dma_start3A_356] : memref<10000x128xf32, #tpu.memory_space<vmem_shared>> -> memref<40x128xf32, #tpu.memory_space<vmem_shared>>
      tpu.enqueue_dma source(%arg14 : memref<40x128xf32, #tpu.memory_space<vmem>>) target(%dma_start3A_357 : memref<40x128xf32, #tpu.memory_space<vmem_shared>>) target_semaphore(%run_scoped3A : memref<!tpu.dma_semaphore, #tpu.memory_space<semaphore_mem>>)
      %dma_wait3A_358 = arith.constant 0 : i32
      %dma_wait3A_359 = tpu.memref_slice %arg17[%add3A_7, %dma_wait3A_358] : memref<10000x128xf32, #tpu.memory_space<vmem_shared>> -> memref<40x128xf32, #tpu.memory_space<vmem_shared>>
      %dma_wait3A_360 = arith.constant 0 : i32
      %dma_wait3A_361 = tpu.memref_slice %arg17[%add3A_7, %dma_wait3A_360] : memref<10000x128xf32, #tpu.memory_space<vmem_shared>> -> memref<40x128xf32, #tpu.memory_space<vmem_shared>>
      tpu.wait_dma2 semaphore(%run_scoped3A : memref<!tpu.dma_semaphore, #tpu.memory_space<semaphore_mem>>) src(%arg14 : memref<40x128xf32, #tpu.memory_space<vmem>>) dst(%dma_wait3A_361 : memref<40x128xf32, #tpu.memory_space<vmem_shared>>)
      tpu.yield
    }) : () -> ()
    %mul3A_8 = arith.constant 624 : i32
    %mul3A_9 = arith.muli %arg1, %mul3A_8 : i32
    %add3A_10 = arith.constant 40 : i32
    %add3A_11 = arith.addi %mul3A_9, %add3A_10 : i32
    "tpu.region"() ({
      %run_scoped3A = tpu.sem_alloc : memref<!tpu.dma_semaphore, #tpu.memory_space<semaphore_mem>>
      %dma_start3A_354 = arith.constant 0 : i32
      %dma_start3A_355 = tpu.memref_slice %arg17[%add3A_11, %dma_start3A_354] : memref<10000x128xf32, #tpu.memory_space<vmem_shared>> -> memref<40x128xf32, #tpu.memory_space<vmem_shared>>
      %dma_start3A_356 = arith.constant 0 : i32
      %dma_start3A_357 = tpu.memref_slice %arg17[%add3A_11, %dma_start3A_356] : memref<10000x128xf32, #tpu.memory_space<vmem_shared>> -> memref<40x128xf32, #tpu.memory_space<vmem_shared>>
      tpu.enqueue_dma source(%arg14 : memref<40x128xf32, #tpu.memory_space<vmem>>) target(%dma_start3A_357 : memref<40x128xf32, #tpu.memory_space<vmem_shared>>) target_semaphore(%run_scoped3A : memref<!tpu.dma_semaphore, #tpu.memory_space<semaphore_mem>>)
      %dma_wait3A_358 = arith.constant 0 : i32
      %dma_wait3A_359 = tpu.memref_slice %arg17[%add3A_11, %dma_wait3A_358] : memref<10000x128xf32, #tpu.memory_space<vmem_shared>> -> memref<40x128xf32, #tpu.memory_space<vmem_shared>>
      %dma_wait3A_360 = arith.constant 0 : i32
      %dma_wait3A_361 = tpu.memref_slice %arg17[%add3A_11, %dma_wait3A_360] : memref<10000x128xf32, #tpu.memory_space<vmem_shared>> -> memref<40x128xf32, #tpu.memory_space<vmem_shared>>
      tpu.wait_dma2 semaphore(%run_scoped3A : memref<!tpu.dma_semaphore, #tpu.memory_space<semaphore_mem>>) src(%arg14 : memref<40x128xf32, #tpu.memory_space<vmem>>) dst(%dma_wait3A_361 : memref<40x128xf32, #tpu.memory_space<vmem_shared>>)
      tpu.yield
    }) : () -> ()
    %mul3A_12 = arith.constant 624 : i32
    %mul3A_13 = arith.muli %arg1, %mul3A_12 : i32
    %add3A_14 = arith.constant 80 : i32
    %add3A_15 = arith.addi %mul3A_13, %add3A_14 : i32
    "tpu.region"() ({
      %run_scoped3A = tpu.sem_alloc : memref<!tpu.dma_semaphore, #tpu.memory_space<semaphore_mem>>
      %dma_start3A_354 = arith.constant 0 : i32
      %dma_start3A_355 = tpu.memref_slice %arg17[%add3A_15, %dma_start3A_354] : memref<10000x128xf32, #tpu.memory_space<vmem_shared>> -> memref<40x128xf32, #tpu.memory_space<vmem_shared>>
      %dma_start3A_356 = arith.constant 0 : i32
      %dma_start3A_357 = tpu.memref_slice %arg17[%add3A_15, %dma_start3A_356] : memref<10000x128xf32, #tpu.memory_space<vmem_shared>> -> memref<40x128xf32, #tpu.memory_space<vmem_shared>>
      tpu.enqueue_dma source(%arg14 : memref<40x128xf32, #tpu.memory_space<vmem>>) target(%dma_start3A_357 : memref<40x128xf32, #tpu.memory_space<vmem_shared>>) target_semaphore(%run_scoped3A : memref<!tpu.dma_semaphore, #tpu.memory_space<semaphore_mem>>)
      %dma_wait3A_358 = arith.constant 0 : i32
      %dma_wait3A_359 = tpu.memref_slice %arg17[%add3A_15, %dma_wait3A_358] : memref<10000x128xf32, #tpu.memory_space<vmem_shared>> -> memref<40x128xf32, #tpu.memory_space<vmem_shared>>
      %dma_wait3A_360 = arith.constant 0 : i32
      %dma_wait3A_361 = tpu.memref_slice %arg17[%add3A_15, %dma_wait3A_360] : memref<10000x128xf32, #tpu.memory_space<vmem_shared>> -> memref<40x128xf32, #tpu.memory_space<vmem_shared>>
      tpu.wait_dma2 semaphore(%run_scoped3A : memref<!tpu.dma_semaphore, #tpu.memory_space<semaphore_mem>>) src(%arg14 : memref<40x128xf32, #tpu.memory_space<vmem>>) dst(%dma_wait3A_361 : memref<40x128xf32, #tpu.memory_space<vmem_shared>>)
      tpu.yield
    }) : () -> ()
    %mul3A_16 = arith.constant 624 : i32
    %mul3A_17 = arith.muli %arg1, %mul3A_16 : i32
    %add3A_18 = arith.constant 120 : i32
    %add3A_19 = arith.addi %mul3A_17, %add3A_18 : i32
    "tpu.region"() ({
      %run_scoped3A = tpu.sem_alloc : memref<!tpu.dma_semaphore, #tpu.memory_space<semaphore_mem>>
      %dma_start3A_354 = arith.constant 0 : i32
      %dma_start3A_355 = tpu.memref_slice %arg17[%add3A_19, %dma_start3A_354] : memref<10000x128xf32, #tpu.memory_space<vmem_shared>> -> memref<40x128xf32, #tpu.memory_space<vmem_shared>>
      %dma_start3A_356 = arith.constant 0 : i32
      %dma_start3A_357 = tpu.memref_slice %arg17[%add3A_19, %dma_start3A_356] : memref<10000x128xf32, #tpu.memory_space<vmem_shared>> -> memref<40x128xf32, #tpu.memory_space<vmem_shared>>
      tpu.enqueue_dma source(%arg14 : memref<40x128xf32, #tpu.memory_space<vmem>>) target(%dma_start3A_357 : memref<40x128xf32, #tpu.memory_space<vmem_shared>>) target_semaphore(%run_scoped3A : memref<!tpu.dma_semaphore, #tpu.memory_space<semaphore_mem>>)
      %dma_wait3A_358 = arith.constant 0 : i32
      %dma_wait3A_359 = tpu.memref_slice %arg17[%add3A_19, %dma_wait3A_358] : memref<10000x128xf32, #tpu.memory_space<vmem_shared>> -> memref<40x128xf32, #tpu.memory_space<vmem_shared>>
      %dma_wait3A_360 = arith.constant 0 : i32
      %dma_wait3A_361 = tpu.memref_slice %arg17[%add3A_19, %dma_wait3A_360] : memref<10000x128xf32, #tpu.memory_space<vmem_shared>> -> memref<40x128xf32, #tpu.memory_space<vmem_shared>>
      tpu.wait_dma2 semaphore(%run_scoped3A : memref<!tpu.dma_semaphore, #tpu.memory_space<semaphore_mem>>) src(%arg14 : memref<40x128xf32, #tpu.memory_space<vmem>>) dst(%dma_wait3A_361 : memref<40x128xf32, #tpu.memory_space<vmem_shared>>)
      tpu.yield
    }) : () -> ()
    %mul3A_20 = arith.constant 624 : i32
    %mul3A_21 = arith.muli %arg1, %mul3A_20 : i32
    %add3A_22 = arith.constant 160 : i32
    %add3A_23 = arith.addi %mul3A_21, %add3A_22 : i32
    "tpu.region"() ({
      %run_scoped3A = tpu.sem_alloc : memref<!tpu.dma_semaphore, #tpu.memory_space<semaphore_mem>>
      %dma_start3A_354 = arith.constant 0 : i32
      %dma_start3A_355 = tpu.memref_slice %arg17[%add3A_23, %dma_start3A_354] : memref<10000x128xf32, #tpu.memory_space<vmem_shared>> -> memref<40x128xf32, #tpu.memory_space<vmem_shared>>
      %dma_start3A_356 = arith.constant 0 : i32
      %dma_start3A_357 = tpu.memref_slice %arg17[%add3A_23, %dma_start3A_356] : memref<10000x128xf32, #tpu.memory_space<vmem_shared>> -> memref<40x128xf32, #tpu.memory_space<vmem_shared>>
      tpu.enqueue_dma source(%arg14 : memref<40x128xf32, #tpu.memory_space<vmem>>) target(%dma_start3A_357 : memref<40x128xf32, #tpu.memory_space<vmem_shared>>) target_semaphore(%run_scoped3A : memref<!tpu.dma_semaphore, #tpu.memory_space<semaphore_mem>>)
      %dma_wait3A_358 = arith.constant 0 : i32
      %dma_wait3A_359 = tpu.memref_slice %arg17[%add3A_23, %dma_wait3A_358] : memref<10000x128xf32, #tpu.memory_space<vmem_shared>> -> memref<40x128xf32, #tpu.memory_space<vmem_shared>>
      %dma_wait3A_360 = arith.constant 0 : i32
      %dma_wait3A_361 = tpu.memref_slice %arg17[%add3A_23, %dma_wait3A_360] : memref<10000x128xf32, #tpu.memory_space<vmem_shared>> -> memref<40x128xf32, #tpu.memory_space<vmem_shared>>
      tpu.wait_dma2 semaphore(%run_scoped3A : memref<!tpu.dma_semaphore, #tpu.memory_space<semaphore_mem>>) src(%arg14 : memref<40x128xf32, #tpu.memory_space<vmem>>) dst(%dma_wait3A_361 : memref<40x128xf32, #tpu.memory_space<vmem_shared>>)
      tpu.yield
    }) : () -> ()
    %mul3A_24 = arith.constant 624 : i32
    %mul3A_25 = arith.muli %arg1, %mul3A_24 : i32
    %add3A_26 = arith.constant 200 : i32
    %add3A_27 = arith.addi %mul3A_25, %add3A_26 : i32
    "tpu.region"() ({
      %run_scoped3A = tpu.sem_alloc : memref<!tpu.dma_semaphore, #tpu.memory_space<semaphore_mem>>
      %dma_start3A_354 = arith.constant 0 : i32
      %dma_start3A_355 = tpu.memref_slice %arg17[%add3A_27, %dma_start3A_354] : memref<10000x128xf32, #tpu.memory_space<vmem_shared>> -> memref<40x128xf32, #tpu.memory_space<vmem_shared>>
      %dma_start3A_356 = arith.constant 0 : i32
      %dma_start3A_357 = tpu.memref_slice %arg17[%add3A_27, %dma_start3A_356] : memref<10000x128xf32, #tpu.memory_space<vmem_shared>> -> memref<40x128xf32, #tpu.memory_space<vmem_shared>>
      tpu.enqueue_dma source(%arg14 : memref<40x128xf32, #tpu.memory_space<vmem>>) target(%dma_start3A_357 : memref<40x128xf32, #tpu.memory_space<vmem_shared>>) target_semaphore(%run_scoped3A : memref<!tpu.dma_semaphore, #tpu.memory_space<semaphore_mem>>)
      %dma_wait3A_358 = arith.constant 0 : i32
      %dma_wait3A_359 = tpu.memref_slice %arg17[%add3A_27, %dma_wait3A_358] : memref<10000x128xf32, #tpu.memory_space<vmem_shared>> -> memref<40x128xf32, #tpu.memory_space<vmem_shared>>
      %dma_wait3A_360 = arith.constant 0 : i32
      %dma_wait3A_361 = tpu.memref_slice %arg17[%add3A_27, %dma_wait3A_360] : memref<10000x128xf32, #tpu.memory_space<vmem_shared>> -> memref<40x128xf32, #tpu.memory_space<vmem_shared>>
      tpu.wait_dma2 semaphore(%run_scoped3A : memref<!tpu.dma_semaphore, #tpu.memory_space<semaphore_mem>>) src(%arg14 : memref<40x128xf32, #tpu.memory_space<vmem>>) dst(%dma_wait3A_361 : memref<40x128xf32, #tpu.memory_space<vmem_shared>>)
      tpu.yield
    }) : () -> ()
    %mul3A_28 = arith.constant 624 : i32
    %mul3A_29 = arith.muli %arg1, %mul3A_28 : i32
    %add3A_30 = arith.constant 240 : i32
    %add3A_31 = arith.addi %mul3A_29, %add3A_30 : i32
    "tpu.region"() ({
      %run_scoped3A = tpu.sem_alloc : memref<!tpu.dma_semaphore, #tpu.memory_space<semaphore_mem>>
      %dma_start3A_354 = arith.constant 0 : i32
      %dma_start3A_355 = tpu.memref_slice %arg17[%add3A_31, %dma_start3A_354] : memref<10000x128xf32, #tpu.memory_space<vmem_shared>> -> memref<40x128xf32, #tpu.memory_space<vmem_shared>>
      %dma_start3A_356 = arith.constant 0 : i32
      %dma_start3A_357 = tpu.memref_slice %arg17[%add3A_31, %dma_start3A_356] : memref<10000x128xf32, #tpu.memory_space<vmem_shared>> -> memref<40x128xf32, #tpu.memory_space<vmem_shared>>
      tpu.enqueue_dma source(%arg14 : memref<40x128xf32, #tpu.memory_space<vmem>>) target(%dma_start3A_357 : memref<40x128xf32, #tpu.memory_space<vmem_shared>>) target_semaphore(%run_scoped3A : memref<!tpu.dma_semaphore, #tpu.memory_space<semaphore_mem>>)
      %dma_wait3A_358 = arith.constant 0 : i32
      %dma_wait3A_359 = tpu.memref_slice %arg17[%add3A_31, %dma_wait3A_358] : memref<10000x128xf32, #tpu.memory_space<vmem_shared>> -> memref<40x128xf32, #tpu.memory_space<vmem_shared>>
      %dma_wait3A_360 = arith.constant 0 : i32
      %dma_wait3A_361 = tpu.memref_slice %arg17[%add3A_31, %dma_wait3A_360] : memref<10000x128xf32, #tpu.memory_space<vmem_shared>> -> memref<40x128xf32, #tpu.memory_space<vmem_shared>>
      tpu.wait_dma2 semaphore(%run_scoped3A : memref<!tpu.dma_semaphore, #tpu.memory_space<semaphore_mem>>) src(%arg14 : memref<40x128xf32, #tpu.memory_space<vmem>>) dst(%dma_wait3A_361 : memref<40x128xf32, #tpu.memory_space<vmem_shared>>)
      tpu.yield
    }) : () -> ()
    %mul3A_32 = arith.constant 624 : i32
    %mul3A_33 = arith.muli %arg1, %mul3A_32 : i32
    %add3A_34 = arith.constant 280 : i32
    %add3A_35 = arith.addi %mul3A_33, %add3A_34 : i32
    "tpu.region"() ({
      %run_scoped3A = tpu.sem_alloc : memref<!tpu.dma_semaphore, #tpu.memory_space<semaphore_mem>>
      %dma_start3A_354 = arith.constant 0 : i32
      %dma_start3A_355 = tpu.memref_slice %arg17[%add3A_35, %dma_start3A_354] : memref<10000x128xf32, #tpu.memory_space<vmem_shared>> -> memref<40x128xf32, #tpu.memory_space<vmem_shared>>
      %dma_start3A_356 = arith.constant 0 : i32
      %dma_start3A_357 = tpu.memref_slice %arg17[%add3A_35, %dma_start3A_356] : memref<10000x128xf32, #tpu.memory_space<vmem_shared>> -> memref<40x128xf32, #tpu.memory_space<vmem_shared>>
      tpu.enqueue_dma source(%arg14 : memref<40x128xf32, #tpu.memory_space<vmem>>) target(%dma_start3A_357 : memref<40x128xf32, #tpu.memory_space<vmem_shared>>) target_semaphore(%run_scoped3A : memref<!tpu.dma_semaphore, #tpu.memory_space<semaphore_mem>>)
      %dma_wait3A_358 = arith.constant 0 : i32
      %dma_wait3A_359 = tpu.memref_slice %arg17[%add3A_35, %dma_wait3A_358] : memref<10000x128xf32, #tpu.memory_space<vmem_shared>> -> memref<40x128xf32, #tpu.memory_space<vmem_shared>>
      %dma_wait3A_360 = arith.constant 0 : i32
      %dma_wait3A_361 = tpu.memref_slice %arg17[%add3A_35, %dma_wait3A_360] : memref<10000x128xf32, #tpu.memory_space<vmem_shared>> -> memref<40x128xf32, #tpu.memory_space<vmem_shared>>
      tpu.wait_dma2 semaphore(%run_scoped3A : memref<!tpu.dma_semaphore, #tpu.memory_space<semaphore_mem>>) src(%arg14 : memref<40x128xf32, #tpu.memory_space<vmem>>) dst(%dma_wait3A_361 : memref<40x128xf32, #tpu.memory_space<vmem_shared>>)
      tpu.yield
    }) : () -> ()
    %mul3A_36 = arith.constant 624 : i32
    %mul3A_37 = arith.muli %arg1, %mul3A_36 : i32
    %add3A_38 = arith.constant 320 : i32
    %add3A_39 = arith.addi %mul3A_37, %add3A_38 : i32
    "tpu.region"() ({
      %run_scoped3A = tpu.sem_alloc : memref<!tpu.dma_semaphore, #tpu.memory_space<semaphore_mem>>
      %dma_start3A_354 = arith.constant 0 : i32
      %dma_start3A_355 = tpu.memref_slice %arg17[%add3A_39, %dma_start3A_354] : memref<10000x128xf32, #tpu.memory_space<vmem_shared>> -> memref<40x128xf32, #tpu.memory_space<vmem_shared>>
      %dma_start3A_356 = arith.constant 0 : i32
      %dma_start3A_357 = tpu.memref_slice %arg17[%add3A_39, %dma_start3A_356] : memref<10000x128xf32, #tpu.memory_space<vmem_shared>> -> memref<40x128xf32, #tpu.memory_space<vmem_shared>>
      tpu.enqueue_dma source(%arg14 : memref<40x128xf32, #tpu.memory_space<vmem>>) target(%dma_start3A_357 : memref<40x128xf32, #tpu.memory_space<vmem_shared>>) target_semaphore(%run_scoped3A : memref<!tpu.dma_semaphore, #tpu.memory_space<semaphore_mem>>)
      %dma_wait3A_358 = arith.constant 0 : i32
      %dma_wait3A_359 = tpu.memref_slice %arg17[%add3A_39, %dma_wait3A_358] : memref<10000x128xf32, #tpu.memory_space<vmem_shared>> -> memref<40x128xf32, #tpu.memory_space<vmem_shared>>
      %dma_wait3A_360 = arith.constant 0 : i32
      %dma_wait3A_361 = tpu.memref_slice %arg17[%add3A_39, %dma_wait3A_360] : memref<10000x128xf32, #tpu.memory_space<vmem_shared>> -> memref<40x128xf32, #tpu.memory_space<vmem_shared>>
      tpu.wait_dma2 semaphore(%run_scoped3A : memref<!tpu.dma_semaphore, #tpu.memory_space<semaphore_mem>>) src(%arg14 : memref<40x128xf32, #tpu.memory_space<vmem>>) dst(%dma_wait3A_361 : memref<40x128xf32, #tpu.memory_space<vmem_shared>>)
      tpu.yield
    }) : () -> ()
    %mul3A_40 = arith.constant 624 : i32
    %mul3A_41 = arith.muli %arg1, %mul3A_40 : i32
    %add3A_42 = arith.constant 360 : i32
    %add3A_43 = arith.addi %mul3A_41, %add3A_42 : i32
    "tpu.region"() ({
      %run_scoped3A = tpu.sem_alloc : memref<!tpu.dma_semaphore, #tpu.memory_space<semaphore_mem>>
      %dma_start3A_354 = arith.constant 0 : i32
      %dma_start3A_355 = tpu.memref_slice %arg17[%add3A_43, %dma_start3A_354] : memref<10000x128xf32, #tpu.memory_space<vmem_shared>> -> memref<40x128xf32, #tpu.memory_space<vmem_shared>>
      %dma_start3A_356 = arith.constant 0 : i32
      %dma_start3A_357 = tpu.memref_slice %arg17[%add3A_43, %dma_start3A_356] : memref<10000x128xf32, #tpu.memory_space<vmem_shared>> -> memref<40x128xf32, #tpu.memory_space<vmem_shared>>
      tpu.enqueue_dma source(%arg14 : memref<40x128xf32, #tpu.memory_space<vmem>>) target(%dma_start3A_357 : memref<40x128xf32, #tpu.memory_space<vmem_shared>>) target_semaphore(%run_scoped3A : memref<!tpu.dma_semaphore, #tpu.memory_space<semaphore_mem>>)
      %dma_wait3A_358 = arith.constant 0 : i32
      %dma_wait3A_359 = tpu.memref_slice %arg17[%add3A_43, %dma_wait3A_358] : memref<10000x128xf32, #tpu.memory_space<vmem_shared>> -> memref<40x128xf32, #tpu.memory_space<vmem_shared>>
      %dma_wait3A_360 = arith.constant 0 : i32
      %dma_wait3A_361 = tpu.memref_slice %arg17[%add3A_43, %dma_wait3A_360] : memref<10000x128xf32, #tpu.memory_space<vmem_shared>> -> memref<40x128xf32, #tpu.memory_space<vmem_shared>>
      tpu.wait_dma2 semaphore(%run_scoped3A : memref<!tpu.dma_semaphore, #tpu.memory_space<semaphore_mem>>) src(%arg14 : memref<40x128xf32, #tpu.memory_space<vmem>>) dst(%dma_wait3A_361 : memref<40x128xf32, #tpu.memory_space<vmem_shared>>)
      tpu.yield
    }) : () -> ()
    %mul3A_44 = arith.constant 624 : i32
    %mul3A_45 = arith.muli %arg1, %mul3A_44 : i32
    %add3A_46 = arith.constant 400 : i32
    %add3A_47 = arith.addi %mul3A_45, %add3A_46 : i32
    "tpu.region"() ({
      %run_scoped3A = tpu.sem_alloc : memref<!tpu.dma_semaphore, #tpu.memory_space<semaphore_mem>>
      %dma_start3A_354 = arith.constant 0 : i32
      %dma_start3A_355 = tpu.memref_slice %arg17[%add3A_47, %dma_start3A_354] : memref<10000x128xf32, #tpu.memory_space<vmem_shared>> -> memref<40x128xf32, #tpu.memory_space<vmem_shared>>
      %dma_start3A_356 = arith.constant 0 : i32
      %dma_start3A_357 = tpu.memref_slice %arg17[%add3A_47, %dma_start3A_356] : memref<10000x128xf32, #tpu.memory_space<vmem_shared>> -> memref<40x128xf32, #tpu.memory_space<vmem_shared>>
      tpu.enqueue_dma source(%arg14 : memref<40x128xf32, #tpu.memory_space<vmem>>) target(%dma_start3A_357 : memref<40x128xf32, #tpu.memory_space<vmem_shared>>) target_semaphore(%run_scoped3A : memref<!tpu.dma_semaphore, #tpu.memory_space<semaphore_mem>>)
      %dma_wait3A_358 = arith.constant 0 : i32
      %dma_wait3A_359 = tpu.memref_slice %arg17[%add3A_47, %dma_wait3A_358] : memref<10000x128xf32, #tpu.memory_space<vmem_shared>> -> memref<40x128xf32, #tpu.memory_space<vmem_shared>>
      %dma_wait3A_360 = arith.constant 0 : i32
      %dma_wait3A_361 = tpu.memref_slice %arg17[%add3A_47, %dma_wait3A_360] : memref<10000x128xf32, #tpu.memory_space<vmem_shared>> -> memref<40x128xf32, #tpu.memory_space<vmem_shared>>
      tpu.wait_dma2 semaphore(%run_scoped3A : memref<!tpu.dma_semaphore, #tpu.memory_space<semaphore_mem>>) src(%arg14 : memref<40x128xf32, #tpu.memory_space<vmem>>) dst(%dma_wait3A_361 : memref<40x128xf32, #tpu.memory_space<vmem_shared>>)
      tpu.yield
    }) : () -> ()
    %mul3A_48 = arith.constant 624 : i32
    %mul3A_49 = arith.muli %arg1, %mul3A_48 : i32
    %add3A_50 = arith.constant 440 : i32
    %add3A_51 = arith.addi %mul3A_49, %add3A_50 : i32
    "tpu.region"() ({
      %run_scoped3A = tpu.sem_alloc : memref<!tpu.dma_semaphore, #tpu.memory_space<semaphore_mem>>
      %dma_start3A_354 = arith.constant 0 : i32
      %dma_start3A_355 = tpu.memref_slice %arg17[%add3A_51, %dma_start3A_354] : memref<10000x128xf32, #tpu.memory_space<vmem_shared>> -> memref<40x128xf32, #tpu.memory_space<vmem_shared>>
      %dma_start3A_356 = arith.constant 0 : i32
      %dma_start3A_357 = tpu.memref_slice %arg17[%add3A_51, %dma_start3A_356] : memref<10000x128xf32, #tpu.memory_space<vmem_shared>> -> memref<40x128xf32, #tpu.memory_space<vmem_shared>>
      tpu.enqueue_dma source(%arg14 : memref<40x128xf32, #tpu.memory_space<vmem>>) target(%dma_start3A_357 : memref<40x128xf32, #tpu.memory_space<vmem_shared>>) target_semaphore(%run_scoped3A : memref<!tpu.dma_semaphore, #tpu.memory_space<semaphore_mem>>)
      %dma_wait3A_358 = arith.constant 0 : i32
      %dma_wait3A_359 = tpu.memref_slice %arg17[%add3A_51, %dma_wait3A_358] : memref<10000x128xf32, #tpu.memory_space<vmem_shared>> -> memref<40x128xf32, #tpu.memory_space<vmem_shared>>
      %dma_wait3A_360 = arith.constant 0 : i32
      %dma_wait3A_361 = tpu.memref_slice %arg17[%add3A_51, %dma_wait3A_360] : memref<10000x128xf32, #tpu.memory_space<vmem_shared>> -> memref<40x128xf32, #tpu.memory_space<vmem_shared>>
      tpu.wait_dma2 semaphore(%run_scoped3A : memref<!tpu.dma_semaphore, #tpu.memory_space<semaphore_mem>>) src(%arg14 : memref<40x128xf32, #tpu.memory_space<vmem>>) dst(%dma_wait3A_361 : memref<40x128xf32, #tpu.memory_space<vmem_shared>>)
      tpu.yield
    }) : () -> ()
    %mul3A_52 = arith.constant 624 : i32
    %mul3A_53 = arith.muli %arg1, %mul3A_52 : i32
    %add3A_54 = arith.constant 480 : i32
    %add3A_55 = arith.addi %mul3A_53, %add3A_54 : i32
    "tpu.region"() ({
      %run_scoped3A = tpu.sem_alloc : memref<!tpu.dma_semaphore, #tpu.memory_space<semaphore_mem>>
      %dma_start3A_354 = arith.constant 0 : i32
      %dma_start3A_355 = tpu.memref_slice %arg17[%add3A_55, %dma_start3A_354] : memref<10000x128xf32, #tpu.memory_space<vmem_shared>> -> memref<40x128xf32, #tpu.memory_space<vmem_shared>>
      %dma_start3A_356 = arith.constant 0 : i32
      %dma_start3A_357 = tpu.memref_slice %arg17[%add3A_55, %dma_start3A_356] : memref<10000x128xf32, #tpu.memory_space<vmem_shared>> -> memref<40x128xf32, #tpu.memory_space<vmem_shared>>
      tpu.enqueue_dma source(%arg14 : memref<40x128xf32, #tpu.memory_space<vmem>>) target(%dma_start3A_357 : memref<40x128xf32, #tpu.memory_space<vmem_shared>>) target_semaphore(%run_scoped3A : memref<!tpu.dma_semaphore, #tpu.memory_space<semaphore_mem>>)
      %dma_wait3A_358 = arith.constant 0 : i32
      %dma_wait3A_359 = tpu.memref_slice %arg17[%add3A_55, %dma_wait3A_358] : memref<10000x128xf32, #tpu.memory_space<vmem_shared>> -> memref<40x128xf32, #tpu.memory_space<vmem_shared>>
      %dma_wait3A_360 = arith.constant 0 : i32
      %dma_wait3A_361 = tpu.memref_slice %arg17[%add3A_55, %dma_wait3A_360] : memref<10000x128xf32, #tpu.memory_space<vmem_shared>> -> memref<40x128xf32, #tpu.memory_space<vmem_shared>>
      tpu.wait_dma2 semaphore(%run_scoped3A : memref<!tpu.dma_semaphore, #tpu.memory_space<semaphore_mem>>) src(%arg14 : memref<40x128xf32, #tpu.memory_space<vmem>>) dst(%dma_wait3A_361 : memref<40x128xf32, #tpu.memory_space<vmem_shared>>)
      tpu.yield
    }) : () -> ()
    %mul3A_56 = arith.constant 624 : i32
    %mul3A_57 = arith.muli %arg1, %mul3A_56 : i32
    %add3A_58 = arith.constant 520 : i32
    %add3A_59 = arith.addi %mul3A_57, %add3A_58 : i32
    "tpu.region"() ({
      %run_scoped3A = tpu.sem_alloc : memref<!tpu.dma_semaphore, #tpu.memory_space<semaphore_mem>>
      %dma_start3A_354 = arith.constant 0 : i32
      %dma_start3A_355 = tpu.memref_slice %arg17[%add3A_59, %dma_start3A_354] : memref<10000x128xf32, #tpu.memory_space<vmem_shared>> -> memref<40x128xf32, #tpu.memory_space<vmem_shared>>
      %dma_start3A_356 = arith.constant 0 : i32
      %dma_start3A_357 = tpu.memref_slice %arg17[%add3A_59, %dma_start3A_356] : memref<10000x128xf32, #tpu.memory_space<vmem_shared>> -> memref<40x128xf32, #tpu.memory_space<vmem_shared>>
      tpu.enqueue_dma source(%arg14 : memref<40x128xf32, #tpu.memory_space<vmem>>) target(%dma_start3A_357 : memref<40x128xf32, #tpu.memory_space<vmem_shared>>) target_semaphore(%run_scoped3A : memref<!tpu.dma_semaphore, #tpu.memory_space<semaphore_mem>>)
      %dma_wait3A_358 = arith.constant 0 : i32
      %dma_wait3A_359 = tpu.memref_slice %arg17[%add3A_59, %dma_wait3A_358] : memref<10000x128xf32, #tpu.memory_space<vmem_shared>> -> memref<40x128xf32, #tpu.memory_space<vmem_shared>>
      %dma_wait3A_360 = arith.constant 0 : i32
      %dma_wait3A_361 = tpu.memref_slice %arg17[%add3A_59, %dma_wait3A_360] : memref<10000x128xf32, #tpu.memory_space<vmem_shared>> -> memref<40x128xf32, #tpu.memory_space<vmem_shared>>
      tpu.wait_dma2 semaphore(%run_scoped3A : memref<!tpu.dma_semaphore, #tpu.memory_space<semaphore_mem>>) src(%arg14 : memref<40x128xf32, #tpu.memory_space<vmem>>) dst(%dma_wait3A_361 : memref<40x128xf32, #tpu.memory_space<vmem_shared>>)
      tpu.yield
    }) : () -> ()
    %mul3A_60 = arith.constant 624 : i32
    %mul3A_61 = arith.muli %arg1, %mul3A_60 : i32
    %add3A_62 = arith.constant 560 : i32
    %add3A_63 = arith.addi %mul3A_61, %add3A_62 : i32
    "tpu.region"() ({
      %run_scoped3A = tpu.sem_alloc : memref<!tpu.dma_semaphore, #tpu.memory_space<semaphore_mem>>
      %dma_start3A_354 = arith.constant 0 : i32
      %dma_start3A_355 = tpu.memref_slice %arg17[%add3A_63, %dma_start3A_354] : memref<10000x128xf32, #tpu.memory_space<vmem_shared>> -> memref<40x128xf32, #tpu.memory_space<vmem_shared>>
      %dma_start3A_356 = arith.constant 0 : i32
      %dma_start3A_357 = tpu.memref_slice %arg17[%add3A_63, %dma_start3A_356] : memref<10000x128xf32, #tpu.memory_space<vmem_shared>> -> memref<40x128xf32, #tpu.memory_space<vmem_shared>>
      tpu.enqueue_dma source(%arg14 : memref<40x128xf32, #tpu.memory_space<vmem>>) target(%dma_start3A_357 : memref<40x128xf32, #tpu.memory_space<vmem_shared>>) target_semaphore(%run_scoped3A : memref<!tpu.dma_semaphore, #tpu.memory_space<semaphore_mem>>)
      %dma_wait3A_358 = arith.constant 0 : i32
      %dma_wait3A_359 = tpu.memref_slice %arg17[%add3A_63, %dma_wait3A_358] : memref<10000x128xf32, #tpu.memory_space<vmem_shared>> -> memref<40x128xf32, #tpu.memory_space<vmem_shared>>
      %dma_wait3A_360 = arith.constant 0 : i32
      %dma_wait3A_361 = tpu.memref_slice %arg17[%add3A_63, %dma_wait3A_360] : memref<10000x128xf32, #tpu.memory_space<vmem_shared>> -> memref<40x128xf32, #tpu.memory_space<vmem_shared>>
      tpu.wait_dma2 semaphore(%run_scoped3A : memref<!tpu.dma_semaphore, #tpu.memory_space<semaphore_mem>>) src(%arg14 : memref<40x128xf32, #tpu.memory_space<vmem>>) dst(%dma_wait3A_361 : memref<40x128xf32, #tpu.memory_space<vmem_shared>>)
      tpu.yield
    }) : () -> ()
    %mul3A_64 = arith.constant 624 : i32
    %mul3A_65 = arith.muli %arg1, %mul3A_64 : i32
    %add3A_66 = arith.constant 600 : i32
    %add3A_67 = arith.addi %mul3A_65, %add3A_66 : i32
    "tpu.region"() ({
      %run_scoped3A = tpu.sem_alloc : memref<!tpu.dma_semaphore, #tpu.memory_space<semaphore_mem>>
      %dma_start3A_354 = arith.constant 0 : i32
      %dma_start3A_355 = arith.constant 0 : i32
      %dma_start3A_356 = tpu.memref_slice %arg14[%dma_start3A_354, %dma_start3A_355] : memref<40x128xf32, #tpu.memory_space<vmem>> -> memref<24x128xf32, #tpu.memory_space<vmem>>
      %dma_start3A_357 = arith.constant 0 : i32
      %dma_start3A_358 = tpu.memref_slice %arg17[%add3A_67, %dma_start3A_357] : memref<10000x128xf32, #tpu.memory_space<vmem_shared>> -> memref<24x128xf32, #tpu.memory_space<vmem_shared>>
      %dma_start3A_359 = arith.constant 0 : i32
      %dma_start3A_360 = tpu.memref_slice %arg17[%add3A_67, %dma_start3A_359] : memref<10000x128xf32, #tpu.memory_space<vmem_shared>> -> memref<24x128xf32, #tpu.memory_space<vmem_shared>>
      %dma_start3A_361 = arith.constant 0 : i32
      %dma_start3A_362 = arith.constant 0 : i32
      %dma_start3A_363 = tpu.memref_slice %arg14[%dma_start3A_361, %dma_start3A_362] : memref<40x128xf32, #tpu.memory_space<vmem>> -> memref<24x128xf32, #tpu.memory_space<vmem>>
      tpu.enqueue_dma source(%dma_start3A_363 : memref<24x128xf32, #tpu.memory_space<vmem>>) target(%dma_start3A_360 : memref<24x128xf32, #tpu.memory_space<vmem_shared>>) target_semaphore(%run_scoped3A : memref<!tpu.dma_semaphore, #tpu.memory_space<semaphore_mem>>)
      %dma_wait3A_364 = arith.constant 0 : i32
      %dma_wait3A_365 = arith.constant 0 : i32
      %dma_wait3A_366 = tpu.memref_slice %arg14[%dma_wait3A_364, %dma_wait3A_365] : memref<40x128xf32, #tpu.memory_space<vmem>> -> memref<24x128xf32, #tpu.memory_space<vmem>>
      %dma_wait3A_367 = arith.constant 0 : i32
      %dma_wait3A_368 = tpu.memref_slice %arg17[%add3A_67, %dma_wait3A_367] : memref<10000x128xf32, #tpu.memory_space<vmem_shared>> -> memref<24x128xf32, #tpu.memory_space<vmem_shared>>
      %dma_wait3A_369 = arith.constant 0 : i32
      %dma_wait3A_370 = tpu.memref_slice %arg17[%add3A_67, %dma_wait3A_369] : memref<10000x128xf32, #tpu.memory_space<vmem_shared>> -> memref<24x128xf32, #tpu.memory_space<vmem_shared>>
      %dma_wait3A_371 = arith.constant 0 : i32
      %dma_wait3A_372 = arith.constant 0 : i32
      %dma_wait3A_373 = tpu.memref_slice %arg14[%dma_wait3A_371, %dma_wait3A_372] : memref<40x128xf32, #tpu.memory_space<vmem>> -> memref<24x128xf32, #tpu.memory_space<vmem>>
      tpu.wait_dma2 semaphore(%run_scoped3A : memref<!tpu.dma_semaphore, #tpu.memory_space<semaphore_mem>>) src(%dma_wait3A_373 : memref<24x128xf32, #tpu.memory_space<vmem>>) dst(%dma_wait3A_370 : memref<24x128xf32, #tpu.memory_space<vmem_shared>>)
      tpu.yield
    }) : () -> ()
    %eq3A = arith.constant 15 : i32
    %eq3A_68 = arith.cmpi eq, %arg1, %eq3A : i32
    %convert_element_type3A = arith.extui %eq3A_68 : i1 to i32
    %cond3A = arith.constant 0 : i32
    %cond3A_69 = arith.cmpi ne, %convert_element_type3A, %cond3A : i32
    scf.if %cond3A_69 {
      "tpu.region"() ({
        %run_scoped3A = tpu.sem_alloc : memref<!tpu.dma_semaphore, #tpu.memory_space<semaphore_mem>>
        %dma_start3A_354 = arith.constant 0 : i32
        %dma_start3A_355 = arith.constant 0 : i32
        %dma_start3A_356 = tpu.memref_slice %arg14[%dma_start3A_354, %dma_start3A_355] : memref<40x128xf32, #tpu.memory_space<vmem>> -> memref<16x128xf32, #tpu.memory_space<vmem>>
        %dma_start3A_357 = arith.constant 9984 : i32
        %dma_start3A_358 = arith.constant 0 : i32
        %dma_start3A_359 = tpu.memref_slice %arg17[%dma_start3A_357, %dma_start3A_358] : memref<10000x128xf32, #tpu.memory_space<vmem_shared>> -> memref<16x128xf32, #tpu.memory_space<vmem_shared>>
        %dma_start3A_360 = arith.constant 9984 : i32
        %dma_start3A_361 = arith.constant 0 : i32
        %dma_start3A_362 = tpu.memref_slice %arg17[%dma_start3A_360, %dma_start3A_361] : memref<10000x128xf32, #tpu.memory_space<vmem_shared>> -> memref<16x128xf32, #tpu.memory_space<vmem_shared>>
        %dma_start3A_363 = arith.constant 0 : i32
        %dma_start3A_364 = arith.constant 0 : i32
        %dma_start3A_365 = tpu.memref_slice %arg14[%dma_start3A_363, %dma_start3A_364] : memref<40x128xf32, #tpu.memory_space<vmem>> -> memref<16x128xf32, #tpu.memory_space<vmem>>
        tpu.enqueue_dma source(%dma_start3A_365 : memref<16x128xf32, #tpu.memory_space<vmem>>) target(%dma_start3A_362 : memref<16x128xf32, #tpu.memory_space<vmem_shared>>) target_semaphore(%run_scoped3A : memref<!tpu.dma_semaphore, #tpu.memory_space<semaphore_mem>>)
        %dma_wait3A_366 = arith.constant 0 : i32
        %dma_wait3A_367 = arith.constant 0 : i32
        %dma_wait3A_368 = tpu.memref_slice %arg14[%dma_wait3A_366, %dma_wait3A_367] : memref<40x128xf32, #tpu.memory_space<vmem>> -> memref<16x128xf32, #tpu.memory_space<vmem>>
        %dma_wait3A_369 = arith.constant 9984 : i32
        %dma_wait3A_370 = arith.constant 0 : i32
        %dma_wait3A_371 = tpu.memref_slice %arg17[%dma_wait3A_369, %dma_wait3A_370] : memref<10000x128xf32, #tpu.memory_space<vmem_shared>> -> memref<16x128xf32, #tpu.memory_space<vmem_shared>>
        %dma_wait3A_372 = arith.constant 9984 : i32
        %dma_wait3A_373 = arith.constant 0 : i32
        %dma_wait3A_374 = tpu.memref_slice %arg17[%dma_wait3A_372, %dma_wait3A_373] : memref<10000x128xf32, #tpu.memory_space<vmem_shared>> -> memref<16x128xf32, #tpu.memory_space<vmem_shared>>
        %dma_wait3A_375 = arith.constant 0 : i32
        %dma_wait3A_376 = arith.constant 0 : i32
        %dma_wait3A_377 = tpu.memref_slice %arg14[%dma_wait3A_375, %dma_wait3A_376] : memref<40x128xf32, #tpu.memory_space<vmem>> -> memref<16x128xf32, #tpu.memory_space<vmem>>
        tpu.wait_dma2 semaphore(%run_scoped3A : memref<!tpu.dma_semaphore, #tpu.memory_space<semaphore_mem>>) src(%dma_wait3A_377 : memref<16x128xf32, #tpu.memory_space<vmem>>) dst(%dma_wait3A_374 : memref<16x128xf32, #tpu.memory_space<vmem_shared>>)
        tpu.yield
      }) : () -> ()
    } else {
    }
    %barrier3A = arith.constant 0 : index
    tpu.barrier barrier_id(%barrier3A)
    "tpu.region"() ({
      %run_scoped3A = tpu.sem_alloc : memref<!tpu.dma_semaphore, #tpu.memory_space<semaphore_mem>>
      %dma_start3A_354 = arith.constant 0 : i32
      %dma_start3A_355 = tpu.memref_slice %arg3[%add3A, %dma_start3A_354] : memref<32x10000xi32, #tpu.memory_space<hbm>> -> memref<1x10000xi32, #tpu.memory_space<hbm>>
      %dma_start3A_356 = tpu.memref_squeeze %dma_start3A_355 : memref<1x10000xi32, #tpu.memory_space<hbm>> -> memref<10000xi32, #tpu.memory_space<hbm>>
      %dma_start3A_357 = arith.constant 0 : i32
      %dma_start3A_358 = tpu.memref_slice %arg3[%add3A, %dma_start3A_357] : memref<32x10000xi32, #tpu.memory_space<hbm>> -> memref<1x10000xi32, #tpu.memory_space<hbm>>
      %dma_start3A_359 = tpu.memref_squeeze %dma_start3A_358 : memref<1x10000xi32, #tpu.memory_space<hbm>> -> memref<10000xi32, #tpu.memory_space<hbm>>
      tpu.enqueue_dma source(%dma_start3A_359 : memref<10000xi32, #tpu.memory_space<hbm>>) target(%arg7 : memref<10000xi32, #tpu.memory_space<vmem>>) target_semaphore(%run_scoped3A : memref<!tpu.dma_semaphore, #tpu.memory_space<semaphore_mem>>)
      %dma_wait3A_360 = arith.constant 0 : i32
      %dma_wait3A_361 = tpu.memref_slice %arg3[%add3A, %dma_wait3A_360] : memref<32x10000xi32, #tpu.memory_space<hbm>> -> memref<1x10000xi32, #tpu.memory_space<hbm>>
      %dma_wait3A_362 = tpu.memref_squeeze %dma_wait3A_361 : memref<1x10000xi32, #tpu.memory_space<hbm>> -> memref<10000xi32, #tpu.memory_space<hbm>>
      %dma_wait3A_363 = arith.constant 0 : i32
      %dma_wait3A_364 = tpu.memref_slice %arg3[%add3A, %dma_wait3A_363] : memref<32x10000xi32, #tpu.memory_space<hbm>> -> memref<1x10000xi32, #tpu.memory_space<hbm>>
      %dma_wait3A_365 = tpu.memref_squeeze %dma_wait3A_364 : memref<1x10000xi32, #tpu.memory_space<hbm>> -> memref<10000xi32, #tpu.memory_space<hbm>>
      tpu.wait_dma2 semaphore(%run_scoped3A : memref<!tpu.dma_semaphore, #tpu.memory_space<semaphore_mem>>) src(%dma_wait3A_365 : memref<10000xi32, #tpu.memory_space<hbm>>) dst(%arg7 : memref<10000xi32, #tpu.memory_space<vmem>>)
      tpu.yield
    }) : () -> ()
    %mul3A_70 = arith.constant 10000 : i32
    %mul3A_71 = arith.muli %add3A, %mul3A_70 : i32
    %add3A_72 = arith.constant 0 : i32
    %add3A_73 = arith.addi %mul3A_71, %add3A_72 : i32
    %dma_start3A = arith.constant 0 : i32
    %dma_start3A_74 = tpu.memref_slice %arg7[%dma_start3A] : memref<10000xi32, #tpu.memory_space<vmem>> -> memref<40xi32, #tpu.memory_space<vmem>>
    %dma_start3A_75 = arith.constant 0 : i32
    %dma_start3A_76 = arith.constant 0 : i32
    %dma_start3A_77 = tpu.memref_slice %arg2[%dma_start3A_75, %dma_start3A_76] : memref<10000x128xf32, #tpu.memory_space<hbm>> -> memref<10000x128xf32, #tpu.memory_space<hbm>>
    tpu.enqueue_indirect_dma source(%dma_start3A_77 : memref<10000x128xf32, #tpu.memory_space<hbm>>) target(%arg11 : memref<40x128xf32, #tpu.memory_space<vmem>>) offsets(%dma_start3A_74 : memref<40xi32, #tpu.memory_space<vmem>>) semaphore(%arg18 : memref<!tpu.dma_semaphore, #tpu.memory_space<semaphore_mem>>)
    %dma_start3A_78 = arith.constant 0 : i32
    %dma_start3A_79 = tpu.memref_slice %arg5[%add3A_73, %dma_start3A_78] : memref<320000x128xf32, #tpu.memory_space<hbm>> -> memref<40x128xf32, #tpu.memory_space<hbm>>
    %dma_start3A_80 = arith.constant 0 : i32
    %dma_start3A_81 = tpu.memref_slice %arg5[%add3A_73, %dma_start3A_80] : memref<320000x128xf32, #tpu.memory_space<hbm>> -> memref<40x128xf32, #tpu.memory_space<hbm>>
    tpu.enqueue_dma source(%dma_start3A_81 : memref<40x128xf32, #tpu.memory_space<hbm>>) target(%arg14 : memref<40x128xf32, #tpu.memory_space<vmem>>) target_semaphore(%arg18 : memref<!tpu.dma_semaphore, #tpu.memory_space<semaphore_mem>>)
    %dma_start3A_82 = tpu.memref_slice %arg4[%add3A_73] : memref<320000xi32, #tpu.memory_space<hbm>> -> memref<40xi32, #tpu.memory_space<hbm>>
    %dma_start3A_83 = tpu.memref_slice %arg4[%add3A_73] : memref<320000xi32, #tpu.memory_space<hbm>> -> memref<40xi32, #tpu.memory_space<hbm>>
    tpu.enqueue_dma source(%dma_start3A_83 : memref<40xi32, #tpu.memory_space<hbm>>) target(%arg8 : memref<40xi32, #tpu.memory_space<vmem>>) target_semaphore(%arg18 : memref<!tpu.dma_semaphore, #tpu.memory_space<semaphore_mem>>)
    %mul3A_84 = arith.constant 10000 : i32
    %mul3A_85 = arith.muli %add3A, %mul3A_84 : i32
    %add3A_86 = arith.constant 40 : i32
    %add3A_87 = arith.addi %mul3A_85, %add3A_86 : i32
    %dma_start3A_88 = arith.constant 40 : i32
    %dma_start3A_89 = tpu.memref_slice %arg7[%dma_start3A_88] : memref<10000xi32, #tpu.memory_space<vmem>> -> memref<40xi32, #tpu.memory_space<vmem>>
    %dma_start3A_90 = arith.constant 0 : i32
    %dma_start3A_91 = arith.constant 0 : i32
    %dma_start3A_92 = tpu.memref_slice %arg2[%dma_start3A_90, %dma_start3A_91] : memref<10000x128xf32, #tpu.memory_space<hbm>> -> memref<10000x128xf32, #tpu.memory_space<hbm>>
    tpu.enqueue_indirect_dma source(%dma_start3A_92 : memref<10000x128xf32, #tpu.memory_space<hbm>>) target(%arg12 : memref<40x128xf32, #tpu.memory_space<vmem>>) offsets(%dma_start3A_89 : memref<40xi32, #tpu.memory_space<vmem>>) semaphore(%arg19 : memref<!tpu.dma_semaphore, #tpu.memory_space<semaphore_mem>>)
    %dma_start3A_93 = arith.constant 0 : i32
    %dma_start3A_94 = tpu.memref_slice %arg5[%add3A_87, %dma_start3A_93] : memref<320000x128xf32, #tpu.memory_space<hbm>> -> memref<40x128xf32, #tpu.memory_space<hbm>>
    %dma_start3A_95 = arith.constant 0 : i32
    %dma_start3A_96 = tpu.memref_slice %arg5[%add3A_87, %dma_start3A_95] : memref<320000x128xf32, #tpu.memory_space<hbm>> -> memref<40x128xf32, #tpu.memory_space<hbm>>
    tpu.enqueue_dma source(%dma_start3A_96 : memref<40x128xf32, #tpu.memory_space<hbm>>) target(%arg15 : memref<40x128xf32, #tpu.memory_space<vmem>>) target_semaphore(%arg19 : memref<!tpu.dma_semaphore, #tpu.memory_space<semaphore_mem>>)
    %dma_start3A_97 = tpu.memref_slice %arg4[%add3A_87] : memref<320000xi32, #tpu.memory_space<hbm>> -> memref<40xi32, #tpu.memory_space<hbm>>
    %dma_start3A_98 = tpu.memref_slice %arg4[%add3A_87] : memref<320000xi32, #tpu.memory_space<hbm>> -> memref<40xi32, #tpu.memory_space<hbm>>
    tpu.enqueue_dma source(%dma_start3A_98 : memref<40xi32, #tpu.memory_space<hbm>>) target(%arg9 : memref<40xi32, #tpu.memory_space<vmem>>) target_semaphore(%arg19 : memref<!tpu.dma_semaphore, #tpu.memory_space<semaphore_mem>>)
    %dma_wait3A = arith.constant 0 : i32
    %dma_wait3A_99 = tpu.memref_slice %arg7[%dma_wait3A] : memref<10000xi32, #tpu.memory_space<vmem>> -> memref<40xi32, #tpu.memory_space<vmem>>
    %dma_wait3A_100 = arith.constant 0 : i32
    %dma_wait3A_101 = arith.constant 0 : i32
    %dma_wait3A_102 = tpu.memref_slice %arg2[%dma_wait3A_100, %dma_wait3A_101] : memref<10000x128xf32, #tpu.memory_space<hbm>> -> memref<10000x128xf32, #tpu.memory_space<hbm>>
    tpu.wait_indirect_dma semaphore(%arg18 : memref<!tpu.dma_semaphore, #tpu.memory_space<semaphore_mem>>) src(%dma_wait3A_102 : memref<10000x128xf32, #tpu.memory_space<hbm>>) dst(%arg11 : memref<40x128xf32, #tpu.memory_space<vmem>>)
    %dma_wait3A_103 = arith.constant 0 : i32
    %dma_wait3A_104 = arith.constant 0 : i32
    %dma_wait3A_105 = tpu.memref_slice %arg5[%dma_wait3A_103, %dma_wait3A_104] : memref<320000x128xf32, #tpu.memory_space<hbm>> -> memref<40x128xf32, #tpu.memory_space<hbm>>
    %dma_wait3A_106 = arith.constant 0 : i32
    %dma_wait3A_107 = arith.constant 0 : i32
    %dma_wait3A_108 = tpu.memref_slice %arg5[%dma_wait3A_106, %dma_wait3A_107] : memref<320000x128xf32, #tpu.memory_space<hbm>> -> memref<40x128xf32, #tpu.memory_space<hbm>>
    tpu.wait_dma2 semaphore(%arg18 : memref<!tpu.dma_semaphore, #tpu.memory_space<semaphore_mem>>) src(%dma_wait3A_108 : memref<40x128xf32, #tpu.memory_space<hbm>>) dst(%arg14 : memref<40x128xf32, #tpu.memory_space<vmem>>)
    %dma_wait3A_109 = arith.constant 0 : i32
    %dma_wait3A_110 = tpu.memref_slice %arg4[%dma_wait3A_109] : memref<320000xi32, #tpu.memory_space<hbm>> -> memref<40xi32, #tpu.memory_space<hbm>>
    %dma_wait3A_111 = arith.constant 0 : i32
    %dma_wait3A_112 = tpu.memref_slice %arg4[%dma_wait3A_111] : memref<320000xi32, #tpu.memory_space<hbm>> -> memref<40xi32, #tpu.memory_space<hbm>>
    tpu.wait_dma2 semaphore(%arg18 : memref<!tpu.dma_semaphore, #tpu.memory_space<semaphore_mem>>) src(%dma_wait3A_112 : memref<40xi32, #tpu.memory_space<hbm>>) dst(%arg8 : memref<40xi32, #tpu.memory_space<vmem>>)
    %parallel_loop3A_113 = arith.constant 0 : i32
    %parallel_loop3A_114 = arith.constant 40 : i32
    %parallel_loop3A_115 = arith.constant 1 : i32
    scf.for %parallel_loop3A_354 = %parallel_loop3A_113 to %parallel_loop3A_114 step %parallel_loop3A_115  : i32 {
      %parallel_loop3A_355 = arith.index_cast %parallel_loop3A_354 : i32 to index
      %parallel_loop3A_356 = arith.constant 0 : index
      %parallel_loop3A_357 = tpu.vector_load %arg11[%parallel_loop3A_355, %parallel_loop3A_356] {strides = array<i32>} : memref<40x128xf32, #tpu.memory_space<vmem>>, vector<1x16xf32>,
      %parallel_loop3A_358 = vector.shape_cast %parallel_loop3A_357 : vector<1x16xf32> to vector<16xf32>
      %parallel_loop3A_359 = arith.index_cast %parallel_loop3A_354 : i32 to index
      %parallel_loop3A_360 = arith.constant 0 : index
      %parallel_loop3A_361 = tpu.vector_load %arg14[%parallel_loop3A_359, %parallel_loop3A_360] {strides = array<i32>} : memref<40x128xf32, #tpu.memory_space<vmem>>, vector<1x16xf32>,
      %parallel_loop3A_362 = vector.shape_cast %parallel_loop3A_361 : vector<1x16xf32> to vector<16xf32>
      %parallel_loop3A_363 = arith.addf %parallel_loop3A_358, %parallel_loop3A_362 : vector<16xf32>
      %parallel_loop3A_364 = arith.constant 0.000000e+00 : f32
      %parallel_loop3A_365 = vector.broadcast %parallel_loop3A_364 : f32 to vector<16xf32>
      %parallel_loop3A_366 = arith.maximumf %parallel_loop3A_363, %parallel_loop3A_365 : vector<16xf32>
      %parallel_loop3A_367 = arith.index_cast %parallel_loop3A_354 : i32 to index
      %parallel_loop3A_368 = arith.constant 0 : index
      %parallel_loop3A_369 = tpu.vector_load %arg14[%parallel_loop3A_367, %parallel_loop3A_368] {strides = array<i32>} : memref<40x128xf32, #tpu.memory_space<vmem>>, vector<1x16xf32>,
      %parallel_loop3A_370 = vector.shape_cast %parallel_loop3A_369 : vector<1x16xf32> to vector<16xf32>
      %parallel_loop3A_371 = vector.shape_cast %parallel_loop3A_366 : vector<16xf32> to vector<1x16xf32>
      tpu.vector_store %arg14[%parallel_loop3A_367, %parallel_loop3A_368], %parallel_loop3A_371 {strides = array<i32>} : memref<40x128xf32, #tpu.memory_space<vmem>>, vector<1x16xf32>,
      %parallel_loop3A_372 = arith.index_cast %parallel_loop3A_354 : i32 to index
      %parallel_loop3A_373 = arith.constant 16 : index
      %parallel_loop3A_374 = tpu.vector_load %arg11[%parallel_loop3A_372, %parallel_loop3A_373] {strides = array<i32>} : memref<40x128xf32, #tpu.memory_space<vmem>>, vector<1x16xf32>,
      %parallel_loop3A_375 = vector.shape_cast %parallel_loop3A_374 : vector<1x16xf32> to vector<16xf32>
      %parallel_loop3A_376 = arith.index_cast %parallel_loop3A_354 : i32 to index
      %parallel_loop3A_377 = arith.constant 16 : index
      %parallel_loop3A_378 = tpu.vector_load %arg14[%parallel_loop3A_376, %parallel_loop3A_377] {strides = array<i32>} : memref<40x128xf32, #tpu.memory_space<vmem>>, vector<1x16xf32>,
      %parallel_loop3A_379 = vector.shape_cast %parallel_loop3A_378 : vector<1x16xf32> to vector<16xf32>
      %parallel_loop3A_380 = arith.addf %parallel_loop3A_375, %parallel_loop3A_379 : vector<16xf32>
      %parallel_loop3A_381 = arith.constant 0.000000e+00 : f32
      %parallel_loop3A_382 = vector.broadcast %parallel_loop3A_381 : f32 to vector<16xf32>
      %parallel_loop3A_383 = arith.maximumf %parallel_loop3A_380, %parallel_loop3A_382 : vector<16xf32>
      %parallel_loop3A_384 = arith.index_cast %parallel_loop3A_354 : i32 to index
      %parallel_loop3A_385 = arith.constant 16 : index
      %parallel_loop3A_386 = tpu.vector_load %arg14[%parallel_loop3A_384, %parallel_loop3A_385] {strides = array<i32>} : memref<40x128xf32, #tpu.memory_space<vmem>>, vector<1x16xf32>,
      %parallel_loop3A_387 = vector.shape_cast %parallel_loop3A_386 : vector<1x16xf32> to vector<16xf32>
      %parallel_loop3A_388 = vector.shape_cast %parallel_loop3A_383 : vector<16xf32> to vector<1x16xf32>
      tpu.vector_store %arg14[%parallel_loop3A_384, %parallel_loop3A_385], %parallel_loop3A_388 {strides = array<i32>} : memref<40x128xf32, #tpu.memory_space<vmem>>, vector<1x16xf32>,
      %parallel_loop3A_389 = arith.index_cast %parallel_loop3A_354 : i32 to index
      %parallel_loop3A_390 = arith.constant 32 : index
      %parallel_loop3A_391 = tpu.vector_load %arg11[%parallel_loop3A_389, %parallel_loop3A_390] {strides = array<i32>} : memref<40x128xf32, #tpu.memory_space<vmem>>, vector<1x16xf32>,
      %parallel_loop3A_392 = vector.shape_cast %parallel_loop3A_391 : vector<1x16xf32> to vector<16xf32>
      %parallel_loop3A_393 = arith.index_cast %parallel_loop3A_354 : i32 to index
      %parallel_loop3A_394 = arith.constant 32 : index
      %parallel_loop3A_395 = tpu.vector_load %arg14[%parallel_loop3A_393, %parallel_loop3A_394] {strides = array<i32>} : memref<40x128xf32, #tpu.memory_space<vmem>>, vector<1x16xf32>,
      %parallel_loop3A_396 = vector.shape_cast %parallel_loop3A_395 : vector<1x16xf32> to vector<16xf32>
      %parallel_loop3A_397 = arith.addf %parallel_loop3A_392, %parallel_loop3A_396 : vector<16xf32>
      %parallel_loop3A_398 = arith.constant 0.000000e+00 : f32
      %parallel_loop3A_399 = vector.broadcast %parallel_loop3A_398 : f32 to vector<16xf32>
      %parallel_loop3A_400 = arith.maximumf %parallel_loop3A_397, %parallel_loop3A_399 : vector<16xf32>
      %parallel_loop3A_401 = arith.index_cast %parallel_loop3A_354 : i32 to index
      %parallel_loop3A_402 = arith.constant 32 : index
      %parallel_loop3A_403 = tpu.vector_load %arg14[%parallel_loop3A_401, %parallel_loop3A_402] {strides = array<i32>} : memref<40x128xf32, #tpu.memory_space<vmem>>, vector<1x16xf32>,
      %parallel_loop3A_404 = vector.shape_cast %parallel_loop3A_403 : vector<1x16xf32> to vector<16xf32>
      %parallel_loop3A_405 = vector.shape_cast %parallel_loop3A_400 : vector<16xf32> to vector<1x16xf32>
      tpu.vector_store %arg14[%parallel_loop3A_401, %parallel_loop3A_402], %parallel_loop3A_405 {strides = array<i32>} : memref<40x128xf32, #tpu.memory_space<vmem>>, vector<1x16xf32>,
      %parallel_loop3A_406 = arith.index_cast %parallel_loop3A_354 : i32 to index
      %parallel_loop3A_407 = arith.constant 48 : index
      %parallel_loop3A_408 = tpu.vector_load %arg11[%parallel_loop3A_406, %parallel_loop3A_407] {strides = array<i32>} : memref<40x128xf32, #tpu.memory_space<vmem>>, vector<1x16xf32>,
      %parallel_loop3A_409 = vector.shape_cast %parallel_loop3A_408 : vector<1x16xf32> to vector<16xf32>
      %parallel_loop3A_410 = arith.index_cast %parallel_loop3A_354 : i32 to index
      %parallel_loop3A_411 = arith.constant 48 : index
      %parallel_loop3A_412 = tpu.vector_load %arg14[%parallel_loop3A_410, %parallel_loop3A_411] {strides = array<i32>} : memref<40x128xf32, #tpu.memory_space<vmem>>, vector<1x16xf32>,
      %parallel_loop3A_413 = vector.shape_cast %parallel_loop3A_412 : vector<1x16xf32> to vector<16xf32>
      %parallel_loop3A_414 = arith.addf %parallel_loop3A_409, %parallel_loop3A_413 : vector<16xf32>
      %parallel_loop3A_415 = arith.constant 0.000000e+00 : f32
      %parallel_loop3A_416 = vector.broadcast %parallel_loop3A_415 : f32 to vector<16xf32>
      %parallel_loop3A_417 = arith.maximumf %parallel_loop3A_414, %parallel_loop3A_416 : vector<16xf32>
      %parallel_loop3A_418 = arith.index_cast %parallel_loop3A_354 : i32 to index
      %parallel_loop3A_419 = arith.constant 48 : index
      %parallel_loop3A_420 = tpu.vector_load %arg14[%parallel_loop3A_418, %parallel_loop3A_419] {strides = array<i32>} : memref<40x128xf32, #tpu.memory_space<vmem>>, vector<1x16xf32>,
      %parallel_loop3A_421 = vector.shape_cast %parallel_loop3A_420 : vector<1x16xf32> to vector<16xf32>
      %parallel_loop3A_422 = vector.shape_cast %parallel_loop3A_417 : vector<16xf32> to vector<1x16xf32>
      tpu.vector_store %arg14[%parallel_loop3A_418, %parallel_loop3A_419], %parallel_loop3A_422 {strides = array<i32>} : memref<40x128xf32, #tpu.memory_space<vmem>>, vector<1x16xf32>,
      %parallel_loop3A_423 = arith.index_cast %parallel_loop3A_354 : i32 to index
      %parallel_loop3A_424 = arith.constant 64 : index
      %parallel_loop3A_425 = tpu.vector_load %arg11[%parallel_loop3A_423, %parallel_loop3A_424] {strides = array<i32>} : memref<40x128xf32, #tpu.memory_space<vmem>>, vector<1x16xf32>,
      %parallel_loop3A_426 = vector.shape_cast %parallel_loop3A_425 : vector<1x16xf32> to vector<16xf32>
      %parallel_loop3A_427 = arith.index_cast %parallel_loop3A_354 : i32 to index
      %parallel_loop3A_428 = arith.constant 64 : index
      %parallel_loop3A_429 = tpu.vector_load %arg14[%parallel_loop3A_427, %parallel_loop3A_428] {strides = array<i32>} : memref<40x128xf32, #tpu.memory_space<vmem>>, vector<1x16xf32>,
      %parallel_loop3A_430 = vector.shape_cast %parallel_loop3A_429 : vector<1x16xf32> to vector<16xf32>
      %parallel_loop3A_431 = arith.addf %parallel_loop3A_426, %parallel_loop3A_430 : vector<16xf32>
      %parallel_loop3A_432 = arith.constant 0.000000e+00 : f32
      %parallel_loop3A_433 = vector.broadcast %parallel_loop3A_432 : f32 to vector<16xf32>
      %parallel_loop3A_434 = arith.maximumf %parallel_loop3A_431, %parallel_loop3A_433 : vector<16xf32>
      %parallel_loop3A_435 = arith.index_cast %parallel_loop3A_354 : i32 to index
      %parallel_loop3A_436 = arith.constant 64 : index
      %parallel_loop3A_437 = tpu.vector_load %arg14[%parallel_loop3A_435, %parallel_loop3A_436] {strides = array<i32>} : memref<40x128xf32, #tpu.memory_space<vmem>>, vector<1x16xf32>,
      %parallel_loop3A_438 = vector.shape_cast %parallel_loop3A_437 : vector<1x16xf32> to vector<16xf32>
      %parallel_loop3A_439 = vector.shape_cast %parallel_loop3A_434 : vector<16xf32> to vector<1x16xf32>
      tpu.vector_store %arg14[%parallel_loop3A_435, %parallel_loop3A_436], %parallel_loop3A_439 {strides = array<i32>} : memref<40x128xf32, #tpu.memory_space<vmem>>, vector<1x16xf32>,
      %parallel_loop3A_440 = arith.index_cast %parallel_loop3A_354 : i32 to index
      %parallel_loop3A_441 = arith.constant 80 : index
      %parallel_loop3A_442 = tpu.vector_load %arg11[%parallel_loop3A_440, %parallel_loop3A_441] {strides = array<i32>} : memref<40x128xf32, #tpu.memory_space<vmem>>, vector<1x16xf32>,
      %parallel_loop3A_443 = vector.shape_cast %parallel_loop3A_442 : vector<1x16xf32> to vector<16xf32>
      %parallel_loop3A_444 = arith.index_cast %parallel_loop3A_354 : i32 to index
      %parallel_loop3A_445 = arith.constant 80 : index
      %parallel_loop3A_446 = tpu.vector_load %arg14[%parallel_loop3A_444, %parallel_loop3A_445] {strides = array<i32>} : memref<40x128xf32, #tpu.memory_space<vmem>>, vector<1x16xf32>,
      %parallel_loop3A_447 = vector.shape_cast %parallel_loop3A_446 : vector<1x16xf32> to vector<16xf32>
      %parallel_loop3A_448 = arith.addf %parallel_loop3A_443, %parallel_loop3A_447 : vector<16xf32>
      %parallel_loop3A_449 = arith.constant 0.000000e+00 : f32
      %parallel_loop3A_450 = vector.broadcast %parallel_loop3A_449 : f32 to vector<16xf32>
      %parallel_loop3A_451 = arith.maximumf %parallel_loop3A_448, %parallel_loop3A_450 : vector<16xf32>
      %parallel_loop3A_452 = arith.index_cast %parallel_loop3A_354 : i32 to index
      %parallel_loop3A_453 = arith.constant 80 : index
      %parallel_loop3A_454 = tpu.vector_load %arg14[%parallel_loop3A_452, %parallel_loop3A_453] {strides = array<i32>} : memref<40x128xf32, #tpu.memory_space<vmem>>, vector<1x16xf32>,
      %parallel_loop3A_455 = vector.shape_cast %parallel_loop3A_454 : vector<1x16xf32> to vector<16xf32>
      %parallel_loop3A_456 = vector.shape_cast %parallel_loop3A_451 : vector<16xf32> to vector<1x16xf32>
      tpu.vector_store %arg14[%parallel_loop3A_452, %parallel_loop3A_453], %parallel_loop3A_456 {strides = array<i32>} : memref<40x128xf32, #tpu.memory_space<vmem>>, vector<1x16xf32>,
      %parallel_loop3A_457 = arith.index_cast %parallel_loop3A_354 : i32 to index
      %parallel_loop3A_458 = arith.constant 96 : index
      %parallel_loop3A_459 = tpu.vector_load %arg11[%parallel_loop3A_457, %parallel_loop3A_458] {strides = array<i32>} : memref<40x128xf32, #tpu.memory_space<vmem>>, vector<1x16xf32>,
      %parallel_loop3A_460 = vector.shape_cast %parallel_loop3A_459 : vector<1x16xf32> to vector<16xf32>
      %parallel_loop3A_461 = arith.index_cast %parallel_loop3A_354 : i32 to index
      %parallel_loop3A_462 = arith.constant 96 : index
      %parallel_loop3A_463 = tpu.vector_load %arg14[%parallel_loop3A_461, %parallel_loop3A_462] {strides = array<i32>} : memref<40x128xf32, #tpu.memory_space<vmem>>, vector<1x16xf32>,
      %parallel_loop3A_464 = vector.shape_cast %parallel_loop3A_463 : vector<1x16xf32> to vector<16xf32>
      %parallel_loop3A_465 = arith.addf %parallel_loop3A_460, %parallel_loop3A_464 : vector<16xf32>
      %parallel_loop3A_466 = arith.constant 0.000000e+00 : f32
      %parallel_loop3A_467 = vector.broadcast %parallel_loop3A_466 : f32 to vector<16xf32>
      %parallel_loop3A_468 = arith.maximumf %parallel_loop3A_465, %parallel_loop3A_467 : vector<16xf32>
      %parallel_loop3A_469 = arith.index_cast %parallel_loop3A_354 : i32 to index
      %parallel_loop3A_470 = arith.constant 96 : index
      %parallel_loop3A_471 = tpu.vector_load %arg14[%parallel_loop3A_469, %parallel_loop3A_470] {strides = array<i32>} : memref<40x128xf32, #tpu.memory_space<vmem>>, vector<1x16xf32>,
      %parallel_loop3A_472 = vector.shape_cast %parallel_loop3A_471 : vector<1x16xf32> to vector<16xf32>
      %parallel_loop3A_473 = vector.shape_cast %parallel_loop3A_468 : vector<16xf32> to vector<1x16xf32>
      tpu.vector_store %arg14[%parallel_loop3A_469, %parallel_loop3A_470], %parallel_loop3A_473 {strides = array<i32>} : memref<40x128xf32, #tpu.memory_space<vmem>>, vector<1x16xf32>,
      %parallel_loop3A_474 = arith.index_cast %parallel_loop3A_354 : i32 to index
      %parallel_loop3A_475 = arith.constant 112 : index
      %parallel_loop3A_476 = tpu.vector_load %arg11[%parallel_loop3A_474, %parallel_loop3A_475] {strides = array<i32>} : memref<40x128xf32, #tpu.memory_space<vmem>>, vector<1x16xf32>,
      %parallel_loop3A_477 = vector.shape_cast %parallel_loop3A_476 : vector<1x16xf32> to vector<16xf32>
      %parallel_loop3A_478 = arith.index_cast %parallel_loop3A_354 : i32 to index
      %parallel_loop3A_479 = arith.constant 112 : index
      %parallel_loop3A_480 = tpu.vector_load %arg14[%parallel_loop3A_478, %parallel_loop3A_479] {strides = array<i32>} : memref<40x128xf32, #tpu.memory_space<vmem>>, vector<1x16xf32>,
      %parallel_loop3A_481 = vector.shape_cast %parallel_loop3A_480 : vector<1x16xf32> to vector<16xf32>
      %parallel_loop3A_482 = arith.addf %parallel_loop3A_477, %parallel_loop3A_481 : vector<16xf32>
      %parallel_loop3A_483 = arith.constant 0.000000e+00 : f32
      %parallel_loop3A_484 = vector.broadcast %parallel_loop3A_483 : f32 to vector<16xf32>
      %parallel_loop3A_485 = arith.maximumf %parallel_loop3A_482, %parallel_loop3A_484 : vector<16xf32>
      %parallel_loop3A_486 = arith.index_cast %parallel_loop3A_354 : i32 to index
      %parallel_loop3A_487 = arith.constant 112 : index
      %parallel_loop3A_488 = tpu.vector_load %arg14[%parallel_loop3A_486, %parallel_loop3A_487] {strides = array<i32>} : memref<40x128xf32, #tpu.memory_space<vmem>>, vector<1x16xf32>,
      %parallel_loop3A_489 = vector.shape_cast %parallel_loop3A_488 : vector<1x16xf32> to vector<16xf32>
      %parallel_loop3A_490 = vector.shape_cast %parallel_loop3A_485 : vector<16xf32> to vector<1x16xf32>
      tpu.vector_store %arg14[%parallel_loop3A_486, %parallel_loop3A_487], %parallel_loop3A_490 {strides = array<i32>} : memref<40x128xf32, #tpu.memory_space<vmem>>, vector<1x16xf32>,
    } {sc.loop_unroll_factor = 4 : i64, sc.parallel_access}
    %dma_start3A_116 = arith.constant 0 : i32
    %dma_start3A_117 = arith.constant 0 : i32
    %dma_start3A_118 = tpu.memref_slice %arg17[%dma_start3A_116, %dma_start3A_117] : memref<10000x128xf32, #tpu.memory_space<vmem_shared>> -> memref<10000x128xf32, #tpu.memory_space<vmem_shared>>
    tpu.enqueue_indirect_dma source(%arg14 : memref<40x128xf32, #tpu.memory_space<vmem>>) target(%dma_start3A_118 : memref<10000x128xf32, #tpu.memory_space<vmem_shared>>) offsets(%arg8 : memref<40xi32, #tpu.memory_space<vmem>>) semaphore(%arg21 : memref<!tpu.dma_semaphore, #tpu.memory_space<semaphore_mem>>) {add = true}
    %mul3A_119 = arith.constant 10000 : i32
    %mul3A_120 = arith.muli %add3A, %mul3A_119 : i32
    %add3A_121 = arith.constant 80 : i32
    %add3A_122 = arith.addi %mul3A_120, %add3A_121 : i32
    %dma_start3A_123 = arith.constant 80 : i32
    %dma_start3A_124 = tpu.memref_slice %arg7[%dma_start3A_123] : memref<10000xi32, #tpu.memory_space<vmem>> -> memref<40xi32, #tpu.memory_space<vmem>>
    %dma_start3A_125 = arith.constant 0 : i32
    %dma_start3A_126 = arith.constant 0 : i32
    %dma_start3A_127 = tpu.memref_slice %arg2[%dma_start3A_125, %dma_start3A_126] : memref<10000x128xf32, #tpu.memory_space<hbm>> -> memref<10000x128xf32, #tpu.memory_space<hbm>>
    tpu.enqueue_indirect_dma source(%dma_start3A_127 : memref<10000x128xf32, #tpu.memory_space<hbm>>) target(%arg13 : memref<40x128xf32, #tpu.memory_space<vmem>>) offsets(%dma_start3A_124 : memref<40xi32, #tpu.memory_space<vmem>>) semaphore(%arg20 : memref<!tpu.dma_semaphore, #tpu.memory_space<semaphore_mem>>)
    %dma_start3A_128 = arith.constant 0 : i32
    %dma_start3A_129 = tpu.memref_slice %arg5[%add3A_122, %dma_start3A_128] : memref<320000x128xf32, #tpu.memory_space<hbm>> -> memref<40x128xf32, #tpu.memory_space<hbm>>
    %dma_start3A_130 = arith.constant 0 : i32
    %dma_start3A_131 = tpu.memref_slice %arg5[%add3A_122, %dma_start3A_130] : memref<320000x128xf32, #tpu.memory_space<hbm>> -> memref<40x128xf32, #tpu.memory_space<hbm>>
    tpu.enqueue_dma source(%dma_start3A_131 : memref<40x128xf32, #tpu.memory_space<hbm>>) target(%arg16 : memref<40x128xf32, #tpu.memory_space<vmem>>) target_semaphore(%arg20 : memref<!tpu.dma_semaphore, #tpu.memory_space<semaphore_mem>>)
    %dma_start3A_132 = tpu.memref_slice %arg4[%add3A_122] : memref<320000xi32, #tpu.memory_space<hbm>> -> memref<40xi32, #tpu.memory_space<hbm>>
    %dma_start3A_133 = tpu.memref_slice %arg4[%add3A_122] : memref<320000xi32, #tpu.memory_space<hbm>> -> memref<40xi32, #tpu.memory_space<hbm>>
    tpu.enqueue_dma source(%dma_start3A_133 : memref<40xi32, #tpu.memory_space<hbm>>) target(%arg10 : memref<40xi32, #tpu.memory_space<vmem>>) target_semaphore(%arg20 : memref<!tpu.dma_semaphore, #tpu.memory_space<semaphore_mem>>)
    %dma_wait3A_134 = arith.constant 0 : i32
    %dma_wait3A_135 = tpu.memref_slice %arg7[%dma_wait3A_134] : memref<10000xi32, #tpu.memory_space<vmem>> -> memref<40xi32, #tpu.memory_space<vmem>>
    %dma_wait3A_136 = arith.constant 0 : i32
    %dma_wait3A_137 = arith.constant 0 : i32
    %dma_wait3A_138 = tpu.memref_slice %arg2[%dma_wait3A_136, %dma_wait3A_137] : memref<10000x128xf32, #tpu.memory_space<hbm>> -> memref<10000x128xf32, #tpu.memory_space<hbm>>
    tpu.wait_indirect_dma semaphore(%arg19 : memref<!tpu.dma_semaphore, #tpu.memory_space<semaphore_mem>>) src(%dma_wait3A_138 : memref<10000x128xf32, #tpu.memory_space<hbm>>) dst(%arg12 : memref<40x128xf32, #tpu.memory_space<vmem>>)
    %dma_wait3A_139 = arith.constant 0 : i32
    %dma_wait3A_140 = arith.constant 0 : i32
    %dma_wait3A_141 = tpu.memref_slice %arg5[%dma_wait3A_139, %dma_wait3A_140] : memref<320000x128xf32, #tpu.memory_space<hbm>> -> memref<40x128xf32, #tpu.memory_space<hbm>>
    %dma_wait3A_142 = arith.constant 0 : i32
    %dma_wait3A_143 = arith.constant 0 : i32
    %dma_wait3A_144 = tpu.memref_slice %arg5[%dma_wait3A_142, %dma_wait3A_143] : memref<320000x128xf32, #tpu.memory_space<hbm>> -> memref<40x128xf32, #tpu.memory_space<hbm>>
    tpu.wait_dma2 semaphore(%arg19 : memref<!tpu.dma_semaphore, #tpu.memory_space<semaphore_mem>>) src(%dma_wait3A_144 : memref<40x128xf32, #tpu.memory_space<hbm>>) dst(%arg15 : memref<40x128xf32, #tpu.memory_space<vmem>>)
    %dma_wait3A_145 = arith.constant 0 : i32
    %dma_wait3A_146 = tpu.memref_slice %arg4[%dma_wait3A_145] : memref<320000xi32, #tpu.memory_space<hbm>> -> memref<40xi32, #tpu.memory_space<hbm>>
    %dma_wait3A_147 = arith.constant 0 : i32
    %dma_wait3A_148 = tpu.memref_slice %arg4[%dma_wait3A_147] : memref<320000xi32, #tpu.memory_space<hbm>> -> memref<40xi32, #tpu.memory_space<hbm>>
    tpu.wait_dma2 semaphore(%arg19 : memref<!tpu.dma_semaphore, #tpu.memory_space<semaphore_mem>>) src(%dma_wait3A_148 : memref<40xi32, #tpu.memory_space<hbm>>) dst(%arg9 : memref<40xi32, #tpu.memory_space<vmem>>)
    %parallel_loop3A_149 = arith.constant 0 : i32
    %parallel_loop3A_150 = arith.constant 40 : i32
    %parallel_loop3A_151 = arith.constant 1 : i32
    scf.for %parallel_loop3A_354 = %parallel_loop3A_149 to %parallel_loop3A_150 step %parallel_loop3A_151  : i32 {
      %parallel_loop3A_355 = arith.index_cast %parallel_loop3A_354 : i32 to index
      %parallel_loop3A_356 = arith.constant 0 : index
      %parallel_loop3A_357 = tpu.vector_load %arg12[%parallel_loop3A_355, %parallel_loop3A_356] {strides = array<i32>} : memref<40x128xf32, #tpu.memory_space<vmem>>, vector<1x16xf32>,
      %parallel_loop3A_358 = vector.shape_cast %parallel_loop3A_357 : vector<1x16xf32> to vector<16xf32>
      %parallel_loop3A_359 = arith.index_cast %parallel_loop3A_354 : i32 to index
      %parallel_loop3A_360 = arith.constant 0 : index
      %parallel_loop3A_361 = tpu.vector_load %arg15[%parallel_loop3A_359, %parallel_loop3A_360] {strides = array<i32>} : memref<40x128xf32, #tpu.memory_space<vmem>>, vector<1x16xf32>,
      %parallel_loop3A_362 = vector.shape_cast %parallel_loop3A_361 : vector<1x16xf32> to vector<16xf32>
      %parallel_loop3A_363 = arith.addf %parallel_loop3A_358, %parallel_loop3A_362 : vector<16xf32>
      %parallel_loop3A_364 = arith.constant 0.000000e+00 : f32
      %parallel_loop3A_365 = vector.broadcast %parallel_loop3A_364 : f32 to vector<16xf32>
      %parallel_loop3A_366 = arith.maximumf %parallel_loop3A_363, %parallel_loop3A_365 : vector<16xf32>
      %parallel_loop3A_367 = arith.index_cast %parallel_loop3A_354 : i32 to index
      %parallel_loop3A_368 = arith.constant 0 : index
      %parallel_loop3A_369 = tpu.vector_load %arg15[%parallel_loop3A_367, %parallel_loop3A_368] {strides = array<i32>} : memref<40x128xf32, #tpu.memory_space<vmem>>, vector<1x16xf32>,
      %parallel_loop3A_370 = vector.shape_cast %parallel_loop3A_369 : vector<1x16xf32> to vector<16xf32>
      %parallel_loop3A_371 = vector.shape_cast %parallel_loop3A_366 : vector<16xf32> to vector<1x16xf32>
      tpu.vector_store %arg15[%parallel_loop3A_367, %parallel_loop3A_368], %parallel_loop3A_371 {strides = array<i32>} : memref<40x128xf32, #tpu.memory_space<vmem>>, vector<1x16xf32>,
      %parallel_loop3A_372 = arith.index_cast %parallel_loop3A_354 : i32 to index
      %parallel_loop3A_373 = arith.constant 16 : index
      %parallel_loop3A_374 = tpu.vector_load %arg12[%parallel_loop3A_372, %parallel_loop3A_373] {strides = array<i32>} : memref<40x128xf32, #tpu.memory_space<vmem>>, vector<1x16xf32>,
      %parallel_loop3A_375 = vector.shape_cast %parallel_loop3A_374 : vector<1x16xf32> to vector<16xf32>
      %parallel_loop3A_376 = arith.index_cast %parallel_loop3A_354 : i32 to index
      %parallel_loop3A_377 = arith.constant 16 : index
      %parallel_loop3A_378 = tpu.vector_load %arg15[%parallel_loop3A_376, %parallel_loop3A_377] {strides = array<i32>} : memref<40x128xf32, #tpu.memory_space<vmem>>, vector<1x16xf32>,
      %parallel_loop3A_379 = vector.shape_cast %parallel_loop3A_378 : vector<1x16xf32> to vector<16xf32>
      %parallel_loop3A_380 = arith.addf %parallel_loop3A_375, %parallel_loop3A_379 : vector<16xf32>
      %parallel_loop3A_381 = arith.constant 0.000000e+00 : f32
      %parallel_loop3A_382 = vector.broadcast %parallel_loop3A_381 : f32 to vector<16xf32>
      %parallel_loop3A_383 = arith.maximumf %parallel_loop3A_380, %parallel_loop3A_382 : vector<16xf32>
      %parallel_loop3A_384 = arith.index_cast %parallel_loop3A_354 : i32 to index
      %parallel_loop3A_385 = arith.constant 16 : index
      %parallel_loop3A_386 = tpu.vector_load %arg15[%parallel_loop3A_384, %parallel_loop3A_385] {strides = array<i32>} : memref<40x128xf32, #tpu.memory_space<vmem>>, vector<1x16xf32>,
      %parallel_loop3A_387 = vector.shape_cast %parallel_loop3A_386 : vector<1x16xf32> to vector<16xf32>
      %parallel_loop3A_388 = vector.shape_cast %parallel_loop3A_383 : vector<16xf32> to vector<1x16xf32>
      tpu.vector_store %arg15[%parallel_loop3A_384, %parallel_loop3A_385], %parallel_loop3A_388 {strides = array<i32>} : memref<40x128xf32, #tpu.memory_space<vmem>>, vector<1x16xf32>,
      %parallel_loop3A_389 = arith.index_cast %parallel_loop3A_354 : i32 to index
      %parallel_loop3A_390 = arith.constant 32 : index
      %parallel_loop3A_391 = tpu.vector_load %arg12[%parallel_loop3A_389, %parallel_loop3A_390] {strides = array<i32>} : memref<40x128xf32, #tpu.memory_space<vmem>>, vector<1x16xf32>,
      %parallel_loop3A_392 = vector.shape_cast %parallel_loop3A_391 : vector<1x16xf32> to vector<16xf32>
      %parallel_loop3A_393 = arith.index_cast %parallel_loop3A_354 : i32 to index
      %parallel_loop3A_394 = arith.constant 32 : index
      %parallel_loop3A_395 = tpu.vector_load %arg15[%parallel_loop3A_393, %parallel_loop3A_394] {strides = array<i32>} : memref<40x128xf32, #tpu.memory_space<vmem>>, vector<1x16xf32>,
      %parallel_loop3A_396 = vector.shape_cast %parallel_loop3A_395 : vector<1x16xf32> to vector<16xf32>
      %parallel_loop3A_397 = arith.addf %parallel_loop3A_392, %parallel_loop3A_396 : vector<16xf32>
      %parallel_loop3A_398 = arith.constant 0.000000e+00 : f32
      %parallel_loop3A_399 = vector.broadcast %parallel_loop3A_398 : f32 to vector<16xf32>
      %parallel_loop3A_400 = arith.maximumf %parallel_loop3A_397, %parallel_loop3A_399 : vector<16xf32>
      %parallel_loop3A_401 = arith.index_cast %parallel_loop3A_354 : i32 to index
      %parallel_loop3A_402 = arith.constant 32 : index
      %parallel_loop3A_403 = tpu.vector_load %arg15[%parallel_loop3A_401, %parallel_loop3A_402] {strides = array<i32>} : memref<40x128xf32, #tpu.memory_space<vmem>>, vector<1x16xf32>,
      %parallel_loop3A_404 = vector.shape_cast %parallel_loop3A_403 : vector<1x16xf32> to vector<16xf32>
      %parallel_loop3A_405 = vector.shape_cast %parallel_loop3A_400 : vector<16xf32> to vector<1x16xf32>
      tpu.vector_store %arg15[%parallel_loop3A_401, %parallel_loop3A_402], %parallel_loop3A_405 {strides = array<i32>} : memref<40x128xf32, #tpu.memory_space<vmem>>, vector<1x16xf32>,
      %parallel_loop3A_406 = arith.index_cast %parallel_loop3A_354 : i32 to index
      %parallel_loop3A_407 = arith.constant 48 : index
      %parallel_loop3A_408 = tpu.vector_load %arg12[%parallel_loop3A_406, %parallel_loop3A_407] {strides = array<i32>} : memref<40x128xf32, #tpu.memory_space<vmem>>, vector<1x16xf32>,
      %parallel_loop3A_409 = vector.shape_cast %parallel_loop3A_408 : vector<1x16xf32> to vector<16xf32>
      %parallel_loop3A_410 = arith.index_cast %parallel_loop3A_354 : i32 to index
      %parallel_loop3A_411 = arith.constant 48 : index
      %parallel_loop3A_412 = tpu.vector_load %arg15[%parallel_loop3A_410, %parallel_loop3A_411] {strides = array<i32>} : memref<40x128xf32, #tpu.memory_space<vmem>>, vector<1x16xf32>,
      %parallel_loop3A_413 = vector.shape_cast %parallel_loop3A_412 : vector<1x16xf32> to vector<16xf32>
      %parallel_loop3A_414 = arith.addf %parallel_loop3A_409, %parallel_loop3A_413 : vector<16xf32>
      %parallel_loop3A_415 = arith.constant 0.000000e+00 : f32
      %parallel_loop3A_416 = vector.broadcast %parallel_loop3A_415 : f32 to vector<16xf32>
      %parallel_loop3A_417 = arith.maximumf %parallel_loop3A_414, %parallel_loop3A_416 : vector<16xf32>
      %parallel_loop3A_418 = arith.index_cast %parallel_loop3A_354 : i32 to index
      %parallel_loop3A_419 = arith.constant 48 : index
      %parallel_loop3A_420 = tpu.vector_load %arg15[%parallel_loop3A_418, %parallel_loop3A_419] {strides = array<i32>} : memref<40x128xf32, #tpu.memory_space<vmem>>, vector<1x16xf32>,
      %parallel_loop3A_421 = vector.shape_cast %parallel_loop3A_420 : vector<1x16xf32> to vector<16xf32>
      %parallel_loop3A_422 = vector.shape_cast %parallel_loop3A_417 : vector<16xf32> to vector<1x16xf32>
      tpu.vector_store %arg15[%parallel_loop3A_418, %parallel_loop3A_419], %parallel_loop3A_422 {strides = array<i32>} : memref<40x128xf32, #tpu.memory_space<vmem>>, vector<1x16xf32>,
      %parallel_loop3A_423 = arith.index_cast %parallel_loop3A_354 : i32 to index
      %parallel_loop3A_424 = arith.constant 64 : index
      %parallel_loop3A_425 = tpu.vector_load %arg12[%parallel_loop3A_423, %parallel_loop3A_424] {strides = array<i32>} : memref<40x128xf32, #tpu.memory_space<vmem>>, vector<1x16xf32>,
      %parallel_loop3A_426 = vector.shape_cast %parallel_loop3A_425 : vector<1x16xf32> to vector<16xf32>
      %parallel_loop3A_427 = arith.index_cast %parallel_loop3A_354 : i32 to index
      %parallel_loop3A_428 = arith.constant 64 : index
      %parallel_loop3A_429 = tpu.vector_load %arg15[%parallel_loop3A_427, %parallel_loop3A_428] {strides = array<i32>} : memref<40x128xf32, #tpu.memory_space<vmem>>, vector<1x16xf32>,
      %parallel_loop3A_430 = vector.shape_cast %parallel_loop3A_429 : vector<1x16xf32> to vector<16xf32>
      %parallel_loop3A_431 = arith.addf %parallel_loop3A_426, %parallel_loop3A_430 : vector<16xf32>
      %parallel_loop3A_432 = arith.constant 0.000000e+00 : f32
      %parallel_loop3A_433 = vector.broadcast %parallel_loop3A_432 : f32 to vector<16xf32>
      %parallel_loop3A_434 = arith.maximumf %parallel_loop3A_431, %parallel_loop3A_433 : vector<16xf32>
      %parallel_loop3A_435 = arith.index_cast %parallel_loop3A_354 : i32 to index
      %parallel_loop3A_436 = arith.constant 64 : index
      %parallel_loop3A_437 = tpu.vector_load %arg15[%parallel_loop3A_435, %parallel_loop3A_436] {strides = array<i32>} : memref<40x128xf32, #tpu.memory_space<vmem>>, vector<1x16xf32>,
      %parallel_loop3A_438 = vector.shape_cast %parallel_loop3A_437 : vector<1x16xf32> to vector<16xf32>
      %parallel_loop3A_439 = vector.shape_cast %parallel_loop3A_434 : vector<16xf32> to vector<1x16xf32>
      tpu.vector_store %arg15[%parallel_loop3A_435, %parallel_loop3A_436], %parallel_loop3A_439 {strides = array<i32>} : memref<40x128xf32, #tpu.memory_space<vmem>>, vector<1x16xf32>,
      %parallel_loop3A_440 = arith.index_cast %parallel_loop3A_354 : i32 to index
      %parallel_loop3A_441 = arith.constant 80 : index
      %parallel_loop3A_442 = tpu.vector_load %arg12[%parallel_loop3A_440, %parallel_loop3A_441] {strides = array<i32>} : memref<40x128xf32, #tpu.memory_space<vmem>>, vector<1x16xf32>,
      %parallel_loop3A_443 = vector.shape_cast %parallel_loop3A_442 : vector<1x16xf32> to vector<16xf32>
      %parallel_loop3A_444 = arith.index_cast %parallel_loop3A_354 : i32 to index
      %parallel_loop3A_445 = arith.constant 80 : index
      %parallel_loop3A_446 = tpu.vector_load %arg15[%parallel_loop3A_444, %parallel_loop3A_445] {strides = array<i32>} : memref<40x128xf32, #tpu.memory_space<vmem>>, vector<1x16xf32>,
      %parallel_loop3A_447 = vector.shape_cast %parallel_loop3A_446 : vector<1x16xf32> to vector<16xf32>
      %parallel_loop3A_448 = arith.addf %parallel_loop3A_443, %parallel_loop3A_447 : vector<16xf32>
      %parallel_loop3A_449 = arith.constant 0.000000e+00 : f32
      %parallel_loop3A_450 = vector.broadcast %parallel_loop3A_449 : f32 to vector<16xf32>
      %parallel_loop3A_451 = arith.maximumf %parallel_loop3A_448, %parallel_loop3A_450 : vector<16xf32>
      %parallel_loop3A_452 = arith.index_cast %parallel_loop3A_354 : i32 to index
      %parallel_loop3A_453 = arith.constant 80 : index
      %parallel_loop3A_454 = tpu.vector_load %arg15[%parallel_loop3A_452, %parallel_loop3A_453] {strides = array<i32>} : memref<40x128xf32, #tpu.memory_space<vmem>>, vector<1x16xf32>,
      %parallel_loop3A_455 = vector.shape_cast %parallel_loop3A_454 : vector<1x16xf32> to vector<16xf32>
      %parallel_loop3A_456 = vector.shape_cast %parallel_loop3A_451 : vector<16xf32> to vector<1x16xf32>
      tpu.vector_store %arg15[%parallel_loop3A_452, %parallel_loop3A_453], %parallel_loop3A_456 {strides = array<i32>} : memref<40x128xf32, #tpu.memory_space<vmem>>, vector<1x16xf32>,
      %parallel_loop3A_457 = arith.index_cast %parallel_loop3A_354 : i32 to index
      %parallel_loop3A_458 = arith.constant 96 : index
      %parallel_loop3A_459 = tpu.vector_load %arg12[%parallel_loop3A_457, %parallel_loop3A_458] {strides = array<i32>} : memref<40x128xf32, #tpu.memory_space<vmem>>, vector<1x16xf32>,
      %parallel_loop3A_460 = vector.shape_cast %parallel_loop3A_459 : vector<1x16xf32> to vector<16xf32>
      %parallel_loop3A_461 = arith.index_cast %parallel_loop3A_354 : i32 to index
      %parallel_loop3A_462 = arith.constant 96 : index
      %parallel_loop3A_463 = tpu.vector_load %arg15[%parallel_loop3A_461, %parallel_loop3A_462] {strides = array<i32>} : memref<40x128xf32, #tpu.memory_space<vmem>>, vector<1x16xf32>,
      %parallel_loop3A_464 = vector.shape_cast %parallel_loop3A_463 : vector<1x16xf32> to vector<16xf32>
      %parallel_loop3A_465 = arith.addf %parallel_loop3A_460, %parallel_loop3A_464 : vector<16xf32>
      %parallel_loop3A_466 = arith.constant 0.000000e+00 : f32
      %parallel_loop3A_467 = vector.broadcast %parallel_loop3A_466 : f32 to vector<16xf32>
      %parallel_loop3A_468 = arith.maximumf %parallel_loop3A_465, %parallel_loop3A_467 : vector<16xf32>
      %parallel_loop3A_469 = arith.index_cast %parallel_loop3A_354 : i32 to index
      %parallel_loop3A_470 = arith.constant 96 : index
      %parallel_loop3A_471 = tpu.vector_load %arg15[%parallel_loop3A_469, %parallel_loop3A_470] {strides = array<i32>} : memref<40x128xf32, #tpu.memory_space<vmem>>, vector<1x16xf32>,
      %parallel_loop3A_472 = vector.shape_cast %parallel_loop3A_471 : vector<1x16xf32> to vector<16xf32>
      %parallel_loop3A_473 = vector.shape_cast %parallel_loop3A_468 : vector<16xf32> to vector<1x16xf32>
      tpu.vector_store %arg15[%parallel_loop3A_469, %parallel_loop3A_470], %parallel_loop3A_473 {strides = array<i32>} : memref<40x128xf32, #tpu.memory_space<vmem>>, vector<1x16xf32>,
      %parallel_loop3A_474 = arith.index_cast %parallel_loop3A_354 : i32 to index
      %parallel_loop3A_475 = arith.constant 112 : index
      %parallel_loop3A_476 = tpu.vector_load %arg12[%parallel_loop3A_474, %parallel_loop3A_475] {strides = array<i32>} : memref<40x128xf32, #tpu.memory_space<vmem>>, vector<1x16xf32>,
      %parallel_loop3A_477 = vector.shape_cast %parallel_loop3A_476 : vector<1x16xf32> to vector<16xf32>
      %parallel_loop3A_478 = arith.index_cast %parallel_loop3A_354 : i32 to index
      %parallel_loop3A_479 = arith.constant 112 : index
      %parallel_loop3A_480 = tpu.vector_load %arg15[%parallel_loop3A_478, %parallel_loop3A_479] {strides = array<i32>} : memref<40x128xf32, #tpu.memory_space<vmem>>, vector<1x16xf32>,
      %parallel_loop3A_481 = vector.shape_cast %parallel_loop3A_480 : vector<1x16xf32> to vector<16xf32>
      %parallel_loop3A_482 = arith.addf %parallel_loop3A_477, %parallel_loop3A_481 : vector<16xf32>
      %parallel_loop3A_483 = arith.constant 0.000000e+00 : f32
      %parallel_loop3A_484 = vector.broadcast %parallel_loop3A_483 : f32 to vector<16xf32>
      %parallel_loop3A_485 = arith.maximumf %parallel_loop3A_482, %parallel_loop3A_484 : vector<16xf32>
      %parallel_loop3A_486 = arith.index_cast %parallel_loop3A_354 : i32 to index
      %parallel_loop3A_487 = arith.constant 112 : index
      %parallel_loop3A_488 = tpu.vector_load %arg15[%parallel_loop3A_486, %parallel_loop3A_487] {strides = array<i32>} : memref<40x128xf32, #tpu.memory_space<vmem>>, vector<1x16xf32>,
      %parallel_loop3A_489 = vector.shape_cast %parallel_loop3A_488 : vector<1x16xf32> to vector<16xf32>
      %parallel_loop3A_490 = vector.shape_cast %parallel_loop3A_485 : vector<16xf32> to vector<1x16xf32>
      tpu.vector_store %arg15[%parallel_loop3A_486, %parallel_loop3A_487], %parallel_loop3A_490 {strides = array<i32>} : memref<40x128xf32, #tpu.memory_space<vmem>>, vector<1x16xf32>,
    } {sc.loop_unroll_factor = 4 : i64, sc.parallel_access}
    %dma_start3A_152 = arith.constant 0 : i32
    %dma_start3A_153 = arith.constant 0 : i32
    %dma_start3A_154 = tpu.memref_slice %arg17[%dma_start3A_152, %dma_start3A_153] : memref<10000x128xf32, #tpu.memory_space<vmem_shared>> -> memref<10000x128xf32, #tpu.memory_space<vmem_shared>>
    tpu.enqueue_indirect_dma source(%arg15 : memref<40x128xf32, #tpu.memory_space<vmem>>) target(%dma_start3A_154 : memref<10000x128xf32, #tpu.memory_space<vmem_shared>>) offsets(%arg9 : memref<40xi32, #tpu.memory_space<vmem>>) semaphore(%arg22 : memref<!tpu.dma_semaphore, #tpu.memory_space<semaphore_mem>>) {add = true}
    %dma_wait3A_155 = arith.constant 0 : i32
    %dma_wait3A_156 = arith.constant 0 : i32
    %dma_wait3A_157 = tpu.memref_slice %arg17[%dma_wait3A_155, %dma_wait3A_156] : memref<10000x128xf32, #tpu.memory_space<vmem_shared>> -> memref<10000x128xf32, #tpu.memory_space<vmem_shared>>
    tpu.wait_indirect_dma semaphore(%arg21 : memref<!tpu.dma_semaphore, #tpu.memory_space<semaphore_mem>>) src(%arg14 : memref<40x128xf32, #tpu.memory_space<vmem>>) dst(%dma_wait3A_157 : memref<10000x128xf32, #tpu.memory_space<vmem_shared>>)
    %mul3A_158 = arith.constant 10000 : i32
    %mul3A_159 = arith.muli %add3A, %mul3A_158 : i32
    %add3A_160 = arith.constant 120 : i32
    %add3A_161 = arith.addi %mul3A_159, %add3A_160 : i32
    %dma_start3A_162 = arith.constant 120 : i32
    %dma_start3A_163 = tpu.memref_slice %arg7[%dma_start3A_162] : memref<10000xi32, #tpu.memory_space<vmem>> -> memref<40xi32, #tpu.memory_space<vmem>>
    %dma_start3A_164 = arith.constant 0 : i32
    %dma_start3A_165 = arith.constant 0 : i32
    %dma_start3A_166 = tpu.memref_slice %arg2[%dma_start3A_164, %dma_start3A_165] : memref<10000x128xf32, #tpu.memory_space<hbm>> -> memref<10000x128xf32, #tpu.memory_space<hbm>>
    tpu.enqueue_indirect_dma source(%dma_start3A_166 : memref<10000x128xf32, #tpu.memory_space<hbm>>) target(%arg11 : memref<40x128xf32, #tpu.memory_space<vmem>>) offsets(%dma_start3A_163 : memref<40xi32, #tpu.memory_space<vmem>>) semaphore(%arg18 : memref<!tpu.dma_semaphore, #tpu.memory_space<semaphore_mem>>)
    %dma_start3A_167 = arith.constant 0 : i32
    %dma_start3A_168 = tpu.memref_slice %arg5[%add3A_161, %dma_start3A_167] : memref<320000x128xf32, #tpu.memory_space<hbm>> -> memref<40x128xf32, #tpu.memory_space<hbm>>
    %dma_start3A_169 = arith.constant 0 : i32
    %dma_start3A_170 = tpu.memref_slice %arg5[%add3A_161, %dma_start3A_169] : memref<320000x128xf32, #tpu.memory_space<hbm>> -> memref<40x128xf32, #tpu.memory_space<hbm>>
    tpu.enqueue_dma source(%dma_start3A_170 : memref<40x128xf32, #tpu.memory_space<hbm>>) target(%arg14 : memref<40x128xf32, #tpu.memory_space<vmem>>) target_semaphore(%arg18 : memref<!tpu.dma_semaphore, #tpu.memory_space<semaphore_mem>>)
    %dma_start3A_171 = tpu.memref_slice %arg4[%add3A_161] : memref<320000xi32, #tpu.memory_space<hbm>> -> memref<40xi32, #tpu.memory_space<hbm>>
    %dma_start3A_172 = tpu.memref_slice %arg4[%add3A_161] : memref<320000xi32, #tpu.memory_space<hbm>> -> memref<40xi32, #tpu.memory_space<hbm>>
    tpu.enqueue_dma source(%dma_start3A_172 : memref<40xi32, #tpu.memory_space<hbm>>) target(%arg8 : memref<40xi32, #tpu.memory_space<vmem>>) target_semaphore(%arg18 : memref<!tpu.dma_semaphore, #tpu.memory_space<semaphore_mem>>)
    %dma_wait3A_173 = arith.constant 0 : i32
    %dma_wait3A_174 = tpu.memref_slice %arg7[%dma_wait3A_173] : memref<10000xi32, #tpu.memory_space<vmem>> -> memref<40xi32, #tpu.memory_space<vmem>>
    %dma_wait3A_175 = arith.constant 0 : i32
    %dma_wait3A_176 = arith.constant 0 : i32
    %dma_wait3A_177 = tpu.memref_slice %arg2[%dma_wait3A_175, %dma_wait3A_176] : memref<10000x128xf32, #tpu.memory_space<hbm>> -> memref<10000x128xf32, #tpu.memory_space<hbm>>
    tpu.wait_indirect_dma semaphore(%arg20 : memref<!tpu.dma_semaphore, #tpu.memory_space<semaphore_mem>>) src(%dma_wait3A_177 : memref<10000x128xf32, #tpu.memory_space<hbm>>) dst(%arg13 : memref<40x128xf32, #tpu.memory_space<vmem>>)
    %dma_wait3A_178 = arith.constant 0 : i32
    %dma_wait3A_179 = arith.constant 0 : i32
    %dma_wait3A_180 = tpu.memref_slice %arg5[%dma_wait3A_178, %dma_wait3A_179] : memref<320000x128xf32, #tpu.memory_space<hbm>> -> memref<40x128xf32, #tpu.memory_space<hbm>>
    %dma_wait3A_181 = arith.constant 0 : i32
    %dma_wait3A_182 = arith.constant 0 : i32
    %dma_wait3A_183 = tpu.memref_slice %arg5[%dma_wait3A_181, %dma_wait3A_182] : memref<320000x128xf32, #tpu.memory_space<hbm>> -> memref<40x128xf32, #tpu.memory_space<hbm>>
    tpu.wait_dma2 semaphore(%arg20 : memref<!tpu.dma_semaphore, #tpu.memory_space<semaphore_mem>>) src(%dma_wait3A_183 : memref<40x128xf32, #tpu.memory_space<hbm>>) dst(%arg16 : memref<40x128xf32, #tpu.memory_space<vmem>>)
    %dma_wait3A_184 = arith.constant 0 : i32
    %dma_wait3A_185 = tpu.memref_slice %arg4[%dma_wait3A_184] : memref<320000xi32, #tpu.memory_space<hbm>> -> memref<40xi32, #tpu.memory_space<hbm>>
    %dma_wait3A_186 = arith.constant 0 : i32
    %dma_wait3A_187 = tpu.memref_slice %arg4[%dma_wait3A_186] : memref<320000xi32, #tpu.memory_space<hbm>> -> memref<40xi32, #tpu.memory_space<hbm>>
    tpu.wait_dma2 semaphore(%arg20 : memref<!tpu.dma_semaphore, #tpu.memory_space<semaphore_mem>>) src(%dma_wait3A_187 : memref<40xi32, #tpu.memory_space<hbm>>) dst(%arg10 : memref<40xi32, #tpu.memory_space<vmem>>)
    %parallel_loop3A_188 = arith.constant 0 : i32
    %parallel_loop3A_189 = arith.constant 40 : i32
    %parallel_loop3A_190 = arith.constant 1 : i32
    scf.for %parallel_loop3A_354 = %parallel_loop3A_188 to %parallel_loop3A_189 step %parallel_loop3A_190  : i32 {
      %parallel_loop3A_355 = arith.index_cast %parallel_loop3A_354 : i32 to index
      %parallel_loop3A_356 = arith.constant 0 : index
      %parallel_loop3A_357 = tpu.vector_load %arg13[%parallel_loop3A_355, %parallel_loop3A_356] {strides = array<i32>} : memref<40x128xf32, #tpu.memory_space<vmem>>, vector<1x16xf32>,
      %parallel_loop3A_358 = vector.shape_cast %parallel_loop3A_357 : vector<1x16xf32> to vector<16xf32>
      %parallel_loop3A_359 = arith.index_cast %parallel_loop3A_354 : i32 to index
      %parallel_loop3A_360 = arith.constant 0 : index
      %parallel_loop3A_361 = tpu.vector_load %arg16[%parallel_loop3A_359, %parallel_loop3A_360] {strides = array<i32>} : memref<40x128xf32, #tpu.memory_space<vmem>>, vector<1x16xf32>,
      %parallel_loop3A_362 = vector.shape_cast %parallel_loop3A_361 : vector<1x16xf32> to vector<16xf32>
      %parallel_loop3A_363 = arith.addf %parallel_loop3A_358, %parallel_loop3A_362 : vector<16xf32>
      %parallel_loop3A_364 = arith.constant 0.000000e+00 : f32
      %parallel_loop3A_365 = vector.broadcast %parallel_loop3A_364 : f32 to vector<16xf32>
      %parallel_loop3A_366 = arith.maximumf %parallel_loop3A_363, %parallel_loop3A_365 : vector<16xf32>
      %parallel_loop3A_367 = arith.index_cast %parallel_loop3A_354 : i32 to index
      %parallel_loop3A_368 = arith.constant 0 : index
      %parallel_loop3A_369 = tpu.vector_load %arg16[%parallel_loop3A_367, %parallel_loop3A_368] {strides = array<i32>} : memref<40x128xf32, #tpu.memory_space<vmem>>, vector<1x16xf32>,
      %parallel_loop3A_370 = vector.shape_cast %parallel_loop3A_369 : vector<1x16xf32> to vector<16xf32>
      %parallel_loop3A_371 = vector.shape_cast %parallel_loop3A_366 : vector<16xf32> to vector<1x16xf32>
      tpu.vector_store %arg16[%parallel_loop3A_367, %parallel_loop3A_368], %parallel_loop3A_371 {strides = array<i32>} : memref<40x128xf32, #tpu.memory_space<vmem>>, vector<1x16xf32>,
      %parallel_loop3A_372 = arith.index_cast %parallel_loop3A_354 : i32 to index
      %parallel_loop3A_373 = arith.constant 16 : index
      %parallel_loop3A_374 = tpu.vector_load %arg13[%parallel_loop3A_372, %parallel_loop3A_373] {strides = array<i32>} : memref<40x128xf32, #tpu.memory_space<vmem>>, vector<1x16xf32>,
      %parallel_loop3A_375 = vector.shape_cast %parallel_loop3A_374 : vector<1x16xf32> to vector<16xf32>
      %parallel_loop3A_376 = arith.index_cast %parallel_loop3A_354 : i32 to index
      %parallel_loop3A_377 = arith.constant 16 : index
      %parallel_loop3A_378 = tpu.vector_load %arg16[%parallel_loop3A_376, %parallel_loop3A_377] {strides = array<i32>} : memref<40x128xf32, #tpu.memory_space<vmem>>, vector<1x16xf32>,
      %parallel_loop3A_379 = vector.shape_cast %parallel_loop3A_378 : vector<1x16xf32> to vector<16xf32>
      %parallel_loop3A_380 = arith.addf %parallel_loop3A_375, %parallel_loop3A_379 : vector<16xf32>
      %parallel_loop3A_381 = arith.constant 0.000000e+00 : f32
      %parallel_loop3A_382 = vector.broadcast %parallel_loop3A_381 : f32 to vector<16xf32>
      %parallel_loop3A_383 = arith.maximumf %parallel_loop3A_380, %parallel_loop3A_382 : vector<16xf32>
      %parallel_loop3A_384 = arith.index_cast %parallel_loop3A_354 : i32 to index
      %parallel_loop3A_385 = arith.constant 16 : index
      %parallel_loop3A_386 = tpu.vector_load %arg16[%parallel_loop3A_384, %parallel_loop3A_385] {strides = array<i32>} : memref<40x128xf32, #tpu.memory_space<vmem>>, vector<1x16xf32>,
      %parallel_loop3A_387 = vector.shape_cast %parallel_loop3A_386 : vector<1x16xf32> to vector<16xf32>
      %parallel_loop3A_388 = vector.shape_cast %parallel_loop3A_383 : vector<16xf32> to vector<1x16xf32>
      tpu.vector_store %arg16[%parallel_loop3A_384, %parallel_loop3A_385], %parallel_loop3A_388 {strides = array<i32>} : memref<40x128xf32, #tpu.memory_space<vmem>>, vector<1x16xf32>,
      %parallel_loop3A_389 = arith.index_cast %parallel_loop3A_354 : i32 to index
      %parallel_loop3A_390 = arith.constant 32 : index
      %parallel_loop3A_391 = tpu.vector_load %arg13[%parallel_loop3A_389, %parallel_loop3A_390] {strides = array<i32>} : memref<40x128xf32, #tpu.memory_space<vmem>>, vector<1x16xf32>,
      %parallel_loop3A_392 = vector.shape_cast %parallel_loop3A_391 : vector<1x16xf32> to vector<16xf32>
      %parallel_loop3A_393 = arith.index_cast %parallel_loop3A_354 : i32 to index
      %parallel_loop3A_394 = arith.constant 32 : index
      %parallel_loop3A_395 = tpu.vector_load %arg16[%parallel_loop3A_393, %parallel_loop3A_394] {strides = array<i32>} : memref<40x128xf32, #tpu.memory_space<vmem>>, vector<1x16xf32>,
      %parallel_loop3A_396 = vector.shape_cast %parallel_loop3A_395 : vector<1x16xf32> to vector<16xf32>
      %parallel_loop3A_397 = arith.addf %parallel_loop3A_392, %parallel_loop3A_396 : vector<16xf32>
      %parallel_loop3A_398 = arith.constant 0.000000e+00 : f32
      %parallel_loop3A_399 = vector.broadcast %parallel_loop3A_398 : f32 to vector<16xf32>
      %parallel_loop3A_400 = arith.maximumf %parallel_loop3A_397, %parallel_loop3A_399 : vector<16xf32>
      %parallel_loop3A_401 = arith.index_cast %parallel_loop3A_354 : i32 to index
      %parallel_loop3A_402 = arith.constant 32 : index
      %parallel_loop3A_403 = tpu.vector_load %arg16[%parallel_loop3A_401, %parallel_loop3A_402] {strides = array<i32>} : memref<40x128xf32, #tpu.memory_space<vmem>>, vector<1x16xf32>,
      %parallel_loop3A_404 = vector.shape_cast %parallel_loop3A_403 : vector<1x16xf32> to vector<16xf32>
      %parallel_loop3A_405 = vector.shape_cast %parallel_loop3A_400 : vector<16xf32> to vector<1x16xf32>
      tpu.vector_store %arg16[%parallel_loop3A_401, %parallel_loop3A_402], %parallel_loop3A_405 {strides = array<i32>} : memref<40x128xf32, #tpu.memory_space<vmem>>, vector<1x16xf32>,
      %parallel_loop3A_406 = arith.index_cast %parallel_loop3A_354 : i32 to index
      %parallel_loop3A_407 = arith.constant 48 : index
      %parallel_loop3A_408 = tpu.vector_load %arg13[%parallel_loop3A_406, %parallel_loop3A_407] {strides = array<i32>} : memref<40x128xf32, #tpu.memory_space<vmem>>, vector<1x16xf32>,
      %parallel_loop3A_409 = vector.shape_cast %parallel_loop3A_408 : vector<1x16xf32> to vector<16xf32>
      %parallel_loop3A_410 = arith.index_cast %parallel_loop3A_354 : i32 to index
      %parallel_loop3A_411 = arith.constant 48 : index
      %parallel_loop3A_412 = tpu.vector_load %arg16[%parallel_loop3A_410, %parallel_loop3A_411] {strides = array<i32>} : memref<40x128xf32, #tpu.memory_space<vmem>>, vector<1x16xf32>,
      %parallel_loop3A_413 = vector.shape_cast %parallel_loop3A_412 : vector<1x16xf32> to vector<16xf32>
      %parallel_loop3A_414 = arith.addf %parallel_loop3A_409, %parallel_loop3A_413 : vector<16xf32>
      %parallel_loop3A_415 = arith.constant 0.000000e+00 : f32
      %parallel_loop3A_416 = vector.broadcast %parallel_loop3A_415 : f32 to vector<16xf32>
      %parallel_loop3A_417 = arith.maximumf %parallel_loop3A_414, %parallel_loop3A_416 : vector<16xf32>
      %parallel_loop3A_418 = arith.index_cast %parallel_loop3A_354 : i32 to index
      %parallel_loop3A_419 = arith.constant 48 : index
      %parallel_loop3A_420 = tpu.vector_load %arg16[%parallel_loop3A_418, %parallel_loop3A_419] {strides = array<i32>} : memref<40x128xf32, #tpu.memory_space<vmem>>, vector<1x16xf32>,
      %parallel_loop3A_421 = vector.shape_cast %parallel_loop3A_420 : vector<1x16xf32> to vector<16xf32>
      %parallel_loop3A_422 = vector.shape_cast %parallel_loop3A_417 : vector<16xf32> to vector<1x16xf32>
      tpu.vector_store %arg16[%parallel_loop3A_418, %parallel_loop3A_419], %parallel_loop3A_422 {strides = array<i32>} : memref<40x128xf32, #tpu.memory_space<vmem>>, vector<1x16xf32>,
      %parallel_loop3A_423 = arith.index_cast %parallel_loop3A_354 : i32 to index
      %parallel_loop3A_424 = arith.constant 64 : index
      %parallel_loop3A_425 = tpu.vector_load %arg13[%parallel_loop3A_423, %parallel_loop3A_424] {strides = array<i32>} : memref<40x128xf32, #tpu.memory_space<vmem>>, vector<1x16xf32>,
      %parallel_loop3A_426 = vector.shape_cast %parallel_loop3A_425 : vector<1x16xf32> to vector<16xf32>
      %parallel_loop3A_427 = arith.index_cast %parallel_loop3A_354 : i32 to index
      %parallel_loop3A_428 = arith.constant 64 : index
      %parallel_loop3A_429 = tpu.vector_load %arg16[%parallel_loop3A_427, %parallel_loop3A_428] {strides = array<i32>} : memref<40x128xf32, #tpu.memory_space<vmem>>, vector<1x16xf32>,
      %parallel_loop3A_430 = vector.shape_cast %parallel_loop3A_429 : vector<1x16xf32> to vector<16xf32>
      %parallel_loop3A_431 = arith.addf %parallel_loop3A_426, %parallel_loop3A_430 : vector<16xf32>
      %parallel_loop3A_432 = arith.constant 0.000000e+00 : f32
      %parallel_loop3A_433 = vector.broadcast %parallel_loop3A_432 : f32 to vector<16xf32>
      %parallel_loop3A_434 = arith.maximumf %parallel_loop3A_431, %parallel_loop3A_433 : vector<16xf32>
      %parallel_loop3A_435 = arith.index_cast %parallel_loop3A_354 : i32 to index
      %parallel_loop3A_436 = arith.constant 64 : index
      %parallel_loop3A_437 = tpu.vector_load %arg16[%parallel_loop3A_435, %parallel_loop3A_436] {strides = array<i32>} : memref<40x128xf32, #tpu.memory_space<vmem>>, vector<1x16xf32>,
      %parallel_loop3A_438 = vector.shape_cast %parallel_loop3A_437 : vector<1x16xf32> to vector<16xf32>
      %parallel_loop3A_439 = vector.shape_cast %parallel_loop3A_434 : vector<16xf32> to vector<1x16xf32>
      tpu.vector_store %arg16[%parallel_loop3A_435, %parallel_loop3A_436], %parallel_loop3A_439 {strides = array<i32>} : memref<40x128xf32, #tpu.memory_space<vmem>>, vector<1x16xf32>,
      %parallel_loop3A_440 = arith.index_cast %parallel_loop3A_354 : i32 to index
      %parallel_loop3A_441 = arith.constant 80 : index
      %parallel_loop3A_442 = tpu.vector_load %arg13[%parallel_loop3A_440, %parallel_loop3A_441] {strides = array<i32>} : memref<40x128xf32, #tpu.memory_space<vmem>>, vector<1x16xf32>,
      %parallel_loop3A_443 = vector.shape_cast %parallel_loop3A_442 : vector<1x16xf32> to vector<16xf32>
      %parallel_loop3A_444 = arith.index_cast %parallel_loop3A_354 : i32 to index
      %parallel_loop3A_445 = arith.constant 80 : index
      %parallel_loop3A_446 = tpu.vector_load %arg16[%parallel_loop3A_444, %parallel_loop3A_445] {strides = array<i32>} : memref<40x128xf32, #tpu.memory_space<vmem>>, vector<1x16xf32>,
      %parallel_loop3A_447 = vector.shape_cast %parallel_loop3A_446 : vector<1x16xf32> to vector<16xf32>
      %parallel_loop3A_448 = arith.addf %parallel_loop3A_443, %parallel_loop3A_447 : vector<16xf32>
      %parallel_loop3A_449 = arith.constant 0.000000e+00 : f32
      %parallel_loop3A_450 = vector.broadcast %parallel_loop3A_449 : f32 to vector<16xf32>
      %parallel_loop3A_451 = arith.maximumf %parallel_loop3A_448, %parallel_loop3A_450 : vector<16xf32>
      %parallel_loop3A_452 = arith.index_cast %parallel_loop3A_354 : i32 to index
      %parallel_loop3A_453 = arith.constant 80 : index
      %parallel_loop3A_454 = tpu.vector_load %arg16[%parallel_loop3A_452, %parallel_loop3A_453] {strides = array<i32>} : memref<40x128xf32, #tpu.memory_space<vmem>>, vector<1x16xf32>,
      %parallel_loop3A_455 = vector.shape_cast %parallel_loop3A_454 : vector<1x16xf32> to vector<16xf32>
      %parallel_loop3A_456 = vector.shape_cast %parallel_loop3A_451 : vector<16xf32> to vector<1x16xf32>
      tpu.vector_store %arg16[%parallel_loop3A_452, %parallel_loop3A_453], %parallel_loop3A_456 {strides = array<i32>} : memref<40x128xf32, #tpu.memory_space<vmem>>, vector<1x16xf32>,
      %parallel_loop3A_457 = arith.index_cast %parallel_loop3A_354 : i32 to index
      %parallel_loop3A_458 = arith.constant 96 : index
      %parallel_loop3A_459 = tpu.vector_load %arg13[%parallel_loop3A_457, %parallel_loop3A_458] {strides = array<i32>} : memref<40x128xf32, #tpu.memory_space<vmem>>, vector<1x16xf32>,
      %parallel_loop3A_460 = vector.shape_cast %parallel_loop3A_459 : vector<1x16xf32> to vector<16xf32>
      %parallel_loop3A_461 = arith.index_cast %parallel_loop3A_354 : i32 to index
      %parallel_loop3A_462 = arith.constant 96 : index
      %parallel_loop3A_463 = tpu.vector_load %arg16[%parallel_loop3A_461, %parallel_loop3A_462] {strides = array<i32>} : memref<40x128xf32, #tpu.memory_space<vmem>>, vector<1x16xf32>,
      %parallel_loop3A_464 = vector.shape_cast %parallel_loop3A_463 : vector<1x16xf32> to vector<16xf32>
      %parallel_loop3A_465 = arith.addf %parallel_loop3A_460, %parallel_loop3A_464 : vector<16xf32>
      %parallel_loop3A_466 = arith.constant 0.000000e+00 : f32
      %parallel_loop3A_467 = vector.broadcast %parallel_loop3A_466 : f32 to vector<16xf32>
      %parallel_loop3A_468 = arith.maximumf %parallel_loop3A_465, %parallel_loop3A_467 : vector<16xf32>
      %parallel_loop3A_469 = arith.index_cast %parallel_loop3A_354 : i32 to index
      %parallel_loop3A_470 = arith.constant 96 : index
      %parallel_loop3A_471 = tpu.vector_load %arg16[%parallel_loop3A_469, %parallel_loop3A_470] {strides = array<i32>} : memref<40x128xf32, #tpu.memory_space<vmem>>, vector<1x16xf32>,
      %parallel_loop3A_472 = vector.shape_cast %parallel_loop3A_471 : vector<1x16xf32> to vector<16xf32>
      %parallel_loop3A_473 = vector.shape_cast %parallel_loop3A_468 : vector<16xf32> to vector<1x16xf32>
      tpu.vector_store %arg16[%parallel_loop3A_469, %parallel_loop3A_470], %parallel_loop3A_473 {strides = array<i32>} : memref<40x128xf32, #tpu.memory_space<vmem>>, vector<1x16xf32>,
      %parallel_loop3A_474 = arith.index_cast %parallel_loop3A_354 : i32 to index
      %parallel_loop3A_475 = arith.constant 112 : index
      %parallel_loop3A_476 = tpu.vector_load %arg13[%parallel_loop3A_474, %parallel_loop3A_475] {strides = array<i32>} : memref<40x128xf32, #tpu.memory_space<vmem>>, vector<1x16xf32>,
      %parallel_loop3A_477 = vector.shape_cast %parallel_loop3A_476 : vector<1x16xf32> to vector<16xf32>
      %parallel_loop3A_478 = arith.index_cast %parallel_loop3A_354 : i32 to index
      %parallel_loop3A_479 = arith.constant 112 : index
      %parallel_loop3A_480 = tpu.vector_load %arg16[%parallel_loop3A_478, %parallel_loop3A_479] {strides = array<i32>} : memref<40x128xf32, #tpu.memory_space<vmem>>, vector<1x16xf32>,
      %parallel_loop3A_481 = vector.shape_cast %parallel_loop3A_480 : vector<1x16xf32> to vector<16xf32>
      %parallel_loop3A_482 = arith.addf %parallel_loop3A_477, %parallel_loop3A_481 : vector<16xf32>
      %parallel_loop3A_483 = arith.constant 0.000000e+00 : f32
      %parallel_loop3A_484 = vector.broadcast %parallel_loop3A_483 : f32 to vector<16xf32>
      %parallel_loop3A_485 = arith.maximumf %parallel_loop3A_482, %parallel_loop3A_484 : vector<16xf32>
      %parallel_loop3A_486 = arith.index_cast %parallel_loop3A_354 : i32 to index
      %parallel_loop3A_487 = arith.constant 112 : index
      %parallel_loop3A_488 = tpu.vector_load %arg16[%parallel_loop3A_486, %parallel_loop3A_487] {strides = array<i32>} : memref<40x128xf32, #tpu.memory_space<vmem>>, vector<1x16xf32>,
      %parallel_loop3A_489 = vector.shape_cast %parallel_loop3A_488 : vector<1x16xf32> to vector<16xf32>
      %parallel_loop3A_490 = vector.shape_cast %parallel_loop3A_485 : vector<16xf32> to vector<1x16xf32>
      tpu.vector_store %arg16[%parallel_loop3A_486, %parallel_loop3A_487], %parallel_loop3A_490 {strides = array<i32>} : memref<40x128xf32, #tpu.memory_space<vmem>>, vector<1x16xf32>,
    } {sc.loop_unroll_factor = 4 : i64, sc.parallel_access}
    %dma_start3A_191 = arith.constant 0 : i32
    %dma_start3A_192 = arith.constant 0 : i32
    %dma_start3A_193 = tpu.memref_slice %arg17[%dma_start3A_191, %dma_start3A_192] : memref<10000x128xf32, #tpu.memory_space<vmem_shared>> -> memref<10000x128xf32, #tpu.memory_space<vmem_shared>>
    tpu.enqueue_indirect_dma source(%arg16 : memref<40x128xf32, #tpu.memory_space<vmem>>) target(%dma_start3A_193 : memref<10000x128xf32, #tpu.memory_space<vmem_shared>>) offsets(%arg10 : memref<40xi32, #tpu.memory_space<vmem>>) semaphore(%arg23 : memref<!tpu.dma_semaphore, #tpu.memory_space<semaphore_mem>>) {add = true}
    %dma_wait3A_194 = arith.constant 0 : i32
    %dma_wait3A_195 = arith.constant 0 : i32
    %dma_wait3A_196 = tpu.memref_slice %arg17[%dma_wait3A_194, %dma_wait3A_195] : memref<10000x128xf32, #tpu.memory_space<vmem_shared>> -> memref<10000x128xf32, #tpu.memory_space<vmem_shared>>
    tpu.wait_indirect_dma semaphore(%arg22 : memref<!tpu.dma_semaphore, #tpu.memory_space<semaphore_mem>>) src(%arg15 : memref<40x128xf32, #tpu.memory_space<vmem>>) dst(%dma_wait3A_196 : memref<10000x128xf32, #tpu.memory_space<vmem_shared>>)
    %mul3A_197 = arith.constant 10000 : i32
    %mul3A_198 = arith.muli %add3A, %mul3A_197 : i32
    %add3A_199 = arith.constant 160 : i32
    %add3A_200 = arith.addi %mul3A_198, %add3A_199 : i32
    %dma_start3A_201 = arith.constant 160 : i32
    %dma_start3A_202 = tpu.memref_slice %arg7[%dma_start3A_201] : memref<10000xi32, #tpu.memory_space<vmem>> -> memref<40xi32, #tpu.memory_space<vmem>>
    %dma_start3A_203 = arith.constant 0 : i32
    %dma_start3A_204 = arith.constant 0 : i32
    %dma_start3A_205 = tpu.memref_slice %arg2[%dma_start3A_203, %dma_start3A_204] : memref<10000x128xf32, #tpu.memory_space<hbm>> -> memref<10000x128xf32, #tpu.memory_space<hbm>>
    tpu.enqueue_indirect_dma source(%dma_start3A_205 : memref<10000x128xf32, #tpu.memory_space<hbm>>) target(%arg12 : memref<40x128xf32, #tpu.memory_space<vmem>>) offsets(%dma_start3A_202 : memref<40xi32, #tpu.memory_space<vmem>>) semaphore(%arg19 : memref<!tpu.dma_semaphore, #tpu.memory_space<semaphore_mem>>)
    %dma_start3A_206 = arith.constant 0 : i32
    %dma_start3A_207 = tpu.memref_slice %arg5[%add3A_200, %dma_start3A_206] : memref<320000x128xf32, #tpu.memory_space<hbm>> -> memref<40x128xf32, #tpu.memory_space<hbm>>
    %dma_start3A_208 = arith.constant 0 : i32
    %dma_start3A_209 = tpu.memref_slice %arg5[%add3A_200, %dma_start3A_208] : memref<320000x128xf32, #tpu.memory_space<hbm>> -> memref<40x128xf32, #tpu.memory_space<hbm>>
    tpu.enqueue_dma source(%dma_start3A_209 : memref<40x128xf32, #tpu.memory_space<hbm>>) target(%arg15 : memref<40x128xf32, #tpu.memory_space<vmem>>) target_semaphore(%arg19 : memref<!tpu.dma_semaphore, #tpu.memory_space<semaphore_mem>>)
    %dma_start3A_210 = tpu.memref_slice %arg4[%add3A_200] : memref<320000xi32, #tpu.memory_space<hbm>> -> memref<40xi32, #tpu.memory_space<hbm>>
    %dma_start3A_211 = tpu.memref_slice %arg4[%add3A_200] : memref<320000xi32, #tpu.memory_space<hbm>> -> memref<40xi32, #tpu.memory_space<hbm>>
    tpu.enqueue_dma source(%dma_start3A_211 : memref<40xi32, #tpu.memory_space<hbm>>) target(%arg9 : memref<40xi32, #tpu.memory_space<vmem>>) target_semaphore(%arg19 : memref<!tpu.dma_semaphore, #tpu.memory_space<semaphore_mem>>)
    %scan3A = arith.constant 0 : i32
    %scan3A_212 = arith.constant 1 : i32
    %scan3A_213 = arith.constant 81 : i32
    %scan3A_214 = arith.addi %scan3A_212, %scan3A_213 : i32
    %scan3A_215 = arith.constant 1 : i32
    scf.for %scan3A_354 = %scan3A_212 to %scan3A_214 step %scan3A_215  : i32 {
      %mul3A_355 = arith.constant 3 : i32
      %mul3A_356 = arith.muli %mul3A_355, %scan3A_354 : i32
      %dma_wait3A_357 = arith.constant 0 : i32
      %dma_wait3A_358 = tpu.memref_slice %arg7[%dma_wait3A_357] : memref<10000xi32, #tpu.memory_space<vmem>> -> memref<40xi32, #tpu.memory_space<vmem>>
      %dma_wait3A_359 = arith.constant 0 : i32
      %dma_wait3A_360 = arith.constant 0 : i32
      %dma_wait3A_361 = tpu.memref_slice %arg2[%dma_wait3A_359, %dma_wait3A_360] : memref<10000x128xf32, #tpu.memory_space<hbm>> -> memref<10000x128xf32, #tpu.memory_space<hbm>>
      tpu.wait_indirect_dma semaphore(%arg18 : memref<!tpu.dma_semaphore, #tpu.memory_space<semaphore_mem>>) src(%dma_wait3A_361 : memref<10000x128xf32, #tpu.memory_space<hbm>>) dst(%arg11 : memref<40x128xf32, #tpu.memory_space<vmem>>)
      %dma_wait3A_362 = arith.constant 0 : i32
      %dma_wait3A_363 = arith.constant 0 : i32
      %dma_wait3A_364 = tpu.memref_slice %arg5[%dma_wait3A_362, %dma_wait3A_363] : memref<320000x128xf32, #tpu.memory_space<hbm>> -> memref<40x128xf32, #tpu.memory_space<hbm>>
      %dma_wait3A_365 = arith.constant 0 : i32
      %dma_wait3A_366 = arith.constant 0 : i32
      %dma_wait3A_367 = tpu.memref_slice %arg5[%dma_wait3A_365, %dma_wait3A_366] : memref<320000x128xf32, #tpu.memory_space<hbm>> -> memref<40x128xf32, #tpu.memory_space<hbm>>
      tpu.wait_dma2 semaphore(%arg18 : memref<!tpu.dma_semaphore, #tpu.memory_space<semaphore_mem>>) src(%dma_wait3A_367 : memref<40x128xf32, #tpu.memory_space<hbm>>) dst(%arg14 : memref<40x128xf32, #tpu.memory_space<vmem>>)
      %dma_wait3A_368 = arith.constant 0 : i32
      %dma_wait3A_369 = tpu.memref_slice %arg4[%dma_wait3A_368] : memref<320000xi32, #tpu.memory_space<hbm>> -> memref<40xi32, #tpu.memory_space<hbm>>
      %dma_wait3A_370 = arith.constant 0 : i32
      %dma_wait3A_371 = tpu.memref_slice %arg4[%dma_wait3A_370] : memref<320000xi32, #tpu.memory_space<hbm>> -> memref<40xi32, #tpu.memory_space<hbm>>
      tpu.wait_dma2 semaphore(%arg18 : memref<!tpu.dma_semaphore, #tpu.memory_space<semaphore_mem>>) src(%dma_wait3A_371 : memref<40xi32, #tpu.memory_space<hbm>>) dst(%arg8 : memref<40xi32, #tpu.memory_space<vmem>>)
      %parallel_loop3A_372 = arith.constant 0 : i32
      %parallel_loop3A_373 = arith.constant 40 : i32
      %parallel_loop3A_374 = arith.constant 1 : i32
      scf.for %parallel_loop3A_486 = %parallel_loop3A_372 to %parallel_loop3A_373 step %parallel_loop3A_374  : i32 {
        %parallel_loop3A_487 = arith.index_cast %parallel_loop3A_486 : i32 to index
        %parallel_loop3A_488 = arith.constant 0 : index
        %parallel_loop3A_489 = tpu.vector_load %arg11[%parallel_loop3A_487, %parallel_loop3A_488] {strides = array<i32>} : memref<40x128xf32, #tpu.memory_space<vmem>>, vector<1x16xf32>,
        %parallel_loop3A_490 = vector.shape_cast %parallel_loop3A_489 : vector<1x16xf32> to vector<16xf32>
        %parallel_loop3A_491 = arith.index_cast %parallel_loop3A_486 : i32 to index
        %parallel_loop3A_492 = arith.constant 0 : index
        %parallel_loop3A_493 = tpu.vector_load %arg14[%parallel_loop3A_491, %parallel_loop3A_492] {strides = array<i32>} : memref<40x128xf32, #tpu.memory_space<vmem>>, vector<1x16xf32>,
        %parallel_loop3A_494 = vector.shape_cast %parallel_loop3A_493 : vector<1x16xf32> to vector<16xf32>
        %parallel_loop3A_495 = arith.addf %parallel_loop3A_490, %parallel_loop3A_494 : vector<16xf32>
        %parallel_loop3A_496 = arith.constant 0.000000e+00 : f32
        %parallel_loop3A_497 = vector.broadcast %parallel_loop3A_496 : f32 to vector<16xf32>
        %parallel_loop3A_498 = arith.maximumf %parallel_loop3A_495, %parallel_loop3A_497 : vector<16xf32>
        %parallel_loop3A_499 = arith.index_cast %parallel_loop3A_486 : i32 to index
        %parallel_loop3A_500 = arith.constant 0 : index
        %parallel_loop3A_501 = tpu.vector_load %arg14[%parallel_loop3A_499, %parallel_loop3A_500] {strides = array<i32>} : memref<40x128xf32, #tpu.memory_space<vmem>>, vector<1x16xf32>,
        %parallel_loop3A_502 = vector.shape_cast %parallel_loop3A_501 : vector<1x16xf32> to vector<16xf32>
        %parallel_loop3A_503 = vector.shape_cast %parallel_loop3A_498 : vector<16xf32> to vector<1x16xf32>
        tpu.vector_store %arg14[%parallel_loop3A_499, %parallel_loop3A_500], %parallel_loop3A_503 {strides = array<i32>} : memref<40x128xf32, #tpu.memory_space<vmem>>, vector<1x16xf32>,
        %parallel_loop3A_504 = arith.index_cast %parallel_loop3A_486 : i32 to index
        %parallel_loop3A_505 = arith.constant 16 : index
        %parallel_loop3A_506 = tpu.vector_load %arg11[%parallel_loop3A_504, %parallel_loop3A_505] {strides = array<i32>} : memref<40x128xf32, #tpu.memory_space<vmem>>, vector<1x16xf32>,
        %parallel_loop3A_507 = vector.shape_cast %parallel_loop3A_506 : vector<1x16xf32> to vector<16xf32>
        %parallel_loop3A_508 = arith.index_cast %parallel_loop3A_486 : i32 to index
        %parallel_loop3A_509 = arith.constant 16 : index
        %parallel_loop3A_510 = tpu.vector_load %arg14[%parallel_loop3A_508, %parallel_loop3A_509] {strides = array<i32>} : memref<40x128xf32, #tpu.memory_space<vmem>>, vector<1x16xf32>,
        %parallel_loop3A_511 = vector.shape_cast %parallel_loop3A_510 : vector<1x16xf32> to vector<16xf32>
        %parallel_loop3A_512 = arith.addf %parallel_loop3A_507, %parallel_loop3A_511 : vector<16xf32>
        %parallel_loop3A_513 = arith.constant 0.000000e+00 : f32
        %parallel_loop3A_514 = vector.broadcast %parallel_loop3A_513 : f32 to vector<16xf32>
        %parallel_loop3A_515 = arith.maximumf %parallel_loop3A_512, %parallel_loop3A_514 : vector<16xf32>
        %parallel_loop3A_516 = arith.index_cast %parallel_loop3A_486 : i32 to index
        %parallel_loop3A_517 = arith.constant 16 : index
        %parallel_loop3A_518 = tpu.vector_load %arg14[%parallel_loop3A_516, %parallel_loop3A_517] {strides = array<i32>} : memref<40x128xf32, #tpu.memory_space<vmem>>, vector<1x16xf32>,
        %parallel_loop3A_519 = vector.shape_cast %parallel_loop3A_518 : vector<1x16xf32> to vector<16xf32>
        %parallel_loop3A_520 = vector.shape_cast %parallel_loop3A_515 : vector<16xf32> to vector<1x16xf32>
        tpu.vector_store %arg14[%parallel_loop3A_516, %parallel_loop3A_517], %parallel_loop3A_520 {strides = array<i32>} : memref<40x128xf32, #tpu.memory_space<vmem>>, vector<1x16xf32>,
        %parallel_loop3A_521 = arith.index_cast %parallel_loop3A_486 : i32 to index
        %parallel_loop3A_522 = arith.constant 32 : index
        %parallel_loop3A_523 = tpu.vector_load %arg11[%parallel_loop3A_521, %parallel_loop3A_522] {strides = array<i32>} : memref<40x128xf32, #tpu.memory_space<vmem>>, vector<1x16xf32>,
        %parallel_loop3A_524 = vector.shape_cast %parallel_loop3A_523 : vector<1x16xf32> to vector<16xf32>
        %parallel_loop3A_525 = arith.index_cast %parallel_loop3A_486 : i32 to index
        %parallel_loop3A_526 = arith.constant 32 : index
        %parallel_loop3A_527 = tpu.vector_load %arg14[%parallel_loop3A_525, %parallel_loop3A_526] {strides = array<i32>} : memref<40x128xf32, #tpu.memory_space<vmem>>, vector<1x16xf32>,
        %parallel_loop3A_528 = vector.shape_cast %parallel_loop3A_527 : vector<1x16xf32> to vector<16xf32>
        %parallel_loop3A_529 = arith.addf %parallel_loop3A_524, %parallel_loop3A_528 : vector<16xf32>
        %parallel_loop3A_530 = arith.constant 0.000000e+00 : f32
        %parallel_loop3A_531 = vector.broadcast %parallel_loop3A_530 : f32 to vector<16xf32>
        %parallel_loop3A_532 = arith.maximumf %parallel_loop3A_529, %parallel_loop3A_531 : vector<16xf32>
        %parallel_loop3A_533 = arith.index_cast %parallel_loop3A_486 : i32 to index
        %parallel_loop3A_534 = arith.constant 32 : index
        %parallel_loop3A_535 = tpu.vector_load %arg14[%parallel_loop3A_533, %parallel_loop3A_534] {strides = array<i32>} : memref<40x128xf32, #tpu.memory_space<vmem>>, vector<1x16xf32>,
        %parallel_loop3A_536 = vector.shape_cast %parallel_loop3A_535 : vector<1x16xf32> to vector<16xf32>
        %parallel_loop3A_537 = vector.shape_cast %parallel_loop3A_532 : vector<16xf32> to vector<1x16xf32>
        tpu.vector_store %arg14[%parallel_loop3A_533, %parallel_loop3A_534], %parallel_loop3A_537 {strides = array<i32>} : memref<40x128xf32, #tpu.memory_space<vmem>>, vector<1x16xf32>,
        %parallel_loop3A_538 = arith.index_cast %parallel_loop3A_486 : i32 to index
        %parallel_loop3A_539 = arith.constant 48 : index
        %parallel_loop3A_540 = tpu.vector_load %arg11[%parallel_loop3A_538, %parallel_loop3A_539] {strides = array<i32>} : memref<40x128xf32, #tpu.memory_space<vmem>>, vector<1x16xf32>,
        %parallel_loop3A_541 = vector.shape_cast %parallel_loop3A_540 : vector<1x16xf32> to vector<16xf32>
        %parallel_loop3A_542 = arith.index_cast %parallel_loop3A_486 : i32 to index
        %parallel_loop3A_543 = arith.constant 48 : index
        %parallel_loop3A_544 = tpu.vector_load %arg14[%parallel_loop3A_542, %parallel_loop3A_543] {strides = array<i32>} : memref<40x128xf32, #tpu.memory_space<vmem>>, vector<1x16xf32>,
        %parallel_loop3A_545 = vector.shape_cast %parallel_loop3A_544 : vector<1x16xf32> to vector<16xf32>
        %parallel_loop3A_546 = arith.addf %parallel_loop3A_541, %parallel_loop3A_545 : vector<16xf32>
        %parallel_loop3A_547 = arith.constant 0.000000e+00 : f32
        %parallel_loop3A_548 = vector.broadcast %parallel_loop3A_547 : f32 to vector<16xf32>
        %parallel_loop3A_549 = arith.maximumf %parallel_loop3A_546, %parallel_loop3A_548 : vector<16xf32>
        %parallel_loop3A_550 = arith.index_cast %parallel_loop3A_486 : i32 to index
        %parallel_loop3A_551 = arith.constant 48 : index
        %parallel_loop3A_552 = tpu.vector_load %arg14[%parallel_loop3A_550, %parallel_loop3A_551] {strides = array<i32>} : memref<40x128xf32, #tpu.memory_space<vmem>>, vector<1x16xf32>,
        %parallel_loop3A_553 = vector.shape_cast %parallel_loop3A_552 : vector<1x16xf32> to vector<16xf32>
        %parallel_loop3A_554 = vector.shape_cast %parallel_loop3A_549 : vector<16xf32> to vector<1x16xf32>
        tpu.vector_store %arg14[%parallel_loop3A_550, %parallel_loop3A_551], %parallel_loop3A_554 {strides = array<i32>} : memref<40x128xf32, #tpu.memory_space<vmem>>, vector<1x16xf32>,
        %parallel_loop3A_555 = arith.index_cast %parallel_loop3A_486 : i32 to index
        %parallel_loop3A_556 = arith.constant 64 : index
        %parallel_loop3A_557 = tpu.vector_load %arg11[%parallel_loop3A_555, %parallel_loop3A_556] {strides = array<i32>} : memref<40x128xf32, #tpu.memory_space<vmem>>, vector<1x16xf32>,
        %parallel_loop3A_558 = vector.shape_cast %parallel_loop3A_557 : vector<1x16xf32> to vector<16xf32>
        %parallel_loop3A_559 = arith.index_cast %parallel_loop3A_486 : i32 to index
        %parallel_loop3A_560 = arith.constant 64 : index
        %parallel_loop3A_561 = tpu.vector_load %arg14[%parallel_loop3A_559, %parallel_loop3A_560] {strides = array<i32>} : memref<40x128xf32, #tpu.memory_space<vmem>>, vector<1x16xf32>,
        %parallel_loop3A_562 = vector.shape_cast %parallel_loop3A_561 : vector<1x16xf32> to vector<16xf32>
        %parallel_loop3A_563 = arith.addf %parallel_loop3A_558, %parallel_loop3A_562 : vector<16xf32>
        %parallel_loop3A_564 = arith.constant 0.000000e+00 : f32
        %parallel_loop3A_565 = vector.broadcast %parallel_loop3A_564 : f32 to vector<16xf32>
        %parallel_loop3A_566 = arith.maximumf %parallel_loop3A_563, %parallel_loop3A_565 : vector<16xf32>
        %parallel_loop3A_567 = arith.index_cast %parallel_loop3A_486 : i32 to index
        %parallel_loop3A_568 = arith.constant 64 : index
        %parallel_loop3A_569 = tpu.vector_load %arg14[%parallel_loop3A_567, %parallel_loop3A_568] {strides = array<i32>} : memref<40x128xf32, #tpu.memory_space<vmem>>, vector<1x16xf32>,
        %parallel_loop3A_570 = vector.shape_cast %parallel_loop3A_569 : vector<1x16xf32> to vector<16xf32>
        %parallel_loop3A_571 = vector.shape_cast %parallel_loop3A_566 : vector<16xf32> to vector<1x16xf32>
        tpu.vector_store %arg14[%parallel_loop3A_567, %parallel_loop3A_568], %parallel_loop3A_571 {strides = array<i32>} : memref<40x128xf32, #tpu.memory_space<vmem>>, vector<1x16xf32>,
        %parallel_loop3A_572 = arith.index_cast %parallel_loop3A_486 : i32 to index
        %parallel_loop3A_573 = arith.constant 80 : index
        %parallel_loop3A_574 = tpu.vector_load %arg11[%parallel_loop3A_572, %parallel_loop3A_573] {strides = array<i32>} : memref<40x128xf32, #tpu.memory_space<vmem>>, vector<1x16xf32>,
        %parallel_loop3A_575 = vector.shape_cast %parallel_loop3A_574 : vector<1x16xf32> to vector<16xf32>
        %parallel_loop3A_576 = arith.index_cast %parallel_loop3A_486 : i32 to index
        %parallel_loop3A_577 = arith.constant 80 : index
        %parallel_loop3A_578 = tpu.vector_load %arg14[%parallel_loop3A_576, %parallel_loop3A_577] {strides = array<i32>} : memref<40x128xf32, #tpu.memory_space<vmem>>, vector<1x16xf32>,
        %parallel_loop3A_579 = vector.shape_cast %parallel_loop3A_578 : vector<1x16xf32> to vector<16xf32>
        %parallel_loop3A_580 = arith.addf %parallel_loop3A_575, %parallel_loop3A_579 : vector<16xf32>
        %parallel_loop3A_581 = arith.constant 0.000000e+00 : f32
        %parallel_loop3A_582 = vector.broadcast %parallel_loop3A_581 : f32 to vector<16xf32>
        %parallel_loop3A_583 = arith.maximumf %parallel_loop3A_580, %parallel_loop3A_582 : vector<16xf32>
        %parallel_loop3A_584 = arith.index_cast %parallel_loop3A_486 : i32 to index
        %parallel_loop3A_585 = arith.constant 80 : index
        %parallel_loop3A_586 = tpu.vector_load %arg14[%parallel_loop3A_584, %parallel_loop3A_585] {strides = array<i32>} : memref<40x128xf32, #tpu.memory_space<vmem>>, vector<1x16xf32>,
        %parallel_loop3A_587 = vector.shape_cast %parallel_loop3A_586 : vector<1x16xf32> to vector<16xf32>
        %parallel_loop3A_588 = vector.shape_cast %parallel_loop3A_583 : vector<16xf32> to vector<1x16xf32>
        tpu.vector_store %arg14[%parallel_loop3A_584, %parallel_loop3A_585], %parallel_loop3A_588 {strides = array<i32>} : memref<40x128xf32, #tpu.memory_space<vmem>>, vector<1x16xf32>,
        %parallel_loop3A_589 = arith.index_cast %parallel_loop3A_486 : i32 to index
        %parallel_loop3A_590 = arith.constant 96 : index
        %parallel_loop3A_591 = tpu.vector_load %arg11[%parallel_loop3A_589, %parallel_loop3A_590] {strides = array<i32>} : memref<40x128xf32, #tpu.memory_space<vmem>>, vector<1x16xf32>,
        %parallel_loop3A_592 = vector.shape_cast %parallel_loop3A_591 : vector<1x16xf32> to vector<16xf32>
        %parallel_loop3A_593 = arith.index_cast %parallel_loop3A_486 : i32 to index
        %parallel_loop3A_594 = arith.constant 96 : index
        %parallel_loop3A_595 = tpu.vector_load %arg14[%parallel_loop3A_593, %parallel_loop3A_594] {strides = array<i32>} : memref<40x128xf32, #tpu.memory_space<vmem>>, vector<1x16xf32>,
        %parallel_loop3A_596 = vector.shape_cast %parallel_loop3A_595 : vector<1x16xf32> to vector<16xf32>
        %parallel_loop3A_597 = arith.addf %parallel_loop3A_592, %parallel_loop3A_596 : vector<16xf32>
        %parallel_loop3A_598 = arith.constant 0.000000e+00 : f32
        %parallel_loop3A_599 = vector.broadcast %parallel_loop3A_598 : f32 to vector<16xf32>
        %parallel_loop3A_600 = arith.maximumf %parallel_loop3A_597, %parallel_loop3A_599 : vector<16xf32>
        %parallel_loop3A_601 = arith.index_cast %parallel_loop3A_486 : i32 to index
        %parallel_loop3A_602 = arith.constant 96 : index
        %parallel_loop3A_603 = tpu.vector_load %arg14[%parallel_loop3A_601, %parallel_loop3A_602] {strides = array<i32>} : memref<40x128xf32, #tpu.memory_space<vmem>>, vector<1x16xf32>,
        %parallel_loop3A_604 = vector.shape_cast %parallel_loop3A_603 : vector<1x16xf32> to vector<16xf32>
        %parallel_loop3A_605 = vector.shape_cast %parallel_loop3A_600 : vector<16xf32> to vector<1x16xf32>
        tpu.vector_store %arg14[%parallel_loop3A_601, %parallel_loop3A_602], %parallel_loop3A_605 {strides = array<i32>} : memref<40x128xf32, #tpu.memory_space<vmem>>, vector<1x16xf32>,
        %parallel_loop3A_606 = arith.index_cast %parallel_loop3A_486 : i32 to index
        %parallel_loop3A_607 = arith.constant 112 : index
        %parallel_loop3A_608 = tpu.vector_load %arg11[%parallel_loop3A_606, %parallel_loop3A_607] {strides = array<i32>} : memref<40x128xf32, #tpu.memory_space<vmem>>, vector<1x16xf32>,
        %parallel_loop3A_609 = vector.shape_cast %parallel_loop3A_608 : vector<1x16xf32> to vector<16xf32>
        %parallel_loop3A_610 = arith.index_cast %parallel_loop3A_486 : i32 to index
        %parallel_loop3A_611 = arith.constant 112 : index
        %parallel_loop3A_612 = tpu.vector_load %arg14[%parallel_loop3A_610, %parallel_loop3A_611] {strides = array<i32>} : memref<40x128xf32, #tpu.memory_space<vmem>>, vector<1x16xf32>,
        %parallel_loop3A_613 = vector.shape_cast %parallel_loop3A_612 : vector<1x16xf32> to vector<16xf32>
        %parallel_loop3A_614 = arith.addf %parallel_loop3A_609, %parallel_loop3A_613 : vector<16xf32>
        %parallel_loop3A_615 = arith.constant 0.000000e+00 : f32
        %parallel_loop3A_616 = vector.broadcast %parallel_loop3A_615 : f32 to vector<16xf32>
        %parallel_loop3A_617 = arith.maximumf %parallel_loop3A_614, %parallel_loop3A_616 : vector<16xf32>
        %parallel_loop3A_618 = arith.index_cast %parallel_loop3A_486 : i32 to index
        %parallel_loop3A_619 = arith.constant 112 : index
        %parallel_loop3A_620 = tpu.vector_load %arg14[%parallel_loop3A_618, %parallel_loop3A_619] {strides = array<i32>} : memref<40x128xf32, #tpu.memory_space<vmem>>, vector<1x16xf32>,
        %parallel_loop3A_621 = vector.shape_cast %parallel_loop3A_620 : vector<1x16xf32> to vector<16xf32>
        %parallel_loop3A_622 = vector.shape_cast %parallel_loop3A_617 : vector<16xf32> to vector<1x16xf32>
        tpu.vector_store %arg14[%parallel_loop3A_618, %parallel_loop3A_619], %parallel_loop3A_622 {strides = array<i32>} : memref<40x128xf32, #tpu.memory_space<vmem>>, vector<1x16xf32>,
      } {sc.loop_unroll_factor = 4 : i64, sc.parallel_access}
      %dma_start3A_375 = arith.constant 0 : i32
      %dma_start3A_376 = arith.constant 0 : i32
      %dma_start3A_377 = tpu.memref_slice %arg17[%dma_start3A_375, %dma_start3A_376] : memref<10000x128xf32, #tpu.memory_space<vmem_shared>> -> memref<10000x128xf32, #tpu.memory_space<vmem_shared>>
      tpu.enqueue_indirect_dma source(%arg14 : memref<40x128xf32, #tpu.memory_space<vmem>>) target(%dma_start3A_377 : memref<10000x128xf32, #tpu.memory_space<vmem_shared>>) offsets(%arg8 : memref<40xi32, #tpu.memory_space<vmem>>) semaphore(%arg21 : memref<!tpu.dma_semaphore, #tpu.memory_space<semaphore_mem>>) {add = true}
      %add3A_378 = arith.constant 2 : i32
      %add3A_379 = arith.addi %mul3A_356, %add3A_378 : i32
      %dma_wait3A_380 = arith.constant 0 : i32
      %dma_wait3A_381 = arith.constant 0 : i32
      %dma_wait3A_382 = tpu.memref_slice %arg17[%dma_wait3A_380, %dma_wait3A_381] : memref<10000x128xf32, #tpu.memory_space<vmem_shared>> -> memref<10000x128xf32, #tpu.memory_space<vmem_shared>>
      tpu.wait_indirect_dma semaphore(%arg23 : memref<!tpu.dma_semaphore, #tpu.memory_space<semaphore_mem>>) src(%arg16 : memref<40x128xf32, #tpu.memory_space<vmem>>) dst(%dma_wait3A_382 : memref<10000x128xf32, #tpu.memory_space<vmem_shared>>)
      %mul3A_383 = arith.constant 10000 : i32
      %mul3A_384 = arith.muli %add3A, %mul3A_383 : i32
      %mul3A_385 = arith.constant 40 : i32
      %mul3A_386 = arith.muli %add3A_379, %mul3A_385 : i32
      %add3A_387 = arith.addi %mul3A_384, %mul3A_386 : i32
      %mul3A_388 = arith.constant 40 : i32
      %mul3A_389 = arith.muli %add3A_379, %mul3A_388 : i32
      %dma_start3A_390 = tpu.memref_slice %arg7[%mul3A_389] : memref<10000xi32, #tpu.memory_space<vmem>> -> memref<40xi32, #tpu.memory_space<vmem>>
      %dma_start3A_391 = arith.constant 0 : i32
      %dma_start3A_392 = arith.constant 0 : i32
      %dma_start3A_393 = tpu.memref_slice %arg2[%dma_start3A_391, %dma_start3A_392] : memref<10000x128xf32, #tpu.memory_space<hbm>> -> memref<10000x128xf32, #tpu.memory_space<hbm>>
      tpu.enqueue_indirect_dma source(%dma_start3A_393 : memref<10000x128xf32, #tpu.memory_space<hbm>>) target(%arg13 : memref<40x128xf32, #tpu.memory_space<vmem>>) offsets(%dma_start3A_390 : memref<40xi32, #tpu.memory_space<vmem>>) semaphore(%arg20 : memref<!tpu.dma_semaphore, #tpu.memory_space<semaphore_mem>>)
      %dma_start3A_394 = arith.constant 0 : i32
      %dma_start3A_395 = tpu.memref_slice %arg5[%add3A_387, %dma_start3A_394] : memref<320000x128xf32, #tpu.memory_space<hbm>> -> memref<40x128xf32, #tpu.memory_space<hbm>>
      %dma_start3A_396 = arith.constant 0 : i32
      %dma_start3A_397 = tpu.memref_slice %arg5[%add3A_387, %dma_start3A_396] : memref<320000x128xf32, #tpu.memory_space<hbm>> -> memref<40x128xf32, #tpu.memory_space<hbm>>
      tpu.enqueue_dma source(%dma_start3A_397 : memref<40x128xf32, #tpu.memory_space<hbm>>) target(%arg16 : memref<40x128xf32, #tpu.memory_space<vmem>>) target_semaphore(%arg20 : memref<!tpu.dma_semaphore, #tpu.memory_space<semaphore_mem>>)
      %dma_start3A_398 = tpu.memref_slice %arg4[%add3A_387] : memref<320000xi32, #tpu.memory_space<hbm>> -> memref<40xi32, #tpu.memory_space<hbm>>
      %dma_start3A_399 = tpu.memref_slice %arg4[%add3A_387] : memref<320000xi32, #tpu.memory_space<hbm>> -> memref<40xi32, #tpu.memory_space<hbm>>
      tpu.enqueue_dma source(%dma_start3A_399 : memref<40xi32, #tpu.memory_space<hbm>>) target(%arg10 : memref<40xi32, #tpu.memory_space<vmem>>) target_semaphore(%arg20 : memref<!tpu.dma_semaphore, #tpu.memory_space<semaphore_mem>>)
      %dma_wait3A_400 = arith.constant 0 : i32
      %dma_wait3A_401 = tpu.memref_slice %arg7[%dma_wait3A_400] : memref<10000xi32, #tpu.memory_space<vmem>> -> memref<40xi32, #tpu.memory_space<vmem>>
      %dma_wait3A_402 = arith.constant 0 : i32
      %dma_wait3A_403 = arith.constant 0 : i32
      %dma_wait3A_404 = tpu.memref_slice %arg2[%dma_wait3A_402, %dma_wait3A_403] : memref<10000x128xf32, #tpu.memory_space<hbm>> -> memref<10000x128xf32, #tpu.memory_space<hbm>>
      tpu.wait_indirect_dma semaphore(%arg19 : memref<!tpu.dma_semaphore, #tpu.memory_space<semaphore_mem>>) src(%dma_wait3A_404 : memref<10000x128xf32, #tpu.memory_space<hbm>>) dst(%arg12 : memref<40x128xf32, #tpu.memory_space<vmem>>)
      %dma_wait3A_405 = arith.constant 0 : i32
      %dma_wait3A_406 = arith.constant 0 : i32
      %dma_wait3A_407 = tpu.memref_slice %arg5[%dma_wait3A_405, %dma_wait3A_406] : memref<320000x128xf32, #tpu.memory_space<hbm>> -> memref<40x128xf32, #tpu.memory_space<hbm>>
      %dma_wait3A_408 = arith.constant 0 : i32
      %dma_wait3A_409 = arith.constant 0 : i32
      %dma_wait3A_410 = tpu.memref_slice %arg5[%dma_wait3A_408, %dma_wait3A_409] : memref<320000x128xf32, #tpu.memory_space<hbm>> -> memref<40x128xf32, #tpu.memory_space<hbm>>
      tpu.wait_dma2 semaphore(%arg19 : memref<!tpu.dma_semaphore, #tpu.memory_space<semaphore_mem>>) src(%dma_wait3A_410 : memref<40x128xf32, #tpu.memory_space<hbm>>) dst(%arg15 : memref<40x128xf32, #tpu.memory_space<vmem>>)
      %dma_wait3A_411 = arith.constant 0 : i32
      %dma_wait3A_412 = tpu.memref_slice %arg4[%dma_wait3A_411] : memref<320000xi32, #tpu.memory_space<hbm>> -> memref<40xi32, #tpu.memory_space<hbm>>
      %dma_wait3A_413 = arith.constant 0 : i32
      %dma_wait3A_414 = tpu.memref_slice %arg4[%dma_wait3A_413] : memref<320000xi32, #tpu.memory_space<hbm>> -> memref<40xi32, #tpu.memory_space<hbm>>
      tpu.wait_dma2 semaphore(%arg19 : memref<!tpu.dma_semaphore, #tpu.memory_space<semaphore_mem>>) src(%dma_wait3A_414 : memref<40xi32, #tpu.memory_space<hbm>>) dst(%arg9 : memref<40xi32, #tpu.memory_space<vmem>>)
      %parallel_loop3A_415 = arith.constant 0 : i32
      %parallel_loop3A_416 = arith.constant 40 : i32
      %parallel_loop3A_417 = arith.constant 1 : i32
      scf.for %parallel_loop3A_486 = %parallel_loop3A_415 to %parallel_loop3A_416 step %parallel_loop3A_417  : i32 {
        %parallel_loop3A_487 = arith.index_cast %parallel_loop3A_486 : i32 to index
        %parallel_loop3A_488 = arith.constant 0 : index
        %parallel_loop3A_489 = tpu.vector_load %arg12[%parallel_loop3A_487, %parallel_loop3A_488] {strides = array<i32>} : memref<40x128xf32, #tpu.memory_space<vmem>>, vector<1x16xf32>,
        %parallel_loop3A_490 = vector.shape_cast %parallel_loop3A_489 : vector<1x16xf32> to vector<16xf32>
        %parallel_loop3A_491 = arith.index_cast %parallel_loop3A_486 : i32 to index
        %parallel_loop3A_492 = arith.constant 0 : index
        %parallel_loop3A_493 = tpu.vector_load %arg15[%parallel_loop3A_491, %parallel_loop3A_492] {strides = array<i32>} : memref<40x128xf32, #tpu.memory_space<vmem>>, vector<1x16xf32>,
        %parallel_loop3A_494 = vector.shape_cast %parallel_loop3A_493 : vector<1x16xf32> to vector<16xf32>
        %parallel_loop3A_495 = arith.addf %parallel_loop3A_490, %parallel_loop3A_494 : vector<16xf32>
        %parallel_loop3A_496 = arith.constant 0.000000e+00 : f32
        %parallel_loop3A_497 = vector.broadcast %parallel_loop3A_496 : f32 to vector<16xf32>
        %parallel_loop3A_498 = arith.maximumf %parallel_loop3A_495, %parallel_loop3A_497 : vector<16xf32>
        %parallel_loop3A_499 = arith.index_cast %parallel_loop3A_486 : i32 to index
        %parallel_loop3A_500 = arith.constant 0 : index
        %parallel_loop3A_501 = tpu.vector_load %arg15[%parallel_loop3A_499, %parallel_loop3A_500] {strides = array<i32>} : memref<40x128xf32, #tpu.memory_space<vmem>>, vector<1x16xf32>,
        %parallel_loop3A_502 = vector.shape_cast %parallel_loop3A_501 : vector<1x16xf32> to vector<16xf32>
        %parallel_loop3A_503 = vector.shape_cast %parallel_loop3A_498 : vector<16xf32> to vector<1x16xf32>
        tpu.vector_store %arg15[%parallel_loop3A_499, %parallel_loop3A_500], %parallel_loop3A_503 {strides = array<i32>} : memref<40x128xf32, #tpu.memory_space<vmem>>, vector<1x16xf32>,
        %parallel_loop3A_504 = arith.index_cast %parallel_loop3A_486 : i32 to index
        %parallel_loop3A_505 = arith.constant 16 : index
        %parallel_loop3A_506 = tpu.vector_load %arg12[%parallel_loop3A_504, %parallel_loop3A_505] {strides = array<i32>} : memref<40x128xf32, #tpu.memory_space<vmem>>, vector<1x16xf32>,
        %parallel_loop3A_507 = vector.shape_cast %parallel_loop3A_506 : vector<1x16xf32> to vector<16xf32>
        %parallel_loop3A_508 = arith.index_cast %parallel_loop3A_486 : i32 to index
        %parallel_loop3A_509 = arith.constant 16 : index
        %parallel_loop3A_510 = tpu.vector_load %arg15[%parallel_loop3A_508, %parallel_loop3A_509] {strides = array<i32>} : memref<40x128xf32, #tpu.memory_space<vmem>>, vector<1x16xf32>,
        %parallel_loop3A_511 = vector.shape_cast %parallel_loop3A_510 : vector<1x16xf32> to vector<16xf32>
        %parallel_loop3A_512 = arith.addf %parallel_loop3A_507, %parallel_loop3A_511 : vector<16xf32>
        %parallel_loop3A_513 = arith.constant 0.000000e+00 : f32
        %parallel_loop3A_514 = vector.broadcast %parallel_loop3A_513 : f32 to vector<16xf32>
        %parallel_loop3A_515 = arith.maximumf %parallel_loop3A_512, %parallel_loop3A_514 : vector<16xf32>
        %parallel_loop3A_516 = arith.index_cast %parallel_loop3A_486 : i32 to index
        %parallel_loop3A_517 = arith.constant 16 : index
        %parallel_loop3A_518 = tpu.vector_load %arg15[%parallel_loop3A_516, %parallel_loop3A_517] {strides = array<i32>} : memref<40x128xf32, #tpu.memory_space<vmem>>, vector<1x16xf32>,
        %parallel_loop3A_519 = vector.shape_cast %parallel_loop3A_518 : vector<1x16xf32> to vector<16xf32>
        %parallel_loop3A_520 = vector.shape_cast %parallel_loop3A_515 : vector<16xf32> to vector<1x16xf32>
        tpu.vector_store %arg15[%parallel_loop3A_516, %parallel_loop3A_517], %parallel_loop3A_520 {strides = array<i32>} : memref<40x128xf32, #tpu.memory_space<vmem>>, vector<1x16xf32>,
        %parallel_loop3A_521 = arith.index_cast %parallel_loop3A_486 : i32 to index
        %parallel_loop3A_522 = arith.constant 32 : index
        %parallel_loop3A_523 = tpu.vector_load %arg12[%parallel_loop3A_521, %parallel_loop3A_522] {strides = array<i32>} : memref<40x128xf32, #tpu.memory_space<vmem>>, vector<1x16xf32>,
        %parallel_loop3A_524 = vector.shape_cast %parallel_loop3A_523 : vector<1x16xf32> to vector<16xf32>
        %parallel_loop3A_525 = arith.index_cast %parallel_loop3A_486 : i32 to index
        %parallel_loop3A_526 = arith.constant 32 : index
        %parallel_loop3A_527 = tpu.vector_load %arg15[%parallel_loop3A_525, %parallel_loop3A_526] {strides = array<i32>} : memref<40x128xf32, #tpu.memory_space<vmem>>, vector<1x16xf32>,
        %parallel_loop3A_528 = vector.shape_cast %parallel_loop3A_527 : vector<1x16xf32> to vector<16xf32>
        %parallel_loop3A_529 = arith.addf %parallel_loop3A_524, %parallel_loop3A_528 : vector<16xf32>
        %parallel_loop3A_530 = arith.constant 0.000000e+00 : f32
        %parallel_loop3A_531 = vector.broadcast %parallel_loop3A_530 : f32 to vector<16xf32>
        %parallel_loop3A_532 = arith.maximumf %parallel_loop3A_529, %parallel_loop3A_531 : vector<16xf32>
        %parallel_loop3A_533 = arith.index_cast %parallel_loop3A_486 : i32 to index
        %parallel_loop3A_534 = arith.constant 32 : index
        %parallel_loop3A_535 = tpu.vector_load %arg15[%parallel_loop3A_533, %parallel_loop3A_534] {strides = array<i32>} : memref<40x128xf32, #tpu.memory_space<vmem>>, vector<1x16xf32>,
        %parallel_loop3A_536 = vector.shape_cast %parallel_loop3A_535 : vector<1x16xf32> to vector<16xf32>
        %parallel_loop3A_537 = vector.shape_cast %parallel_loop3A_532 : vector<16xf32> to vector<1x16xf32>
        tpu.vector_store %arg15[%parallel_loop3A_533, %parallel_loop3A_534], %parallel_loop3A_537 {strides = array<i32>} : memref<40x128xf32, #tpu.memory_space<vmem>>, vector<1x16xf32>,
        %parallel_loop3A_538 = arith.index_cast %parallel_loop3A_486 : i32 to index
        %parallel_loop3A_539 = arith.constant 48 : index
        %parallel_loop3A_540 = tpu.vector_load %arg12[%parallel_loop3A_538, %parallel_loop3A_539] {strides = array<i32>} : memref<40x128xf32, #tpu.memory_space<vmem>>, vector<1x16xf32>,
        %parallel_loop3A_541 = vector.shape_cast %parallel_loop3A_540 : vector<1x16xf32> to vector<16xf32>
        %parallel_loop3A_542 = arith.index_cast %parallel_loop3A_486 : i32 to index
        %parallel_loop3A_543 = arith.constant 48 : index
        %parallel_loop3A_544 = tpu.vector_load %arg15[%parallel_loop3A_542, %parallel_loop3A_543] {strides = array<i32>} : memref<40x128xf32, #tpu.memory_space<vmem>>, vector<1x16xf32>,
        %parallel_loop3A_545 = vector.shape_cast %parallel_loop3A_544 : vector<1x16xf32> to vector<16xf32>
        %parallel_loop3A_546 = arith.addf %parallel_loop3A_541, %parallel_loop3A_545 : vector<16xf32>
        %parallel_loop3A_547 = arith.constant 0.000000e+00 : f32
        %parallel_loop3A_548 = vector.broadcast %parallel_loop3A_547 : f32 to vector<16xf32>
        %parallel_loop3A_549 = arith.maximumf %parallel_loop3A_546, %parallel_loop3A_548 : vector<16xf32>
        %parallel_loop3A_550 = arith.index_cast %parallel_loop3A_486 : i32 to index
        %parallel_loop3A_551 = arith.constant 48 : index
        %parallel_loop3A_552 = tpu.vector_load %arg15[%parallel_loop3A_550, %parallel_loop3A_551] {strides = array<i32>} : memref<40x128xf32, #tpu.memory_space<vmem>>, vector<1x16xf32>,
        %parallel_loop3A_553 = vector.shape_cast %parallel_loop3A_552 : vector<1x16xf32> to vector<16xf32>
        %parallel_loop3A_554 = vector.shape_cast %parallel_loop3A_549 : vector<16xf32> to vector<1x16xf32>
        tpu.vector_store %arg15[%parallel_loop3A_550, %parallel_loop3A_551], %parallel_loop3A_554 {strides = array<i32>} : memref<40x128xf32, #tpu.memory_space<vmem>>, vector<1x16xf32>,
        %parallel_loop3A_555 = arith.index_cast %parallel_loop3A_486 : i32 to index
        %parallel_loop3A_556 = arith.constant 64 : index
        %parallel_loop3A_557 = tpu.vector_load %arg12[%parallel_loop3A_555, %parallel_loop3A_556] {strides = array<i32>} : memref<40x128xf32, #tpu.memory_space<vmem>>, vector<1x16xf32>,
        %parallel_loop3A_558 = vector.shape_cast %parallel_loop3A_557 : vector<1x16xf32> to vector<16xf32>
        %parallel_loop3A_559 = arith.index_cast %parallel_loop3A_486 : i32 to index
        %parallel_loop3A_560 = arith.constant 64 : index
        %parallel_loop3A_561 = tpu.vector_load %arg15[%parallel_loop3A_559, %parallel_loop3A_560] {strides = array<i32>} : memref<40x128xf32, #tpu.memory_space<vmem>>, vector<1x16xf32>,
        %parallel_loop3A_562 = vector.shape_cast %parallel_loop3A_561 : vector<1x16xf32> to vector<16xf32>
        %parallel_loop3A_563 = arith.addf %parallel_loop3A_558, %parallel_loop3A_562 : vector<16xf32>
        %parallel_loop3A_564 = arith.constant 0.000000e+00 : f32
        %parallel_loop3A_565 = vector.broadcast %parallel_loop3A_564 : f32 to vector<16xf32>
        %parallel_loop3A_566 = arith.maximumf %parallel_loop3A_563, %parallel_loop3A_565 : vector<16xf32>
        %parallel_loop3A_567 = arith.index_cast %parallel_loop3A_486 : i32 to index
        %parallel_loop3A_568 = arith.constant 64 : index
        %parallel_loop3A_569 = tpu.vector_load %arg15[%parallel_loop3A_567, %parallel_loop3A_568] {strides = array<i32>} : memref<40x128xf32, #tpu.memory_space<vmem>>, vector<1x16xf32>,
        %parallel_loop3A_570 = vector.shape_cast %parallel_loop3A_569 : vector<1x16xf32> to vector<16xf32>
        %parallel_loop3A_571 = vector.shape_cast %parallel_loop3A_566 : vector<16xf32> to vector<1x16xf32>
        tpu.vector_store %arg15[%parallel_loop3A_567, %parallel_loop3A_568], %parallel_loop3A_571 {strides = array<i32>} : memref<40x128xf32, #tpu.memory_space<vmem>>, vector<1x16xf32>,
        %parallel_loop3A_572 = arith.index_cast %parallel_loop3A_486 : i32 to index
        %parallel_loop3A_573 = arith.constant 80 : index
        %parallel_loop3A_574 = tpu.vector_load %arg12[%parallel_loop3A_572, %parallel_loop3A_573] {strides = array<i32>} : memref<40x128xf32, #tpu.memory_space<vmem>>, vector<1x16xf32>,
        %parallel_loop3A_575 = vector.shape_cast %parallel_loop3A_574 : vector<1x16xf32> to vector<16xf32>
        %parallel_loop3A_576 = arith.index_cast %parallel_loop3A_486 : i32 to index
        %parallel_loop3A_577 = arith.constant 80 : index
        %parallel_loop3A_578 = tpu.vector_load %arg15[%parallel_loop3A_576, %parallel_loop3A_577] {strides = array<i32>} : memref<40x128xf32, #tpu.memory_space<vmem>>, vector<1x16xf32>,
        %parallel_loop3A_579 = vector.shape_cast %parallel_loop3A_578 : vector<1x16xf32> to vector<16xf32>
        %parallel_loop3A_580 = arith.addf %parallel_loop3A_575, %parallel_loop3A_579 : vector<16xf32>
        %parallel_loop3A_581 = arith.constant 0.000000e+00 : f32
        %parallel_loop3A_582 = vector.broadcast %parallel_loop3A_581 : f32 to vector<16xf32>
        %parallel_loop3A_583 = arith.maximumf %parallel_loop3A_580, %parallel_loop3A_582 : vector<16xf32>
        %parallel_loop3A_584 = arith.index_cast %parallel_loop3A_486 : i32 to index
        %parallel_loop3A_585 = arith.constant 80 : index
        %parallel_loop3A_586 = tpu.vector_load %arg15[%parallel_loop3A_584, %parallel_loop3A_585] {strides = array<i32>} : memref<40x128xf32, #tpu.memory_space<vmem>>, vector<1x16xf32>,
        %parallel_loop3A_587 = vector.shape_cast %parallel_loop3A_586 : vector<1x16xf32> to vector<16xf32>
        %parallel_loop3A_588 = vector.shape_cast %parallel_loop3A_583 : vector<16xf32> to vector<1x16xf32>
        tpu.vector_store %arg15[%parallel_loop3A_584, %parallel_loop3A_585], %parallel_loop3A_588 {strides = array<i32>} : memref<40x128xf32, #tpu.memory_space<vmem>>, vector<1x16xf32>,
        %parallel_loop3A_589 = arith.index_cast %parallel_loop3A_486 : i32 to index
        %parallel_loop3A_590 = arith.constant 96 : index
        %parallel_loop3A_591 = tpu.vector_load %arg12[%parallel_loop3A_589, %parallel_loop3A_590] {strides = array<i32>} : memref<40x128xf32, #tpu.memory_space<vmem>>, vector<1x16xf32>,
        %parallel_loop3A_592 = vector.shape_cast %parallel_loop3A_591 : vector<1x16xf32> to vector<16xf32>
        %parallel_loop3A_593 = arith.index_cast %parallel_loop3A_486 : i32 to index
        %parallel_loop3A_594 = arith.constant 96 : index
        %parallel_loop3A_595 = tpu.vector_load %arg15[%parallel_loop3A_593, %parallel_loop3A_594] {strides = array<i32>} : memref<40x128xf32, #tpu.memory_space<vmem>>, vector<1x16xf32>,
        %parallel_loop3A_596 = vector.shape_cast %parallel_loop3A_595 : vector<1x16xf32> to vector<16xf32>
        %parallel_loop3A_597 = arith.addf %parallel_loop3A_592, %parallel_loop3A_596 : vector<16xf32>
        %parallel_loop3A_598 = arith.constant 0.000000e+00 : f32
        %parallel_loop3A_599 = vector.broadcast %parallel_loop3A_598 : f32 to vector<16xf32>
        %parallel_loop3A_600 = arith.maximumf %parallel_loop3A_597, %parallel_loop3A_599 : vector<16xf32>
        %parallel_loop3A_601 = arith.index_cast %parallel_loop3A_486 : i32 to index
        %parallel_loop3A_602 = arith.constant 96 : index
        %parallel_loop3A_603 = tpu.vector_load %arg15[%parallel_loop3A_601, %parallel_loop3A_602] {strides = array<i32>} : memref<40x128xf32, #tpu.memory_space<vmem>>, vector<1x16xf32>,
        %parallel_loop3A_604 = vector.shape_cast %parallel_loop3A_603 : vector<1x16xf32> to vector<16xf32>
        %parallel_loop3A_605 = vector.shape_cast %parallel_loop3A_600 : vector<16xf32> to vector<1x16xf32>
        tpu.vector_store %arg15[%parallel_loop3A_601, %parallel_loop3A_602], %parallel_loop3A_605 {strides = array<i32>} : memref<40x128xf32, #tpu.memory_space<vmem>>, vector<1x16xf32>,
        %parallel_loop3A_606 = arith.index_cast %parallel_loop3A_486 : i32 to index
        %parallel_loop3A_607 = arith.constant 112 : index
        %parallel_loop3A_608 = tpu.vector_load %arg12[%parallel_loop3A_606, %parallel_loop3A_607] {strides = array<i32>} : memref<40x128xf32, #tpu.memory_space<vmem>>, vector<1x16xf32>,
        %parallel_loop3A_609 = vector.shape_cast %parallel_loop3A_608 : vector<1x16xf32> to vector<16xf32>
        %parallel_loop3A_610 = arith.index_cast %parallel_loop3A_486 : i32 to index
        %parallel_loop3A_611 = arith.constant 112 : index
        %parallel_loop3A_612 = tpu.vector_load %arg15[%parallel_loop3A_610, %parallel_loop3A_611] {strides = array<i32>} : memref<40x128xf32, #tpu.memory_space<vmem>>, vector<1x16xf32>,
        %parallel_loop3A_613 = vector.shape_cast %parallel_loop3A_612 : vector<1x16xf32> to vector<16xf32>
        %parallel_loop3A_614 = arith.addf %parallel_loop3A_609, %parallel_loop3A_613 : vector<16xf32>
        %parallel_loop3A_615 = arith.constant 0.000000e+00 : f32
        %parallel_loop3A_616 = vector.broadcast %parallel_loop3A_615 : f32 to vector<16xf32>
        %parallel_loop3A_617 = arith.maximumf %parallel_loop3A_614, %parallel_loop3A_616 : vector<16xf32>
        %parallel_loop3A_618 = arith.index_cast %parallel_loop3A_486 : i32 to index
        %parallel_loop3A_619 = arith.constant 112 : index
        %parallel_loop3A_620 = tpu.vector_load %arg15[%parallel_loop3A_618, %parallel_loop3A_619] {strides = array<i32>} : memref<40x128xf32, #tpu.memory_space<vmem>>, vector<1x16xf32>,
        %parallel_loop3A_621 = vector.shape_cast %parallel_loop3A_620 : vector<1x16xf32> to vector<16xf32>
        %parallel_loop3A_622 = vector.shape_cast %parallel_loop3A_617 : vector<16xf32> to vector<1x16xf32>
        tpu.vector_store %arg15[%parallel_loop3A_618, %parallel_loop3A_619], %parallel_loop3A_622 {strides = array<i32>} : memref<40x128xf32, #tpu.memory_space<vmem>>, vector<1x16xf32>,
      } {sc.loop_unroll_factor = 4 : i64, sc.parallel_access}
      %dma_start3A_418 = arith.constant 0 : i32
      %dma_start3A_419 = arith.constant 0 : i32
      %dma_start3A_420 = tpu.memref_slice %arg17[%dma_start3A_418, %dma_start3A_419] : memref<10000x128xf32, #tpu.memory_space<vmem_shared>> -> memref<10000x128xf32, #tpu.memory_space<vmem_shared>>
      tpu.enqueue_indirect_dma source(%arg15 : memref<40x128xf32, #tpu.memory_space<vmem>>) target(%dma_start3A_420 : memref<10000x128xf32, #tpu.memory_space<vmem_shared>>) offsets(%arg9 : memref<40xi32, #tpu.memory_space<vmem>>) semaphore(%arg22 : memref<!tpu.dma_semaphore, #tpu.memory_space<semaphore_mem>>) {add = true}
      %add3A_421 = arith.constant 3 : i32
      %add3A_422 = arith.addi %mul3A_356, %add3A_421 : i32
      %dma_wait3A_423 = arith.constant 0 : i32
      %dma_wait3A_424 = arith.constant 0 : i32
      %dma_wait3A_425 = tpu.memref_slice %arg17[%dma_wait3A_423, %dma_wait3A_424] : memref<10000x128xf32, #tpu.memory_space<vmem_shared>> -> memref<10000x128xf32, #tpu.memory_space<vmem_shared>>
      tpu.wait_indirect_dma semaphore(%arg21 : memref<!tpu.dma_semaphore, #tpu.memory_space<semaphore_mem>>) src(%arg14 : memref<40x128xf32, #tpu.memory_space<vmem>>) dst(%dma_wait3A_425 : memref<10000x128xf32, #tpu.memory_space<vmem_shared>>)
      %mul3A_426 = arith.constant 10000 : i32
      %mul3A_427 = arith.muli %add3A, %mul3A_426 : i32
      %mul3A_428 = arith.constant 40 : i32
      %mul3A_429 = arith.muli %add3A_422, %mul3A_428 : i32
      %add3A_430 = arith.addi %mul3A_427, %mul3A_429 : i32
      %mul3A_431 = arith.constant 40 : i32
      %mul3A_432 = arith.muli %add3A_422, %mul3A_431 : i32
      %dma_start3A_433 = tpu.memref_slice %arg7[%mul3A_432] : memref<10000xi32, #tpu.memory_space<vmem>> -> memref<40xi32, #tpu.memory_space<vmem>>
      %dma_start3A_434 = arith.constant 0 : i32
      %dma_start3A_435 = arith.constant 0 : i32
      %dma_start3A_436 = tpu.memref_slice %arg2[%dma_start3A_434, %dma_start3A_435] : memref<10000x128xf32, #tpu.memory_space<hbm>> -> memref<10000x128xf32, #tpu.memory_space<hbm>>
      tpu.enqueue_indirect_dma source(%dma_start3A_436 : memref<10000x128xf32, #tpu.memory_space<hbm>>) target(%arg11 : memref<40x128xf32, #tpu.memory_space<vmem>>) offsets(%dma_start3A_433 : memref<40xi32, #tpu.memory_space<vmem>>) semaphore(%arg18 : memref<!tpu.dma_semaphore, #tpu.memory_space<semaphore_mem>>)
      %dma_start3A_437 = arith.constant 0 : i32
      %dma_start3A_438 = tpu.memref_slice %arg5[%add3A_430, %dma_start3A_437] : memref<320000x128xf32, #tpu.memory_space<hbm>> -> memref<40x128xf32, #tpu.memory_space<hbm>>
      %dma_start3A_439 = arith.constant 0 : i32
      %dma_start3A_440 = tpu.memref_slice %arg5[%add3A_430, %dma_start3A_439] : memref<320000x128xf32, #tpu.memory_space<hbm>> -> memref<40x128xf32, #tpu.memory_space<hbm>>
      tpu.enqueue_dma source(%dma_start3A_440 : memref<40x128xf32, #tpu.memory_space<hbm>>) target(%arg14 : memref<40x128xf32, #tpu.memory_space<vmem>>) target_semaphore(%arg18 : memref<!tpu.dma_semaphore, #tpu.memory_space<semaphore_mem>>)
      %dma_start3A_441 = tpu.memref_slice %arg4[%add3A_430] : memref<320000xi32, #tpu.memory_space<hbm>> -> memref<40xi32, #tpu.memory_space<hbm>>
      %dma_start3A_442 = tpu.memref_slice %arg4[%add3A_430] : memref<320000xi32, #tpu.memory_space<hbm>> -> memref<40xi32, #tpu.memory_space<hbm>>
      tpu.enqueue_dma source(%dma_start3A_442 : memref<40xi32, #tpu.memory_space<hbm>>) target(%arg8 : memref<40xi32, #tpu.memory_space<vmem>>) target_semaphore(%arg18 : memref<!tpu.dma_semaphore, #tpu.memory_space<semaphore_mem>>)
      %dma_wait3A_443 = arith.constant 0 : i32
      %dma_wait3A_444 = tpu.memref_slice %arg7[%dma_wait3A_443] : memref<10000xi32, #tpu.memory_space<vmem>> -> memref<40xi32, #tpu.memory_space<vmem>>
      %dma_wait3A_445 = arith.constant 0 : i32
      %dma_wait3A_446 = arith.constant 0 : i32
      %dma_wait3A_447 = tpu.memref_slice %arg2[%dma_wait3A_445, %dma_wait3A_446] : memref<10000x128xf32, #tpu.memory_space<hbm>> -> memref<10000x128xf32, #tpu.memory_space<hbm>>
      tpu.wait_indirect_dma semaphore(%arg20 : memref<!tpu.dma_semaphore, #tpu.memory_space<semaphore_mem>>) src(%dma_wait3A_447 : memref<10000x128xf32, #tpu.memory_space<hbm>>) dst(%arg13 : memref<40x128xf32, #tpu.memory_space<vmem>>)
      %dma_wait3A_448 = arith.constant 0 : i32
      %dma_wait3A_449 = arith.constant 0 : i32
      %dma_wait3A_450 = tpu.memref_slice %arg5[%dma_wait3A_448, %dma_wait3A_449] : memref<320000x128xf32, #tpu.memory_space<hbm>> -> memref<40x128xf32, #tpu.memory_space<hbm>>
      %dma_wait3A_451 = arith.constant 0 : i32
      %dma_wait3A_452 = arith.constant 0 : i32
      %dma_wait3A_453 = tpu.memref_slice %arg5[%dma_wait3A_451, %dma_wait3A_452] : memref<320000x128xf32, #tpu.memory_space<hbm>> -> memref<40x128xf32, #tpu.memory_space<hbm>>
      tpu.wait_dma2 semaphore(%arg20 : memref<!tpu.dma_semaphore, #tpu.memory_space<semaphore_mem>>) src(%dma_wait3A_453 : memref<40x128xf32, #tpu.memory_space<hbm>>) dst(%arg16 : memref<40x128xf32, #tpu.memory_space<vmem>>)
      %dma_wait3A_454 = arith.constant 0 : i32
      %dma_wait3A_455 = tpu.memref_slice %arg4[%dma_wait3A_454] : memref<320000xi32, #tpu.memory_space<hbm>> -> memref<40xi32, #tpu.memory_space<hbm>>
      %dma_wait3A_456 = arith.constant 0 : i32
      %dma_wait3A_457 = tpu.memref_slice %arg4[%dma_wait3A_456] : memref<320000xi32, #tpu.memory_space<hbm>> -> memref<40xi32, #tpu.memory_space<hbm>>
      tpu.wait_dma2 semaphore(%arg20 : memref<!tpu.dma_semaphore, #tpu.memory_space<semaphore_mem>>) src(%dma_wait3A_457 : memref<40xi32, #tpu.memory_space<hbm>>) dst(%arg10 : memref<40xi32, #tpu.memory_space<vmem>>)
      %parallel_loop3A_458 = arith.constant 0 : i32
      %parallel_loop3A_459 = arith.constant 40 : i32
      %parallel_loop3A_460 = arith.constant 1 : i32
      scf.for %parallel_loop3A_486 = %parallel_loop3A_458 to %parallel_loop3A_459 step %parallel_loop3A_460  : i32 {
        %parallel_loop3A_487 = arith.index_cast %parallel_loop3A_486 : i32 to index
        %parallel_loop3A_488 = arith.constant 0 : index
        %parallel_loop3A_489 = tpu.vector_load %arg13[%parallel_loop3A_487, %parallel_loop3A_488] {strides = array<i32>} : memref<40x128xf32, #tpu.memory_space<vmem>>, vector<1x16xf32>,
        %parallel_loop3A_490 = vector.shape_cast %parallel_loop3A_489 : vector<1x16xf32> to vector<16xf32>
        %parallel_loop3A_491 = arith.index_cast %parallel_loop3A_486 : i32 to index
        %parallel_loop3A_492 = arith.constant 0 : index
        %parallel_loop3A_493 = tpu.vector_load %arg16[%parallel_loop3A_491, %parallel_loop3A_492] {strides = array<i32>} : memref<40x128xf32, #tpu.memory_space<vmem>>, vector<1x16xf32>,
        %parallel_loop3A_494 = vector.shape_cast %parallel_loop3A_493 : vector<1x16xf32> to vector<16xf32>
        %parallel_loop3A_495 = arith.addf %parallel_loop3A_490, %parallel_loop3A_494 : vector<16xf32>
        %parallel_loop3A_496 = arith.constant 0.000000e+00 : f32
        %parallel_loop3A_497 = vector.broadcast %parallel_loop3A_496 : f32 to vector<16xf32>
        %parallel_loop3A_498 = arith.maximumf %parallel_loop3A_495, %parallel_loop3A_497 : vector<16xf32>
        %parallel_loop3A_499 = arith.index_cast %parallel_loop3A_486 : i32 to index
        %parallel_loop3A_500 = arith.constant 0 : index
        %parallel_loop3A_501 = tpu.vector_load %arg16[%parallel_loop3A_499, %parallel_loop3A_500] {strides = array<i32>} : memref<40x128xf32, #tpu.memory_space<vmem>>, vector<1x16xf32>,
        %parallel_loop3A_502 = vector.shape_cast %parallel_loop3A_501 : vector<1x16xf32> to vector<16xf32>
        %parallel_loop3A_503 = vector.shape_cast %parallel_loop3A_498 : vector<16xf32> to vector<1x16xf32>
        tpu.vector_store %arg16[%parallel_loop3A_499, %parallel_loop3A_500], %parallel_loop3A_503 {strides = array<i32>} : memref<40x128xf32, #tpu.memory_space<vmem>>, vector<1x16xf32>,
        %parallel_loop3A_504 = arith.index_cast %parallel_loop3A_486 : i32 to index
        %parallel_loop3A_505 = arith.constant 16 : index
        %parallel_loop3A_506 = tpu.vector_load %arg13[%parallel_loop3A_504, %parallel_loop3A_505] {strides = array<i32>} : memref<40x128xf32, #tpu.memory_space<vmem>>, vector<1x16xf32>,
        %parallel_loop3A_507 = vector.shape_cast %parallel_loop3A_506 : vector<1x16xf32> to vector<16xf32>
        %parallel_loop3A_508 = arith.index_cast %parallel_loop3A_486 : i32 to index
        %parallel_loop3A_509 = arith.constant 16 : index
        %parallel_loop3A_510 = tpu.vector_load %arg16[%parallel_loop3A_508, %parallel_loop3A_509] {strides = array<i32>} : memref<40x128xf32, #tpu.memory_space<vmem>>, vector<1x16xf32>,
        %parallel_loop3A_511 = vector.shape_cast %parallel_loop3A_510 : vector<1x16xf32> to vector<16xf32>
        %parallel_loop3A_512 = arith.addf %parallel_loop3A_507, %parallel_loop3A_511 : vector<16xf32>
        %parallel_loop3A_513 = arith.constant 0.000000e+00 : f32
        %parallel_loop3A_514 = vector.broadcast %parallel_loop3A_513 : f32 to vector<16xf32>
        %parallel_loop3A_515 = arith.maximumf %parallel_loop3A_512, %parallel_loop3A_514 : vector<16xf32>
        %parallel_loop3A_516 = arith.index_cast %parallel_loop3A_486 : i32 to index
        %parallel_loop3A_517 = arith.constant 16 : index
        %parallel_loop3A_518 = tpu.vector_load %arg16[%parallel_loop3A_516, %parallel_loop3A_517] {strides = array<i32>} : memref<40x128xf32, #tpu.memory_space<vmem>>, vector<1x16xf32>,
        %parallel_loop3A_519 = vector.shape_cast %parallel_loop3A_518 : vector<1x16xf32> to vector<16xf32>
        %parallel_loop3A_520 = vector.shape_cast %parallel_loop3A_515 : vector<16xf32> to vector<1x16xf32>
        tpu.vector_store %arg16[%parallel_loop3A_516, %parallel_loop3A_517], %parallel_loop3A_520 {strides = array<i32>} : memref<40x128xf32, #tpu.memory_space<vmem>>, vector<1x16xf32>,
        %parallel_loop3A_521 = arith.index_cast %parallel_loop3A_486 : i32 to index
        %parallel_loop3A_522 = arith.constant 32 : index
        %parallel_loop3A_523 = tpu.vector_load %arg13[%parallel_loop3A_521, %parallel_loop3A_522] {strides = array<i32>} : memref<40x128xf32, #tpu.memory_space<vmem>>, vector<1x16xf32>,
        %parallel_loop3A_524 = vector.shape_cast %parallel_loop3A_523 : vector<1x16xf32> to vector<16xf32>
        %parallel_loop3A_525 = arith.index_cast %parallel_loop3A_486 : i32 to index
        %parallel_loop3A_526 = arith.constant 32 : index
        %parallel_loop3A_527 = tpu.vector_load %arg16[%parallel_loop3A_525, %parallel_loop3A_526] {strides = array<i32>} : memref<40x128xf32, #tpu.memory_space<vmem>>, vector<1x16xf32>,
        %parallel_loop3A_528 = vector.shape_cast %parallel_loop3A_527 : vector<1x16xf32> to vector<16xf32>
        %parallel_loop3A_529 = arith.addf %parallel_loop3A_524, %parallel_loop3A_528 : vector<16xf32>
        %parallel_loop3A_530 = arith.constant 0.000000e+00 : f32
        %parallel_loop3A_531 = vector.broadcast %parallel_loop3A_530 : f32 to vector<16xf32>
        %parallel_loop3A_532 = arith.maximumf %parallel_loop3A_529, %parallel_loop3A_531 : vector<16xf32>
        %parallel_loop3A_533 = arith.index_cast %parallel_loop3A_486 : i32 to index
        %parallel_loop3A_534 = arith.constant 32 : index
        %parallel_loop3A_535 = tpu.vector_load %arg16[%parallel_loop3A_533, %parallel_loop3A_534] {strides = array<i32>} : memref<40x128xf32, #tpu.memory_space<vmem>>, vector<1x16xf32>,
        %parallel_loop3A_536 = vector.shape_cast %parallel_loop3A_535 : vector<1x16xf32> to vector<16xf32>
        %parallel_loop3A_537 = vector.shape_cast %parallel_loop3A_532 : vector<16xf32> to vector<1x16xf32>
        tpu.vector_store %arg16[%parallel_loop3A_533, %parallel_loop3A_534], %parallel_loop3A_537 {strides = array<i32>} : memref<40x128xf32, #tpu.memory_space<vmem>>, vector<1x16xf32>,
        %parallel_loop3A_538 = arith.index_cast %parallel_loop3A_486 : i32 to index
        %parallel_loop3A_539 = arith.constant 48 : index
        %parallel_loop3A_540 = tpu.vector_load %arg13[%parallel_loop3A_538, %parallel_loop3A_539] {strides = array<i32>} : memref<40x128xf32, #tpu.memory_space<vmem>>, vector<1x16xf32>,
        %parallel_loop3A_541 = vector.shape_cast %parallel_loop3A_540 : vector<1x16xf32> to vector<16xf32>
        %parallel_loop3A_542 = arith.index_cast %parallel_loop3A_486 : i32 to index
        %parallel_loop3A_543 = arith.constant 48 : index
        %parallel_loop3A_544 = tpu.vector_load %arg16[%parallel_loop3A_542, %parallel_loop3A_543] {strides = array<i32>} : memref<40x128xf32, #tpu.memory_space<vmem>>, vector<1x16xf32>,
        %parallel_loop3A_545 = vector.shape_cast %parallel_loop3A_544 : vector<1x16xf32> to vector<16xf32>
        %parallel_loop3A_546 = arith.addf %parallel_loop3A_541, %parallel_loop3A_545 : vector<16xf32>
        %parallel_loop3A_547 = arith.constant 0.000000e+00 : f32
        %parallel_loop3A_548 = vector.broadcast %parallel_loop3A_547 : f32 to vector<16xf32>
        %parallel_loop3A_549 = arith.maximumf %parallel_loop3A_546, %parallel_loop3A_548 : vector<16xf32>
        %parallel_loop3A_550 = arith.index_cast %parallel_loop3A_486 : i32 to index
        %parallel_loop3A_551 = arith.constant 48 : index
        %parallel_loop3A_552 = tpu.vector_load %arg16[%parallel_loop3A_550, %parallel_loop3A_551] {strides = array<i32>} : memref<40x128xf32, #tpu.memory_space<vmem>>, vector<1x16xf32>,
        %parallel_loop3A_553 = vector.shape_cast %parallel_loop3A_552 : vector<1x16xf32> to vector<16xf32>
        %parallel_loop3A_554 = vector.shape_cast %parallel_loop3A_549 : vector<16xf32> to vector<1x16xf32>
        tpu.vector_store %arg16[%parallel_loop3A_550, %parallel_loop3A_551], %parallel_loop3A_554 {strides = array<i32>} : memref<40x128xf32, #tpu.memory_space<vmem>>, vector<1x16xf32>,
        %parallel_loop3A_555 = arith.index_cast %parallel_loop3A_486 : i32 to index
        %parallel_loop3A_556 = arith.constant 64 : index
        %parallel_loop3A_557 = tpu.vector_load %arg13[%parallel_loop3A_555, %parallel_loop3A_556] {strides = array<i32>} : memref<40x128xf32, #tpu.memory_space<vmem>>, vector<1x16xf32>,
        %parallel_loop3A_558 = vector.shape_cast %parallel_loop3A_557 : vector<1x16xf32> to vector<16xf32>
        %parallel_loop3A_559 = arith.index_cast %parallel_loop3A_486 : i32 to index
        %parallel_loop3A_560 = arith.constant 64 : index
        %parallel_loop3A_561 = tpu.vector_load %arg16[%parallel_loop3A_559, %parallel_loop3A_560] {strides = array<i32>} : memref<40x128xf32, #tpu.memory_space<vmem>>, vector<1x16xf32>,
        %parallel_loop3A_562 = vector.shape_cast %parallel_loop3A_561 : vector<1x16xf32> to vector<16xf32>
        %parallel_loop3A_563 = arith.addf %parallel_loop3A_558, %parallel_loop3A_562 : vector<16xf32>
        %parallel_loop3A_564 = arith.constant 0.000000e+00 : f32
        %parallel_loop3A_565 = vector.broadcast %parallel_loop3A_564 : f32 to vector<16xf32>
        %parallel_loop3A_566 = arith.maximumf %parallel_loop3A_563, %parallel_loop3A_565 : vector<16xf32>
        %parallel_loop3A_567 = arith.index_cast %parallel_loop3A_486 : i32 to index
        %parallel_loop3A_568 = arith.constant 64 : index
        %parallel_loop3A_569 = tpu.vector_load %arg16[%parallel_loop3A_567, %parallel_loop3A_568] {strides = array<i32>} : memref<40x128xf32, #tpu.memory_space<vmem>>, vector<1x16xf32>,
        %parallel_loop3A_570 = vector.shape_cast %parallel_loop3A_569 : vector<1x16xf32> to vector<16xf32>
        %parallel_loop3A_571 = vector.shape_cast %parallel_loop3A_566 : vector<16xf32> to vector<1x16xf32>
        tpu.vector_store %arg16[%parallel_loop3A_567, %parallel_loop3A_568], %parallel_loop3A_571 {strides = array<i32>} : memref<40x128xf32, #tpu.memory_space<vmem>>, vector<1x16xf32>,
        %parallel_loop3A_572 = arith.index_cast %parallel_loop3A_486 : i32 to index
        %parallel_loop3A_573 = arith.constant 80 : index
        %parallel_loop3A_574 = tpu.vector_load %arg13[%parallel_loop3A_572, %parallel_loop3A_573] {strides = array<i32>} : memref<40x128xf32, #tpu.memory_space<vmem>>, vector<1x16xf32>,
        %parallel_loop3A_575 = vector.shape_cast %parallel_loop3A_574 : vector<1x16xf32> to vector<16xf32>
        %parallel_loop3A_576 = arith.index_cast %parallel_loop3A_486 : i32 to index
        %parallel_loop3A_577 = arith.constant 80 : index
        %parallel_loop3A_578 = tpu.vector_load %arg16[%parallel_loop3A_576, %parallel_loop3A_577] {strides = array<i32>} : memref<40x128xf32, #tpu.memory_space<vmem>>, vector<1x16xf32>,
        %parallel_loop3A_579 = vector.shape_cast %parallel_loop3A_578 : vector<1x16xf32> to vector<16xf32>
        %parallel_loop3A_580 = arith.addf %parallel_loop3A_575, %parallel_loop3A_579 : vector<16xf32>
        %parallel_loop3A_581 = arith.constant 0.000000e+00 : f32
        %parallel_loop3A_582 = vector.broadcast %parallel_loop3A_581 : f32 to vector<16xf32>
        %parallel_loop3A_583 = arith.maximumf %parallel_loop3A_580, %parallel_loop3A_582 : vector<16xf32>
        %parallel_loop3A_584 = arith.index_cast %parallel_loop3A_486 : i32 to index
        %parallel_loop3A_585 = arith.constant 80 : index
        %parallel_loop3A_586 = tpu.vector_load %arg16[%parallel_loop3A_584, %parallel_loop3A_585] {strides = array<i32>} : memref<40x128xf32, #tpu.memory_space<vmem>>, vector<1x16xf32>,
        %parallel_loop3A_587 = vector.shape_cast %parallel_loop3A_586 : vector<1x16xf32> to vector<16xf32>
        %parallel_loop3A_588 = vector.shape_cast %parallel_loop3A_583 : vector<16xf32> to vector<1x16xf32>
        tpu.vector_store %arg16[%parallel_loop3A_584, %parallel_loop3A_585], %parallel_loop3A_588 {strides = array<i32>} : memref<40x128xf32, #tpu.memory_space<vmem>>, vector<1x16xf32>,
        %parallel_loop3A_589 = arith.index_cast %parallel_loop3A_486 : i32 to index
        %parallel_loop3A_590 = arith.constant 96 : index
        %parallel_loop3A_591 = tpu.vector_load %arg13[%parallel_loop3A_589, %parallel_loop3A_590] {strides = array<i32>} : memref<40x128xf32, #tpu.memory_space<vmem>>, vector<1x16xf32>,
        %parallel_loop3A_592 = vector.shape_cast %parallel_loop3A_591 : vector<1x16xf32> to vector<16xf32>
        %parallel_loop3A_593 = arith.index_cast %parallel_loop3A_486 : i32 to index
        %parallel_loop3A_594 = arith.constant 96 : index
        %parallel_loop3A_595 = tpu.vector_load %arg16[%parallel_loop3A_593, %parallel_loop3A_594] {strides = array<i32>} : memref<40x128xf32, #tpu.memory_space<vmem>>, vector<1x16xf32>,
        %parallel_loop3A_596 = vector.shape_cast %parallel_loop3A_595 : vector<1x16xf32> to vector<16xf32>
        %parallel_loop3A_597 = arith.addf %parallel_loop3A_592, %parallel_loop3A_596 : vector<16xf32>
        %parallel_loop3A_598 = arith.constant 0.000000e+00 : f32
        %parallel_loop3A_599 = vector.broadcast %parallel_loop3A_598 : f32 to vector<16xf32>
        %parallel_loop3A_600 = arith.maximumf %parallel_loop3A_597, %parallel_loop3A_599 : vector<16xf32>
        %parallel_loop3A_601 = arith.index_cast %parallel_loop3A_486 : i32 to index
        %parallel_loop3A_602 = arith.constant 96 : index
        %parallel_loop3A_603 = tpu.vector_load %arg16[%parallel_loop3A_601, %parallel_loop3A_602] {strides = array<i32>} : memref<40x128xf32, #tpu.memory_space<vmem>>, vector<1x16xf32>,
        %parallel_loop3A_604 = vector.shape_cast %parallel_loop3A_603 : vector<1x16xf32> to vector<16xf32>
        %parallel_loop3A_605 = vector.shape_cast %parallel_loop3A_600 : vector<16xf32> to vector<1x16xf32>
        tpu.vector_store %arg16[%parallel_loop3A_601, %parallel_loop3A_602], %parallel_loop3A_605 {strides = array<i32>} : memref<40x128xf32, #tpu.memory_space<vmem>>, vector<1x16xf32>,
        %parallel_loop3A_606 = arith.index_cast %parallel_loop3A_486 : i32 to index
        %parallel_loop3A_607 = arith.constant 112 : index
        %parallel_loop3A_608 = tpu.vector_load %arg13[%parallel_loop3A_606, %parallel_loop3A_607] {strides = array<i32>} : memref<40x128xf32, #tpu.memory_space<vmem>>, vector<1x16xf32>,
        %parallel_loop3A_609 = vector.shape_cast %parallel_loop3A_608 : vector<1x16xf32> to vector<16xf32>
        %parallel_loop3A_610 = arith.index_cast %parallel_loop3A_486 : i32 to index
        %parallel_loop3A_611 = arith.constant 112 : index
        %parallel_loop3A_612 = tpu.vector_load %arg16[%parallel_loop3A_610, %parallel_loop3A_611] {strides = array<i32>} : memref<40x128xf32, #tpu.memory_space<vmem>>, vector<1x16xf32>,
        %parallel_loop3A_613 = vector.shape_cast %parallel_loop3A_612 : vector<1x16xf32> to vector<16xf32>
        %parallel_loop3A_614 = arith.addf %parallel_loop3A_609, %parallel_loop3A_613 : vector<16xf32>
        %parallel_loop3A_615 = arith.constant 0.000000e+00 : f32
        %parallel_loop3A_616 = vector.broadcast %parallel_loop3A_615 : f32 to vector<16xf32>
        %parallel_loop3A_617 = arith.maximumf %parallel_loop3A_614, %parallel_loop3A_616 : vector<16xf32>
        %parallel_loop3A_618 = arith.index_cast %parallel_loop3A_486 : i32 to index
        %parallel_loop3A_619 = arith.constant 112 : index
        %parallel_loop3A_620 = tpu.vector_load %arg16[%parallel_loop3A_618, %parallel_loop3A_619] {strides = array<i32>} : memref<40x128xf32, #tpu.memory_space<vmem>>, vector<1x16xf32>,
        %parallel_loop3A_621 = vector.shape_cast %parallel_loop3A_620 : vector<1x16xf32> to vector<16xf32>
        %parallel_loop3A_622 = vector.shape_cast %parallel_loop3A_617 : vector<16xf32> to vector<1x16xf32>
        tpu.vector_store %arg16[%parallel_loop3A_618, %parallel_loop3A_619], %parallel_loop3A_622 {strides = array<i32>} : memref<40x128xf32, #tpu.memory_space<vmem>>, vector<1x16xf32>,
      } {sc.loop_unroll_factor = 4 : i64, sc.parallel_access}
      %dma_start3A_461 = arith.constant 0 : i32
      %dma_start3A_462 = arith.constant 0 : i32
      %dma_start3A_463 = tpu.memref_slice %arg17[%dma_start3A_461, %dma_start3A_462] : memref<10000x128xf32, #tpu.memory_space<vmem_shared>> -> memref<10000x128xf32, #tpu.memory_space<vmem_shared>>
      tpu.enqueue_indirect_dma source(%arg16 : memref<40x128xf32, #tpu.memory_space<vmem>>) target(%dma_start3A_463 : memref<10000x128xf32, #tpu.memory_space<vmem_shared>>) offsets(%arg10 : memref<40xi32, #tpu.memory_space<vmem>>) semaphore(%arg23 : memref<!tpu.dma_semaphore, #tpu.memory_space<semaphore_mem>>) {add = true}
      %add3A_464 = arith.constant 4 : i32
      %add3A_465 = arith.addi %mul3A_356, %add3A_464 : i32
      %dma_wait3A_466 = arith.constant 0 : i32
      %dma_wait3A_467 = arith.constant 0 : i32
      %dma_wait3A_468 = tpu.memref_slice %arg17[%dma_wait3A_466, %dma_wait3A_467] : memref<10000x128xf32, #tpu.memory_space<vmem_shared>> -> memref<10000x128xf32, #tpu.memory_space<vmem_shared>>
      tpu.wait_indirect_dma semaphore(%arg22 : memref<!tpu.dma_semaphore, #tpu.memory_space<semaphore_mem>>) src(%arg15 : memref<40x128xf32, #tpu.memory_space<vmem>>) dst(%dma_wait3A_468 : memref<10000x128xf32, #tpu.memory_space<vmem_shared>>)
      %mul3A_469 = arith.constant 10000 : i32
      %mul3A_470 = arith.muli %add3A, %mul3A_469 : i32
      %mul3A_471 = arith.constant 40 : i32
      %mul3A_472 = arith.muli %add3A_465, %mul3A_471 : i32
      %add3A_473 = arith.addi %mul3A_470, %mul3A_472 : i32
      %mul3A_474 = arith.constant 40 : i32
      %mul3A_475 = arith.muli %add3A_465, %mul3A_474 : i32
      %dma_start3A_476 = tpu.memref_slice %arg7[%mul3A_475] : memref<10000xi32, #tpu.memory_space<vmem>> -> memref<40xi32, #tpu.memory_space<vmem>>
      %dma_start3A_477 = arith.constant 0 : i32
      %dma_start3A_478 = arith.constant 0 : i32
      %dma_start3A_479 = tpu.memref_slice %arg2[%dma_start3A_477, %dma_start3A_478] : memref<10000x128xf32, #tpu.memory_space<hbm>> -> memref<10000x128xf32, #tpu.memory_space<hbm>>
      tpu.enqueue_indirect_dma source(%dma_start3A_479 : memref<10000x128xf32, #tpu.memory_space<hbm>>) target(%arg12 : memref<40x128xf32, #tpu.memory_space<vmem>>) offsets(%dma_start3A_476 : memref<40xi32, #tpu.memory_space<vmem>>) semaphore(%arg19 : memref<!tpu.dma_semaphore, #tpu.memory_space<semaphore_mem>>)
      %dma_start3A_480 = arith.constant 0 : i32
      %dma_start3A_481 = tpu.memref_slice %arg5[%add3A_473, %dma_start3A_480] : memref<320000x128xf32, #tpu.memory_space<hbm>> -> memref<40x128xf32, #tpu.memory_space<hbm>>
      %dma_start3A_482 = arith.constant 0 : i32
      %dma_start3A_483 = tpu.memref_slice %arg5[%add3A_473, %dma_start3A_482] : memref<320000x128xf32, #tpu.memory_space<hbm>> -> memref<40x128xf32, #tpu.memory_space<hbm>>
      tpu.enqueue_dma source(%dma_start3A_483 : memref<40x128xf32, #tpu.memory_space<hbm>>) target(%arg15 : memref<40x128xf32, #tpu.memory_space<vmem>>) target_semaphore(%arg19 : memref<!tpu.dma_semaphore, #tpu.memory_space<semaphore_mem>>)
      %dma_start3A_484 = tpu.memref_slice %arg4[%add3A_473] : memref<320000xi32, #tpu.memory_space<hbm>> -> memref<40xi32, #tpu.memory_space<hbm>>
      %dma_start3A_485 = tpu.memref_slice %arg4[%add3A_473] : memref<320000xi32, #tpu.memory_space<hbm>> -> memref<40xi32, #tpu.memory_space<hbm>>
      tpu.enqueue_dma source(%dma_start3A_485 : memref<40xi32, #tpu.memory_space<hbm>>) target(%arg9 : memref<40xi32, #tpu.memory_space<vmem>>) target_semaphore(%arg19 : memref<!tpu.dma_semaphore, #tpu.memory_space<semaphore_mem>>)
    }
    %scan3A_216 = arith.constant 81 : i32
    %dma_wait3A_217 = arith.constant 0 : i32
    %dma_wait3A_218 = tpu.memref_slice %arg7[%dma_wait3A_217] : memref<10000xi32, #tpu.memory_space<vmem>> -> memref<40xi32, #tpu.memory_space<vmem>>
    %dma_wait3A_219 = arith.constant 0 : i32
    %dma_wait3A_220 = arith.constant 0 : i32
    %dma_wait3A_221 = tpu.memref_slice %arg2[%dma_wait3A_219, %dma_wait3A_220] : memref<10000x128xf32, #tpu.memory_space<hbm>> -> memref<10000x128xf32, #tpu.memory_space<hbm>>
    tpu.wait_indirect_dma semaphore(%arg18 : memref<!tpu.dma_semaphore, #tpu.memory_space<semaphore_mem>>) src(%dma_wait3A_221 : memref<10000x128xf32, #tpu.memory_space<hbm>>) dst(%arg11 : memref<40x128xf32, #tpu.memory_space<vmem>>)
    %dma_wait3A_222 = arith.constant 0 : i32
    %dma_wait3A_223 = arith.constant 0 : i32
    %dma_wait3A_224 = tpu.memref_slice %arg5[%dma_wait3A_222, %dma_wait3A_223] : memref<320000x128xf32, #tpu.memory_space<hbm>> -> memref<40x128xf32, #tpu.memory_space<hbm>>
    %dma_wait3A_225 = arith.constant 0 : i32
    %dma_wait3A_226 = arith.constant 0 : i32
    %dma_wait3A_227 = tpu.memref_slice %arg5[%dma_wait3A_225, %dma_wait3A_226] : memref<320000x128xf32, #tpu.memory_space<hbm>> -> memref<40x128xf32, #tpu.memory_space<hbm>>
    tpu.wait_dma2 semaphore(%arg18 : memref<!tpu.dma_semaphore, #tpu.memory_space<semaphore_mem>>) src(%dma_wait3A_227 : memref<40x128xf32, #tpu.memory_space<hbm>>) dst(%arg14 : memref<40x128xf32, #tpu.memory_space<vmem>>)
    %dma_wait3A_228 = arith.constant 0 : i32
    %dma_wait3A_229 = tpu.memref_slice %arg4[%dma_wait3A_228] : memref<320000xi32, #tpu.memory_space<hbm>> -> memref<40xi32, #tpu.memory_space<hbm>>
    %dma_wait3A_230 = arith.constant 0 : i32
    %dma_wait3A_231 = tpu.memref_slice %arg4[%dma_wait3A_230] : memref<320000xi32, #tpu.memory_space<hbm>> -> memref<40xi32, #tpu.memory_space<hbm>>
    tpu.wait_dma2 semaphore(%arg18 : memref<!tpu.dma_semaphore, #tpu.memory_space<semaphore_mem>>) src(%dma_wait3A_231 : memref<40xi32, #tpu.memory_space<hbm>>) dst(%arg8 : memref<40xi32, #tpu.memory_space<vmem>>)
    %parallel_loop3A_232 = arith.constant 0 : i32
    %parallel_loop3A_233 = arith.constant 40 : i32
    %parallel_loop3A_234 = arith.constant 1 : i32
    scf.for %parallel_loop3A_354 = %parallel_loop3A_232 to %parallel_loop3A_233 step %parallel_loop3A_234  : i32 {
      %parallel_loop3A_355 = arith.index_cast %parallel_loop3A_354 : i32 to index
      %parallel_loop3A_356 = arith.constant 0 : index
      %parallel_loop3A_357 = tpu.vector_load %arg11[%parallel_loop3A_355, %parallel_loop3A_356] {strides = array<i32>} : memref<40x128xf32, #tpu.memory_space<vmem>>, vector<1x16xf32>,
      %parallel_loop3A_358 = vector.shape_cast %parallel_loop3A_357 : vector<1x16xf32> to vector<16xf32>
      %parallel_loop3A_359 = arith.index_cast %parallel_loop3A_354 : i32 to index
      %parallel_loop3A_360 = arith.constant 0 : index
      %parallel_loop3A_361 = tpu.vector_load %arg14[%parallel_loop3A_359, %parallel_loop3A_360] {strides = array<i32>} : memref<40x128xf32, #tpu.memory_space<vmem>>, vector<1x16xf32>,
      %parallel_loop3A_362 = vector.shape_cast %parallel_loop3A_361 : vector<1x16xf32> to vector<16xf32>
      %parallel_loop3A_363 = arith.addf %parallel_loop3A_358, %parallel_loop3A_362 : vector<16xf32>
      %parallel_loop3A_364 = arith.constant 0.000000e+00 : f32
      %parallel_loop3A_365 = vector.broadcast %parallel_loop3A_364 : f32 to vector<16xf32>
      %parallel_loop3A_366 = arith.maximumf %parallel_loop3A_363, %parallel_loop3A_365 : vector<16xf32>
      %parallel_loop3A_367 = arith.index_cast %parallel_loop3A_354 : i32 to index
      %parallel_loop3A_368 = arith.constant 0 : index
      %parallel_loop3A_369 = tpu.vector_load %arg14[%parallel_loop3A_367, %parallel_loop3A_368] {strides = array<i32>} : memref<40x128xf32, #tpu.memory_space<vmem>>, vector<1x16xf32>,
      %parallel_loop3A_370 = vector.shape_cast %parallel_loop3A_369 : vector<1x16xf32> to vector<16xf32>
      %parallel_loop3A_371 = vector.shape_cast %parallel_loop3A_366 : vector<16xf32> to vector<1x16xf32>
      tpu.vector_store %arg14[%parallel_loop3A_367, %parallel_loop3A_368], %parallel_loop3A_371 {strides = array<i32>} : memref<40x128xf32, #tpu.memory_space<vmem>>, vector<1x16xf32>,
      %parallel_loop3A_372 = arith.index_cast %parallel_loop3A_354 : i32 to index
      %parallel_loop3A_373 = arith.constant 16 : index
      %parallel_loop3A_374 = tpu.vector_load %arg11[%parallel_loop3A_372, %parallel_loop3A_373] {strides = array<i32>} : memref<40x128xf32, #tpu.memory_space<vmem>>, vector<1x16xf32>,
      %parallel_loop3A_375 = vector.shape_cast %parallel_loop3A_374 : vector<1x16xf32> to vector<16xf32>
      %parallel_loop3A_376 = arith.index_cast %parallel_loop3A_354 : i32 to index
      %parallel_loop3A_377 = arith.constant 16 : index
      %parallel_loop3A_378 = tpu.vector_load %arg14[%parallel_loop3A_376, %parallel_loop3A_377] {strides = array<i32>} : memref<40x128xf32, #tpu.memory_space<vmem>>, vector<1x16xf32>,
      %parallel_loop3A_379 = vector.shape_cast %parallel_loop3A_378 : vector<1x16xf32> to vector<16xf32>
      %parallel_loop3A_380 = arith.addf %parallel_loop3A_375, %parallel_loop3A_379 : vector<16xf32>
      %parallel_loop3A_381 = arith.constant 0.000000e+00 : f32
      %parallel_loop3A_382 = vector.broadcast %parallel_loop3A_381 : f32 to vector<16xf32>
      %parallel_loop3A_383 = arith.maximumf %parallel_loop3A_380, %parallel_loop3A_382 : vector<16xf32>
      %parallel_loop3A_384 = arith.index_cast %parallel_loop3A_354 : i32 to index
      %parallel_loop3A_385 = arith.constant 16 : index
      %parallel_loop3A_386 = tpu.vector_load %arg14[%parallel_loop3A_384, %parallel_loop3A_385] {strides = array<i32>} : memref<40x128xf32, #tpu.memory_space<vmem>>, vector<1x16xf32>,
      %parallel_loop3A_387 = vector.shape_cast %parallel_loop3A_386 : vector<1x16xf32> to vector<16xf32>
      %parallel_loop3A_388 = vector.shape_cast %parallel_loop3A_383 : vector<16xf32> to vector<1x16xf32>
      tpu.vector_store %arg14[%parallel_loop3A_384, %parallel_loop3A_385], %parallel_loop3A_388 {strides = array<i32>} : memref<40x128xf32, #tpu.memory_space<vmem>>, vector<1x16xf32>,
      %parallel_loop3A_389 = arith.index_cast %parallel_loop3A_354 : i32 to index
      %parallel_loop3A_390 = arith.constant 32 : index
      %parallel_loop3A_391 = tpu.vector_load %arg11[%parallel_loop3A_389, %parallel_loop3A_390] {strides = array<i32>} : memref<40x128xf32, #tpu.memory_space<vmem>>, vector<1x16xf32>,
      %parallel_loop3A_392 = vector.shape_cast %parallel_loop3A_391 : vector<1x16xf32> to vector<16xf32>
      %parallel_loop3A_393 = arith.index_cast %parallel_loop3A_354 : i32 to index
      %parallel_loop3A_394 = arith.constant 32 : index
      %parallel_loop3A_395 = tpu.vector_load %arg14[%parallel_loop3A_393, %parallel_loop3A_394] {strides = array<i32>} : memref<40x128xf32, #tpu.memory_space<vmem>>, vector<1x16xf32>,
      %parallel_loop3A_396 = vector.shape_cast %parallel_loop3A_395 : vector<1x16xf32> to vector<16xf32>
      %parallel_loop3A_397 = arith.addf %parallel_loop3A_392, %parallel_loop3A_396 : vector<16xf32>
      %parallel_loop3A_398 = arith.constant 0.000000e+00 : f32
      %parallel_loop3A_399 = vector.broadcast %parallel_loop3A_398 : f32 to vector<16xf32>
      %parallel_loop3A_400 = arith.maximumf %parallel_loop3A_397, %parallel_loop3A_399 : vector<16xf32>
      %parallel_loop3A_401 = arith.index_cast %parallel_loop3A_354 : i32 to index
      %parallel_loop3A_402 = arith.constant 32 : index
      %parallel_loop3A_403 = tpu.vector_load %arg14[%parallel_loop3A_401, %parallel_loop3A_402] {strides = array<i32>} : memref<40x128xf32, #tpu.memory_space<vmem>>, vector<1x16xf32>,
      %parallel_loop3A_404 = vector.shape_cast %parallel_loop3A_403 : vector<1x16xf32> to vector<16xf32>
      %parallel_loop3A_405 = vector.shape_cast %parallel_loop3A_400 : vector<16xf32> to vector<1x16xf32>
      tpu.vector_store %arg14[%parallel_loop3A_401, %parallel_loop3A_402], %parallel_loop3A_405 {strides = array<i32>} : memref<40x128xf32, #tpu.memory_space<vmem>>, vector<1x16xf32>,
      %parallel_loop3A_406 = arith.index_cast %parallel_loop3A_354 : i32 to index
      %parallel_loop3A_407 = arith.constant 48 : index
      %parallel_loop3A_408 = tpu.vector_load %arg11[%parallel_loop3A_406, %parallel_loop3A_407] {strides = array<i32>} : memref<40x128xf32, #tpu.memory_space<vmem>>, vector<1x16xf32>,
      %parallel_loop3A_409 = vector.shape_cast %parallel_loop3A_408 : vector<1x16xf32> to vector<16xf32>
      %parallel_loop3A_410 = arith.index_cast %parallel_loop3A_354 : i32 to index
      %parallel_loop3A_411 = arith.constant 48 : index
      %parallel_loop3A_412 = tpu.vector_load %arg14[%parallel_loop3A_410, %parallel_loop3A_411] {strides = array<i32>} : memref<40x128xf32, #tpu.memory_space<vmem>>, vector<1x16xf32>,
      %parallel_loop3A_413 = vector.shape_cast %parallel_loop3A_412 : vector<1x16xf32> to vector<16xf32>
      %parallel_loop3A_414 = arith.addf %parallel_loop3A_409, %parallel_loop3A_413 : vector<16xf32>
      %parallel_loop3A_415 = arith.constant 0.000000e+00 : f32
      %parallel_loop3A_416 = vector.broadcast %parallel_loop3A_415 : f32 to vector<16xf32>
      %parallel_loop3A_417 = arith.maximumf %parallel_loop3A_414, %parallel_loop3A_416 : vector<16xf32>
      %parallel_loop3A_418 = arith.index_cast %parallel_loop3A_354 : i32 to index
      %parallel_loop3A_419 = arith.constant 48 : index
      %parallel_loop3A_420 = tpu.vector_load %arg14[%parallel_loop3A_418, %parallel_loop3A_419] {strides = array<i32>} : memref<40x128xf32, #tpu.memory_space<vmem>>, vector<1x16xf32>,
      %parallel_loop3A_421 = vector.shape_cast %parallel_loop3A_420 : vector<1x16xf32> to vector<16xf32>
      %parallel_loop3A_422 = vector.shape_cast %parallel_loop3A_417 : vector<16xf32> to vector<1x16xf32>
      tpu.vector_store %arg14[%parallel_loop3A_418, %parallel_loop3A_419], %parallel_loop3A_422 {strides = array<i32>} : memref<40x128xf32, #tpu.memory_space<vmem>>, vector<1x16xf32>,
      %parallel_loop3A_423 = arith.index_cast %parallel_loop3A_354 : i32 to index
      %parallel_loop3A_424 = arith.constant 64 : index
      %parallel_loop3A_425 = tpu.vector_load %arg11[%parallel_loop3A_423, %parallel_loop3A_424] {strides = array<i32>} : memref<40x128xf32, #tpu.memory_space<vmem>>, vector<1x16xf32>,
      %parallel_loop3A_426 = vector.shape_cast %parallel_loop3A_425 : vector<1x16xf32> to vector<16xf32>
      %parallel_loop3A_427 = arith.index_cast %parallel_loop3A_354 : i32 to index
      %parallel_loop3A_428 = arith.constant 64 : index
      %parallel_loop3A_429 = tpu.vector_load %arg14[%parallel_loop3A_427, %parallel_loop3A_428] {strides = array<i32>} : memref<40x128xf32, #tpu.memory_space<vmem>>, vector<1x16xf32>,
      %parallel_loop3A_430 = vector.shape_cast %parallel_loop3A_429 : vector<1x16xf32> to vector<16xf32>
      %parallel_loop3A_431 = arith.addf %parallel_loop3A_426, %parallel_loop3A_430 : vector<16xf32>
      %parallel_loop3A_432 = arith.constant 0.000000e+00 : f32
      %parallel_loop3A_433 = vector.broadcast %parallel_loop3A_432 : f32 to vector<16xf32>
      %parallel_loop3A_434 = arith.maximumf %parallel_loop3A_431, %parallel_loop3A_433 : vector<16xf32>
      %parallel_loop3A_435 = arith.index_cast %parallel_loop3A_354 : i32 to index
      %parallel_loop3A_436 = arith.constant 64 : index
      %parallel_loop3A_437 = tpu.vector_load %arg14[%parallel_loop3A_435, %parallel_loop3A_436] {strides = array<i32>} : memref<40x128xf32, #tpu.memory_space<vmem>>, vector<1x16xf32>,
      %parallel_loop3A_438 = vector.shape_cast %parallel_loop3A_437 : vector<1x16xf32> to vector<16xf32>
      %parallel_loop3A_439 = vector.shape_cast %parallel_loop3A_434 : vector<16xf32> to vector<1x16xf32>
      tpu.vector_store %arg14[%parallel_loop3A_435, %parallel_loop3A_436], %parallel_loop3A_439 {strides = array<i32>} : memref<40x128xf32, #tpu.memory_space<vmem>>, vector<1x16xf32>,
      %parallel_loop3A_440 = arith.index_cast %parallel_loop3A_354 : i32 to index
      %parallel_loop3A_441 = arith.constant 80 : index
      %parallel_loop3A_442 = tpu.vector_load %arg11[%parallel_loop3A_440, %parallel_loop3A_441] {strides = array<i32>} : memref<40x128xf32, #tpu.memory_space<vmem>>, vector<1x16xf32>,
      %parallel_loop3A_443 = vector.shape_cast %parallel_loop3A_442 : vector<1x16xf32> to vector<16xf32>
      %parallel_loop3A_444 = arith.index_cast %parallel_loop3A_354 : i32 to index
      %parallel_loop3A_445 = arith.constant 80 : index
      %parallel_loop3A_446 = tpu.vector_load %arg14[%parallel_loop3A_444, %parallel_loop3A_445] {strides = array<i32>} : memref<40x128xf32, #tpu.memory_space<vmem>>, vector<1x16xf32>,
      %parallel_loop3A_447 = vector.shape_cast %parallel_loop3A_446 : vector<1x16xf32> to vector<16xf32>
      %parallel_loop3A_448 = arith.addf %parallel_loop3A_443, %parallel_loop3A_447 : vector<16xf32>
      %parallel_loop3A_449 = arith.constant 0.000000e+00 : f32
      %parallel_loop3A_450 = vector.broadcast %parallel_loop3A_449 : f32 to vector<16xf32>
      %parallel_loop3A_451 = arith.maximumf %parallel_loop3A_448, %parallel_loop3A_450 : vector<16xf32>
      %parallel_loop3A_452 = arith.index_cast %parallel_loop3A_354 : i32 to index
      %parallel_loop3A_453 = arith.constant 80 : index
      %parallel_loop3A_454 = tpu.vector_load %arg14[%parallel_loop3A_452, %parallel_loop3A_453] {strides = array<i32>} : memref<40x128xf32, #tpu.memory_space<vmem>>, vector<1x16xf32>,
      %parallel_loop3A_455 = vector.shape_cast %parallel_loop3A_454 : vector<1x16xf32> to vector<16xf32>
      %parallel_loop3A_456 = vector.shape_cast %parallel_loop3A_451 : vector<16xf32> to vector<1x16xf32>
      tpu.vector_store %arg14[%parallel_loop3A_452, %parallel_loop3A_453], %parallel_loop3A_456 {strides = array<i32>} : memref<40x128xf32, #tpu.memory_space<vmem>>, vector<1x16xf32>,
      %parallel_loop3A_457 = arith.index_cast %parallel_loop3A_354 : i32 to index
      %parallel_loop3A_458 = arith.constant 96 : index
      %parallel_loop3A_459 = tpu.vector_load %arg11[%parallel_loop3A_457, %parallel_loop3A_458] {strides = array<i32>} : memref<40x128xf32, #tpu.memory_space<vmem>>, vector<1x16xf32>,
      %parallel_loop3A_460 = vector.shape_cast %parallel_loop3A_459 : vector<1x16xf32> to vector<16xf32>
      %parallel_loop3A_461 = arith.index_cast %parallel_loop3A_354 : i32 to index
      %parallel_loop3A_462 = arith.constant 96 : index
      %parallel_loop3A_463 = tpu.vector_load %arg14[%parallel_loop3A_461, %parallel_loop3A_462] {strides = array<i32>} : memref<40x128xf32, #tpu.memory_space<vmem>>, vector<1x16xf32>,
      %parallel_loop3A_464 = vector.shape_cast %parallel_loop3A_463 : vector<1x16xf32> to vector<16xf32>
      %parallel_loop3A_465 = arith.addf %parallel_loop3A_460, %parallel_loop3A_464 : vector<16xf32>
      %parallel_loop3A_466 = arith.constant 0.000000e+00 : f32
      %parallel_loop3A_467 = vector.broadcast %parallel_loop3A_466 : f32 to vector<16xf32>
      %parallel_loop3A_468 = arith.maximumf %parallel_loop3A_465, %parallel_loop3A_467 : vector<16xf32>
      %parallel_loop3A_469 = arith.index_cast %parallel_loop3A_354 : i32 to index
      %parallel_loop3A_470 = arith.constant 96 : index
      %parallel_loop3A_471 = tpu.vector_load %arg14[%parallel_loop3A_469, %parallel_loop3A_470] {strides = array<i32>} : memref<40x128xf32, #tpu.memory_space<vmem>>, vector<1x16xf32>,
      %parallel_loop3A_472 = vector.shape_cast %parallel_loop3A_471 : vector<1x16xf32> to vector<16xf32>
      %parallel_loop3A_473 = vector.shape_cast %parallel_loop3A_468 : vector<16xf32> to vector<1x16xf32>
      tpu.vector_store %arg14[%parallel_loop3A_469, %parallel_loop3A_470], %parallel_loop3A_473 {strides = array<i32>} : memref<40x128xf32, #tpu.memory_space<vmem>>, vector<1x16xf32>,
      %parallel_loop3A_474 = arith.index_cast %parallel_loop3A_354 : i32 to index
      %parallel_loop3A_475 = arith.constant 112 : index
      %parallel_loop3A_476 = tpu.vector_load %arg11[%parallel_loop3A_474, %parallel_loop3A_475] {strides = array<i32>} : memref<40x128xf32, #tpu.memory_space<vmem>>, vector<1x16xf32>,
      %parallel_loop3A_477 = vector.shape_cast %parallel_loop3A_476 : vector<1x16xf32> to vector<16xf32>
      %parallel_loop3A_478 = arith.index_cast %parallel_loop3A_354 : i32 to index
      %parallel_loop3A_479 = arith.constant 112 : index
      %parallel_loop3A_480 = tpu.vector_load %arg14[%parallel_loop3A_478, %parallel_loop3A_479] {strides = array<i32>} : memref<40x128xf32, #tpu.memory_space<vmem>>, vector<1x16xf32>,
      %parallel_loop3A_481 = vector.shape_cast %parallel_loop3A_480 : vector<1x16xf32> to vector<16xf32>
      %parallel_loop3A_482 = arith.addf %parallel_loop3A_477, %parallel_loop3A_481 : vector<16xf32>
      %parallel_loop3A_483 = arith.constant 0.000000e+00 : f32
      %parallel_loop3A_484 = vector.broadcast %parallel_loop3A_483 : f32 to vector<16xf32>
      %parallel_loop3A_485 = arith.maximumf %parallel_loop3A_482, %parallel_loop3A_484 : vector<16xf32>
      %parallel_loop3A_486 = arith.index_cast %parallel_loop3A_354 : i32 to index
      %parallel_loop3A_487 = arith.constant 112 : index
      %parallel_loop3A_488 = tpu.vector_load %arg14[%parallel_loop3A_486, %parallel_loop3A_487] {strides = array<i32>} : memref<40x128xf32, #tpu.memory_space<vmem>>, vector<1x16xf32>,
      %parallel_loop3A_489 = vector.shape_cast %parallel_loop3A_488 : vector<1x16xf32> to vector<16xf32>
      %parallel_loop3A_490 = vector.shape_cast %parallel_loop3A_485 : vector<16xf32> to vector<1x16xf32>
      tpu.vector_store %arg14[%parallel_loop3A_486, %parallel_loop3A_487], %parallel_loop3A_490 {strides = array<i32>} : memref<40x128xf32, #tpu.memory_space<vmem>>, vector<1x16xf32>,
    } {sc.loop_unroll_factor = 4 : i64, sc.parallel_access}
    %dma_start3A_235 = arith.constant 0 : i32
    %dma_start3A_236 = arith.constant 0 : i32
    %dma_start3A_237 = tpu.memref_slice %arg17[%dma_start3A_235, %dma_start3A_236] : memref<10000x128xf32, #tpu.memory_space<vmem_shared>> -> memref<10000x128xf32, #tpu.memory_space<vmem_shared>>
    tpu.enqueue_indirect_dma source(%arg14 : memref<40x128xf32, #tpu.memory_space<vmem>>) target(%dma_start3A_237 : memref<10000x128xf32, #tpu.memory_space<vmem_shared>>) offsets(%arg8 : memref<40xi32, #tpu.memory_space<vmem>>) semaphore(%arg21 : memref<!tpu.dma_semaphore, #tpu.memory_space<semaphore_mem>>) {add = true}
    %dma_wait3A_238 = arith.constant 0 : i32
    %dma_wait3A_239 = arith.constant 0 : i32
    %dma_wait3A_240 = tpu.memref_slice %arg17[%dma_wait3A_238, %dma_wait3A_239] : memref<10000x128xf32, #tpu.memory_space<vmem_shared>> -> memref<10000x128xf32, #tpu.memory_space<vmem_shared>>
    tpu.wait_indirect_dma semaphore(%arg23 : memref<!tpu.dma_semaphore, #tpu.memory_space<semaphore_mem>>) src(%arg16 : memref<40x128xf32, #tpu.memory_space<vmem>>) dst(%dma_wait3A_240 : memref<10000x128xf32, #tpu.memory_space<vmem_shared>>)
    %mul3A_241 = arith.constant 10000 : i32
    %mul3A_242 = arith.muli %add3A, %mul3A_241 : i32
    %add3A_243 = arith.constant 9920 : i32
    %add3A_244 = arith.addi %mul3A_242, %add3A_243 : i32
    %dma_start3A_245 = arith.constant 9920 : i32
    %dma_start3A_246 = tpu.memref_slice %arg7[%dma_start3A_245] : memref<10000xi32, #tpu.memory_space<vmem>> -> memref<40xi32, #tpu.memory_space<vmem>>
    %dma_start3A_247 = arith.constant 0 : i32
    %dma_start3A_248 = arith.constant 0 : i32
    %dma_start3A_249 = tpu.memref_slice %arg2[%dma_start3A_247, %dma_start3A_248] : memref<10000x128xf32, #tpu.memory_space<hbm>> -> memref<10000x128xf32, #tpu.memory_space<hbm>>
    tpu.enqueue_indirect_dma source(%dma_start3A_249 : memref<10000x128xf32, #tpu.memory_space<hbm>>) target(%arg13 : memref<40x128xf32, #tpu.memory_space<vmem>>) offsets(%dma_start3A_246 : memref<40xi32, #tpu.memory_space<vmem>>) semaphore(%arg20 : memref<!tpu.dma_semaphore, #tpu.memory_space<semaphore_mem>>)
    %dma_start3A_250 = arith.constant 0 : i32
    %dma_start3A_251 = tpu.memref_slice %arg5[%add3A_244, %dma_start3A_250] : memref<320000x128xf32, #tpu.memory_space<hbm>> -> memref<40x128xf32, #tpu.memory_space<hbm>>
    %dma_start3A_252 = arith.constant 0 : i32
    %dma_start3A_253 = tpu.memref_slice %arg5[%add3A_244, %dma_start3A_252] : memref<320000x128xf32, #tpu.memory_space<hbm>> -> memref<40x128xf32, #tpu.memory_space<hbm>>
    tpu.enqueue_dma source(%dma_start3A_253 : memref<40x128xf32, #tpu.memory_space<hbm>>) target(%arg16 : memref<40x128xf32, #tpu.memory_space<vmem>>) target_semaphore(%arg20 : memref<!tpu.dma_semaphore, #tpu.memory_space<semaphore_mem>>)
    %dma_start3A_254 = tpu.memref_slice %arg4[%add3A_244] : memref<320000xi32, #tpu.memory_space<hbm>> -> memref<40xi32, #tpu.memory_space<hbm>>
    %dma_start3A_255 = tpu.memref_slice %arg4[%add3A_244] : memref<320000xi32, #tpu.memory_space<hbm>> -> memref<40xi32, #tpu.memory_space<hbm>>
    tpu.enqueue_dma source(%dma_start3A_255 : memref<40xi32, #tpu.memory_space<hbm>>) target(%arg10 : memref<40xi32, #tpu.memory_space<vmem>>) target_semaphore(%arg20 : memref<!tpu.dma_semaphore, #tpu.memory_space<semaphore_mem>>)
    %dma_wait3A_256 = arith.constant 0 : i32
    %dma_wait3A_257 = tpu.memref_slice %arg7[%dma_wait3A_256] : memref<10000xi32, #tpu.memory_space<vmem>> -> memref<40xi32, #tpu.memory_space<vmem>>
    %dma_wait3A_258 = arith.constant 0 : i32
    %dma_wait3A_259 = arith.constant 0 : i32
    %dma_wait3A_260 = tpu.memref_slice %arg2[%dma_wait3A_258, %dma_wait3A_259] : memref<10000x128xf32, #tpu.memory_space<hbm>> -> memref<10000x128xf32, #tpu.memory_space<hbm>>
    tpu.wait_indirect_dma semaphore(%arg19 : memref<!tpu.dma_semaphore, #tpu.memory_space<semaphore_mem>>) src(%dma_wait3A_260 : memref<10000x128xf32, #tpu.memory_space<hbm>>) dst(%arg12 : memref<40x128xf32, #tpu.memory_space<vmem>>)
    %dma_wait3A_261 = arith.constant 0 : i32
    %dma_wait3A_262 = arith.constant 0 : i32
    %dma_wait3A_263 = tpu.memref_slice %arg5[%dma_wait3A_261, %dma_wait3A_262] : memref<320000x128xf32, #tpu.memory_space<hbm>> -> memref<40x128xf32, #tpu.memory_space<hbm>>
    %dma_wait3A_264 = arith.constant 0 : i32
    %dma_wait3A_265 = arith.constant 0 : i32
    %dma_wait3A_266 = tpu.memref_slice %arg5[%dma_wait3A_264, %dma_wait3A_265] : memref<320000x128xf32, #tpu.memory_space<hbm>> -> memref<40x128xf32, #tpu.memory_space<hbm>>
    tpu.wait_dma2 semaphore(%arg19 : memref<!tpu.dma_semaphore, #tpu.memory_space<semaphore_mem>>) src(%dma_wait3A_266 : memref<40x128xf32, #tpu.memory_space<hbm>>) dst(%arg15 : memref<40x128xf32, #tpu.memory_space<vmem>>)
    %dma_wait3A_267 = arith.constant 0 : i32
    %dma_wait3A_268 = tpu.memref_slice %arg4[%dma_wait3A_267] : memref<320000xi32, #tpu.memory_space<hbm>> -> memref<40xi32, #tpu.memory_space<hbm>>
    %dma_wait3A_269 = arith.constant 0 : i32
    %dma_wait3A_270 = tpu.memref_slice %arg4[%dma_wait3A_269] : memref<320000xi32, #tpu.memory_space<hbm>> -> memref<40xi32, #tpu.memory_space<hbm>>
    tpu.wait_dma2 semaphore(%arg19 : memref<!tpu.dma_semaphore, #tpu.memory_space<semaphore_mem>>) src(%dma_wait3A_270 : memref<40xi32, #tpu.memory_space<hbm>>) dst(%arg9 : memref<40xi32, #tpu.memory_space<vmem>>)
    %parallel_loop3A_271 = arith.constant 0 : i32
    %parallel_loop3A_272 = arith.constant 40 : i32
    %parallel_loop3A_273 = arith.constant 1 : i32
    scf.for %parallel_loop3A_354 = %parallel_loop3A_271 to %parallel_loop3A_272 step %parallel_loop3A_273  : i32 {
      %parallel_loop3A_355 = arith.index_cast %parallel_loop3A_354 : i32 to index
      %parallel_loop3A_356 = arith.constant 0 : index
      %parallel_loop3A_357 = tpu.vector_load %arg12[%parallel_loop3A_355, %parallel_loop3A_356] {strides = array<i32>} : memref<40x128xf32, #tpu.memory_space<vmem>>, vector<1x16xf32>,
      %parallel_loop3A_358 = vector.shape_cast %parallel_loop3A_357 : vector<1x16xf32> to vector<16xf32>
      %parallel_loop3A_359 = arith.index_cast %parallel_loop3A_354 : i32 to index
      %parallel_loop3A_360 = arith.constant 0 : index
      %parallel_loop3A_361 = tpu.vector_load %arg15[%parallel_loop3A_359, %parallel_loop3A_360] {strides = array<i32>} : memref<40x128xf32, #tpu.memory_space<vmem>>, vector<1x16xf32>,
      %parallel_loop3A_362 = vector.shape_cast %parallel_loop3A_361 : vector<1x16xf32> to vector<16xf32>
      %parallel_loop3A_363 = arith.addf %parallel_loop3A_358, %parallel_loop3A_362 : vector<16xf32>
      %parallel_loop3A_364 = arith.constant 0.000000e+00 : f32
      %parallel_loop3A_365 = vector.broadcast %parallel_loop3A_364 : f32 to vector<16xf32>
      %parallel_loop3A_366 = arith.maximumf %parallel_loop3A_363, %parallel_loop3A_365 : vector<16xf32>
      %parallel_loop3A_367 = arith.index_cast %parallel_loop3A_354 : i32 to index
      %parallel_loop3A_368 = arith.constant 0 : index
      %parallel_loop3A_369 = tpu.vector_load %arg15[%parallel_loop3A_367, %parallel_loop3A_368] {strides = array<i32>} : memref<40x128xf32, #tpu.memory_space<vmem>>, vector<1x16xf32>,
      %parallel_loop3A_370 = vector.shape_cast %parallel_loop3A_369 : vector<1x16xf32> to vector<16xf32>
      %parallel_loop3A_371 = vector.shape_cast %parallel_loop3A_366 : vector<16xf32> to vector<1x16xf32>
      tpu.vector_store %arg15[%parallel_loop3A_367, %parallel_loop3A_368], %parallel_loop3A_371 {strides = array<i32>} : memref<40x128xf32, #tpu.memory_space<vmem>>, vector<1x16xf32>,
      %parallel_loop3A_372 = arith.index_cast %parallel_loop3A_354 : i32 to index
      %parallel_loop3A_373 = arith.constant 16 : index
      %parallel_loop3A_374 = tpu.vector_load %arg12[%parallel_loop3A_372, %parallel_loop3A_373] {strides = array<i32>} : memref<40x128xf32, #tpu.memory_space<vmem>>, vector<1x16xf32>,
      %parallel_loop3A_375 = vector.shape_cast %parallel_loop3A_374 : vector<1x16xf32> to vector<16xf32>
      %parallel_loop3A_376 = arith.index_cast %parallel_loop3A_354 : i32 to index
      %parallel_loop3A_377 = arith.constant 16 : index
      %parallel_loop3A_378 = tpu.vector_load %arg15[%parallel_loop3A_376, %parallel_loop3A_377] {strides = array<i32>} : memref<40x128xf32, #tpu.memory_space<vmem>>, vector<1x16xf32>,
      %parallel_loop3A_379 = vector.shape_cast %parallel_loop3A_378 : vector<1x16xf32> to vector<16xf32>
      %parallel_loop3A_380 = arith.addf %parallel_loop3A_375, %parallel_loop3A_379 : vector<16xf32>
      %parallel_loop3A_381 = arith.constant 0.000000e+00 : f32
      %parallel_loop3A_382 = vector.broadcast %parallel_loop3A_381 : f32 to vector<16xf32>
      %parallel_loop3A_383 = arith.maximumf %parallel_loop3A_380, %parallel_loop3A_382 : vector<16xf32>
      %parallel_loop3A_384 = arith.index_cast %parallel_loop3A_354 : i32 to index
      %parallel_loop3A_385 = arith.constant 16 : index
      %parallel_loop3A_386 = tpu.vector_load %arg15[%parallel_loop3A_384, %parallel_loop3A_385] {strides = array<i32>} : memref<40x128xf32, #tpu.memory_space<vmem>>, vector<1x16xf32>,
      %parallel_loop3A_387 = vector.shape_cast %parallel_loop3A_386 : vector<1x16xf32> to vector<16xf32>
      %parallel_loop3A_388 = vector.shape_cast %parallel_loop3A_383 : vector<16xf32> to vector<1x16xf32>
      tpu.vector_store %arg15[%parallel_loop3A_384, %parallel_loop3A_385], %parallel_loop3A_388 {strides = array<i32>} : memref<40x128xf32, #tpu.memory_space<vmem>>, vector<1x16xf32>,
      %parallel_loop3A_389 = arith.index_cast %parallel_loop3A_354 : i32 to index
      %parallel_loop3A_390 = arith.constant 32 : index
      %parallel_loop3A_391 = tpu.vector_load %arg12[%parallel_loop3A_389, %parallel_loop3A_390] {strides = array<i32>} : memref<40x128xf32, #tpu.memory_space<vmem>>, vector<1x16xf32>,
      %parallel_loop3A_392 = vector.shape_cast %parallel_loop3A_391 : vector<1x16xf32> to vector<16xf32>
      %parallel_loop3A_393 = arith.index_cast %parallel_loop3A_354 : i32 to index
      %parallel_loop3A_394 = arith.constant 32 : index
      %parallel_loop3A_395 = tpu.vector_load %arg15[%parallel_loop3A_393, %parallel_loop3A_394] {strides = array<i32>} : memref<40x128xf32, #tpu.memory_space<vmem>>, vector<1x16xf32>,
      %parallel_loop3A_396 = vector.shape_cast %parallel_loop3A_395 : vector<1x16xf32> to vector<16xf32>
      %parallel_loop3A_397 = arith.addf %parallel_loop3A_392, %parallel_loop3A_396 : vector<16xf32>
      %parallel_loop3A_398 = arith.constant 0.000000e+00 : f32
      %parallel_loop3A_399 = vector.broadcast %parallel_loop3A_398 : f32 to vector<16xf32>
      %parallel_loop3A_400 = arith.maximumf %parallel_loop3A_397, %parallel_loop3A_399 : vector<16xf32>
      %parallel_loop3A_401 = arith.index_cast %parallel_loop3A_354 : i32 to index
      %parallel_loop3A_402 = arith.constant 32 : index
      %parallel_loop3A_403 = tpu.vector_load %arg15[%parallel_loop3A_401, %parallel_loop3A_402] {strides = array<i32>} : memref<40x128xf32, #tpu.memory_space<vmem>>, vector<1x16xf32>,
      %parallel_loop3A_404 = vector.shape_cast %parallel_loop3A_403 : vector<1x16xf32> to vector<16xf32>
      %parallel_loop3A_405 = vector.shape_cast %parallel_loop3A_400 : vector<16xf32> to vector<1x16xf32>
      tpu.vector_store %arg15[%parallel_loop3A_401, %parallel_loop3A_402], %parallel_loop3A_405 {strides = array<i32>} : memref<40x128xf32, #tpu.memory_space<vmem>>, vector<1x16xf32>,
      %parallel_loop3A_406 = arith.index_cast %parallel_loop3A_354 : i32 to index
      %parallel_loop3A_407 = arith.constant 48 : index
      %parallel_loop3A_408 = tpu.vector_load %arg12[%parallel_loop3A_406, %parallel_loop3A_407] {strides = array<i32>} : memref<40x128xf32, #tpu.memory_space<vmem>>, vector<1x16xf32>,
      %parallel_loop3A_409 = vector.shape_cast %parallel_loop3A_408 : vector<1x16xf32> to vector<16xf32>
      %parallel_loop3A_410 = arith.index_cast %parallel_loop3A_354 : i32 to index
      %parallel_loop3A_411 = arith.constant 48 : index
      %parallel_loop3A_412 = tpu.vector_load %arg15[%parallel_loop3A_410, %parallel_loop3A_411] {strides = array<i32>} : memref<40x128xf32, #tpu.memory_space<vmem>>, vector<1x16xf32>,
      %parallel_loop3A_413 = vector.shape_cast %parallel_loop3A_412 : vector<1x16xf32> to vector<16xf32>
      %parallel_loop3A_414 = arith.addf %parallel_loop3A_409, %parallel_loop3A_413 : vector<16xf32>
      %parallel_loop3A_415 = arith.constant 0.000000e+00 : f32
      %parallel_loop3A_416 = vector.broadcast %parallel_loop3A_415 : f32 to vector<16xf32>
      %parallel_loop3A_417 = arith.maximumf %parallel_loop3A_414, %parallel_loop3A_416 : vector<16xf32>
      %parallel_loop3A_418 = arith.index_cast %parallel_loop3A_354 : i32 to index
      %parallel_loop3A_419 = arith.constant 48 : index
      %parallel_loop3A_420 = tpu.vector_load %arg15[%parallel_loop3A_418, %parallel_loop3A_419] {strides = array<i32>} : memref<40x128xf32, #tpu.memory_space<vmem>>, vector<1x16xf32>,
      %parallel_loop3A_421 = vector.shape_cast %parallel_loop3A_420 : vector<1x16xf32> to vector<16xf32>
      %parallel_loop3A_422 = vector.shape_cast %parallel_loop3A_417 : vector<16xf32> to vector<1x16xf32>
      tpu.vector_store %arg15[%parallel_loop3A_418, %parallel_loop3A_419], %parallel_loop3A_422 {strides = array<i32>} : memref<40x128xf32, #tpu.memory_space<vmem>>, vector<1x16xf32>,
      %parallel_loop3A_423 = arith.index_cast %parallel_loop3A_354 : i32 to index
      %parallel_loop3A_424 = arith.constant 64 : index
      %parallel_loop3A_425 = tpu.vector_load %arg12[%parallel_loop3A_423, %parallel_loop3A_424] {strides = array<i32>} : memref<40x128xf32, #tpu.memory_space<vmem>>, vector<1x16xf32>,
      %parallel_loop3A_426 = vector.shape_cast %parallel_loop3A_425 : vector<1x16xf32> to vector<16xf32>
      %parallel_loop3A_427 = arith.index_cast %parallel_loop3A_354 : i32 to index
      %parallel_loop3A_428 = arith.constant 64 : index
      %parallel_loop3A_429 = tpu.vector_load %arg15[%parallel_loop3A_427, %parallel_loop3A_428] {strides = array<i32>} : memref<40x128xf32, #tpu.memory_space<vmem>>, vector<1x16xf32>,
      %parallel_loop3A_430 = vector.shape_cast %parallel_loop3A_429 : vector<1x16xf32> to vector<16xf32>
      %parallel_loop3A_431 = arith.addf %parallel_loop3A_426, %parallel_loop3A_430 : vector<16xf32>
      %parallel_loop3A_432 = arith.constant 0.000000e+00 : f32
      %parallel_loop3A_433 = vector.broadcast %parallel_loop3A_432 : f32 to vector<16xf32>
      %parallel_loop3A_434 = arith.maximumf %parallel_loop3A_431, %parallel_loop3A_433 : vector<16xf32>
      %parallel_loop3A_435 = arith.index_cast %parallel_loop3A_354 : i32 to index
      %parallel_loop3A_436 = arith.constant 64 : index
      %parallel_loop3A_437 = tpu.vector_load %arg15[%parallel_loop3A_435, %parallel_loop3A_436] {strides = array<i32>} : memref<40x128xf32, #tpu.memory_space<vmem>>, vector<1x16xf32>,
      %parallel_loop3A_438 = vector.shape_cast %parallel_loop3A_437 : vector<1x16xf32> to vector<16xf32>
      %parallel_loop3A_439 = vector.shape_cast %parallel_loop3A_434 : vector<16xf32> to vector<1x16xf32>
      tpu.vector_store %arg15[%parallel_loop3A_435, %parallel_loop3A_436], %parallel_loop3A_439 {strides = array<i32>} : memref<40x128xf32, #tpu.memory_space<vmem>>, vector<1x16xf32>,
      %parallel_loop3A_440 = arith.index_cast %parallel_loop3A_354 : i32 to index
      %parallel_loop3A_441 = arith.constant 80 : index
      %parallel_loop3A_442 = tpu.vector_load %arg12[%parallel_loop3A_440, %parallel_loop3A_441] {strides = array<i32>} : memref<40x128xf32, #tpu.memory_space<vmem>>, vector<1x16xf32>,
      %parallel_loop3A_443 = vector.shape_cast %parallel_loop3A_442 : vector<1x16xf32> to vector<16xf32>
      %parallel_loop3A_444 = arith.index_cast %parallel_loop3A_354 : i32 to index
      %parallel_loop3A_445 = arith.constant 80 : index
      %parallel_loop3A_446 = tpu.vector_load %arg15[%parallel_loop3A_444, %parallel_loop3A_445] {strides = array<i32>} : memref<40x128xf32, #tpu.memory_space<vmem>>, vector<1x16xf32>,
      %parallel_loop3A_447 = vector.shape_cast %parallel_loop3A_446 : vector<1x16xf32> to vector<16xf32>
      %parallel_loop3A_448 = arith.addf %parallel_loop3A_443, %parallel_loop3A_447 : vector<16xf32>
      %parallel_loop3A_449 = arith.constant 0.000000e+00 : f32
      %parallel_loop3A_450 = vector.broadcast %parallel_loop3A_449 : f32 to vector<16xf32>
      %parallel_loop3A_451 = arith.maximumf %parallel_loop3A_448, %parallel_loop3A_450 : vector<16xf32>
      %parallel_loop3A_452 = arith.index_cast %parallel_loop3A_354 : i32 to index
      %parallel_loop3A_453 = arith.constant 80 : index
      %parallel_loop3A_454 = tpu.vector_load %arg15[%parallel_loop3A_452, %parallel_loop3A_453] {strides = array<i32>} : memref<40x128xf32, #tpu.memory_space<vmem>>, vector<1x16xf32>,
      %parallel_loop3A_455 = vector.shape_cast %parallel_loop3A_454 : vector<1x16xf32> to vector<16xf32>
      %parallel_loop3A_456 = vector.shape_cast %parallel_loop3A_451 : vector<16xf32> to vector<1x16xf32>
      tpu.vector_store %arg15[%parallel_loop3A_452, %parallel_loop3A_453], %parallel_loop3A_456 {strides = array<i32>} : memref<40x128xf32, #tpu.memory_space<vmem>>, vector<1x16xf32>,
      %parallel_loop3A_457 = arith.index_cast %parallel_loop3A_354 : i32 to index
      %parallel_loop3A_458 = arith.constant 96 : index
      %parallel_loop3A_459 = tpu.vector_load %arg12[%parallel_loop3A_457, %parallel_loop3A_458] {strides = array<i32>} : memref<40x128xf32, #tpu.memory_space<vmem>>, vector<1x16xf32>,
      %parallel_loop3A_460 = vector.shape_cast %parallel_loop3A_459 : vector<1x16xf32> to vector<16xf32>
      %parallel_loop3A_461 = arith.index_cast %parallel_loop3A_354 : i32 to index
      %parallel_loop3A_462 = arith.constant 96 : index
      %parallel_loop3A_463 = tpu.vector_load %arg15[%parallel_loop3A_461, %parallel_loop3A_462] {strides = array<i32>} : memref<40x128xf32, #tpu.memory_space<vmem>>, vector<1x16xf32>,
      %parallel_loop3A_464 = vector.shape_cast %parallel_loop3A_463 : vector<1x16xf32> to vector<16xf32>
      %parallel_loop3A_465 = arith.addf %parallel_loop3A_460, %parallel_loop3A_464 : vector<16xf32>
      %parallel_loop3A_466 = arith.constant 0.000000e+00 : f32
      %parallel_loop3A_467 = vector.broadcast %parallel_loop3A_466 : f32 to vector<16xf32>
      %parallel_loop3A_468 = arith.maximumf %parallel_loop3A_465, %parallel_loop3A_467 : vector<16xf32>
      %parallel_loop3A_469 = arith.index_cast %parallel_loop3A_354 : i32 to index
      %parallel_loop3A_470 = arith.constant 96 : index
      %parallel_loop3A_471 = tpu.vector_load %arg15[%parallel_loop3A_469, %parallel_loop3A_470] {strides = array<i32>} : memref<40x128xf32, #tpu.memory_space<vmem>>, vector<1x16xf32>,
      %parallel_loop3A_472 = vector.shape_cast %parallel_loop3A_471 : vector<1x16xf32> to vector<16xf32>
      %parallel_loop3A_473 = vector.shape_cast %parallel_loop3A_468 : vector<16xf32> to vector<1x16xf32>
      tpu.vector_store %arg15[%parallel_loop3A_469, %parallel_loop3A_470], %parallel_loop3A_473 {strides = array<i32>} : memref<40x128xf32, #tpu.memory_space<vmem>>, vector<1x16xf32>,
      %parallel_loop3A_474 = arith.index_cast %parallel_loop3A_354 : i32 to index
      %parallel_loop3A_475 = arith.constant 112 : index
      %parallel_loop3A_476 = tpu.vector_load %arg12[%parallel_loop3A_474, %parallel_loop3A_475] {strides = array<i32>} : memref<40x128xf32, #tpu.memory_space<vmem>>, vector<1x16xf32>,
      %parallel_loop3A_477 = vector.shape_cast %parallel_loop3A_476 : vector<1x16xf32> to vector<16xf32>
      %parallel_loop3A_478 = arith.index_cast %parallel_loop3A_354 : i32 to index
      %parallel_loop3A_479 = arith.constant 112 : index
      %parallel_loop3A_480 = tpu.vector_load %arg15[%parallel_loop3A_478, %parallel_loop3A_479] {strides = array<i32>} : memref<40x128xf32, #tpu.memory_space<vmem>>, vector<1x16xf32>,
      %parallel_loop3A_481 = vector.shape_cast %parallel_loop3A_480 : vector<1x16xf32> to vector<16xf32>
      %parallel_loop3A_482 = arith.addf %parallel_loop3A_477, %parallel_loop3A_481 : vector<16xf32>
      %parallel_loop3A_483 = arith.constant 0.000000e+00 : f32
      %parallel_loop3A_484 = vector.broadcast %parallel_loop3A_483 : f32 to vector<16xf32>
      %parallel_loop3A_485 = arith.maximumf %parallel_loop3A_482, %parallel_loop3A_484 : vector<16xf32>
      %parallel_loop3A_486 = arith.index_cast %parallel_loop3A_354 : i32 to index
      %parallel_loop3A_487 = arith.constant 112 : index
      %parallel_loop3A_488 = tpu.vector_load %arg15[%parallel_loop3A_486, %parallel_loop3A_487] {strides = array<i32>} : memref<40x128xf32, #tpu.memory_space<vmem>>, vector<1x16xf32>,
      %parallel_loop3A_489 = vector.shape_cast %parallel_loop3A_488 : vector<1x16xf32> to vector<16xf32>
      %parallel_loop3A_490 = vector.shape_cast %parallel_loop3A_485 : vector<16xf32> to vector<1x16xf32>
      tpu.vector_store %arg15[%parallel_loop3A_486, %parallel_loop3A_487], %parallel_loop3A_490 {strides = array<i32>} : memref<40x128xf32, #tpu.memory_space<vmem>>, vector<1x16xf32>,
    } {sc.loop_unroll_factor = 4 : i64, sc.parallel_access}
    %dma_start3A_274 = arith.constant 0 : i32
    %dma_start3A_275 = arith.constant 0 : i32
    %dma_start3A_276 = tpu.memref_slice %arg17[%dma_start3A_274, %dma_start3A_275] : memref<10000x128xf32, #tpu.memory_space<vmem_shared>> -> memref<10000x128xf32, #tpu.memory_space<vmem_shared>>
    tpu.enqueue_indirect_dma source(%arg15 : memref<40x128xf32, #tpu.memory_space<vmem>>) target(%dma_start3A_276 : memref<10000x128xf32, #tpu.memory_space<vmem_shared>>) offsets(%arg9 : memref<40xi32, #tpu.memory_space<vmem>>) semaphore(%arg22 : memref<!tpu.dma_semaphore, #tpu.memory_space<semaphore_mem>>) {add = true}
    %dma_wait3A_277 = arith.constant 0 : i32
    %dma_wait3A_278 = arith.constant 0 : i32
    %dma_wait3A_279 = tpu.memref_slice %arg17[%dma_wait3A_277, %dma_wait3A_278] : memref<10000x128xf32, #tpu.memory_space<vmem_shared>> -> memref<10000x128xf32, #tpu.memory_space<vmem_shared>>
    tpu.wait_indirect_dma semaphore(%arg21 : memref<!tpu.dma_semaphore, #tpu.memory_space<semaphore_mem>>) src(%arg14 : memref<40x128xf32, #tpu.memory_space<vmem>>) dst(%dma_wait3A_279 : memref<10000x128xf32, #tpu.memory_space<vmem_shared>>)
    %mul3A_280 = arith.constant 10000 : i32
    %mul3A_281 = arith.muli %add3A, %mul3A_280 : i32
    %add3A_282 = arith.constant 9960 : i32
    %add3A_283 = arith.addi %mul3A_281, %add3A_282 : i32
    %dma_start3A_284 = arith.constant 9960 : i32
    %dma_start3A_285 = tpu.memref_slice %arg7[%dma_start3A_284] : memref<10000xi32, #tpu.memory_space<vmem>> -> memref<40xi32, #tpu.memory_space<vmem>>
    %dma_start3A_286 = arith.constant 0 : i32
    %dma_start3A_287 = arith.constant 0 : i32
    %dma_start3A_288 = tpu.memref_slice %arg2[%dma_start3A_286, %dma_start3A_287] : memref<10000x128xf32, #tpu.memory_space<hbm>> -> memref<10000x128xf32, #tpu.memory_space<hbm>>
    tpu.enqueue_indirect_dma source(%dma_start3A_288 : memref<10000x128xf32, #tpu.memory_space<hbm>>) target(%arg11 : memref<40x128xf32, #tpu.memory_space<vmem>>) offsets(%dma_start3A_285 : memref<40xi32, #tpu.memory_space<vmem>>) semaphore(%arg18 : memref<!tpu.dma_semaphore, #tpu.memory_space<semaphore_mem>>)
    %dma_start3A_289 = arith.constant 0 : i32
    %dma_start3A_290 = tpu.memref_slice %arg5[%add3A_283, %dma_start3A_289] : memref<320000x128xf32, #tpu.memory_space<hbm>> -> memref<40x128xf32, #tpu.memory_space<hbm>>
    %dma_start3A_291 = arith.constant 0 : i32
    %dma_start3A_292 = tpu.memref_slice %arg5[%add3A_283, %dma_start3A_291] : memref<320000x128xf32, #tpu.memory_space<hbm>> -> memref<40x128xf32, #tpu.memory_space<hbm>>
    tpu.enqueue_dma source(%dma_start3A_292 : memref<40x128xf32, #tpu.memory_space<hbm>>) target(%arg14 : memref<40x128xf32, #tpu.memory_space<vmem>>) target_semaphore(%arg18 : memref<!tpu.dma_semaphore, #tpu.memory_space<semaphore_mem>>)
    %dma_start3A_293 = tpu.memref_slice %arg4[%add3A_283] : memref<320000xi32, #tpu.memory_space<hbm>> -> memref<40xi32, #tpu.memory_space<hbm>>
    %dma_start3A_294 = tpu.memref_slice %arg4[%add3A_283] : memref<320000xi32, #tpu.memory_space<hbm>> -> memref<40xi32, #tpu.memory_space<hbm>>
    tpu.enqueue_dma source(%dma_start3A_294 : memref<40xi32, #tpu.memory_space<hbm>>) target(%arg8 : memref<40xi32, #tpu.memory_space<vmem>>) target_semaphore(%arg18 : memref<!tpu.dma_semaphore, #tpu.memory_space<semaphore_mem>>)
    %dma_wait3A_295 = arith.constant 0 : i32
    %dma_wait3A_296 = tpu.memref_slice %arg7[%dma_wait3A_295] : memref<10000xi32, #tpu.memory_space<vmem>> -> memref<40xi32, #tpu.memory_space<vmem>>
    %dma_wait3A_297 = arith.constant 0 : i32
    %dma_wait3A_298 = arith.constant 0 : i32
    %dma_wait3A_299 = tpu.memref_slice %arg2[%dma_wait3A_297, %dma_wait3A_298] : memref<10000x128xf32, #tpu.memory_space<hbm>> -> memref<10000x128xf32, #tpu.memory_space<hbm>>
    tpu.wait_indirect_dma semaphore(%arg20 : memref<!tpu.dma_semaphore, #tpu.memory_space<semaphore_mem>>) src(%dma_wait3A_299 : memref<10000x128xf32, #tpu.memory_space<hbm>>) dst(%arg13 : memref<40x128xf32, #tpu.memory_space<vmem>>)
    %dma_wait3A_300 = arith.constant 0 : i32
    %dma_wait3A_301 = arith.constant 0 : i32
    %dma_wait3A_302 = tpu.memref_slice %arg5[%dma_wait3A_300, %dma_wait3A_301] : memref<320000x128xf32, #tpu.memory_space<hbm>> -> memref<40x128xf32, #tpu.memory_space<hbm>>
    %dma_wait3A_303 = arith.constant 0 : i32
    %dma_wait3A_304 = arith.constant 0 : i32
    %dma_wait3A_305 = tpu.memref_slice %arg5[%dma_wait3A_303, %dma_wait3A_304] : memref<320000x128xf32, #tpu.memory_space<hbm>> -> memref<40x128xf32, #tpu.memory_space<hbm>>
    tpu.wait_dma2 semaphore(%arg20 : memref<!tpu.dma_semaphore, #tpu.memory_space<semaphore_mem>>) src(%dma_wait3A_305 : memref<40x128xf32, #tpu.memory_space<hbm>>) dst(%arg16 : memref<40x128xf32, #tpu.memory_space<vmem>>)
    %dma_wait3A_306 = arith.constant 0 : i32
    %dma_wait3A_307 = tpu.memref_slice %arg4[%dma_wait3A_306] : memref<320000xi32, #tpu.memory_space<hbm>> -> memref<40xi32, #tpu.memory_space<hbm>>
    %dma_wait3A_308 = arith.constant 0 : i32
    %dma_wait3A_309 = tpu.memref_slice %arg4[%dma_wait3A_308] : memref<320000xi32, #tpu.memory_space<hbm>> -> memref<40xi32, #tpu.memory_space<hbm>>
    tpu.wait_dma2 semaphore(%arg20 : memref<!tpu.dma_semaphore, #tpu.memory_space<semaphore_mem>>) src(%dma_wait3A_309 : memref<40xi32, #tpu.memory_space<hbm>>) dst(%arg10 : memref<40xi32, #tpu.memory_space<vmem>>)
    %parallel_loop3A_310 = arith.constant 0 : i32
    %parallel_loop3A_311 = arith.constant 40 : i32
    %parallel_loop3A_312 = arith.constant 1 : i32
    scf.for %parallel_loop3A_354 = %parallel_loop3A_310 to %parallel_loop3A_311 step %parallel_loop3A_312  : i32 {
      %parallel_loop3A_355 = arith.index_cast %parallel_loop3A_354 : i32 to index
      %parallel_loop3A_356 = arith.constant 0 : index
      %parallel_loop3A_357 = tpu.vector_load %arg13[%parallel_loop3A_355, %parallel_loop3A_356] {strides = array<i32>} : memref<40x128xf32, #tpu.memory_space<vmem>>, vector<1x16xf32>,
      %parallel_loop3A_358 = vector.shape_cast %parallel_loop3A_357 : vector<1x16xf32> to vector<16xf32>
      %parallel_loop3A_359 = arith.index_cast %parallel_loop3A_354 : i32 to index
      %parallel_loop3A_360 = arith.constant 0 : index
      %parallel_loop3A_361 = tpu.vector_load %arg16[%parallel_loop3A_359, %parallel_loop3A_360] {strides = array<i32>} : memref<40x128xf32, #tpu.memory_space<vmem>>, vector<1x16xf32>,
      %parallel_loop3A_362 = vector.shape_cast %parallel_loop3A_361 : vector<1x16xf32> to vector<16xf32>
      %parallel_loop3A_363 = arith.addf %parallel_loop3A_358, %parallel_loop3A_362 : vector<16xf32>
      %parallel_loop3A_364 = arith.constant 0.000000e+00 : f32
      %parallel_loop3A_365 = vector.broadcast %parallel_loop3A_364 : f32 to vector<16xf32>
      %parallel_loop3A_366 = arith.maximumf %parallel_loop3A_363, %parallel_loop3A_365 : vector<16xf32>
      %parallel_loop3A_367 = arith.index_cast %parallel_loop3A_354 : i32 to index
      %parallel_loop3A_368 = arith.constant 0 : index
      %parallel_loop3A_369 = tpu.vector_load %arg16[%parallel_loop3A_367, %parallel_loop3A_368] {strides = array<i32>} : memref<40x128xf32, #tpu.memory_space<vmem>>, vector<1x16xf32>,
      %parallel_loop3A_370 = vector.shape_cast %parallel_loop3A_369 : vector<1x16xf32> to vector<16xf32>
      %parallel_loop3A_371 = vector.shape_cast %parallel_loop3A_366 : vector<16xf32> to vector<1x16xf32>
      tpu.vector_store %arg16[%parallel_loop3A_367, %parallel_loop3A_368], %parallel_loop3A_371 {strides = array<i32>} : memref<40x128xf32, #tpu.memory_space<vmem>>, vector<1x16xf32>,
      %parallel_loop3A_372 = arith.index_cast %parallel_loop3A_354 : i32 to index
      %parallel_loop3A_373 = arith.constant 16 : index
      %parallel_loop3A_374 = tpu.vector_load %arg13[%parallel_loop3A_372, %parallel_loop3A_373] {strides = array<i32>} : memref<40x128xf32, #tpu.memory_space<vmem>>, vector<1x16xf32>,
      %parallel_loop3A_375 = vector.shape_cast %parallel_loop3A_374 : vector<1x16xf32> to vector<16xf32>
      %parallel_loop3A_376 = arith.index_cast %parallel_loop3A_354 : i32 to index
      %parallel_loop3A_377 = arith.constant 16 : index
      %parallel_loop3A_378 = tpu.vector_load %arg16[%parallel_loop3A_376, %parallel_loop3A_377] {strides = array<i32>} : memref<40x128xf32, #tpu.memory_space<vmem>>, vector<1x16xf32>,
      %parallel_loop3A_379 = vector.shape_cast %parallel_loop3A_378 : vector<1x16xf32> to vector<16xf32>
      %parallel_loop3A_380 = arith.addf %parallel_loop3A_375, %parallel_loop3A_379 : vector<16xf32>
      %parallel_loop3A_381 = arith.constant 0.000000e+00 : f32
      %parallel_loop3A_382 = vector.broadcast %parallel_loop3A_381 : f32 to vector<16xf32>
      %parallel_loop3A_383 = arith.maximumf %parallel_loop3A_380, %parallel_loop3A_382 : vector<16xf32>
      %parallel_loop3A_384 = arith.index_cast %parallel_loop3A_354 : i32 to index
      %parallel_loop3A_385 = arith.constant 16 : index
      %parallel_loop3A_386 = tpu.vector_load %arg16[%parallel_loop3A_384, %parallel_loop3A_385] {strides = array<i32>} : memref<40x128xf32, #tpu.memory_space<vmem>>, vector<1x16xf32>,
      %parallel_loop3A_387 = vector.shape_cast %parallel_loop3A_386 : vector<1x16xf32> to vector<16xf32>
      %parallel_loop3A_388 = vector.shape_cast %parallel_loop3A_383 : vector<16xf32> to vector<1x16xf32>
      tpu.vector_store %arg16[%parallel_loop3A_384, %parallel_loop3A_385], %parallel_loop3A_388 {strides = array<i32>} : memref<40x128xf32, #tpu.memory_space<vmem>>, vector<1x16xf32>,
      %parallel_loop3A_389 = arith.index_cast %parallel_loop3A_354 : i32 to index
      %parallel_loop3A_390 = arith.constant 32 : index
      %parallel_loop3A_391 = tpu.vector_load %arg13[%parallel_loop3A_389, %parallel_loop3A_390] {strides = array<i32>} : memref<40x128xf32, #tpu.memory_space<vmem>>, vector<1x16xf32>,
      %parallel_loop3A_392 = vector.shape_cast %parallel_loop3A_391 : vector<1x16xf32> to vector<16xf32>
      %parallel_loop3A_393 = arith.index_cast %parallel_loop3A_354 : i32 to index
      %parallel_loop3A_394 = arith.constant 32 : index
      %parallel_loop3A_395 = tpu.vector_load %arg16[%parallel_loop3A_393, %parallel_loop3A_394] {strides = array<i32>} : memref<40x128xf32, #tpu.memory_space<vmem>>, vector<1x16xf32>,
      %parallel_loop3A_396 = vector.shape_cast %parallel_loop3A_395 : vector<1x16xf32> to vector<16xf32>
      %parallel_loop3A_397 = arith.addf %parallel_loop3A_392, %parallel_loop3A_396 : vector<16xf32>
      %parallel_loop3A_398 = arith.constant 0.000000e+00 : f32
      %parallel_loop3A_399 = vector.broadcast %parallel_loop3A_398 : f32 to vector<16xf32>
      %parallel_loop3A_400 = arith.maximumf %parallel_loop3A_397, %parallel_loop3A_399 : vector<16xf32>
      %parallel_loop3A_401 = arith.index_cast %parallel_loop3A_354 : i32 to index
      %parallel_loop3A_402 = arith.constant 32 : index
      %parallel_loop3A_403 = tpu.vector_load %arg16[%parallel_loop3A_401, %parallel_loop3A_402] {strides = array<i32>} : memref<40x128xf32, #tpu.memory_space<vmem>>, vector<1x16xf32>,
      %parallel_loop3A_404 = vector.shape_cast %parallel_loop3A_403 : vector<1x16xf32> to vector<16xf32>
      %parallel_loop3A_405 = vector.shape_cast %parallel_loop3A_400 : vector<16xf32> to vector<1x16xf32>
      tpu.vector_store %arg16[%parallel_loop3A_401, %parallel_loop3A_402], %parallel_loop3A_405 {strides = array<i32>} : memref<40x128xf32, #tpu.memory_space<vmem>>, vector<1x16xf32>,
      %parallel_loop3A_406 = arith.index_cast %parallel_loop3A_354 : i32 to index
      %parallel_loop3A_407 = arith.constant 48 : index
      %parallel_loop3A_408 = tpu.vector_load %arg13[%parallel_loop3A_406, %parallel_loop3A_407] {strides = array<i32>} : memref<40x128xf32, #tpu.memory_space<vmem>>, vector<1x16xf32>,
      %parallel_loop3A_409 = vector.shape_cast %parallel_loop3A_408 : vector<1x16xf32> to vector<16xf32>
      %parallel_loop3A_410 = arith.index_cast %parallel_loop3A_354 : i32 to index
      %parallel_loop3A_411 = arith.constant 48 : index
      %parallel_loop3A_412 = tpu.vector_load %arg16[%parallel_loop3A_410, %parallel_loop3A_411] {strides = array<i32>} : memref<40x128xf32, #tpu.memory_space<vmem>>, vector<1x16xf32>,
      %parallel_loop3A_413 = vector.shape_cast %parallel_loop3A_412 : vector<1x16xf32> to vector<16xf32>
      %parallel_loop3A_414 = arith.addf %parallel_loop3A_409, %parallel_loop3A_413 : vector<16xf32>
      %parallel_loop3A_415 = arith.constant 0.000000e+00 : f32
      %parallel_loop3A_416 = vector.broadcast %parallel_loop3A_415 : f32 to vector<16xf32>
      %parallel_loop3A_417 = arith.maximumf %parallel_loop3A_414, %parallel_loop3A_416 : vector<16xf32>
      %parallel_loop3A_418 = arith.index_cast %parallel_loop3A_354 : i32 to index
      %parallel_loop3A_419 = arith.constant 48 : index
      %parallel_loop3A_420 = tpu.vector_load %arg16[%parallel_loop3A_418, %parallel_loop3A_419] {strides = array<i32>} : memref<40x128xf32, #tpu.memory_space<vmem>>, vector<1x16xf32>,
      %parallel_loop3A_421 = vector.shape_cast %parallel_loop3A_420 : vector<1x16xf32> to vector<16xf32>
      %parallel_loop3A_422 = vector.shape_cast %parallel_loop3A_417 : vector<16xf32> to vector<1x16xf32>
      tpu.vector_store %arg16[%parallel_loop3A_418, %parallel_loop3A_419], %parallel_loop3A_422 {strides = array<i32>} : memref<40x128xf32, #tpu.memory_space<vmem>>, vector<1x16xf32>,
      %parallel_loop3A_423 = arith.index_cast %parallel_loop3A_354 : i32 to index
      %parallel_loop3A_424 = arith.constant 64 : index
      %parallel_loop3A_425 = tpu.vector_load %arg13[%parallel_loop3A_423, %parallel_loop3A_424] {strides = array<i32>} : memref<40x128xf32, #tpu.memory_space<vmem>>, vector<1x16xf32>,
      %parallel_loop3A_426 = vector.shape_cast %parallel_loop3A_425 : vector<1x16xf32> to vector<16xf32>
      %parallel_loop3A_427 = arith.index_cast %parallel_loop3A_354 : i32 to index
      %parallel_loop3A_428 = arith.constant 64 : index
      %parallel_loop3A_429 = tpu.vector_load %arg16[%parallel_loop3A_427, %parallel_loop3A_428] {strides = array<i32>} : memref<40x128xf32, #tpu.memory_space<vmem>>, vector<1x16xf32>,
      %parallel_loop3A_430 = vector.shape_cast %parallel_loop3A_429 : vector<1x16xf32> to vector<16xf32>
      %parallel_loop3A_431 = arith.addf %parallel_loop3A_426, %parallel_loop3A_430 : vector<16xf32>
      %parallel_loop3A_432 = arith.constant 0.000000e+00 : f32
      %parallel_loop3A_433 = vector.broadcast %parallel_loop3A_432 : f32 to vector<16xf32>
      %parallel_loop3A_434 = arith.maximumf %parallel_loop3A_431, %parallel_loop3A_433 : vector<16xf32>
      %parallel_loop3A_435 = arith.index_cast %parallel_loop3A_354 : i32 to index
      %parallel_loop3A_436 = arith.constant 64 : index
      %parallel_loop3A_437 = tpu.vector_load %arg16[%parallel_loop3A_435, %parallel_loop3A_436] {strides = array<i32>} : memref<40x128xf32, #tpu.memory_space<vmem>>, vector<1x16xf32>,
      %parallel_loop3A_438 = vector.shape_cast %parallel_loop3A_437 : vector<1x16xf32> to vector<16xf32>
      %parallel_loop3A_439 = vector.shape_cast %parallel_loop3A_434 : vector<16xf32> to vector<1x16xf32>
      tpu.vector_store %arg16[%parallel_loop3A_435, %parallel_loop3A_436], %parallel_loop3A_439 {strides = array<i32>} : memref<40x128xf32, #tpu.memory_space<vmem>>, vector<1x16xf32>,
      %parallel_loop3A_440 = arith.index_cast %parallel_loop3A_354 : i32 to index
      %parallel_loop3A_441 = arith.constant 80 : index
      %parallel_loop3A_442 = tpu.vector_load %arg13[%parallel_loop3A_440, %parallel_loop3A_441] {strides = array<i32>} : memref<40x128xf32, #tpu.memory_space<vmem>>, vector<1x16xf32>,
      %parallel_loop3A_443 = vector.shape_cast %parallel_loop3A_442 : vector<1x16xf32> to vector<16xf32>
      %parallel_loop3A_444 = arith.index_cast %parallel_loop3A_354 : i32 to index
      %parallel_loop3A_445 = arith.constant 80 : index
      %parallel_loop3A_446 = tpu.vector_load %arg16[%parallel_loop3A_444, %parallel_loop3A_445] {strides = array<i32>} : memref<40x128xf32, #tpu.memory_space<vmem>>, vector<1x16xf32>,
      %parallel_loop3A_447 = vector.shape_cast %parallel_loop3A_446 : vector<1x16xf32> to vector<16xf32>
      %parallel_loop3A_448 = arith.addf %parallel_loop3A_443, %parallel_loop3A_447 : vector<16xf32>
      %parallel_loop3A_449 = arith.constant 0.000000e+00 : f32
      %parallel_loop3A_450 = vector.broadcast %parallel_loop3A_449 : f32 to vector<16xf32>
      %parallel_loop3A_451 = arith.maximumf %parallel_loop3A_448, %parallel_loop3A_450 : vector<16xf32>
      %parallel_loop3A_452 = arith.index_cast %parallel_loop3A_354 : i32 to index
      %parallel_loop3A_453 = arith.constant 80 : index
      %parallel_loop3A_454 = tpu.vector_load %arg16[%parallel_loop3A_452, %parallel_loop3A_453] {strides = array<i32>} : memref<40x128xf32, #tpu.memory_space<vmem>>, vector<1x16xf32>,
      %parallel_loop3A_455 = vector.shape_cast %parallel_loop3A_454 : vector<1x16xf32> to vector<16xf32>
      %parallel_loop3A_456 = vector.shape_cast %parallel_loop3A_451 : vector<16xf32> to vector<1x16xf32>
      tpu.vector_store %arg16[%parallel_loop3A_452, %parallel_loop3A_453], %parallel_loop3A_456 {strides = array<i32>} : memref<40x128xf32, #tpu.memory_space<vmem>>, vector<1x16xf32>,
      %parallel_loop3A_457 = arith.index_cast %parallel_loop3A_354 : i32 to index
      %parallel_loop3A_458 = arith.constant 96 : index
      %parallel_loop3A_459 = tpu.vector_load %arg13[%parallel_loop3A_457, %parallel_loop3A_458] {strides = array<i32>} : memref<40x128xf32, #tpu.memory_space<vmem>>, vector<1x16xf32>,
      %parallel_loop3A_460 = vector.shape_cast %parallel_loop3A_459 : vector<1x16xf32> to vector<16xf32>
      %parallel_loop3A_461 = arith.index_cast %parallel_loop3A_354 : i32 to index
      %parallel_loop3A_462 = arith.constant 96 : index
      %parallel_loop3A_463 = tpu.vector_load %arg16[%parallel_loop3A_461, %parallel_loop3A_462] {strides = array<i32>} : memref<40x128xf32, #tpu.memory_space<vmem>>, vector<1x16xf32>,
      %parallel_loop3A_464 = vector.shape_cast %parallel_loop3A_463 : vector<1x16xf32> to vector<16xf32>
      %parallel_loop3A_465 = arith.addf %parallel_loop3A_460, %parallel_loop3A_464 : vector<16xf32>
      %parallel_loop3A_466 = arith.constant 0.000000e+00 : f32
      %parallel_loop3A_467 = vector.broadcast %parallel_loop3A_466 : f32 to vector<16xf32>
      %parallel_loop3A_468 = arith.maximumf %parallel_loop3A_465, %parallel_loop3A_467 : vector<16xf32>
      %parallel_loop3A_469 = arith.index_cast %parallel_loop3A_354 : i32 to index
      %parallel_loop3A_470 = arith.constant 96 : index
      %parallel_loop3A_471 = tpu.vector_load %arg16[%parallel_loop3A_469, %parallel_loop3A_470] {strides = array<i32>} : memref<40x128xf32, #tpu.memory_space<vmem>>, vector<1x16xf32>,
      %parallel_loop3A_472 = vector.shape_cast %parallel_loop3A_471 : vector<1x16xf32> to vector<16xf32>
      %parallel_loop3A_473 = vector.shape_cast %parallel_loop3A_468 : vector<16xf32> to vector<1x16xf32>
      tpu.vector_store %arg16[%parallel_loop3A_469, %parallel_loop3A_470], %parallel_loop3A_473 {strides = array<i32>} : memref<40x128xf32, #tpu.memory_space<vmem>>, vector<1x16xf32>,
      %parallel_loop3A_474 = arith.index_cast %parallel_loop3A_354 : i32 to index
      %parallel_loop3A_475 = arith.constant 112 : index
      %parallel_loop3A_476 = tpu.vector_load %arg13[%parallel_loop3A_474, %parallel_loop3A_475] {strides = array<i32>} : memref<40x128xf32, #tpu.memory_space<vmem>>, vector<1x16xf32>,
      %parallel_loop3A_477 = vector.shape_cast %parallel_loop3A_476 : vector<1x16xf32> to vector<16xf32>
      %parallel_loop3A_478 = arith.index_cast %parallel_loop3A_354 : i32 to index
      %parallel_loop3A_479 = arith.constant 112 : index
      %parallel_loop3A_480 = tpu.vector_load %arg16[%parallel_loop3A_478, %parallel_loop3A_479] {strides = array<i32>} : memref<40x128xf32, #tpu.memory_space<vmem>>, vector<1x16xf32>,
      %parallel_loop3A_481 = vector.shape_cast %parallel_loop3A_480 : vector<1x16xf32> to vector<16xf32>
      %parallel_loop3A_482 = arith.addf %parallel_loop3A_477, %parallel_loop3A_481 : vector<16xf32>
      %parallel_loop3A_483 = arith.constant 0.000000e+00 : f32
      %parallel_loop3A_484 = vector.broadcast %parallel_loop3A_483 : f32 to vector<16xf32>
      %parallel_loop3A_485 = arith.maximumf %parallel_loop3A_482, %parallel_loop3A_484 : vector<16xf32>
      %parallel_loop3A_486 = arith.index_cast %parallel_loop3A_354 : i32 to index
      %parallel_loop3A_487 = arith.constant 112 : index
      %parallel_loop3A_488 = tpu.vector_load %arg16[%parallel_loop3A_486, %parallel_loop3A_487] {strides = array<i32>} : memref<40x128xf32, #tpu.memory_space<vmem>>, vector<1x16xf32>,
      %parallel_loop3A_489 = vector.shape_cast %parallel_loop3A_488 : vector<1x16xf32> to vector<16xf32>
      %parallel_loop3A_490 = vector.shape_cast %parallel_loop3A_485 : vector<16xf32> to vector<1x16xf32>
      tpu.vector_store %arg16[%parallel_loop3A_486, %parallel_loop3A_487], %parallel_loop3A_490 {strides = array<i32>} : memref<40x128xf32, #tpu.memory_space<vmem>>, vector<1x16xf32>,
    } {sc.loop_unroll_factor = 4 : i64, sc.parallel_access}
    %dma_start3A_313 = arith.constant 0 : i32
    %dma_start3A_314 = arith.constant 0 : i32
    %dma_start3A_315 = tpu.memref_slice %arg17[%dma_start3A_313, %dma_start3A_314] : memref<10000x128xf32, #tpu.memory_space<vmem_shared>> -> memref<10000x128xf32, #tpu.memory_space<vmem_shared>>
    tpu.enqueue_indirect_dma source(%arg16 : memref<40x128xf32, #tpu.memory_space<vmem>>) target(%dma_start3A_315 : memref<10000x128xf32, #tpu.memory_space<vmem_shared>>) offsets(%arg10 : memref<40xi32, #tpu.memory_space<vmem>>) semaphore(%arg23 : memref<!tpu.dma_semaphore, #tpu.memory_space<semaphore_mem>>) {add = true}
    %dma_wait3A_316 = arith.constant 0 : i32
    %dma_wait3A_317 = tpu.memref_slice %arg7[%dma_wait3A_316] : memref<10000xi32, #tpu.memory_space<vmem>> -> memref<40xi32, #tpu.memory_space<vmem>>
    %dma_wait3A_318 = arith.constant 0 : i32
    %dma_wait3A_319 = arith.constant 0 : i32
    %dma_wait3A_320 = tpu.memref_slice %arg2[%dma_wait3A_318, %dma_wait3A_319] : memref<10000x128xf32, #tpu.memory_space<hbm>> -> memref<10000x128xf32, #tpu.memory_space<hbm>>
    tpu.wait_indirect_dma semaphore(%arg18 : memref<!tpu.dma_semaphore, #tpu.memory_space<semaphore_mem>>) src(%dma_wait3A_320 : memref<10000x128xf32, #tpu.memory_space<hbm>>) dst(%arg11 : memref<40x128xf32, #tpu.memory_space<vmem>>)
    %dma_wait3A_321 = arith.constant 0 : i32
    %dma_wait3A_322 = arith.constant 0 : i32
    %dma_wait3A_323 = tpu.memref_slice %arg5[%dma_wait3A_321, %dma_wait3A_322] : memref<320000x128xf32, #tpu.memory_space<hbm>> -> memref<40x128xf32, #tpu.memory_space<hbm>>
    %dma_wait3A_324 = arith.constant 0 : i32
    %dma_wait3A_325 = arith.constant 0 : i32
    %dma_wait3A_326 = tpu.memref_slice %arg5[%dma_wait3A_324, %dma_wait3A_325] : memref<320000x128xf32, #tpu.memory_space<hbm>> -> memref<40x128xf32, #tpu.memory_space<hbm>>
    tpu.wait_dma2 semaphore(%arg18 : memref<!tpu.dma_semaphore, #tpu.memory_space<semaphore_mem>>) src(%dma_wait3A_326 : memref<40x128xf32, #tpu.memory_space<hbm>>) dst(%arg14 : memref<40x128xf32, #tpu.memory_space<vmem>>)
    %dma_wait3A_327 = arith.constant 0 : i32
    %dma_wait3A_328 = tpu.memref_slice %arg4[%dma_wait3A_327] : memref<320000xi32, #tpu.memory_space<hbm>> -> memref<40xi32, #tpu.memory_space<hbm>>
    %dma_wait3A_329 = arith.constant 0 : i32
    %dma_wait3A_330 = tpu.memref_slice %arg4[%dma_wait3A_329] : memref<320000xi32, #tpu.memory_space<hbm>> -> memref<40xi32, #tpu.memory_space<hbm>>
    tpu.wait_dma2 semaphore(%arg18 : memref<!tpu.dma_semaphore, #tpu.memory_space<semaphore_mem>>) src(%dma_wait3A_330 : memref<40xi32, #tpu.memory_space<hbm>>) dst(%arg8 : memref<40xi32, #tpu.memory_space<vmem>>)
    %parallel_loop3A_331 = arith.constant 0 : i32
    %parallel_loop3A_332 = arith.constant 40 : i32
    %parallel_loop3A_333 = arith.constant 1 : i32
    scf.for %parallel_loop3A_354 = %parallel_loop3A_331 to %parallel_loop3A_332 step %parallel_loop3A_333  : i32 {
      %parallel_loop3A_355 = arith.index_cast %parallel_loop3A_354 : i32 to index
      %parallel_loop3A_356 = arith.constant 0 : index
      %parallel_loop3A_357 = tpu.vector_load %arg11[%parallel_loop3A_355, %parallel_loop3A_356] {strides = array<i32>} : memref<40x128xf32, #tpu.memory_space<vmem>>, vector<1x16xf32>,
      %parallel_loop3A_358 = vector.shape_cast %parallel_loop3A_357 : vector<1x16xf32> to vector<16xf32>
      %parallel_loop3A_359 = arith.index_cast %parallel_loop3A_354 : i32 to index
      %parallel_loop3A_360 = arith.constant 0 : index
      %parallel_loop3A_361 = tpu.vector_load %arg14[%parallel_loop3A_359, %parallel_loop3A_360] {strides = array<i32>} : memref<40x128xf32, #tpu.memory_space<vmem>>, vector<1x16xf32>,
      %parallel_loop3A_362 = vector.shape_cast %parallel_loop3A_361 : vector<1x16xf32> to vector<16xf32>
      %parallel_loop3A_363 = arith.addf %parallel_loop3A_358, %parallel_loop3A_362 : vector<16xf32>
      %parallel_loop3A_364 = arith.constant 0.000000e+00 : f32
      %parallel_loop3A_365 = vector.broadcast %parallel_loop3A_364 : f32 to vector<16xf32>
      %parallel_loop3A_366 = arith.maximumf %parallel_loop3A_363, %parallel_loop3A_365 : vector<16xf32>
      %parallel_loop3A_367 = arith.index_cast %parallel_loop3A_354 : i32 to index
      %parallel_loop3A_368 = arith.constant 0 : index
      %parallel_loop3A_369 = tpu.vector_load %arg14[%parallel_loop3A_367, %parallel_loop3A_368] {strides = array<i32>} : memref<40x128xf32, #tpu.memory_space<vmem>>, vector<1x16xf32>,
      %parallel_loop3A_370 = vector.shape_cast %parallel_loop3A_369 : vector<1x16xf32> to vector<16xf32>
      %parallel_loop3A_371 = vector.shape_cast %parallel_loop3A_366 : vector<16xf32> to vector<1x16xf32>
      tpu.vector_store %arg14[%parallel_loop3A_367, %parallel_loop3A_368], %parallel_loop3A_371 {strides = array<i32>} : memref<40x128xf32, #tpu.memory_space<vmem>>, vector<1x16xf32>,
      %parallel_loop3A_372 = arith.index_cast %parallel_loop3A_354 : i32 to index
      %parallel_loop3A_373 = arith.constant 16 : index
      %parallel_loop3A_374 = tpu.vector_load %arg11[%parallel_loop3A_372, %parallel_loop3A_373] {strides = array<i32>} : memref<40x128xf32, #tpu.memory_space<vmem>>, vector<1x16xf32>,
      %parallel_loop3A_375 = vector.shape_cast %parallel_loop3A_374 : vector<1x16xf32> to vector<16xf32>
      %parallel_loop3A_376 = arith.index_cast %parallel_loop3A_354 : i32 to index
      %parallel_loop3A_377 = arith.constant 16 : index
      %parallel_loop3A_378 = tpu.vector_load %arg14[%parallel_loop3A_376, %parallel_loop3A_377] {strides = array<i32>} : memref<40x128xf32, #tpu.memory_space<vmem>>, vector<1x16xf32>,
      %parallel_loop3A_379 = vector.shape_cast %parallel_loop3A_378 : vector<1x16xf32> to vector<16xf32>
      %parallel_loop3A_380 = arith.addf %parallel_loop3A_375, %parallel_loop3A_379 : vector<16xf32>
      %parallel_loop3A_381 = arith.constant 0.000000e+00 : f32
      %parallel_loop3A_382 = vector.broadcast %parallel_loop3A_381 : f32 to vector<16xf32>
      %parallel_loop3A_383 = arith.maximumf %parallel_loop3A_380, %parallel_loop3A_382 : vector<16xf32>
      %parallel_loop3A_384 = arith.index_cast %parallel_loop3A_354 : i32 to index
      %parallel_loop3A_385 = arith.constant 16 : index
      %parallel_loop3A_386 = tpu.vector_load %arg14[%parallel_loop3A_384, %parallel_loop3A_385] {strides = array<i32>} : memref<40x128xf32, #tpu.memory_space<vmem>>, vector<1x16xf32>,
      %parallel_loop3A_387 = vector.shape_cast %parallel_loop3A_386 : vector<1x16xf32> to vector<16xf32>
      %parallel_loop3A_388 = vector.shape_cast %parallel_loop3A_383 : vector<16xf32> to vector<1x16xf32>
      tpu.vector_store %arg14[%parallel_loop3A_384, %parallel_loop3A_385], %parallel_loop3A_388 {strides = array<i32>} : memref<40x128xf32, #tpu.memory_space<vmem>>, vector<1x16xf32>,
      %parallel_loop3A_389 = arith.index_cast %parallel_loop3A_354 : i32 to index
      %parallel_loop3A_390 = arith.constant 32 : index
      %parallel_loop3A_391 = tpu.vector_load %arg11[%parallel_loop3A_389, %parallel_loop3A_390] {strides = array<i32>} : memref<40x128xf32, #tpu.memory_space<vmem>>, vector<1x16xf32>,
      %parallel_loop3A_392 = vector.shape_cast %parallel_loop3A_391 : vector<1x16xf32> to vector<16xf32>
      %parallel_loop3A_393 = arith.index_cast %parallel_loop3A_354 : i32 to index
      %parallel_loop3A_394 = arith.constant 32 : index
      %parallel_loop3A_395 = tpu.vector_load %arg14[%parallel_loop3A_393, %parallel_loop3A_394] {strides = array<i32>} : memref<40x128xf32, #tpu.memory_space<vmem>>, vector<1x16xf32>,
      %parallel_loop3A_396 = vector.shape_cast %parallel_loop3A_395 : vector<1x16xf32> to vector<16xf32>
      %parallel_loop3A_397 = arith.addf %parallel_loop3A_392, %parallel_loop3A_396 : vector<16xf32>
      %parallel_loop3A_398 = arith.constant 0.000000e+00 : f32
      %parallel_loop3A_399 = vector.broadcast %parallel_loop3A_398 : f32 to vector<16xf32>
      %parallel_loop3A_400 = arith.maximumf %parallel_loop3A_397, %parallel_loop3A_399 : vector<16xf32>
      %parallel_loop3A_401 = arith.index_cast %parallel_loop3A_354 : i32 to index
      %parallel_loop3A_402 = arith.constant 32 : index
      %parallel_loop3A_403 = tpu.vector_load %arg14[%parallel_loop3A_401, %parallel_loop3A_402] {strides = array<i32>} : memref<40x128xf32, #tpu.memory_space<vmem>>, vector<1x16xf32>,
      %parallel_loop3A_404 = vector.shape_cast %parallel_loop3A_403 : vector<1x16xf32> to vector<16xf32>
      %parallel_loop3A_405 = vector.shape_cast %parallel_loop3A_400 : vector<16xf32> to vector<1x16xf32>
      tpu.vector_store %arg14[%parallel_loop3A_401, %parallel_loop3A_402], %parallel_loop3A_405 {strides = array<i32>} : memref<40x128xf32, #tpu.memory_space<vmem>>, vector<1x16xf32>,
      %parallel_loop3A_406 = arith.index_cast %parallel_loop3A_354 : i32 to index
      %parallel_loop3A_407 = arith.constant 48 : index
      %parallel_loop3A_408 = tpu.vector_load %arg11[%parallel_loop3A_406, %parallel_loop3A_407] {strides = array<i32>} : memref<40x128xf32, #tpu.memory_space<vmem>>, vector<1x16xf32>,
      %parallel_loop3A_409 = vector.shape_cast %parallel_loop3A_408 : vector<1x16xf32> to vector<16xf32>
      %parallel_loop3A_410 = arith.index_cast %parallel_loop3A_354 : i32 to index
      %parallel_loop3A_411 = arith.constant 48 : index
      %parallel_loop3A_412 = tpu.vector_load %arg14[%parallel_loop3A_410, %parallel_loop3A_411] {strides = array<i32>} : memref<40x128xf32, #tpu.memory_space<vmem>>, vector<1x16xf32>,
      %parallel_loop3A_413 = vector.shape_cast %parallel_loop3A_412 : vector<1x16xf32> to vector<16xf32>
      %parallel_loop3A_414 = arith.addf %parallel_loop3A_409, %parallel_loop3A_413 : vector<16xf32>
      %parallel_loop3A_415 = arith.constant 0.000000e+00 : f32
      %parallel_loop3A_416 = vector.broadcast %parallel_loop3A_415 : f32 to vector<16xf32>
      %parallel_loop3A_417 = arith.maximumf %parallel_loop3A_414, %parallel_loop3A_416 : vector<16xf32>
      %parallel_loop3A_418 = arith.index_cast %parallel_loop3A_354 : i32 to index
      %parallel_loop3A_419 = arith.constant 48 : index
      %parallel_loop3A_420 = tpu.vector_load %arg14[%parallel_loop3A_418, %parallel_loop3A_419] {strides = array<i32>} : memref<40x128xf32, #tpu.memory_space<vmem>>, vector<1x16xf32>,
      %parallel_loop3A_421 = vector.shape_cast %parallel_loop3A_420 : vector<1x16xf32> to vector<16xf32>
      %parallel_loop3A_422 = vector.shape_cast %parallel_loop3A_417 : vector<16xf32> to vector<1x16xf32>
      tpu.vector_store %arg14[%parallel_loop3A_418, %parallel_loop3A_419], %parallel_loop3A_422 {strides = array<i32>} : memref<40x128xf32, #tpu.memory_space<vmem>>, vector<1x16xf32>,
      %parallel_loop3A_423 = arith.index_cast %parallel_loop3A_354 : i32 to index
      %parallel_loop3A_424 = arith.constant 64 : index
      %parallel_loop3A_425 = tpu.vector_load %arg11[%parallel_loop3A_423, %parallel_loop3A_424] {strides = array<i32>} : memref<40x128xf32, #tpu.memory_space<vmem>>, vector<1x16xf32>,
      %parallel_loop3A_426 = vector.shape_cast %parallel_loop3A_425 : vector<1x16xf32> to vector<16xf32>
      %parallel_loop3A_427 = arith.index_cast %parallel_loop3A_354 : i32 to index
      %parallel_loop3A_428 = arith.constant 64 : index
      %parallel_loop3A_429 = tpu.vector_load %arg14[%parallel_loop3A_427, %parallel_loop3A_428] {strides = array<i32>} : memref<40x128xf32, #tpu.memory_space<vmem>>, vector<1x16xf32>,
      %parallel_loop3A_430 = vector.shape_cast %parallel_loop3A_429 : vector<1x16xf32> to vector<16xf32>
      %parallel_loop3A_431 = arith.addf %parallel_loop3A_426, %parallel_loop3A_430 : vector<16xf32>
      %parallel_loop3A_432 = arith.constant 0.000000e+00 : f32
      %parallel_loop3A_433 = vector.broadcast %parallel_loop3A_432 : f32 to vector<16xf32>
      %parallel_loop3A_434 = arith.maximumf %parallel_loop3A_431, %parallel_loop3A_433 : vector<16xf32>
      %parallel_loop3A_435 = arith.index_cast %parallel_loop3A_354 : i32 to index
      %parallel_loop3A_436 = arith.constant 64 : index
      %parallel_loop3A_437 = tpu.vector_load %arg14[%parallel_loop3A_435, %parallel_loop3A_436] {strides = array<i32>} : memref<40x128xf32, #tpu.memory_space<vmem>>, vector<1x16xf32>,
      %parallel_loop3A_438 = vector.shape_cast %parallel_loop3A_437 : vector<1x16xf32> to vector<16xf32>
      %parallel_loop3A_439 = vector.shape_cast %parallel_loop3A_434 : vector<16xf32> to vector<1x16xf32>
      tpu.vector_store %arg14[%parallel_loop3A_435, %parallel_loop3A_436], %parallel_loop3A_439 {strides = array<i32>} : memref<40x128xf32, #tpu.memory_space<vmem>>, vector<1x16xf32>,
      %parallel_loop3A_440 = arith.index_cast %parallel_loop3A_354 : i32 to index
      %parallel_loop3A_441 = arith.constant 80 : index
      %parallel_loop3A_442 = tpu.vector_load %arg11[%parallel_loop3A_440, %parallel_loop3A_441] {strides = array<i32>} : memref<40x128xf32, #tpu.memory_space<vmem>>, vector<1x16xf32>,
      %parallel_loop3A_443 = vector.shape_cast %parallel_loop3A_442 : vector<1x16xf32> to vector<16xf32>
      %parallel_loop3A_444 = arith.index_cast %parallel_loop3A_354 : i32 to index
      %parallel_loop3A_445 = arith.constant 80 : index
      %parallel_loop3A_446 = tpu.vector_load %arg14[%parallel_loop3A_444, %parallel_loop3A_445] {strides = array<i32>} : memref<40x128xf32, #tpu.memory_space<vmem>>, vector<1x16xf32>,
      %parallel_loop3A_447 = vector.shape_cast %parallel_loop3A_446 : vector<1x16xf32> to vector<16xf32>
      %parallel_loop3A_448 = arith.addf %parallel_loop3A_443, %parallel_loop3A_447 : vector<16xf32>
      %parallel_loop3A_449 = arith.constant 0.000000e+00 : f32
      %parallel_loop3A_450 = vector.broadcast %parallel_loop3A_449 : f32 to vector<16xf32>
      %parallel_loop3A_451 = arith.maximumf %parallel_loop3A_448, %parallel_loop3A_450 : vector<16xf32>
      %parallel_loop3A_452 = arith.index_cast %parallel_loop3A_354 : i32 to index
      %parallel_loop3A_453 = arith.constant 80 : index
      %parallel_loop3A_454 = tpu.vector_load %arg14[%parallel_loop3A_452, %parallel_loop3A_453] {strides = array<i32>} : memref<40x128xf32, #tpu.memory_space<vmem>>, vector<1x16xf32>,
      %parallel_loop3A_455 = vector.shape_cast %parallel_loop3A_454 : vector<1x16xf32> to vector<16xf32>
      %parallel_loop3A_456 = vector.shape_cast %parallel_loop3A_451 : vector<16xf32> to vector<1x16xf32>
      tpu.vector_store %arg14[%parallel_loop3A_452, %parallel_loop3A_453], %parallel_loop3A_456 {strides = array<i32>} : memref<40x128xf32, #tpu.memory_space<vmem>>, vector<1x16xf32>,
      %parallel_loop3A_457 = arith.index_cast %parallel_loop3A_354 : i32 to index
      %parallel_loop3A_458 = arith.constant 96 : index
      %parallel_loop3A_459 = tpu.vector_load %arg11[%parallel_loop3A_457, %parallel_loop3A_458] {strides = array<i32>} : memref<40x128xf32, #tpu.memory_space<vmem>>, vector<1x16xf32>,
      %parallel_loop3A_460 = vector.shape_cast %parallel_loop3A_459 : vector<1x16xf32> to vector<16xf32>
      %parallel_loop3A_461 = arith.index_cast %parallel_loop3A_354 : i32 to index
      %parallel_loop3A_462 = arith.constant 96 : index
      %parallel_loop3A_463 = tpu.vector_load %arg14[%parallel_loop3A_461, %parallel_loop3A_462] {strides = array<i32>} : memref<40x128xf32, #tpu.memory_space<vmem>>, vector<1x16xf32>,
      %parallel_loop3A_464 = vector.shape_cast %parallel_loop3A_463 : vector<1x16xf32> to vector<16xf32>
      %parallel_loop3A_465 = arith.addf %parallel_loop3A_460, %parallel_loop3A_464 : vector<16xf32>
      %parallel_loop3A_466 = arith.constant 0.000000e+00 : f32
      %parallel_loop3A_467 = vector.broadcast %parallel_loop3A_466 : f32 to vector<16xf32>
      %parallel_loop3A_468 = arith.maximumf %parallel_loop3A_465, %parallel_loop3A_467 : vector<16xf32>
      %parallel_loop3A_469 = arith.index_cast %parallel_loop3A_354 : i32 to index
      %parallel_loop3A_470 = arith.constant 96 : index
      %parallel_loop3A_471 = tpu.vector_load %arg14[%parallel_loop3A_469, %parallel_loop3A_470] {strides = array<i32>} : memref<40x128xf32, #tpu.memory_space<vmem>>, vector<1x16xf32>,
      %parallel_loop3A_472 = vector.shape_cast %parallel_loop3A_471 : vector<1x16xf32> to vector<16xf32>
      %parallel_loop3A_473 = vector.shape_cast %parallel_loop3A_468 : vector<16xf32> to vector<1x16xf32>
      tpu.vector_store %arg14[%parallel_loop3A_469, %parallel_loop3A_470], %parallel_loop3A_473 {strides = array<i32>} : memref<40x128xf32, #tpu.memory_space<vmem>>, vector<1x16xf32>,
      %parallel_loop3A_474 = arith.index_cast %parallel_loop3A_354 : i32 to index
      %parallel_loop3A_475 = arith.constant 112 : index
      %parallel_loop3A_476 = tpu.vector_load %arg11[%parallel_loop3A_474, %parallel_loop3A_475] {strides = array<i32>} : memref<40x128xf32, #tpu.memory_space<vmem>>, vector<1x16xf32>,
      %parallel_loop3A_477 = vector.shape_cast %parallel_loop3A_476 : vector<1x16xf32> to vector<16xf32>
      %parallel_loop3A_478 = arith.index_cast %parallel_loop3A_354 : i32 to index
      %parallel_loop3A_479 = arith.constant 112 : index
      %parallel_loop3A_480 = tpu.vector_load %arg14[%parallel_loop3A_478, %parallel_loop3A_479] {strides = array<i32>} : memref<40x128xf32, #tpu.memory_space<vmem>>, vector<1x16xf32>,
      %parallel_loop3A_481 = vector.shape_cast %parallel_loop3A_480 : vector<1x16xf32> to vector<16xf32>
      %parallel_loop3A_482 = arith.addf %parallel_loop3A_477, %parallel_loop3A_481 : vector<16xf32>
      %parallel_loop3A_483 = arith.constant 0.000000e+00 : f32
      %parallel_loop3A_484 = vector.broadcast %parallel_loop3A_483 : f32 to vector<16xf32>
      %parallel_loop3A_485 = arith.maximumf %parallel_loop3A_482, %parallel_loop3A_484 : vector<16xf32>
      %parallel_loop3A_486 = arith.index_cast %parallel_loop3A_354 : i32 to index
      %parallel_loop3A_487 = arith.constant 112 : index
      %parallel_loop3A_488 = tpu.vector_load %arg14[%parallel_loop3A_486, %parallel_loop3A_487] {strides = array<i32>} : memref<40x128xf32, #tpu.memory_space<vmem>>, vector<1x16xf32>,
      %parallel_loop3A_489 = vector.shape_cast %parallel_loop3A_488 : vector<1x16xf32> to vector<16xf32>
      %parallel_loop3A_490 = vector.shape_cast %parallel_loop3A_485 : vector<16xf32> to vector<1x16xf32>
      tpu.vector_store %arg14[%parallel_loop3A_486, %parallel_loop3A_487], %parallel_loop3A_490 {strides = array<i32>} : memref<40x128xf32, #tpu.memory_space<vmem>>, vector<1x16xf32>,
    } {sc.loop_unroll_factor = 4 : i64, sc.parallel_access}
    %dma_start3A_334 = arith.constant 0 : i32
    %dma_start3A_335 = arith.constant 0 : i32
    %dma_start3A_336 = tpu.memref_slice %arg17[%dma_start3A_334, %dma_start3A_335] : memref<10000x128xf32, #tpu.memory_space<vmem_shared>> -> memref<10000x128xf32, #tpu.memory_space<vmem_shared>>
    tpu.enqueue_indirect_dma source(%arg14 : memref<40x128xf32, #tpu.memory_space<vmem>>) target(%dma_start3A_336 : memref<10000x128xf32, #tpu.memory_space<vmem_shared>>) offsets(%arg8 : memref<40xi32, #tpu.memory_space<vmem>>) semaphore(%arg21 : memref<!tpu.dma_semaphore, #tpu.memory_space<semaphore_mem>>) {add = true}
    %dma_wait3A_337 = arith.constant 0 : i32
    %dma_wait3A_338 = arith.constant 0 : i32
    %dma_wait3A_339 = tpu.memref_slice %arg17[%dma_wait3A_337, %dma_wait3A_338] : memref<10000x128xf32, #tpu.memory_space<vmem_shared>> -> memref<10000x128xf32, #tpu.memory_space<vmem_shared>>
    tpu.wait_indirect_dma semaphore(%arg22 : memref<!tpu.dma_semaphore, #tpu.memory_space<semaphore_mem>>) src(%arg15 : memref<40x128xf32, #tpu.memory_space<vmem>>) dst(%dma_wait3A_339 : memref<10000x128xf32, #tpu.memory_space<vmem_shared>>)
    %dma_wait3A_340 = arith.constant 0 : i32
    %dma_wait3A_341 = arith.constant 0 : i32
    %dma_wait3A_342 = tpu.memref_slice %arg17[%dma_wait3A_340, %dma_wait3A_341] : memref<10000x128xf32, #tpu.memory_space<vmem_shared>> -> memref<10000x128xf32, #tpu.memory_space<vmem_shared>>
    tpu.wait_indirect_dma semaphore(%arg23 : memref<!tpu.dma_semaphore, #tpu.memory_space<semaphore_mem>>) src(%arg16 : memref<40x128xf32, #tpu.memory_space<vmem>>) dst(%dma_wait3A_342 : memref<10000x128xf32, #tpu.memory_space<vmem_shared>>)
    %dma_wait3A_343 = arith.constant 0 : i32
    %dma_wait3A_344 = arith.constant 0 : i32
    %dma_wait3A_345 = tpu.memref_slice %arg17[%dma_wait3A_343, %dma_wait3A_344] : memref<10000x128xf32, #tpu.memory_space<vmem_shared>> -> memref<10000x128xf32, #tpu.memory_space<vmem_shared>>
    tpu.wait_indirect_dma semaphore(%arg21 : memref<!tpu.dma_semaphore, #tpu.memory_space<semaphore_mem>>) src(%arg14 : memref<40x128xf32, #tpu.memory_space<vmem>>) dst(%dma_wait3A_345 : memref<10000x128xf32, #tpu.memory_space<vmem_shared>>)
    %barrier3A_346 = arith.constant 0 : index
    tpu.barrier barrier_id(%barrier3A_346)
    %mul3A_347 = arith.constant 624 : i32
    %mul3A_348 = arith.muli %arg1, %mul3A_347 : i32
    "tpu.region"() ({
      %run_scoped3A = tpu.sem_alloc : memref<!tpu.dma_semaphore, #tpu.memory_space<semaphore_mem>>
      %dma_start3A_354 = arith.constant 0 : i32
      %dma_start3A_355 = tpu.memref_slice %arg6[%arg0, %mul3A_348, %dma_start3A_354] : memref<2x10000x128xf32, #tpu.memory_space<hbm>> -> memref<1x624x128xf32, #tpu.memory_space<hbm>>
      %dma_start3A_356 = tpu.memref_squeeze %dma_start3A_355 : memref<1x624x128xf32, #tpu.memory_space<hbm>> -> memref<624x128xf32, #tpu.memory_space<hbm>>
      %dma_start3A_357 = arith.constant 0 : i32
      %dma_start3A_358 = tpu.memref_slice %arg17[%mul3A_348, %dma_start3A_357] : memref<10000x128xf32, #tpu.memory_space<vmem_shared>> -> memref<624x128xf32, #tpu.memory_space<vmem_shared>>
      tpu.enqueue_dma source(%dma_start3A_358 : memref<624x128xf32, #tpu.memory_space<vmem_shared>>) target(%dma_start3A_356 : memref<624x128xf32, #tpu.memory_space<hbm>>) target_semaphore(%run_scoped3A : memref<!tpu.dma_semaphore, #tpu.memory_space<semaphore_mem>>)
      %dma_wait3A_359 = arith.constant 0 : i32
      %dma_wait3A_360 = tpu.memref_slice %arg6[%arg0, %mul3A_348, %dma_wait3A_359] : memref<2x10000x128xf32, #tpu.memory_space<hbm>> -> memref<1x624x128xf32, #tpu.memory_space<hbm>>
      %dma_wait3A_361 = tpu.memref_squeeze %dma_wait3A_360 : memref<1x624x128xf32, #tpu.memory_space<hbm>> -> memref<624x128xf32, #tpu.memory_space<hbm>>
      %dma_wait3A_362 = arith.constant 0 : i32
      %dma_wait3A_363 = tpu.memref_slice %arg17[%mul3A_348, %dma_wait3A_362] : memref<10000x128xf32, #tpu.memory_space<vmem_shared>> -> memref<624x128xf32, #tpu.memory_space<vmem_shared>>
      tpu.wait_dma2 semaphore(%run_scoped3A : memref<!tpu.dma_semaphore, #tpu.memory_space<semaphore_mem>>) src(%dma_wait3A_363 : memref<624x128xf32, #tpu.memory_space<vmem_shared>>) dst(%dma_wait3A_361 : memref<624x128xf32, #tpu.memory_space<hbm>>)
      tpu.yield
    }) : () -> ()
    %eq3A_349 = arith.constant 15 : i32
    %eq3A_350 = arith.cmpi eq, %arg1, %eq3A_349 : i32
    %convert_element_type3A_351 = arith.extui %eq3A_350 : i1 to i32
    %cond3A_352 = arith.constant 0 : i32
    %cond3A_353 = arith.cmpi ne, %convert_element_type3A_351, %cond3A_352 : i32
    scf.if %cond3A_353 {
      "tpu.region"() ({
        %run_scoped3A = tpu.sem_alloc : memref<!tpu.dma_semaphore, #tpu.memory_space<semaphore_mem>>
        %dma_start3A_354 = arith.constant 9984 : i32
        %dma_start3A_355 = arith.constant 0 : i32
        %dma_start3A_356 = tpu.memref_slice %arg6[%arg0, %dma_start3A_354, %dma_start3A_355] : memref<2x10000x128xf32, #tpu.memory_space<hbm>> -> memref<1x16x128xf32, #tpu.memory_space<hbm>>
        %dma_start3A_357 = tpu.memref_squeeze %dma_start3A_356 : memref<1x16x128xf32, #tpu.memory_space<hbm>> -> memref<16x128xf32, #tpu.memory_space<hbm>>
        %dma_start3A_358 = arith.constant 9984 : i32
        %dma_start3A_359 = arith.constant 0 : i32
        %dma_start3A_360 = tpu.memref_slice %arg17[%dma_start3A_358, %dma_start3A_359] : memref<10000x128xf32, #tpu.memory_space<vmem_shared>> -> memref<16x128xf32, #tpu.memory_space<vmem_shared>>
        tpu.enqueue_dma source(%dma_start3A_360 : memref<16x128xf32, #tpu.memory_space<vmem_shared>>) target(%dma_start3A_357 : memref<16x128xf32, #tpu.memory_space<hbm>>) target_semaphore(%run_scoped3A : memref<!tpu.dma_semaphore, #tpu.memory_space<semaphore_mem>>)
        %dma_wait3A_361 = arith.constant 9984 : i32
        %dma_wait3A_362 = arith.constant 0 : i32
        %dma_wait3A_363 = tpu.memref_slice %arg6[%arg0, %dma_wait3A_361, %dma_wait3A_362] : memref<2x10000x128xf32, #tpu.memory_space<hbm>> -> memref<1x16x128xf32, #tpu.memory_space<hbm>>
        %dma_wait3A_364 = tpu.memref_squeeze %dma_wait3A_363 : memref<1x16x128xf32, #tpu.memory_space<hbm>> -> memref<16x128xf32, #tpu.memory_space<hbm>>
        %dma_wait3A_365 = arith.constant 9984 : i32
        %dma_wait3A_366 = arith.constant 0 : i32
        %dma_wait3A_367 = tpu.memref_slice %arg17[%dma_wait3A_365, %dma_wait3A_366] : memref<10000x128xf32, #tpu.memory_space<vmem_shared>> -> memref<16x128xf32, #tpu.memory_space<vmem_shared>>
        tpu.wait_dma2 semaphore(%run_scoped3A : memref<!tpu.dma_semaphore, #tpu.memory_space<semaphore_mem>>) src(%dma_wait3A_367 : memref<16x128xf32, #tpu.memory_space<vmem_shared>>) dst(%dma_wait3A_364 : memref<16x128xf32, #tpu.memory_space<hbm>>)
        tpu.yield
      }) : () -> ()
    } else {
    }
    return
  }
}

module attributes {stable_mosaic.version = 14 : i64} {
  func.func @_lin_body(%arg0: memref<10000x128xf32, #tpu.memory_space<vmem>>, %arg1: memref<128x128xf32, #tpu.memory_space<vmem>>, %arg2: memref<10000x128xf32, #tpu.memory_space<vmem>>) attributes {dimension_semantics = [], scalar_prefetch = 0 : i64, scratch_operands = 0 : i64, tpu.core_type = #tpu.core_type<tc>} {
    %get3A = arith.constant 0 : index
    %get3A_0 = arith.constant 0 : index
    %get3A_1 = vector.load %arg0[%get3A, %get3A_0] : memref<10000x128xf32, #tpu.memory_space<vmem>>, vector<10000x128xf32>
    %get3A_2 = arith.constant 0 : index
    %get3A_3 = arith.constant 0 : index
    %get3A_4 = vector.load %arg1[%get3A_2, %get3A_3] : memref<128x128xf32, #tpu.memory_space<vmem>>, vector<128x128xf32>
    %dot_general3A = arith.constant dense<0.000000e+00> : vector<10000x128xf32>
    %dot_general3A_5 = tpu.matmul %get3A_1, %get3A_4, %dot_general3A {dimension_numbers = #tpu.dot_dimension_numbers<[1], [1], [0], [0], [0, 0, 1, 0], [], []>, transpose_lhs_hint = false} : vector<10000x128xf32>, vector<128x128xf32>, vector<10000x128xf32> -> vector<10000x128xf32>
    %swap3A = arith.constant 0 : index
    %swap3A_6 = arith.constant 0 : index
    %swap3A_7 = vector.load %arg2[%swap3A, %swap3A_6] : memref<10000x128xf32, #tpu.memory_space<vmem>>, vector<10000x128xf32>
    tpu.vector_store %arg2[%swap3A, %swap3A_6], %dot_general3A_5 {strides = array<i32>} : memref<10000x128xf32, #tpu.memory_space<vmem>>, vector<10000x128xf32>,
    return
  }
}

module attributes {stable_mosaic.version = 14 : i64} {
  func.func @_post_body(%arg0: memref<2x10000x128xf32, #tpu.memory_space<vmem>>, %arg1: memref<10000x128xf32, #tpu.memory_space<vmem>>, %arg2: memref<1x128xf32, #tpu.memory_space<vmem>>, %arg3: memref<1x128xf32, #tpu.memory_space<vmem>>, %arg4: memref<1x128xf32, #tpu.memory_space<vmem>>, %arg5: memref<1x128xf32, #tpu.memory_space<vmem>>, %arg6: memref<1x128xf32, #tpu.memory_space<vmem>>, %arg7: memref<256x128xf32, #tpu.memory_space<vmem>>, %arg8: memref<1x256xf32, #tpu.memory_space<vmem>>, %arg9: memref<128x256xf32, #tpu.memory_space<vmem>>, %arg10: memref<1x128xf32, #tpu.memory_space<vmem>>, %arg11: memref<1x128xf32, #tpu.memory_space<vmem>>, %arg12: memref<1x128xf32, #tpu.memory_space<vmem>>, %arg13: memref<10000x128xf32, #tpu.memory_space<vmem>>) attributes {dimension_semantics = [], scalar_prefetch = 0 : i64, scratch_operands = 0 : i64, tpu.core_type = #tpu.core_type<tc>} {
    %get3A = arith.constant 0 : index
    %get3A_0 = arith.constant 0 : index
    %get3A_1 = arith.constant 0 : index
    %get3A_2 = vector.load %arg0[%get3A, %get3A_0, %get3A_1] : memref<2x10000x128xf32, #tpu.memory_space<vmem>>, vector<1x10000x128xf32>
    %get3A_3 = vector.shape_cast %get3A_2 : vector<1x10000x128xf32> to vector<10000x128xf32>
    %get3A_4 = arith.constant 1 : index
    %get3A_5 = arith.constant 0 : index
    %get3A_6 = arith.constant 0 : index
    %get3A_7 = vector.load %arg0[%get3A_4, %get3A_5, %get3A_6] : memref<2x10000x128xf32, #tpu.memory_space<vmem>>, vector<1x10000x128xf32>
    %get3A_8 = vector.shape_cast %get3A_7 : vector<1x10000x128xf32> to vector<10000x128xf32>
    %add3A = arith.addf %get3A_3, %get3A_8 : vector<10000x128xf32>
    %get3A_9 = arith.constant 0 : index
    %get3A_10 = arith.constant 0 : index
    %get3A_11 = vector.load %arg2[%get3A_9, %get3A_10] : memref<1x128xf32, #tpu.memory_space<vmem>>, vector<1x128xf32>
    %add3A_12 = vector.broadcast %get3A_11 : vector<1x128xf32> to vector<10000x128xf32>
    %add3A_13 = arith.addf %add3A, %add3A_12 : vector<10000x128xf32>
    %get3A_14 = arith.constant 0 : index
    %get3A_15 = arith.constant 0 : index
    %get3A_16 = vector.load %arg3[%get3A_14, %get3A_15] : memref<1x128xf32, #tpu.memory_space<vmem>>, vector<1x128xf32>
    %get3A_17 = arith.constant 0 : index
    %get3A_18 = arith.constant 0 : index
    %get3A_19 = vector.load %arg4[%get3A_17, %get3A_18] : memref<1x128xf32, #tpu.memory_space<vmem>>, vector<1x128xf32>
    %reduce_sum3A = arith.constant dense<0.000000e+00> : vector<128xf32>
    %reduce_sum3A_20 = vector.multi_reduction <add>, %add3A_13, %reduce_sum3A [0] : vector<10000x128xf32> to vector<128xf32>
    %div3A = arith.constant 1.000000e+04 : f32
    %div3A_21 = vector.broadcast %div3A : f32 to vector<128xf32>
    %div3A_22 = arith.divf %reduce_sum3A_20, %div3A_21 : vector<128xf32>
    %jit3A = arith.constant 0 : i32
    %reduce_sum3A_23 = arith.constant dense<0.000000e+00> : vector<128xf32>
    %reduce_sum3A_24 = vector.multi_reduction <add>, %add3A_13, %reduce_sum3A_23 [0] : vector<10000x128xf32> to vector<128xf32>
    %broadcast_in_dim3A = vector.shape_cast %reduce_sum3A_24 : vector<128xf32> to vector<1x128xf32>
    %div3A_25 = arith.constant 1.000000e+04 : f32
    %div3A_26 = vector.broadcast %div3A_25 : f32 to vector<1x128xf32>
    %div3A_27 = arith.divf %broadcast_in_dim3A, %div3A_26 : vector<1x128xf32>
    %sub3A = vector.broadcast %div3A_27 : vector<1x128xf32> to vector<10000x128xf32>
    %sub3A_28 = arith.subf %add3A_13, %sub3A : vector<10000x128xf32>
    %square3A = arith.mulf %sub3A_28, %sub3A_28 : vector<10000x128xf32>
    %convert_element_type3A = arith.sitofp %jit3A : i32 to f32
    %sub3A_29 = arith.constant 1.000000e+04 : f32
    %sub3A_30 = arith.subf %sub3A_29, %convert_element_type3A : f32
    %reduce_sum3A_31 = arith.constant dense<0.000000e+00> : vector<128xf32>
    %reduce_sum3A_32 = vector.multi_reduction <add>, %square3A, %reduce_sum3A_31 [0] : vector<10000x128xf32> to vector<128xf32>
    %div3A_33 = vector.broadcast %sub3A_30 : f32 to vector<128xf32>
    %div3A_34 = arith.divf %reduce_sum3A_32, %div3A_33 : vector<128xf32>
    %gt3A = arith.constant 0.000000e+00 : f32
    %gt3A_35 = arith.cmpf ogt, %sub3A_30, %gt3A : f32
    %jit3A_36 = arith.constant 0x7FC00000 : f32
    %broadcast_in_dim3A_37 = vector.broadcast %jit3A_36 : f32 to vector<128xf32>
    %select_n3A = arith.select %gt3A_35, %div3A_34, %broadcast_in_dim3A_37 : vector<128xf32>
    %broadcast_in_dim3A_38 = vector.shape_cast %div3A_22 : vector<128xf32> to vector<1x128xf32>
    %sub3A_39 = vector.broadcast %broadcast_in_dim3A_38 : vector<1x128xf32> to vector<10000x128xf32>
    %sub3A_40 = arith.subf %add3A_13, %sub3A_39 : vector<10000x128xf32>
    %add3A_41 = arith.constant 9.99999974E-6 : f32
    %add3A_42 = vector.broadcast %add3A_41 : f32 to vector<128xf32>
    %add3A_43 = arith.addf %select_n3A, %add3A_42 : vector<128xf32>
    %sqrt3A = math.sqrt %add3A_43 : vector<128xf32>
    %broadcast_in_dim3A_44 = vector.shape_cast %sqrt3A : vector<128xf32> to vector<1x128xf32>
    %div3A_45 = vector.broadcast %broadcast_in_dim3A_44 : vector<1x128xf32> to vector<10000x128xf32>
    %div3A_46 = arith.divf %sub3A_40, %div3A_45 : vector<10000x128xf32>
    %mul3A = vector.broadcast %get3A_16 : vector<1x128xf32> to vector<10000x128xf32>
    %mul3A_47 = arith.mulf %div3A_46, %mul3A : vector<10000x128xf32>
    %add3A_48 = vector.broadcast %get3A_19 : vector<1x128xf32> to vector<10000x128xf32>
    %add3A_49 = arith.addf %mul3A_47, %add3A_48 : vector<10000x128xf32>
    %max3A = arith.constant 0.000000e+00 : f32
    %max3A_50 = vector.broadcast %max3A : f32 to vector<10000x128xf32>
    %max3A_51 = arith.maximumf %add3A_49, %max3A_50 : vector<10000x128xf32>
    %get3A_52 = arith.constant 0 : index
    %get3A_53 = arith.constant 0 : index
    %get3A_54 = vector.load %arg1[%get3A_52, %get3A_53] : memref<10000x128xf32, #tpu.memory_space<vmem>>, vector<10000x128xf32>
    %add3A_55 = arith.addf %max3A_51, %get3A_54 : vector<10000x128xf32>
    %get3A_56 = arith.constant 0 : index
    %get3A_57 = arith.constant 0 : index
    %get3A_58 = vector.load %arg5[%get3A_56, %get3A_57] : memref<1x128xf32, #tpu.memory_space<vmem>>, vector<1x128xf32>
    %get3A_59 = arith.constant 0 : index
    %get3A_60 = arith.constant 0 : index
    %get3A_61 = vector.load %arg6[%get3A_59, %get3A_60] : memref<1x128xf32, #tpu.memory_space<vmem>>, vector<1x128xf32>
    %reduce_sum3A_62 = arith.constant dense<0.000000e+00> : vector<128xf32>
    %reduce_sum3A_63 = vector.multi_reduction <add>, %add3A_55, %reduce_sum3A_62 [0] : vector<10000x128xf32> to vector<128xf32>
    %div3A_64 = arith.constant 1.000000e+04 : f32
    %div3A_65 = vector.broadcast %div3A_64 : f32 to vector<128xf32>
    %div3A_66 = arith.divf %reduce_sum3A_63, %div3A_65 : vector<128xf32>
    %jit3A_67 = arith.constant 0 : i32
    %reduce_sum3A_68 = arith.constant dense<0.000000e+00> : vector<128xf32>
    %reduce_sum3A_69 = vector.multi_reduction <add>, %add3A_55, %reduce_sum3A_68 [0] : vector<10000x128xf32> to vector<128xf32>
    %broadcast_in_dim3A_70 = vector.shape_cast %reduce_sum3A_69 : vector<128xf32> to vector<1x128xf32>
    %div3A_71 = arith.constant 1.000000e+04 : f32
    %div3A_72 = vector.broadcast %div3A_71 : f32 to vector<1x128xf32>
    %div3A_73 = arith.divf %broadcast_in_dim3A_70, %div3A_72 : vector<1x128xf32>
    %sub3A_74 = vector.broadcast %div3A_73 : vector<1x128xf32> to vector<10000x128xf32>
    %sub3A_75 = arith.subf %add3A_55, %sub3A_74 : vector<10000x128xf32>
    %square3A_76 = arith.mulf %sub3A_75, %sub3A_75 : vector<10000x128xf32>
    %convert_element_type3A_77 = arith.sitofp %jit3A_67 : i32 to f32
    %sub3A_78 = arith.constant 1.000000e+04 : f32
    %sub3A_79 = arith.subf %sub3A_78, %convert_element_type3A_77 : f32
    %reduce_sum3A_80 = arith.constant dense<0.000000e+00> : vector<128xf32>
    %reduce_sum3A_81 = vector.multi_reduction <add>, %square3A_76, %reduce_sum3A_80 [0] : vector<10000x128xf32> to vector<128xf32>
    %div3A_82 = vector.broadcast %sub3A_79 : f32 to vector<128xf32>
    %div3A_83 = arith.divf %reduce_sum3A_81, %div3A_82 : vector<128xf32>
    %gt3A_84 = arith.constant 0.000000e+00 : f32
    %gt3A_85 = arith.cmpf ogt, %sub3A_79, %gt3A_84 : f32
    %jit3A_86 = arith.constant 0x7FC00000 : f32
    %broadcast_in_dim3A_87 = vector.broadcast %jit3A_86 : f32 to vector<128xf32>
    %select_n3A_88 = arith.select %gt3A_85, %div3A_83, %broadcast_in_dim3A_87 : vector<128xf32>
    %broadcast_in_dim3A_89 = vector.shape_cast %div3A_66 : vector<128xf32> to vector<1x128xf32>
    %sub3A_90 = vector.broadcast %broadcast_in_dim3A_89 : vector<1x128xf32> to vector<10000x128xf32>
    %sub3A_91 = arith.subf %add3A_55, %sub3A_90 : vector<10000x128xf32>
    %add3A_92 = arith.constant 9.99999974E-6 : f32
    %add3A_93 = vector.broadcast %add3A_92 : f32 to vector<128xf32>
    %add3A_94 = arith.addf %select_n3A_88, %add3A_93 : vector<128xf32>
    %sqrt3A_95 = math.sqrt %add3A_94 : vector<128xf32>
    %broadcast_in_dim3A_96 = vector.shape_cast %sqrt3A_95 : vector<128xf32> to vector<1x128xf32>
    %div3A_97 = vector.broadcast %broadcast_in_dim3A_96 : vector<1x128xf32> to vector<10000x128xf32>
    %div3A_98 = arith.divf %sub3A_91, %div3A_97 : vector<10000x128xf32>
    %mul3A_99 = vector.broadcast %get3A_58 : vector<1x128xf32> to vector<10000x128xf32>
    %mul3A_100 = arith.mulf %div3A_98, %mul3A_99 : vector<10000x128xf32>
    %add3A_101 = vector.broadcast %get3A_61 : vector<1x128xf32> to vector<10000x128xf32>
    %add3A_102 = arith.addf %mul3A_100, %add3A_101 : vector<10000x128xf32>
    %get3A_103 = arith.constant 0 : index
    %get3A_104 = arith.constant 0 : index
    %get3A_105 = vector.load %arg7[%get3A_103, %get3A_104] : memref<256x128xf32, #tpu.memory_space<vmem>>, vector<256x128xf32>
    %dot_general3A = arith.constant dense<0.000000e+00> : vector<10000x256xf32>
    %dot_general3A_106 = tpu.matmul %add3A_102, %get3A_105, %dot_general3A {dimension_numbers = #tpu.dot_dimension_numbers<[1], [1], [0], [0], [0, 0, 1, 0], [], []>, transpose_lhs_hint = false} : vector<10000x128xf32>, vector<256x128xf32>, vector<10000x256xf32> -> vector<10000x256xf32>
    %get3A_107 = arith.constant 0 : index
    %get3A_108 = arith.constant 0 : index
    %get3A_109 = vector.load %arg8[%get3A_107, %get3A_108] : memref<1x256xf32, #tpu.memory_space<vmem>>, vector<1x256xf32>
    %add3A_110 = vector.broadcast %get3A_109 : vector<1x256xf32> to vector<10000x256xf32>
    %add3A_111 = arith.addf %dot_general3A_106, %add3A_110 : vector<10000x256xf32>
    %max3A_112 = arith.constant 0.000000e+00 : f32
    %max3A_113 = vector.broadcast %max3A_112 : f32 to vector<10000x256xf32>
    %max3A_114 = arith.maximumf %add3A_111, %max3A_113 : vector<10000x256xf32>
    %get3A_115 = arith.constant 0 : index
    %get3A_116 = arith.constant 0 : index
    %get3A_117 = vector.load %arg9[%get3A_115, %get3A_116] : memref<128x256xf32, #tpu.memory_space<vmem>>, vector<128x256xf32>
    %dot_general3A_118 = arith.constant dense<0.000000e+00> : vector<10000x128xf32>
    %dot_general3A_119 = tpu.matmul %max3A_114, %get3A_117, %dot_general3A_118 {dimension_numbers = #tpu.dot_dimension_numbers<[1], [1], [0], [0], [0, 0, 1, 0], [], []>, transpose_lhs_hint = false} : vector<10000x256xf32>, vector<128x256xf32>, vector<10000x128xf32> -> vector<10000x128xf32>
    %get3A_120 = arith.constant 0 : index
    %get3A_121 = arith.constant 0 : index
    %get3A_122 = vector.load %arg10[%get3A_120, %get3A_121] : memref<1x128xf32, #tpu.memory_space<vmem>>, vector<1x128xf32>
    %add3A_123 = vector.broadcast %get3A_122 : vector<1x128xf32> to vector<10000x128xf32>
    %add3A_124 = arith.addf %dot_general3A_119, %add3A_123 : vector<10000x128xf32>
    %add3A_125 = arith.addf %add3A_102, %add3A_124 : vector<10000x128xf32>
    %get3A_126 = arith.constant 0 : index
    %get3A_127 = arith.constant 0 : index
    %get3A_128 = vector.load %arg11[%get3A_126, %get3A_127] : memref<1x128xf32, #tpu.memory_space<vmem>>, vector<1x128xf32>
    %get3A_129 = arith.constant 0 : index
    %get3A_130 = arith.constant 0 : index
    %get3A_131 = vector.load %arg12[%get3A_129, %get3A_130] : memref<1x128xf32, #tpu.memory_space<vmem>>, vector<1x128xf32>
    %reduce_sum3A_132 = arith.constant dense<0.000000e+00> : vector<128xf32>
    %reduce_sum3A_133 = vector.multi_reduction <add>, %add3A_125, %reduce_sum3A_132 [0] : vector<10000x128xf32> to vector<128xf32>
    %div3A_134 = arith.constant 1.000000e+04 : f32
    %div3A_135 = vector.broadcast %div3A_134 : f32 to vector<128xf32>
    %div3A_136 = arith.divf %reduce_sum3A_133, %div3A_135 : vector<128xf32>
    %jit3A_137 = arith.constant 0 : i32
    %reduce_sum3A_138 = arith.constant dense<0.000000e+00> : vector<128xf32>
    %reduce_sum3A_139 = vector.multi_reduction <add>, %add3A_125, %reduce_sum3A_138 [0] : vector<10000x128xf32> to vector<128xf32>
    %broadcast_in_dim3A_140 = vector.shape_cast %reduce_sum3A_139 : vector<128xf32> to vector<1x128xf32>
    %div3A_141 = arith.constant 1.000000e+04 : f32
    %div3A_142 = vector.broadcast %div3A_141 : f32 to vector<1x128xf32>
    %div3A_143 = arith.divf %broadcast_in_dim3A_140, %div3A_142 : vector<1x128xf32>
    %sub3A_144 = vector.broadcast %div3A_143 : vector<1x128xf32> to vector<10000x128xf32>
    %sub3A_145 = arith.subf %add3A_125, %sub3A_144 : vector<10000x128xf32>
    %square3A_146 = arith.mulf %sub3A_145, %sub3A_145 : vector<10000x128xf32>
    %convert_element_type3A_147 = arith.sitofp %jit3A_137 : i32 to f32
    %sub3A_148 = arith.constant 1.000000e+04 : f32
    %sub3A_149 = arith.subf %sub3A_148, %convert_element_type3A_147 : f32
    %reduce_sum3A_150 = arith.constant dense<0.000000e+00> : vector<128xf32>
    %reduce_sum3A_151 = vector.multi_reduction <add>, %square3A_146, %reduce_sum3A_150 [0] : vector<10000x128xf32> to vector<128xf32>
    %div3A_152 = vector.broadcast %sub3A_149 : f32 to vector<128xf32>
    %div3A_153 = arith.divf %reduce_sum3A_151, %div3A_152 : vector<128xf32>
    %gt3A_154 = arith.constant 0.000000e+00 : f32
    %gt3A_155 = arith.cmpf ogt, %sub3A_149, %gt3A_154 : f32
    %jit3A_156 = arith.constant 0x7FC00000 : f32
    %broadcast_in_dim3A_157 = vector.broadcast %jit3A_156 : f32 to vector<128xf32>
    %select_n3A_158 = arith.select %gt3A_155, %div3A_153, %broadcast_in_dim3A_157 : vector<128xf32>
    %broadcast_in_dim3A_159 = vector.shape_cast %div3A_136 : vector<128xf32> to vector<1x128xf32>
    %sub3A_160 = vector.broadcast %broadcast_in_dim3A_159 : vector<1x128xf32> to vector<10000x128xf32>
    %sub3A_161 = arith.subf %add3A_125, %sub3A_160 : vector<10000x128xf32>
    %add3A_162 = arith.constant 9.99999974E-6 : f32
    %add3A_163 = vector.broadcast %add3A_162 : f32 to vector<128xf32>
    %add3A_164 = arith.addf %select_n3A_158, %add3A_163 : vector<128xf32>
    %sqrt3A_165 = math.sqrt %add3A_164 : vector<128xf32>
    %broadcast_in_dim3A_166 = vector.shape_cast %sqrt3A_165 : vector<128xf32> to vector<1x128xf32>
    %div3A_167 = vector.broadcast %broadcast_in_dim3A_166 : vector<1x128xf32> to vector<10000x128xf32>
    %div3A_168 = arith.divf %sub3A_161, %div3A_167 : vector<10000x128xf32>
    %mul3A_169 = vector.broadcast %get3A_128 : vector<1x128xf32> to vector<10000x128xf32>
    %mul3A_170 = arith.mulf %div3A_168, %mul3A_169 : vector<10000x128xf32>
    %add3A_171 = vector.broadcast %get3A_131 : vector<1x128xf32> to vector<10000x128xf32>
    %add3A_172 = arith.addf %mul3A_170, %add3A_171 : vector<10000x128xf32>
    %swap3A = arith.constant 0 : index
    %swap3A_173 = arith.constant 0 : index
    %swap3A_174 = vector.load %arg13[%swap3A, %swap3A_173] : memref<10000x128xf32, #tpu.memory_space<vmem>>, vector<10000x128xf32>
    tpu.vector_store %arg13[%swap3A, %swap3A_173], %add3A_172 {strides = array<i32>} : memref<10000x128xf32, #tpu.memory_space<vmem>>, vector<10000x128xf32>,
    return
  }
}

</mosaic_0001>

<sc_bundles>
// kernel: kernel.5.cloned.1.call-start
scs
__scs_entry_jumppad:
0x0: {  	(pc) =	sbr.rel $0x88, $3  }
0x1: {  	(tag) =	ssettag $0x0;
	lr =	simm.s32 $0x1  }
0x2: {  	[smem:$0x3F92] =	sst lr;
	_ =	strace $0xD0000000  }
0x3: {  	_ = 	snop  }
0x4: {  	_ = 	snop  }
0x5: {  	_ = 	snop  }
0x6: {  	_ = 	snop  }
0x7: {  	_ = 	snop  }
__scs_overlays_trampoline_lowered:
0x8: {  	[smem:$0x3FA1] =	sst s0  }
0x9: {  	[smem:$0x3FA2] =	sst s1  }
0xa: {  	[smem:$0x3FA3] =	sst s2  }
0xb: {  	[smem:$0x3FA4] =	sst s3  }
0xc: {  	[smem:$0x3FA5] =	sst s4  }
0xd: {  	[smem:$0x3FA6] =	sst s5  }
0xe: {  	[smem:$0x3FA7] =	sst s6  }
0xf: {  	[smem:$0x3FA8] =	sst s7  }
0x10: {  	[smem:$0x3FA9] =	sst s8  }
0x11: {  	[smem:$0x3FAA] =	sst s9;
	s0 =	simm.s32 @!p0 $0x0  }
0x12: {  	s1 =	sld [smem:$0x3F90];
	s0 =	simm.s32 @p0 $0x1  }
0x13: {  	[smem:$0x3FAB] =	sst s0;
	s0 =	simm.s32 @!p1 $0x0  }
0x14: {  	s2 =	sld [smem:$0x3F8F];
	s0 =	simm.s32 @p1 $0x1  }
0x15: {  	[smem:$0x3FAC] =	sst s0;
	s0 =	simm.s32 @!p2 $0x0  }
0x16: {  	s3 =	sld [smem:$0x3FDB];
	s0 =	simm.s32 @p2 $0x1  }
0x17: {  	s4 =	simm.s32 $0x1BF5;
	[smem:$0x3FAE] =	sst s0  }
0x18: {  	s0 =	sld [smem:$0x3F91];
	_ =	swait.ge [sflag:s4], $0x0  }
0x19: {  	s7 =	sld [smem:$0x3F92]  }
0x1a: {  	s8 =	sadd.s32 $0xFFFFE003, lr  }
0x1b: {  	s9 =	sadd.s32 $0xFFFFFEF7, lr;
	s5 =	simm.s32 $0xFFFFFFFF;
	p2 =	slt.u32 s8, $0xFFFFF086  }
0x1c: {  	p1 =	slt.u32 s9, $0xF7A;
	s5 =	simm.s32 @!p2 $0x0  }
0x1d: {  	s5 =	simm.s32 @p1 $0x1;
	p0 =	seq.s32 s7, s2  }
0x1e: {  	s7 =	smul.u32 @!p0 $0xF7A, s2;
	p2 =	seq.s32 @!p0 s5, $0x0  }
0x1f: {  	s9 =	smul.u32 $0xF7A, s1;
	s8 =	simm.s32 @!p0 $0x1BF5;
	p2 =	por !p2, p0  }
0x20: {  	[sflag:s8] =	ssyncset.s32 @!p0 $0xFFFFF086;
	s6 =	sadd.s32 @!p0 s3, s7;
	s7 =	simm.s32 @!p0 $0x108  }
0x21: {  	s3 =	sadd.s32 s3, s9;
	s6 =	sadd.s32 @!p0 $0x88, s6;
	s7 =	simm.s32 @p2 $0x1082  }
0x22: {  	[simem:s7], [sflag:s8] =	dma.local @!p0 [hbm:s6], $0xF7A  }
0x23: {  	s9 =	sor.u32 $0xD0000000, s2;
	s6 =	simm.s32 $0x108;
	_ =	swait.ge @!p0 [sflag:s8], $0x0  }
0x24: {  	s3 =	sadd.s32 $0x88, s3;
	s6 =	simm.s32 @!p1 $0x1082;
	[sflag:s4] =	ssyncset.s32 $0xFFFFF086  }
0x25: {  	[simem:s6], [sflag:s4] =	dma.local [hbm:s3], $0xF7A  }
0x26: {  	[smem:$0x3F92] =	sst s1;
	(tag) =	ssettag s2;
	_ =	strace s9  }
0x27: {  	s1 =	sld [smem:$0x3FA2]  }
0x28: {  	s2 =	sld [smem:$0x3FA3]  }
0x29: {  	s4 =	sld [smem:$0x3FA5]  }
0x2a: {  	p0 =	seq.s32 s5, $0x0;
	s5 =	sld [smem:$0x3FA6]  }
0x2b: {  	s6 =	sld [smem:$0x3FA7]  }
0x2c: {  	s7 =	sld [smem:$0x3FA8]  }
0x2d: {  	s3 =	simm.s32 $0x108;
	s8 =	sld [smem:$0x3FA9]  }
0x2e: {  	s3 =	simm.s32 @!p0 $0x1082;
	s9 =	sld [smem:$0x3FAA]  }
0x2f: {  	lr =	sadd.s32 s0, s3;
	s0 =	sld [smem:$0x3FA1]  }
0x30: {  	s3 =	sld [smem:$0x3FA4]  }
0x31: {  	[smem:$0x3FAD] =	sst s10  }
0x32: {  	s10 =	sld [smem:$0x3FAB];
	_ =	sdelay $0x3  }
0x33: {  	p0 =	seq.s32 s10, $0x1;
	s10 =	sld [smem:$0x3FAD];
	_ =	sdelay $0x3  }
0x34: {  	[smem:$0x3FAD] =	sst s10  }
0x35: {  	s10 =	sld [smem:$0x3FAC];
	_ =	sdelay $0x3  }
0x36: {  	p1 =	seq.s32 s10, $0x1;
	s10 =	sld [smem:$0x3FAD];
	_ =	sdelay $0x3  }
0x37: {  	[smem:$0x3FAD] =	sst s10  }
0x38: {  	s10 =	sld [smem:$0x3FAE]  }
0x39: {  	_ = 	snop;
	(pc) =	sbr.ind lr, $3  }
0x3a: {  	_ = 	snop  }
0x3b: {  	_ = 	snop  }
0x3c: {  	p2 =	seq.s32 s10, $0x1;
	s10 =	sld [smem:$0x3FAD]  }
0x3d: {  	_ =	shalt  }
0x3e: {  	_ =	shalt  }
0x3f: {  	_ =	shalt  }
0x40: {  	_ =	shalt  }
0x41: {  	_ =	shalt  }
0x42: {  	_ =	shalt  }
0x43: {  	_ =	shalt  }
0x44: {  	_ =	shalt  }
0x45: {  	_ =	shalt  }
0x46: {  	_ =	shalt  }
0x47: {  	_ =	shalt  }
0x48: {  	_ =	shalt  }
0x49: {  	_ =	shalt  }
0x4a: {  	_ =	shalt  }
0x4b: {  	_ =	shalt  }
0x4c: {  	_ =	shalt  }
0x4d: {  	_ =	shalt  }
0x4e: {  	_ =	shalt  }
0x4f: {  	_ =	shalt  }
0x50: {  	_ =	shalt  }
0x51: {  	_ =	shalt  }
0x52: {  	_ =	shalt  }
0x53: {  	_ =	shalt  }
0x54: {  	_ =	shalt  }
0x55: {  	_ =	shalt  }
0x56: {  	_ =	shalt  }
0x57: {  	_ =	shalt  }
0x58: {  	_ =	shalt  }
0x59: {  	_ =	shalt  }
0x5a: {  	_ =	shalt  }
0x5b: {  	_ =	shalt  }
0x5c: {  	_ =	shalt  }
0x5d: {  	_ =	shalt  }
0x5e: {  	_ =	shalt  }
0x5f: {  	_ =	shalt  }
0x60: {  	_ =	shalt  }
0x61: {  	_ =	shalt  }
0x62: {  	_ =	shalt  }
0x63: {  	_ =	shalt  }
0x64: {  	_ =	shalt  }
0x65: {  	_ =	shalt  }
0x66: {  	_ =	shalt  }
0x67: {  	_ =	shalt  }
0x68: {  	_ =	shalt  }
0x69: {  	_ =	shalt  }
0x6a: {  	_ =	shalt  }
0x6b: {  	_ =	shalt  }
0x6c: {  	_ =	shalt  }
0x6d: {  	_ =	shalt  }
0x6e: {  	_ =	shalt  }
0x6f: {  	_ =	shalt  }
0x70: {  	_ =	shalt  }
0x71: {  	_ =	shalt  }
0x72: {  	_ =	shalt  }
0x73: {  	_ =	shalt  }
0x74: {  	_ =	shalt  }
0x75: {  	_ =	shalt  }
0x76: {  	_ =	shalt  }
0x77: {  	_ =	shalt  }
0x78: {  	_ =	shalt  }
0x79: {  	_ =	shalt  }
0x7a: {  	_ =	shalt  }
0x7b: {  	_ =	shalt  }
0x7c: {  	_ =	shalt  }
0x7d: {  	_ =	shalt  }
0x7e: {  	_ =	shalt  }
0x7f: {  	_ =	shalt  }
0x80: {  	_ =	shalt  }
0x81: {  	_ =	shalt  }
0x82: {  	_ =	shalt  }
0x83: {  	_ =	shalt  }
0x84: {  	_ =	shalt  }
0x85: {  	_ =	shalt  }
0x86: {  	_ =	shalt  }
0x87: {  	_ =	shalt  }
.Lfunc_end0:
.L_simem_size_0:
called_computation_lowered:
.L_overlay_start_0:
0x88: {  	s2 =	sld [smem:$0x3FD9]  }
0x89: {  	s3 =	sld [smem:$0x3FFE];
	_ =	sdelay $0x1  }
0x8a: {  	s1 =	srdreg.scid  }
0x8b: {  	s0 =	sand.u32 $0x1, s1  }
0x8c: {  	s17 =	sshll.u32 s0, $0xA;
	s2 =	sadd.s32 s3, s2  }
0x8d: {  	s2 =	sadd.s32 s2, s17  }
0x8e: {  	[smem:$0x3FB9] =	sst s2  }
0x8f: {  	_ = 	snop  }
0x90: {  	s2 =	sld [smem:$0x3FC7]  }
0x91: {  	s18 =	sld [smem:$0x3FD0];
	(tm) =	ssettm $0x1  }
0x92: {  	s4 =	sld [smem:$0x3FFB];
	_ =	sdelay $0x3  }
0x93: {  	_ =	strace s4  }
0x94: {  	s4 =	sld [smem:$0x3FFC];
	_ =	sdelay $0x3  }
0x95: {  	_ =	strace s4  }
0x96: {  	s4 =	sld [smem:$0x3FFD];
	_ =	sdelay $0x3  }
0x97: {  	_ =	strace s4  }
0x98: {  	_ =	strace $0x8FFFFFFF  }
0x99: {  	s19 =	sld [smem:$0x3FDB];
	_ =	sdelay $0x1  }
0x9a: {  	s5 =	simm.s32 $_scs_section_size  }
0x9b: {  	s6 =	simm.s32 $_size__tile_overlayer_lowered;
	s7 =	simm.s32 $_tile_overlayer_lowered  }
0x9c: {  	s22 =	simm.s32 $0x1BFF;
	s21 =	sshll.u32 s7, $0x1;
	s4 =	sadd.s32 s5, s19  }
0x9d: {  	s8 =	simm.s32 $0x0;
	s20 =	sshll.u32 s6, $0x1;
	s6 =	sadd.s32 s21, s4  }
0x9e: {  	[timem:s8], [sflag:s22] =	dma.local [hbm:s6], s20  }
0x9f: {  	_ =	swait.ge [sflag:s22], s20  }
0xa0: {  	s5 =	ssub.s32 $0x0, s20;
	[sflag:s22] =	ssyncset.done $0x0  }
0xa1: {  	[sflag:s22] =	ssyncadd.s32 s5;
	_ =	sdelay $0x1  }
0xa2: {  	s23 =	simm.s32 $0x1B8B  }
0xa3: {  	_ =	swait.ge [sflag:s23], $0x1  }
0xa4: {  	[sflag:s23] =	ssyncset.done $0x0  }
0xa5: {  	s25 =	simm.s32 $0x1B8E;
	s24 =	sld [smem:$0x3FFE];
	[sflag:s23] =	ssyncadd.s32 $0xFFFFFFFF  }
0xa6: {  	s26 =	simm.s32 $execute0_lowered;
	[smem:$0x3FD2] =	sst s25  }
0xa7: {  	s6 =	sshll.u32 s26, $0x1;
	_ =	strace $0x80000046;
	[dreg:$0x1] =	wrdreg $0xFFFFFFFF  }
0xa8: {  	s28 =	simm.s32 $_size_execute0_lowered;
	s4 =	sadd.s32 s4, s6;
	[dreg:$0x0] =	wrdreg $0x0  }
0xa9: {  	s6 =	sshll.u32 s28, $0x1;
	[dreg:$0x2] =	wrdreg s4  }
0xaa: {  	[dreg:$0x3] =	wrdreg s6  }
0xab: {  	[dreg:$0x4] =	wrdreg $0xC0  }
0xac: {  	_ =	task [dreg:s8], $0x5FFFF  }
0xad: {  	[dreg:$0x1] =	wrdreg $0xFFFFFFFF  }
0xae: {  	[dreg:$0x0] =	wrdreg $0x60  }
0xaf: {  	[dreg:$0x2] =	wrdreg s18  }
0xb0: {  	[dreg:$0x3] =	wrdreg s24  }
0xb1: {  	[dreg:$0x4] =	wrdreg s2  }
0xb2: {  	[dreg:$0x5] =	wrdreg $0xA1000  }
0xb3: {  	[dreg:$0x6] =	wrdreg $0x9  }
0xb4: {  	_ =	task.clear_ibuf [dreg:s8], $0x7FFFF;
	_ =	strace $0x90000046  }
0xb5: {  	s29 =	simm.s32 $0x9;
	_ =	strace $0x80000048  }
0xb6: {  	_ =	swait.ge [sflag:s29], $0x1  }
0xb7: {  	[sflag:s29] =	ssyncadd.s32 $0xFFFFFFFF  }
0xb8: {  	_ =	strace $0x90000048  }
0xb9: {  	_ =	sfence  }
0xba: {  	s30 =	sld [smem:$0x0];
	_ =	sdelay $0x2  }
0xbb: {  	s31 =	sshll.u32 s1, $0xD;
	s1 =	sshrl.u32 s1, $0x2  }
0xbc: {  	s3 =	sand.u32 $0x4000, s31;
	s1 =	sadd.s32 s1, s30  }
0xbd: {  	s0 =	sor.u32 s3, s0;
	s1 =	sshll.u32 s1, $0x11  }
0xbe: {  	s0 =	sor.u32 s1, s0  }
0xbf: {  	s0 =	sadd.s32 $0x8F2B, s0  }
0xc0: {  	[sflag:s0] =	ssyncadd.remote.s32 $0x1  }
0xc1: {  	_ =	sfence.sel $0xFFFF  }
0xc2: {  	[dreg:$0x0] =	wrdreg $0xFFFFFFFF;
	(pc) =	sbr.abs _section_cstart, $3  }
0xc3: {  	[dreg:$0x1] =	wrdreg $0xFFFFFFFF  }
0xc4: {  	_ =	task.clear_ibuf [dreg:s8], $0x2FFFF;
	_ =	strace $0x9FFFFFFF  }
0xc5: {  	(tm) =	ssettm $0x7FFFFFFF  }
tec
execute0_lowered:
.L_overlay_start_1:
0x0: {  	(tag) =	ssettag $0x1  }
0x1: {  	s1 =	rddreg [dreg:$0x0]  }
0x2: {  	s7 =	rddreg [dreg:$0x1]  }
0x3: {  	s0 =	srdreg.scid;
	s3 =	rddreg [dreg:$0x2]  }
0x4: {  	s13 =	stileid.u32;
	s4 =	rddreg [dreg:$0x3];
	s28 =	simm.s32 $0x1  }
0x5: {  	s29 =	simm.s32 $0x5100;
	s0 =	sand.u32 $0x1, s0;
	s8 =	sshll.u32 s13, $0x7  }
0x6: {  	s9 =	smul.u32 $0x4E000, s13;
	s10 =	sadd.s32 $0x15800, s7;
	s2 =	sshll.u32 s0, $0x4  }
0x7: {  	s19 =	smul.u32 $0x13800, s13;
	p0 =	sne.s32 s13, $0xF;
	s2 =	sor.u32 s13, s2  }
0x8: {  	s11 =	ssub.s32 $0x2, s0;
	s0 =	smul.u32 $0x138800, s0;
	s5 =	sshrl.u32 s2, $0x3  }
0x9: {  	s8 =	sand.u32 $0x380, s8;
	s9 =	sshrl.u32 s9, $0x2;
	s6 =	smul.u32 $0x13C00, s5  }
0xa: {  	s12 =	sshrl.u32 s11, $0x1;
	s14 =	sadd.s32 s9, s4;
	s5 =	simm.s32 $0x0  }
0xb: {  	s13 =	sadd.s32 $0x3C00, s14;
	[smem:$0x7FF] =	sst s5;
	s6 =	sor.u32 s8, s6  }
0xc: {  	_ =	strace $0x80000047;
	[dreg:$0x1a] =	wrdreg s13;
	s6 =	sshrl.u32 s6, $0x3  }
0xd: {  	s22 =	sadd.s32 s6, s7;
	s6 =	sadd.s32 $0x1C00, s7;
	s7 =	smul.u32 $0x2710, s2  }
0xe: {  	s11 =	ssub.s32 s11, s12;
	[dreg:$0x5] =	wrdreg s14;
	s2 =	smul.u32 $0x27100, s2  }
0xf: {  	s8 =	sadd.s32 $0xBA00, s22;
	s22 =	sadd.s32 s19, s0;
	s0 =	sshrl.u32 s0, $0x3  }
0x10: {  	s19 =	sadd.s32 $0xA000, s14;
	[dreg:$0x6] =	wrdreg s8;
	s2 =	sadd.s32 s3, s2  }
0x11: {  	s23 =	sshrl.u32 s7, $0x3;
	s24 =	sadd.s32 $0x28, s7;
	s12 =	sadd.s32 $0x78, s7  }
0x12: {  	s16 =	sadd.s32 $0xA0, s7;
	s0 =	sadd.s32 s10, s0;
	[dreg:$0x1f] =	wrdreg s19  }
0x13: {  	[dreg:$0x7] =	wrdreg s2;
	s2 =	sadd.s32 s6, s23;
	s25 =	sshll.u32 s24, $0x4  }
0x14: {  	s15 =	sshll.u32 s12, $0x4;
	s0 =	sadd.s32 $0x27000, s0;
	[dreg:$0x8] =	wrdreg s2  }
0x15: {  	s17 =	sshrl.u32 s12, $0x3;
	s12 =	sadd.s32 $0x2800, s14;
	[dreg:$0x16] =	wrdreg s0  }
0x16: {  	s8 =	sshrl.u32 s24, $0x3;
	s2 =	sadd.s32 s3, s25;
	[dreg:$0x19] =	wrdreg s12  }
0x17: {  	s18 =	sshll.u32 s16, $0x4;
	s26 =	sadd.s32 s6, s8;
	[dreg:$0x9] =	wrdreg s2  }
0x18: {  	s24 =	sadd.s32 $0x26E8, s7;
	s20 =	sadd.s32 s3, s18;
	[dreg:$0xa] =	wrdreg s26  }
0x19: {  	s25 =	sshll.u32 s24, $0x4;
	s18 =	sadd.s32 $0x8C00, s14;
	[dreg:$0xf] =	wrdreg s20  }
0x1a: {  	s21 =	sadd.s32 $0x26C0, s7;
	s26 =	sadd.s32 s3, s25;
	[dreg:$0x1e] =	wrdreg s18  }
0x1b: {  	s8 =	sadd.s32 $0x50, s7;
	s20 =	sadd.s32 $0xB400, s14;
	[dreg:$0x14] =	wrdreg s26  }
0x1c: {  	s9 =	sshll.u32 s8, $0x4;
	s25 =	sadd.s32 $0x11800, s14;
	[smem:$0x7F6] =	sst s20  }
0x1d: {  	s2 =	sshrl.u32 s8, $0x3;
	s8 =	sadd.s32 s3, s9;
	[smem:$0x7FB] =	sst s25  }
0x1e: {  	s23 =	sshll.u32 s21, $0x4;
	s2 =	sadd.s32 s6, s2;
	[dreg:$0xb] =	wrdreg s8  }
0x1f: {  	s30 =	simm.s32 $0x8D00;
	s9 =	sadd.s32 s3, s23;
	[dreg:$0xc] =	wrdreg s2  }
0x20: {  	s31 =	simm.s32 $0x2880;
	s23 =	sadd.s32 $0xF000, s14;
	[dreg:$0x12] =	wrdreg s9  }
0x21: {  	s19 =	simm.s32 $0x6500;
	s26 =	sadd.s32 $0x12C00, s14;
	[smem:$0x7F9] =	sst s23  }
0x22: {  	s0 =	simm.s32 $0x4;
	s2 =	sadd.s32 s3, s15;
	[smem:$0x7FC] =	sst s26  }
0x23: {  	s12 =	simm.s32 $0x0;
	s8 =	sadd.s32 s6, s17;
	[dreg:$0xd] =	wrdreg s2  }
0x24: {  	s20 =	simm.s32 $0x7;
	s15 =	sadd.s32 $0x5000, s14;
	[dreg:$0xe] =	wrdreg s8  }
0x25: {  	s25 =	simm.s32 $0x7900;
	s17 =	sadd.s32 $0x7800, s14;
	[dreg:$0x1b] =	wrdreg s15  }
0x26: {  	s9 =	sshrl.u32 s24, $0x3;
	s24 =	sadd.s32 $0x10400, s14;
	[dreg:$0x1d] =	wrdreg s17  }
0x27: {  	s2 =	sshrl.u32 s16, $0x3;
	s16 =	sadd.s32 $0x6400, s14;
	[smem:$0x7FA] =	sst s24  }
0x28: {  	s8 =	sshrl.u32 s22, $0x3;
	s22 =	sadd.s32 $0xDC00, s14;
	[dreg:$0x1c] =	wrdreg s16  }
0x29: {  	s23 =	simm.s32 $0x2780;
	s2 =	sadd.s32 s6, s2;
	[smem:$0x7F8] =	sst s22  }
0x2a: {  	s26 =	simm.s32 $0x2800;
	s8 =	sadd.s32 s10, s8;
	[dreg:$0x10] =	wrdreg s2  }
0x2b: {  	s24 =	simm.s32 $0x3D00;
	s10 =	smax.u32 s11, $0x1;
	[dreg:$0x11] =	wrdreg s8  }
0x2c: {  	s11 =	sadd.s32 $0x1400, s14;
	s16 =	sadd.s32 $0x138000, s4;
	[dreg:$0x17] =	wrdreg s10  }
0x2d: {  	s22 =	simm.s32 $0x2900;
	s2 =	sshrl.u32 s21, $0x3;
	[dreg:$0x18] =	wrdreg s11  }
0x2e: {  	s21 =	sadd.s32 $0xC800, s14;
	s10 =	simm.s32 $0x5;
	[smem:$0x7FD] =	sst s16  }
0x2f: {  	s11 =	simm.s32 $0x6;
	s2 =	sadd.s32 s6, s2;
	[smem:$0x7F7] =	sst s21  }
0x30: {  	s21 =	simm.s32 $0x28;
	[dreg:$0x13] =	wrdreg s2;
	s2 =	sadd.s32 s6, s9  }
0x31: {  	v0 =	vimm.f32 $0.0e+00;
	s9 =	simm.s32 $0x3;
	[dreg:$0x15] =	wrdreg s2;
	s2 =	simm.s32 $0x2  }
.LBB2_1:
0x32: {  	s8 =	simm.s32 $0x6600  }
0x33: {  	[tilespmem:s8+$0xFFFFFF00] =	vst v0  }
0x34: {  	[tilespmem:s8+$0xF0] =	vst v0  }
0x35: {  	[tilespmem:s8+$0xE0] =	vst v0  }
0x36: {  	[tilespmem:s8+$0xD0] =	vst v0  }
0x37: {  	[tilespmem:s8+$0xC0] =	vst v0  }
0x38: {  	[tilespmem:s8+$0xB0] =	vst v0  }
0x39: {  	[tilespmem:s8+$0xA0] =	vst v0  }
0x3a: {  	[tilespmem:s8+$0x90] =	vst v0  }
0x3b: {  	[tilespmem:s8+$0x80] =	vst v0  }
0x3c: {  	[tilespmem:s8+$0x70] =	vst v0  }
0x3d: {  	[tilespmem:s8+$0x60] =	vst v0  }
0x3e: {  	[tilespmem:s8+$0x50] =	vst v0  }
0x3f: {  	[tilespmem:s8+$0x40] =	vst v0  }
0x40: {  	[tilespmem:s8+$0x30] =	vst v0  }
0x41: {  	[tilespmem:s8+$0x20] =	vst v0  }
0x42: {  	[tilespmem:s8+$0x10] =	vst v0  }
0x43: {  	[tilespmem:s8+$0x0] =	vst v0  }
0x44: {  	[tilespmem:s8+$0xFFFFFFF0] =	vst v0  }
0x45: {  	[tilespmem:s8+$0xFFFFFFE0] =	vst v0  }
0x46: {  	[tilespmem:s8+$0xFFFFFFD0] =	vst v0  }
0x47: {  	[tilespmem:s8+$0xFFFFFFC0] =	vst v0  }
0x48: {  	[tilespmem:s8+$0xFFFFFFB0] =	vst v0  }
0x49: {  	[tilespmem:s8+$0xFFFFFFA0] =	vst v0  }
0x4a: {  	[tilespmem:s8+$0xFFFFFF90] =	vst v0  }
0x4b: {  	[tilespmem:s8+$0xFFFFFF80] =	vst v0  }
0x4c: {  	[tilespmem:s8+$0xFFFFFF70] =	vst v0  }
0x4d: {  	[tilespmem:s8+$0xFFFFFF60] =	vst v0  }
0x4e: {  	[tilespmem:s8+$0xFFFFFF50] =	vst v0  }
0x4f: {  	[tilespmem:s8+$0xFFFFFF40] =	vst v0  }
0x50: {  	[tilespmem:s8+$0xFFFFFF30] =	vst v0  }
0x51: {  	s13 =	simm.s32 $0x0;
	[tilespmem:s8+$0xFFFFFF20] =	vst v0  }
.LBB2_2:
0x52: {  	s13 =	sadd.s32 $0x4, s13;
	[tilespmem:s8+$0xFFFFFF10] =	vst v0;
	s8 =	sadd.s32 $0x200, s8  }
0x53: {  	[tilespmem:s8+$0xFFFFFF00] =	vst v0;
	p1 =	slt.u32 s13, $0x24  }
0x54: {  	[tilespmem:s8+$0xF0] =	vst v0  }
0x55: {  	[tilespmem:s8+$0xE0] =	vst v0  }
0x56: {  	[tilespmem:s8+$0xD0] =	vst v0  }
0x57: {  	[tilespmem:s8+$0xC0] =	vst v0  }
0x58: {  	[tilespmem:s8+$0xB0] =	vst v0  }
0x59: {  	[tilespmem:s8+$0xA0] =	vst v0  }
0x5a: {  	[tilespmem:s8+$0x90] =	vst v0  }
0x5b: {  	[tilespmem:s8+$0x80] =	vst v0  }
0x5c: {  	[tilespmem:s8+$0x70] =	vst v0  }
0x5d: {  	[tilespmem:s8+$0x60] =	vst v0  }
0x5e: {  	[tilespmem:s8+$0x50] =	vst v0  }
0x5f: {  	[tilespmem:s8+$0x40] =	vst v0  }
0x60: {  	[tilespmem:s8+$0x30] =	vst v0  }
0x61: {  	[tilespmem:s8+$0x20] =	vst v0  }
0x62: {  	[tilespmem:s8+$0x10] =	vst v0  }
0x63: {  	[tilespmem:s8+$0x0] =	vst v0  }
0x64: {  	[tilespmem:s8+$0xFFFFFFF0] =	vst v0  }
0x65: {  	[tilespmem:s8+$0xFFFFFFE0] =	vst v0  }
0x66: {  	[tilespmem:s8+$0xFFFFFFD0] =	vst v0  }
0x67: {  	[tilespmem:s8+$0xFFFFFFC0] =	vst v0  }
0x68: {  	[tilespmem:s8+$0xFFFFFFB0] =	vst v0  }
0x69: {  	[tilespmem:s8+$0xFFFFFFA0] =	vst v0  }
0x6a: {  	[tilespmem:s8+$0xFFFFFF90] =	vst v0  }
0x6b: {  	[tilespmem:s8+$0xFFFFFF80] =	vst v0  }
0x6c: {  	[tilespmem:s8+$0xFFFFFF70] =	vst v0  }
.Ltmp0:
0x6d: {  	[tilespmem:s8+$0xFFFFFF60] =	vst v0;
	(pc) =	sbr.rel @p1 .LBB2_2-.Ltmp0, $4  }
0x6e: {  	[tilespmem:s8+$0xFFFFFF50] =	vst v0  }
0x6f: {  	[tilespmem:s8+$0xFFFFFF40] =	vst v0  }
0x70: {  	[tilespmem:s8+$0xFFFFFF30] =	vst v0  }
0x71: {  	[tilespmem:s8+$0xFFFFFF20] =	vst v0  }
0x72: {  	[tilespmem:s8+$0xFFFFFF10] =	vst v0  }
0x73: {  	[spmem:s14] =	stream.linear.scatter [tilespmem:s19], [sflag:$0x7], $0x1400, $0x38;
	[tilespmem:$0x1D980] =	vst v63  }
0x74: {  	_ =	swait.ge [sflag:s20], $0x1400  }
0x75: {  	[sflag:s20] =	ssyncset.done $0x0  }
0x76: {  	s17 =	rddreg [dreg:$0x18];
	[sflag:s20] =	ssyncadd.s32 $0xFFFFEC00  }
0x77: {  	[spmem:s17] =	stream.linear.scatter [tilespmem:s19], [sflag:$0x7], $0x1400, $0x38;
	[tilespmem:$0x1D980] =	vst v63  }
0x78: {  	_ =	swait.ge [sflag:s20], $0x1400  }
0x79: {  	[sflag:s20] =	ssyncset.done $0x0  }
0x7a: {  	s18 =	rddreg [dreg:$0x19];
	[sflag:s20] =	ssyncadd.s32 $0xFFFFEC00  }
0x7b: {  	[spmem:s18] =	stream.linear.scatter [tilespmem:s19], [sflag:$0x7], $0x1400, $0x38;
	[tilespmem:$0x1D980] =	vst v63  }
0x7c: {  	_ =	swait.ge [sflag:s20], $0x1400  }
0x7d: {  	[sflag:s20] =	ssyncset.done $0x0  }
0x7e: {  	s13 =	rddreg [dreg:$0x1a];
	[sflag:s20] =	ssyncadd.s32 $0xFFFFEC00  }
0x7f: {  	[spmem:s13] =	stream.linear.scatter [tilespmem:s19], [sflag:$0x7], $0x1400, $0x38;
	[tilespmem:$0x1D980] =	vst v63  }
0x80: {  	_ =	swait.ge [sflag:s20], $0x1400  }
0x81: {  	[sflag:s20] =	ssyncset.done $0x0  }
0x82: {  	s14 =	rddreg [dreg:$0x1b];
	[sflag:s20] =	ssyncadd.s32 $0xFFFFEC00  }
0x83: {  	[spmem:s14] =	stream.linear.scatter [tilespmem:s19], [sflag:$0x7], $0x1400, $0x38;
	[tilespmem:$0x1D980] =	vst v63  }
0x84: {  	_ =	swait.ge [sflag:s20], $0x1400  }
0x85: {  	[sflag:s20] =	ssyncset.done $0x0  }
0x86: {  	s15 =	rddreg [dreg:$0x1c];
	[sflag:s20] =	ssyncadd.s32 $0xFFFFEC00  }
0x87: {  	[spmem:s15] =	stream.linear.scatter [tilespmem:s19], [sflag:$0x7], $0x1400, $0x38;
	[tilespmem:$0x1D980] =	vst v63  }
0x88: {  	_ =	swait.ge [sflag:s20], $0x1400  }
0x89: {  	[sflag:s20] =	ssyncset.done $0x0  }
0x8a: {  	s17 =	rddreg [dreg:$0x1d];
	[sflag:s20] =	ssyncadd.s32 $0xFFFFEC00  }
0x8b: {  	[spmem:s17] =	stream.linear.scatter [tilespmem:s19], [sflag:$0x7], $0x1400, $0x38;
	[tilespmem:$0x1D980] =	vst v63  }
0x8c: {  	_ =	swait.ge [sflag:s20], $0x1400  }
0x8d: {  	[sflag:s20] =	ssyncset.done $0x0  }
0x8e: {  	s18 =	rddreg [dreg:$0x1e];
	[sflag:s20] =	ssyncadd.s32 $0xFFFFEC00  }
0x8f: {  	[spmem:s18] =	stream.linear.scatter [tilespmem:s19], [sflag:$0x7], $0x1400, $0x38;
	[tilespmem:$0x1D980] =	vst v63  }
0x90: {  	_ =	swait.ge [sflag:s20], $0x1400  }
0x91: {  	[sflag:s20] =	ssyncset.done $0x0  }
0x92: {  	s13 =	rddreg [dreg:$0x1f];
	[sflag:s20] =	ssyncadd.s32 $0xFFFFEC00  }
0x93: {  	[spmem:s13] =	stream.linear.scatter [tilespmem:s19], [sflag:$0x7], $0x1400, $0x38;
	[tilespmem:$0x1D980] =	vst v63  }
0x94: {  	_ =	swait.ge [sflag:s20], $0x1400  }
0x95: {  	s14 =	sld [smem:$0x7F6]  }
0x96: {  	[sflag:s20] =	ssyncset.done $0x0  }
0x97: {  	[sflag:s20] =	ssyncadd.s32 $0xFFFFEC00  }
0x98: {  	[spmem:s14] =	stream.linear.scatter [tilespmem:s19], [sflag:$0x7], $0x1400, $0x38;
	[tilespmem:$0x1D980] =	vst v63  }
0x99: {  	_ =	swait.ge [sflag:s20], $0x1400  }
0x9a: {  	s15 =	sld [smem:$0x7F7]  }
0x9b: {  	[sflag:s20] =	ssyncset.done $0x0  }
0x9c: {  	[sflag:s20] =	ssyncadd.s32 $0xFFFFEC00  }
0x9d: {  	[spmem:s15] =	stream.linear.scatter [tilespmem:s19], [sflag:$0x7], $0x1400, $0x38;
	[tilespmem:$0x1D980] =	vst v63  }
0x9e: {  	_ =	swait.ge [sflag:s20], $0x1400  }
0x9f: {  	s17 =	sld [smem:$0x7F8]  }
0xa0: {  	[sflag:s20] =	ssyncset.done $0x0  }
0xa1: {  	[sflag:s20] =	ssyncadd.s32 $0xFFFFEC00  }
0xa2: {  	[spmem:s17] =	stream.linear.scatter [tilespmem:s19], [sflag:$0x7], $0x1400, $0x38;
	[tilespmem:$0x1D980] =	vst v63  }
0xa3: {  	_ =	swait.ge [sflag:s20], $0x1400  }
0xa4: {  	s18 =	sld [smem:$0x7F9]  }
0xa5: {  	[sflag:s20] =	ssyncset.done $0x0  }
0xa6: {  	[sflag:s20] =	ssyncadd.s32 $0xFFFFEC00  }
0xa7: {  	[spmem:s18] =	stream.linear.scatter [tilespmem:s19], [sflag:$0x7], $0x1400, $0x38;
	[tilespmem:$0x1D980] =	vst v63  }
0xa8: {  	_ =	swait.ge [sflag:s20], $0x1400  }
0xa9: {  	s13 =	sld [smem:$0x7FA]  }
0xaa: {  	[sflag:s20] =	ssyncset.done $0x0  }
0xab: {  	[sflag:s20] =	ssyncadd.s32 $0xFFFFEC00  }
0xac: {  	[spmem:s13] =	stream.linear.scatter [tilespmem:s19], [sflag:$0x7], $0x1400, $0x38;
	[tilespmem:$0x1D980] =	vst v63  }
0xad: {  	_ =	swait.ge [sflag:s20], $0x1400  }
0xae: {  	s14 =	sld [smem:$0x7FB]  }
0xaf: {  	[sflag:s20] =	ssyncset.done $0x0  }
0xb0: {  	[sflag:s20] =	ssyncadd.s32 $0xFFFFEC00  }
0xb1: {  	[spmem:s14] =	stream.linear.scatter [tilespmem:s19], [sflag:$0x7], $0x1400, $0x38;
	[tilespmem:$0x1D980] =	vst v63  }
0xb2: {  	_ =	swait.ge [sflag:s20], $0x1400  }
0xb3: {  	s15 =	sld [smem:$0x7FC]  }
0xb4: {  	[sflag:s20] =	ssyncset.done $0x0  }
0xb5: {  	[sflag:s20] =	ssyncadd.s32 $0xFFFFEC00  }
0xb6: {  	[spmem:s15] =	stream.linear.scatter [tilespmem:s19], [sflag:$0x7], $0xC00, $0x38;
	[tilespmem:$0x1D980] =	vst v63  }
0xb7: {  	_ =	swait.ge [sflag:s20], $0xC00  }
0xb8: {  	[sflag:s20] =	ssyncset.done $0x0  }
0xb9: {  	s8 =	simm.s32 @!p0 $0x6500;
	[sflag:s20] =	ssyncadd.s32 $0xFFFFF400  }
0xba: {  	[spmem:s16] =	stream.linear.scatter @!p0 [tilespmem:s8], [sflag:$0x7], $0x800, $0x38;
	[tilespmem:$0x1D980] =	vst v63  }
0xbb: {  	s8 =	simm.s32 @!p0 $0x7  }
0xbc: {  	_ =	swait.ge @!p0 [sflag:s8], $0x800  }
0xbd: {  	[sflag:s8] =	ssyncset.done @!p0 $0x0  }
0xbe: {  	[sflag:s8] =	ssyncadd.s32 @!p0 $0xFFFFF800  }
0xbf: {  	[bflag:$0x0] =	sbarrier.arrive $0xFFFF  }
0xc0: {  	s18 =	simm.s32 $0x400;
	s13 =	simm.s32 $0x80;
	s17 =	rddreg [dreg:$0x6]  }
0xc1: {  	[tilespmem:s5], [sflag:$0x7] =	stream.strided.gather [hbm4b:s17+s13], $0x2780, s18, s13, $0x38;
	[tilespmem:$0x1D980] =	vst v63  }
0xc2: {  	_ =	swait.ge [sflag:s20], $0x2780  }
0xc3: {  	[sflag:s20] =	ssyncset.done $0x0  }
0xc4: {  	[sflag:s20] =	ssyncadd.s32 $0xFFFFD880  }
0xc5: {  	[tilespmem:s22], [sflag:$0x1] =	stream.indirect.gather [hbm4b:s1+s21], $0x80, s5, s21, $0xb8;
	[tilespmem:$0x1D980] =	vst v63  }
0xc6: {  	s15 =	rddreg [dreg:$0x7]  }
0xc7: {  	[tilespmem:s19], [sflag:$0x1] =	stream.linear.gather [hbm4b:s15+s5], $0x1400, $0x38;
	[tilespmem:$0x1D980] =	vst v63  }
0xc8: {  	s16 =	rddreg [dreg:$0x8]  }
0xc9: {  	[tilespmem:s23], [sflag:$0x1] =	stream.linear.gather [hbm4b:s16+s5], $0x28, $0x38;
	[tilespmem:$0x1D980] =	vst v63  }
0xca: {  	_ = 	snop  }
0xcb: {  	[tilespmem:s24], [sflag:$0x2] =	stream.indirect.gather [hbm4b:s1+s21], $0x80, s21, s21, $0xb8;
	[tilespmem:$0x1D980] =	vst v63  }
0xcc: {  	s17 =	rddreg [dreg:$0x9]  }
0xcd: {  	[tilespmem:s25], [sflag:$0x2] =	stream.linear.gather [hbm4b:s17+s5], $0x1400, $0x38;
	[tilespmem:$0x1D980] =	vst v63  }
0xce: {  	s18 =	rddreg [dreg:$0xa]  }
0xcf: {  	[tilespmem:s26], [sflag:$0x2] =	stream.linear.gather [hbm4b:s18+s5], $0x28, $0x38;
	[tilespmem:$0x1D980] =	vst v63  }
0xd0: {  	_ =	swait.ge [sflag:s28], $0x1400  }
0xd1: {  	[sflag:s28] =	ssyncset.done $0x0  }
0xd2: {  	[sflag:s28] =	ssyncadd.s32 $0xFFFFEC00  }
0xd3: {  	_ =	swait.ge [sflag:s28], $0x1400  }
0xd4: {  	[sflag:s28] =	ssyncset.done $0x0  }
0xd5: {  	[sflag:s28] =	ssyncadd.s32 $0xFFFFEC00  }
0xd6: {  	_ =	swait.ge [sflag:s28], $0x28  }
0xd7: {  	[sflag:s28] =	ssyncset.done $0x0  }
0xd8: {  	s13 =	simm.s32 $0x2A00;
	[sflag:s28] =	ssyncadd.s32 $0xFFFFFFD8  }
0xd9: {  	s14 =	simm.s32 $0x6600;
	v1 =	vld [tilespmem:s13+$0x80]  }
0xda: {  	v2 =	vld [tilespmem:s14+$0x80]  }
0xdb: {  	v3 =	vld [tilespmem:s14+$0xFFFFFF00]  }
0xdc: {  	v4 =	vld [tilespmem:s13+$0xFFFFFF80]  }
0xdd: {  	v5 =	vld [tilespmem:s14+$0xFFFFFF80]  }
0xde: {  	v6 =	vld [tilespmem:s14+$0x0]  }
0xdf: {  	v1 =	vadd.f32 v2, v1;
	v2 =	vld [tilespmem:s13+$0x0]  }
0xe0: {  	v7 =	vld [tilespmem:s13+$0xFFFFFF00]  }
0xe1: {  	v1 =	vmax.f32 v1, $0.0e+00  }
0xe2: {  	v4 =	vadd.f32 v5, v4;
	[tilespmem:s14+$0x80] =	vst v1;
	v1 =	vld [tilespmem:s14+$0x90]  }
0xe3: {  	v8 =	vld [tilespmem:s13+$0x90]  }
0xe4: {  	v9 =	vld [tilespmem:s14+$0xFFFFFF90];
	v4 =	vmax.f32 v4, $0.0e+00;
	v2 =	vadd.f32 v6, v2  }
0xe5: {  	v5 =	vld [tilespmem:s14+$0xFFFFFF10];
	v3 =	vadd.f32 v3, v7;
	[tilespmem:s14+$0xFFFFFF80] =	vst v4  }
0xe6: {  	v6 =	vld [tilespmem:s13+$0xFFFFFF90];
	v2 =	vmax.f32 v2, $0.0e+00  }
0xe7: {  	v3 =	vmax.f32 v3, $0.0e+00;
	v4 =	vld [tilespmem:s14+$0x10];
	[tilespmem:s14+$0x0] =	vst v2  }
0xe8: {  	[tilespmem:s14+$0xFFFFFF00] =	vst v3;
	v1 =	vadd.f32 v1, v8;
	v2 =	vld [tilespmem:s13+$0x10]  }
0xe9: {  	v3 =	vld [tilespmem:s13+$0xFFFFFF10]  }
0xea: {  	v1 =	vmax.f32 v1, $0.0e+00  }
0xeb: {  	v6 =	vadd.f32 v9, v6;
	[tilespmem:s14+$0x90] =	vst v1;
	v1 =	vld [tilespmem:s14+$0xA0]  }
0xec: {  	v8 =	vld [tilespmem:s13+$0xA0]  }
0xed: {  	v7 =	vld [tilespmem:s14+$0xFFFFFF20];
	v6 =	vmax.f32 v6, $0.0e+00;
	v2 =	vadd.f32 v4, v2  }
0xee: {  	v3 =	vadd.f32 v5, v3;
	v9 =	vld [tilespmem:s14+$0xFFFFFFA0];
	[tilespmem:s14+$0xFFFFFF90] =	vst v6  }
0xef: {  	v5 =	vld [tilespmem:s13+$0xFFFFFFA0];
	v2 =	vmax.f32 v2, $0.0e+00  }
0xf0: {  	v3 =	vmax.f32 v3, $0.0e+00;
	v4 =	vld [tilespmem:s14+$0x20];
	[tilespmem:s14+$0x10] =	vst v2  }
0xf1: {  	[tilespmem:s14+$0xFFFFFF10] =	vst v3;
	v1 =	vadd.f32 v1, v8;
	v2 =	vld [tilespmem:s13+$0x20]  }
0xf2: {  	v3 =	vld [tilespmem:s13+$0xFFFFFF20]  }
0xf3: {  	v1 =	vmax.f32 v1, $0.0e+00  }
0xf4: {  	v5 =	vadd.f32 v9, v5;
	[tilespmem:s14+$0xA0] =	vst v1;
	v1 =	vld [tilespmem:s14+$0xB0]  }
0xf5: {  	v8 =	vld [tilespmem:s13+$0xB0]  }
0xf6: {  	v10 =	vld [tilespmem:s14+$0x30];
	v5 =	vmax.f32 v5, $0.0e+00;
	v2 =	vadd.f32 v4, v2  }
0xf7: {  	v3 =	vadd.f32 v7, v3;
	v9 =	vld [tilespmem:s14+$0xFFFFFFB0];
	[tilespmem:s14+$0xFFFFFFA0] =	vst v5  }
0xf8: {  	v4 =	vld [tilespmem:s13+$0xFFFFFFB0];
	v2 =	vmax.f32 v2, $0.0e+00  }
0xf9: {  	v6 =	vld [tilespmem:s14+$0xFFFFFF30];
	[tilespmem:s14+$0x20] =	vst v2;
	v2 =	vmax.f32 v3, $0.0e+00  }
0xfa: {  	v1 =	vadd.f32 v1, v8;
	[tilespmem:s14+$0xFFFFFF20] =	vst v2;
	v2 =	vld [tilespmem:s13+$0x30]  }
0xfb: {  	v7 =	vld [tilespmem:s13+$0xFFFFFF30]  }
0xfc: {  	v11 =	vld [tilespmem:s14+$0xFFFFFF40];
	v1 =	vmax.f32 v1, $0.0e+00  }
0xfd: {  	v4 =	vadd.f32 v9, v4;
	[tilespmem:s14+$0xB0] =	vst v1;
	v1 =	vld [tilespmem:s14+$0xC0]  }
0xfe: {  	v8 =	vld [tilespmem:s13+$0xC0]  }
0xff: {  	v12 =	vld [tilespmem:s14+$0xFFFFFFD0];
	v4 =	vmax.f32 v4, $0.0e+00;
	v2 =	vadd.f32 v10, v2  }
0x100: {  	v5 =	vld [tilespmem:s14+$0xFFFFFFC0];
	[tilespmem:s14+$0xFFFFFFB0] =	vst v4;
	v6 =	vadd.f32 v6, v7  }
0x101: {  	v7 =	vld [tilespmem:s13+$0xFFFFFFC0];
	v2 =	vmax.f32 v2, $0.0e+00  }
0x102: {  	v3 =	vld [tilespmem:s14+$0x40];
	[tilespmem:s14+$0x30] =	vst v2;
	v2 =	vmax.f32 v6, $0.0e+00  }
0x103: {  	v1 =	vadd.f32 v1, v8;
	v6 =	vld [tilespmem:s13+$0x40];
	[tilespmem:s14+$0xFFFFFF30] =	vst v2  }
0x104: {  	v2 =	vld [tilespmem:s13+$0xFFFFFF40]  }
0x105: {  	v9 =	vld [tilespmem:s14+$0xFFFFFF50];
	v1 =	vmax.f32 v1, $0.0e+00  }
0x106: {  	[tilespmem:s14+$0xC0] =	vst v1;
	v1 =	vadd.f32 v5, v7;
	v7 =	vld [tilespmem:s14+$0xD0]  }
0x107: {  	v8 =	vld [tilespmem:s13+$0xD0]  }
0x108: {  	v4 =	vld [tilespmem:s14+$0xFFFFFF60];
	v1 =	vmax.f32 v1, $0.0e+00;
	v3 =	vadd.f32 v3, v6  }
0x109: {  	v10 =	vld [tilespmem:s14+$0x50];
	[tilespmem:s14+$0xFFFFFFC0] =	vst v1;
	v1 =	vadd.f32 v11, v2  }
0x10a: {  	v2 =	vld [tilespmem:s13+$0xFFFFFFD0];
	v3 =	vmax.f32 v3, $0.0e+00  }
0x10b: {  	v5 =	vld [tilespmem:s14+$0xFFFFFFE0];
	[tilespmem:s14+$0x40] =	vst v3;
	v1 =	vmax.f32 v1, $0.0e+00  }
0x10c: {  	v3 =	vld [tilespmem:s13+$0x50];
	v7 =	vadd.f32 v7, v8;
	[tilespmem:s14+$0xFFFFFF40] =	vst v1  }
0x10d: {  	v1 =	vld [tilespmem:s13+$0xFFFFFF50]  }
0x10e: {  	v6 =	vld [tilespmem:s14+$0x60];
	v7 =	vmax.f32 v7, $0.0e+00  }
0x10f: {  	v2 =	vadd.f32 v12, v2;
	[tilespmem:s14+$0xD0] =	vst v7;
	v7 =	vld [tilespmem:s14+$0xE0]  }
0x110: {  	v11 =	vld [tilespmem:s13+$0xE0]  }
0x111: {  	v2 =	vmax.f32 v2, $0.0e+00;
	v8 =	vadd.f32 v10, v3;
	v3 =	vld [tilespmem:s14+$0xFFFFFF70]  }
0x112: {  	[tilespmem:s14+$0xFFFFFFD0] =	vst v2;
	v1 =	vadd.f32 v9, v1;
	v2 =	vld [tilespmem:s14+$0xFFFFFFF0]  }
0x113: {  	v9 =	vmax.f32 v8, $0.0e+00;
	v8 =	vld [tilespmem:s13+$0xFFFFFFE0]  }
0x114: {  	[tilespmem:s14+$0x50] =	vst v9;
	v9 =	vmax.f32 v1, $0.0e+00;
	v1 =	vld [tilespmem:s14+$0x70]  }
0x115: {  	[tilespmem:s14+$0xFFFFFF50] =	vst v9;
	v9 =	vld [tilespmem:s13+$0x60];
	v7 =	vadd.f32 v7, v11  }
0x116: {  	v10 =	vld [tilespmem:s13+$0xFFFFFF60]  }
0x117: {  	s15 =	simm.s32 $0x6600;
	s16 =	simm.s32 $0x0;
	s17 =	simm.s32 $0x2C00;
	v11 =	vmax.f32 v7, $0.0e+00;
	v7 =	vld [tilespmem:s14+$0xF0]  }
.LBB2_4:
0x118: {  	v12 =	vld [tilespmem:s17+$0x80];
	v5 =	vadd.f32 v5, v8;
	[tilespmem:s14+$0xE0] =	vst v11  }
0x119: {  	s14 =	sadd.s32 $0x200, s14;
	v8 =	vld [tilespmem:s13+$0xF0]  }
0x11a: {  	s16 =	sadd.s32 $0x4, s16;
	v11 =	vld [tilespmem:s14+$0x80];
	v5 =	vmax.f32 v5, $0.0e+00;
	v6 =	vadd.f32 v6, v9  }
0x11b: {  	p1 =	slt.u32 s16, $0x24;
	v9 =	vld [tilespmem:s14+$0xFFFFFF00];
	v4 =	vadd.f32 v4, v10;
	[tilespmem:s15+$0xFFFFFFE0] =	vst v5  }
0x11c: {  	v5 =	vld [tilespmem:s17+$0xFFFFFF80];
	v6 =	vmax.f32 v6, $0.0e+00  }
0x11d: {  	v10 =	vld [tilespmem:s14+$0xFFFFFF80];
	v4 =	vmax.f32 v4, $0.0e+00;
	[tilespmem:s15+$0x60] =	vst v6  }
0x11e: {  	v6 =	vld [tilespmem:s17+$0x0];
	[tilespmem:s15+$0xFFFFFF60] =	vst v4;
	v4 =	vadd.f32 v7, v8  }
0x11f: {  	v7 =	vld [tilespmem:s14+$0x0];
	v8 =	vadd.f32 v11, v12  }
0x120: {  	v11 =	vld [tilespmem:s17+$0xFFFFFF00];
	v4 =	vmax.f32 v4, $0.0e+00  }
0x121: {  	v12 =	vld [tilespmem:s14+$0xFFFFFF10];
	v8 =	vmax.f32 v8, $0.0e+00;
	[tilespmem:s15+$0xF0] =	vst v4  }
0x122: {  	v4 =	vadd.f32 v10, v5;
	[tilespmem:s14+$0x80] =	vst v8;
	v5 =	vld [tilespmem:s14+$0x90]  }
0x123: {  	v8 =	vld [tilespmem:s17+$0x90]  }
0x124: {  	v4 =	vmax.f32 v4, $0.0e+00;
	v10 =	vld [tilespmem:s14+$0xFFFFFF90];
	v6 =	vadd.f32 v7, v6  }
0x125: {  	v7 =	vadd.f32 v9, v11;
	[tilespmem:s14+$0xFFFFFF80] =	vst v4;
	v4 =	vld [tilespmem:s14+$0x10]  }
0x126: {  	v9 =	vld [tilespmem:s17+$0xFFFFFF90];
	v6 =	vmax.f32 v6, $0.0e+00  }
0x127: {  	v7 =	vmax.f32 v7, $0.0e+00;
	v11 =	vld [tilespmem:s14+$0xFFFFFF20];
	[tilespmem:s14+$0x0] =	vst v6  }
0x128: {  	[tilespmem:s14+$0xFFFFFF00] =	vst v7;
	v6 =	vld [tilespmem:s17+$0x10];
	v5 =	vadd.f32 v5, v8  }
0x129: {  	v7 =	vld [tilespmem:s17+$0xFFFFFF10]  }
0x12a: {  	v8 =	vld [tilespmem:s14+$0xFFFFFFA0];
	v5 =	vmax.f32 v5, $0.0e+00  }
0x12b: {  	v9 =	vadd.f32 v10, v9;
	[tilespmem:s14+$0x90] =	vst v5;
	v5 =	vld [tilespmem:s14+$0xA0]  }
0x12c: {  	v10 =	vld [tilespmem:s17+$0xA0]  }
0x12d: {  	v9 =	vmax.f32 v9, $0.0e+00;
	v4 =	vadd.f32 v4, v6;
	v6 =	vld [tilespmem:s14+$0x20]  }
0x12e: {  	v7 =	vadd.f32 v12, v7;
	v12 =	vld [tilespmem:s14+$0xFFFFFF30];
	[tilespmem:s14+$0xFFFFFF90] =	vst v9  }
0x12f: {  	v9 =	vld [tilespmem:s17+$0xFFFFFFA0];
	v4 =	vmax.f32 v4, $0.0e+00  }
0x130: {  	v7 =	vmax.f32 v7, $0.0e+00;
	v13 =	vld [tilespmem:s14+$0xFFFFFFB0];
	[tilespmem:s14+$0x10] =	vst v4  }
0x131: {  	[tilespmem:s14+$0xFFFFFF10] =	vst v7;
	v4 =	vld [tilespmem:s17+$0x20];
	v5 =	vadd.f32 v5, v10  }
0x132: {  	v7 =	vld [tilespmem:s17+$0xFFFFFF20]  }
0x133: {  	v10 =	vld [tilespmem:s14+$0x30];
	v5 =	vmax.f32 v5, $0.0e+00  }
0x134: {  	v8 =	vadd.f32 v8, v9;
	[tilespmem:s14+$0xA0] =	vst v5;
	v5 =	vld [tilespmem:s14+$0xB0]  }
0x135: {  	v9 =	vld [tilespmem:s17+$0xB0]  }
0x136: {  	v14 =	vld [tilespmem:s14+$0xFFFFFF40];
	v8 =	vmax.f32 v8, $0.0e+00;
	v4 =	vadd.f32 v6, v4  }
0x137: {  	v6 =	vadd.f32 v11, v7;
	[tilespmem:s14+$0xFFFFFFA0] =	vst v8;
	v7 =	vld [tilespmem:s14+$0xFFFFFFC0]  }
0x138: {  	v8 =	vld [tilespmem:s17+$0xFFFFFFB0];
	v4 =	vmax.f32 v4, $0.0e+00  }
0x139: {  	v6 =	vmax.f32 v6, $0.0e+00;
	[tilespmem:s14+$0x20] =	vst v4;
	v11 =	vld [tilespmem:s14+$0x40]  }
0x13a: {  	[tilespmem:s14+$0xFFFFFF20] =	vst v6;
	v4 =	vld [tilespmem:s17+$0x30];
	v5 =	vadd.f32 v5, v9  }
0x13b: {  	v6 =	vld [tilespmem:s17+$0xFFFFFF30]  }
0x13c: {  	v9 =	vld [tilespmem:s14+$0xFFFFFF50];
	v5 =	vmax.f32 v5, $0.0e+00  }
0x13d: {  	v8 =	vadd.f32 v13, v8;
	[tilespmem:s14+$0xB0] =	vst v5;
	v5 =	vld [tilespmem:s14+$0xC0]  }
0x13e: {  	v13 =	vld [tilespmem:s17+$0xC0]  }
0x13f: {  	v8 =	vmax.f32 v8, $0.0e+00;
	v15 =	vld [tilespmem:s14+$0xFFFFFFD0];
	v4 =	vadd.f32 v10, v4  }
0x140: {  	v6 =	vadd.f32 v12, v6;
	[tilespmem:s14+$0xFFFFFFB0] =	vst v8;
	v8 =	vld [tilespmem:s14+$0x50]  }
0x141: {  	v10 =	vld [tilespmem:s17+$0xFFFFFFC0];
	v12 =	vmax.f32 v4, $0.0e+00  }
0x142: {  	v6 =	vmax.f32 v6, $0.0e+00;
	v4 =	vld [tilespmem:s14+$0xFFFFFF60];
	[tilespmem:s14+$0x30] =	vst v12  }
0x143: {  	[tilespmem:s14+$0xFFFFFF30] =	vst v6;
	v6 =	vld [tilespmem:s17+$0x40];
	v12 =	vadd.f32 v5, v13  }
0x144: {  	v13 =	vld [tilespmem:s17+$0xFFFFFF40]  }
0x145: {  	v5 =	vld [tilespmem:s14+$0xFFFFFFE0];
	v12 =	vmax.f32 v12, $0.0e+00  }
0x146: {  	v7 =	vadd.f32 v7, v10;
	[tilespmem:s14+$0xC0] =	vst v12;
	v10 =	vld [tilespmem:s14+$0xD0]  }
0x147: {  	v12 =	vld [tilespmem:s17+$0xD0]  }
0x148: {  	v7 =	vmax.f32 v7, $0.0e+00;
	v11 =	vadd.f32 v11, v6;
	v6 =	vld [tilespmem:s14+$0x60]  }
0x149: {  	v13 =	vadd.f32 v14, v13;
	[tilespmem:s14+$0xFFFFFFC0] =	vst v7;
	v7 =	vld [tilespmem:s13+$0xFFFFFF70]  }
0x14a: {  	v14 =	vld [tilespmem:s17+$0xFFFFFFD0];
	v11 =	vmax.f32 v11, $0.0e+00  }
0x14b: {  	v13 =	vmax.f32 v13, $0.0e+00;
	[tilespmem:s14+$0x40] =	vst v11;
	v11 =	vld [tilespmem:s13+$0xFFFFFFF0]  }
0x14c: {  	[tilespmem:s14+$0xFFFFFF40] =	vst v13;
	v13 =	vld [tilespmem:s17+$0x50];
	v10 =	vadd.f32 v10, v12  }
0x14d: {  	v12 =	vld [tilespmem:s17+$0xFFFFFF50]  }
0x14e: {  	v10 =	vmax.f32 v10, $0.0e+00;
	v3 =	vadd.f32 v3, v7;
	v7 =	vld [tilespmem:s13+$0x70];
	s13 =	smov.u32 s17  }
0x14f: {  	v14 =	vadd.f32 v15, v14;
	[tilespmem:s14+$0xD0] =	vst v10;
	v10 =	vld [tilespmem:s14+$0xE0]  }
0x150: {  	v15 =	vld [tilespmem:s17+$0xE0];
	v16 =	vmax.f32 v3, $0.0e+00;
	v11 =	vadd.f32 v2, v11  }
0x151: {  	v3 =	vld [tilespmem:s14+$0xFFFFFF70];
	v2 =	vmax.f32 v14, $0.0e+00;
	v13 =	vadd.f32 v8, v13;
	[tilespmem:s15+$0xFFFFFF70] =	vst v16  }
0x152: {  	v9 =	vadd.f32 v9, v12;
	[tilespmem:s14+$0xFFFFFFD0] =	vst v2;
	v2 =	vld [tilespmem:s14+$0xFFFFFFF0];
	v11 =	vmax.f32 v11, $0.0e+00  }
.Ltmp1:
0x153: {  	v8 =	vld [tilespmem:s17+$0xFFFFFFE0];
	v12 =	vmax.f32 v13, $0.0e+00;
	[tilespmem:s15+$0xFFFFFFF0] =	vst v11;
	v7 =	vadd.f32 v1, v7;
	(pc) =	sbr.rel @p1 .LBB2_4-.Ltmp1, $4  }
0x154: {  	v9 =	vmax.f32 v9, $0.0e+00;
	[tilespmem:s14+$0x50] =	vst v12;
	v1 =	vld [tilespmem:s14+$0x70]  }
0x155: {  	[tilespmem:s14+$0xFFFFFF50] =	vst v9;
	v9 =	vld [tilespmem:s17+$0x60];
	v11 =	vadd.f32 v10, v15;
	v7 =	vmax.f32 v7, $0.0e+00  }
0x156: {  	v10 =	vld [tilespmem:s17+$0xFFFFFF60];
	[tilespmem:s15+$0x70] =	vst v7;
	s15 =	smov.u32 s14  }
0x157: {  	s17 =	sadd.s32 $0x200, s17;
	v11 =	vmax.f32 v11, $0.0e+00;
	v7 =	vld [tilespmem:s14+$0xF0]  }
0x158: {  	_ =	sdelay $0x2  }
0x159: {  	v4 =	vadd.f32 v4, v10  }
0x15a: {  	v5 =	vadd.f32 v5, v8  }
0x15b: {  	[tilespmem:s14+$0xE0] =	vst v11;
	v6 =	vadd.f32 v6, v9;
	v4 =	vmax.f32 v4, $0.0e+00  }
0x15c: {  	v8 =	vld [tilespmem:s13+$0xF0];
	v5 =	vmax.f32 v5, $0.0e+00;
	[tilespmem:s15+$0xFFFFFF60] =	vst v4  }
0x15d: {  	[tilespmem:s15+$0xFFFFFFE0] =	vst v5;
	v4 =	vmax.f32 v6, $0.0e+00;
	v5 =	vld [tilespmem:s13+$0xFFFFFF70]  }
0x15e: {  	[tilespmem:s15+$0x60] =	vst v4;
	v4 =	vld [tilespmem:s13+$0xFFFFFFF0]  }
0x15f: {  	v6 =	vld [tilespmem:s13+$0x70];
	_ =	sdelay $0x1  }
0x160: {  	v7 =	vadd.f32 v7, v8  }
0x161: {  	v3 =	vadd.f32 v3, v5  }
0x162: {  	v5 =	vmax.f32 v7, $0.0e+00;
	v2 =	vadd.f32 v2, v4  }
0x163: {  	[tilespmem:s15+$0xF0] =	vst v5;
	v1 =	vadd.f32 v1, v6;
	v3 =	vmax.f32 v3, $0.0e+00  }
0x164: {  	v2 =	vmax.f32 v2, $0.0e+00;
	[tilespmem:s15+$0xFFFFFF70] =	vst v3  }
0x165: {  	[tilespmem:s15+$0xFFFFFFF0] =	vst v2;
	v1 =	vmax.f32 v1, $0.0e+00  }
0x166: {  	[tilespmem:s15+$0x70] =	vst v1  }
0x167: {  	[spmem:s4] =	stream.indirect.scatter.add.f32 [tilespmem:s19], [sflag:$0x4], $0x80, s23, s21, $0xb8;
	[tilespmem:$0x1D980] =	vst v63  }
0x168: {  	s8 =	simm.s32 $0x50  }
0x169: {  	[tilespmem:s29], [sflag:$0x3] =	stream.indirect.gather [hbm4b:s1+s21], $0x80, s8, s21, $0xb8;
	[tilespmem:$0x1D980] =	vst v63  }
0x16a: {  	s17 =	rddreg [dreg:$0xb]  }
0x16b: {  	[tilespmem:s30], [sflag:$0x3] =	stream.linear.gather [hbm4b:s17+s5], $0x1400, $0x38;
	[tilespmem:$0x1D980] =	vst v63  }
0x16c: {  	s18 =	rddreg [dreg:$0xc]  }
0x16d: {  	[tilespmem:s31], [sflag:$0x3] =	stream.linear.gather [hbm4b:s18+s5], $0x28, $0x38;
	[tilespmem:$0x1D980] =	vst v63  }
0x16e: {  	_ =	swait.ge [sflag:s2], $0x1400  }
0x16f: {  	[sflag:s2] =	ssyncset.done $0x0  }
0x170: {  	[sflag:s2] =	ssyncadd.s32 $0xFFFFEC00  }
0x171: {  	_ =	swait.ge [sflag:s2], $0x1400  }
0x172: {  	[sflag:s2] =	ssyncset.done $0x0  }
0x173: {  	[sflag:s2] =	ssyncadd.s32 $0xFFFFEC00  }
0x174: {  	_ =	swait.ge [sflag:s2], $0x28  }
0x175: {  	[sflag:s2] =	ssyncset.done $0x0  }
0x176: {  	s13 =	simm.s32 $0x3E00;
	[sflag:s2] =	ssyncadd.s32 $0xFFFFFFD8  }
0x177: {  	s14 =	simm.s32 $0x7A00;
	v1 =	vld [tilespmem:s13+$0x80]  }
0x178: {  	v2 =	vld [tilespmem:s14+$0x80]  }
0x179: {  	v3 =	vld [tilespmem:s14+$0xFFFFFF00]  }
0x17a: {  	v4 =	vld [tilespmem:s13+$0xFFFFFF80]  }
0x17b: {  	v5 =	vld [tilespmem:s14+$0xFFFFFF80]  }
0x17c: {  	v6 =	vld [tilespmem:s14+$0x0]  }
0x17d: {  	v1 =	vadd.f32 v2, v1;
	v2 =	vld [tilespmem:s13+$0x0]  }
0x17e: {  	v7 =	vld [tilespmem:s13+$0xFFFFFF00]  }
0x17f: {  	v1 =	vmax.f32 v1, $0.0e+00  }
0x180: {  	v4 =	vadd.f32 v5, v4;
	[tilespmem:s14+$0x80] =	vst v1;
	v1 =	vld [tilespmem:s14+$0x90]  }
0x181: {  	v8 =	vld [tilespmem:s13+$0x90]  }
0x182: {  	v9 =	vld [tilespmem:s14+$0xFFFFFF90];
	v4 =	vmax.f32 v4, $0.0e+00;
	v2 =	vadd.f32 v6, v2  }
0x183: {  	v5 =	vld [tilespmem:s14+$0xFFFFFF10];
	v3 =	vadd.f32 v3, v7;
	[tilespmem:s14+$0xFFFFFF80] =	vst v4  }
0x184: {  	v6 =	vld [tilespmem:s13+$0xFFFFFF90];
	v2 =	vmax.f32 v2, $0.0e+00  }
0x185: {  	v3 =	vmax.f32 v3, $0.0e+00;
	v4 =	vld [tilespmem:s14+$0x10];
	[tilespmem:s14+$0x0] =	vst v2  }
0x186: {  	[tilespmem:s14+$0xFFFFFF00] =	vst v3;
	v1 =	vadd.f32 v1, v8;
	v2 =	vld [tilespmem:s13+$0x10]  }
0x187: {  	v3 =	vld [tilespmem:s13+$0xFFFFFF10]  }
0x188: {  	v1 =	vmax.f32 v1, $0.0e+00  }
0x189: {  	v6 =	vadd.f32 v9, v6;
	[tilespmem:s14+$0x90] =	vst v1;
	v1 =	vld [tilespmem:s14+$0xA0]  }
0x18a: {  	v8 =	vld [tilespmem:s13+$0xA0]  }
0x18b: {  	v7 =	vld [tilespmem:s14+$0xFFFFFF20];
	v6 =	vmax.f32 v6, $0.0e+00;
	v2 =	vadd.f32 v4, v2  }
0x18c: {  	v3 =	vadd.f32 v5, v3;
	v9 =	vld [tilespmem:s14+$0xFFFFFFA0];
	[tilespmem:s14+$0xFFFFFF90] =	vst v6  }
0x18d: {  	v5 =	vld [tilespmem:s13+$0xFFFFFFA0];
	v2 =	vmax.f32 v2, $0.0e+00  }
0x18e: {  	v3 =	vmax.f32 v3, $0.0e+00;
	v4 =	vld [tilespmem:s14+$0x20];
	[tilespmem:s14+$0x10] =	vst v2  }
0x18f: {  	[tilespmem:s14+$0xFFFFFF10] =	vst v3;
	v1 =	vadd.f32 v1, v8;
	v2 =	vld [tilespmem:s13+$0x20]  }
0x190: {  	v3 =	vld [tilespmem:s13+$0xFFFFFF20]  }
0x191: {  	v1 =	vmax.f32 v1, $0.0e+00  }
0x192: {  	v5 =	vadd.f32 v9, v5;
	[tilespmem:s14+$0xA0] =	vst v1;
	v1 =	vld [tilespmem:s14+$0xB0]  }
0x193: {  	v8 =	vld [tilespmem:s13+$0xB0]  }
0x194: {  	v10 =	vld [tilespmem:s14+$0x30];
	v5 =	vmax.f32 v5, $0.0e+00;
	v2 =	vadd.f32 v4, v2  }
0x195: {  	v3 =	vadd.f32 v7, v3;
	v9 =	vld [tilespmem:s14+$0xFFFFFFB0];
	[tilespmem:s14+$0xFFFFFFA0] =	vst v5  }
0x196: {  	v4 =	vld [tilespmem:s13+$0xFFFFFFB0];
	v2 =	vmax.f32 v2, $0.0e+00  }
0x197: {  	v6 =	vld [tilespmem:s14+$0xFFFFFF30];
	[tilespmem:s14+$0x20] =	vst v2;
	v2 =	vmax.f32 v3, $0.0e+00  }
0x198: {  	v1 =	vadd.f32 v1, v8;
	[tilespmem:s14+$0xFFFFFF20] =	vst v2;
	v2 =	vld [tilespmem:s13+$0x30]  }
0x199: {  	v7 =	vld [tilespmem:s13+$0xFFFFFF30]  }
0x19a: {  	v11 =	vld [tilespmem:s14+$0xFFFFFF40];
	v1 =	vmax.f32 v1, $0.0e+00  }
0x19b: {  	v4 =	vadd.f32 v9, v4;
	[tilespmem:s14+$0xB0] =	vst v1;
	v1 =	vld [tilespmem:s14+$0xC0]  }
0x19c: {  	v8 =	vld [tilespmem:s13+$0xC0]  }
0x19d: {  	v12 =	vld [tilespmem:s14+$0xFFFFFFD0];
	v4 =	vmax.f32 v4, $0.0e+00;
	v2 =	vadd.f32 v10, v2  }
0x19e: {  	v5 =	vld [tilespmem:s14+$0xFFFFFFC0];
	[tilespmem:s14+$0xFFFFFFB0] =	vst v4;
	v6 =	vadd.f32 v6, v7  }
0x19f: {  	v7 =	vld [tilespmem:s13+$0xFFFFFFC0];
	v2 =	vmax.f32 v2, $0.0e+00  }
0x1a0: {  	v3 =	vld [tilespmem:s14+$0x40];
	[tilespmem:s14+$0x30] =	vst v2;
	v2 =	vmax.f32 v6, $0.0e+00  }
0x1a1: {  	v1 =	vadd.f32 v1, v8;
	v6 =	vld [tilespmem:s13+$0x40];
	[tilespmem:s14+$0xFFFFFF30] =	vst v2  }
0x1a2: {  	v2 =	vld [tilespmem:s13+$0xFFFFFF40]  }
0x1a3: {  	v9 =	vld [tilespmem:s14+$0xFFFFFF50];
	v1 =	vmax.f32 v1, $0.0e+00  }
0x1a4: {  	[tilespmem:s14+$0xC0] =	vst v1;
	v1 =	vadd.f32 v5, v7;
	v7 =	vld [tilespmem:s14+$0xD0]  }
0x1a5: {  	v8 =	vld [tilespmem:s13+$0xD0]  }
0x1a6: {  	v4 =	vld [tilespmem:s14+$0xFFFFFF60];
	v1 =	vmax.f32 v1, $0.0e+00;
	v3 =	vadd.f32 v3, v6  }
0x1a7: {  	v10 =	vld [tilespmem:s14+$0x50];
	[tilespmem:s14+$0xFFFFFFC0] =	vst v1;
	v1 =	vadd.f32 v11, v2  }
0x1a8: {  	v2 =	vld [tilespmem:s13+$0xFFFFFFD0];
	v3 =	vmax.f32 v3, $0.0e+00  }
0x1a9: {  	v5 =	vld [tilespmem:s14+$0xFFFFFFE0];
	[tilespmem:s14+$0x40] =	vst v3;
	v1 =	vmax.f32 v1, $0.0e+00  }
0x1aa: {  	v3 =	vld [tilespmem:s13+$0x50];
	v7 =	vadd.f32 v7, v8;
	[tilespmem:s14+$0xFFFFFF40] =	vst v1  }
0x1ab: {  	v1 =	vld [tilespmem:s13+$0xFFFFFF50]  }
0x1ac: {  	v6 =	vld [tilespmem:s14+$0x60];
	v7 =	vmax.f32 v7, $0.0e+00  }
0x1ad: {  	v2 =	vadd.f32 v12, v2;
	[tilespmem:s14+$0xD0] =	vst v7;
	v7 =	vld [tilespmem:s14+$0xE0]  }
0x1ae: {  	v11 =	vld [tilespmem:s13+$0xE0]  }
0x1af: {  	v2 =	vmax.f32 v2, $0.0e+00;
	v8 =	vadd.f32 v10, v3;
	v3 =	vld [tilespmem:s14+$0xFFFFFF70]  }
0x1b0: {  	[tilespmem:s14+$0xFFFFFFD0] =	vst v2;
	v1 =	vadd.f32 v9, v1;
	v2 =	vld [tilespmem:s14+$0xFFFFFFF0]  }
0x1b1: {  	v9 =	vmax.f32 v8, $0.0e+00;
	v8 =	vld [tilespmem:s13+$0xFFFFFFE0]  }
0x1b2: {  	[tilespmem:s14+$0x50] =	vst v9;
	v9 =	vmax.f32 v1, $0.0e+00;
	v1 =	vld [tilespmem:s14+$0x70]  }
0x1b3: {  	[tilespmem:s14+$0xFFFFFF50] =	vst v9;
	v9 =	vld [tilespmem:s13+$0x60];
	v7 =	vadd.f32 v7, v11  }
0x1b4: {  	v10 =	vld [tilespmem:s13+$0xFFFFFF60]  }
0x1b5: {  	s16 =	simm.s32 $0x0;
	s15 =	simm.s32 $0x7A00;
	s17 =	simm.s32 $0x4000;
	v11 =	vmax.f32 v7, $0.0e+00;
	v7 =	vld [tilespmem:s14+$0xF0]  }
.LBB2_6:
0x1b6: {  	v12 =	vld [tilespmem:s17+$0x80];
	v5 =	vadd.f32 v5, v8;
	[tilespmem:s14+$0xE0] =	vst v11  }
0x1b7: {  	s14 =	sadd.s32 $0x200, s14;
	v8 =	vld [tilespmem:s13+$0xF0]  }
0x1b8: {  	s16 =	sadd.s32 $0x4, s16;
	v11 =	vld [tilespmem:s14+$0x80];
	v5 =	vmax.f32 v5, $0.0e+00;
	v6 =	vadd.f32 v6, v9  }
0x1b9: {  	p1 =	slt.u32 s16, $0x24;
	v9 =	vld [tilespmem:s14+$0xFFFFFF00];
	v4 =	vadd.f32 v4, v10;
	[tilespmem:s15+$0xFFFFFFE0] =	vst v5  }
0x1ba: {  	v5 =	vld [tilespmem:s17+$0xFFFFFF80];
	v6 =	vmax.f32 v6, $0.0e+00  }
0x1bb: {  	v10 =	vld [tilespmem:s14+$0xFFFFFF80];
	v4 =	vmax.f32 v4, $0.0e+00;
	[tilespmem:s15+$0x60] =	vst v6  }
0x1bc: {  	v6 =	vld [tilespmem:s17+$0x0];
	[tilespmem:s15+$0xFFFFFF60] =	vst v4;
	v4 =	vadd.f32 v7, v8  }
0x1bd: {  	v7 =	vld [tilespmem:s14+$0x0];
	v8 =	vadd.f32 v11, v12  }
0x1be: {  	v11 =	vld [tilespmem:s17+$0xFFFFFF00];
	v4 =	vmax.f32 v4, $0.0e+00  }
0x1bf: {  	v12 =	vld [tilespmem:s14+$0xFFFFFF10];
	v8 =	vmax.f32 v8, $0.0e+00;
	[tilespmem:s15+$0xF0] =	vst v4  }
0x1c0: {  	v4 =	vadd.f32 v10, v5;
	[tilespmem:s14+$0x80] =	vst v8;
	v5 =	vld [tilespmem:s14+$0x90]  }
0x1c1: {  	v8 =	vld [tilespmem:s17+$0x90]  }
0x1c2: {  	v4 =	vmax.f32 v4, $0.0e+00;
	v10 =	vld [tilespmem:s14+$0xFFFFFF90];
	v6 =	vadd.f32 v7, v6  }
0x1c3: {  	v7 =	vadd.f32 v9, v11;
	[tilespmem:s14+$0xFFFFFF80] =	vst v4;
	v4 =	vld [tilespmem:s14+$0x10]  }
0x1c4: {  	v9 =	vld [tilespmem:s17+$0xFFFFFF90];
	v6 =	vmax.f32 v6, $0.0e+00  }
0x1c5: {  	v7 =	vmax.f32 v7, $0.0e+00;
	v11 =	vld [tilespmem:s14+$0xFFFFFF20];
	[tilespmem:s14+$0x0] =	vst v6  }
0x1c6: {  	[tilespmem:s14+$0xFFFFFF00] =	vst v7;
	v6 =	vld [tilespmem:s17+$0x10];
	v5 =	vadd.f32 v5, v8  }
0x1c7: {  	v7 =	vld [tilespmem:s17+$0xFFFFFF10]  }
0x1c8: {  	v8 =	vld [tilespmem:s14+$0xFFFFFFA0];
	v5 =	vmax.f32 v5, $0.0e+00  }
0x1c9: {  	v9 =	vadd.f32 v10, v9;
	[tilespmem:s14+$0x90] =	vst v5;
	v5 =	vld [tilespmem:s14+$0xA0]  }
0x1ca: {  	v10 =	vld [tilespmem:s17+$0xA0]  }
0x1cb: {  	v9 =	vmax.f32 v9, $0.0e+00;
	v4 =	vadd.f32 v4, v6;
	v6 =	vld [tilespmem:s14+$0x20]  }
0x1cc: {  	v7 =	vadd.f32 v12, v7;
	v12 =	vld [tilespmem:s14+$0xFFFFFF30];
	[tilespmem:s14+$0xFFFFFF90] =	vst v9  }
0x1cd: {  	v9 =	vld [tilespmem:s17+$0xFFFFFFA0];
	v4 =	vmax.f32 v4, $0.0e+00  }
0x1ce: {  	v7 =	vmax.f32 v7, $0.0e+00;
	v13 =	vld [tilespmem:s14+$0xFFFFFFB0];
	[tilespmem:s14+$0x10] =	vst v4  }
0x1cf: {  	[tilespmem:s14+$0xFFFFFF10] =	vst v7;
	v4 =	vld [tilespmem:s17+$0x20];
	v5 =	vadd.f32 v5, v10  }
0x1d0: {  	v7 =	vld [tilespmem:s17+$0xFFFFFF20]  }
0x1d1: {  	v10 =	vld [tilespmem:s14+$0x30];
	v5 =	vmax.f32 v5, $0.0e+00  }
0x1d2: {  	v8 =	vadd.f32 v8, v9;
	[tilespmem:s14+$0xA0] =	vst v5;
	v5 =	vld [tilespmem:s14+$0xB0]  }
0x1d3: {  	v9 =	vld [tilespmem:s17+$0xB0]  }
0x1d4: {  	v14 =	vld [tilespmem:s14+$0xFFFFFF40];
	v8 =	vmax.f32 v8, $0.0e+00;
	v4 =	vadd.f32 v6, v4  }
0x1d5: {  	v6 =	vadd.f32 v11, v7;
	[tilespmem:s14+$0xFFFFFFA0] =	vst v8;
	v7 =	vld [tilespmem:s14+$0xFFFFFFC0]  }
0x1d6: {  	v8 =	vld [tilespmem:s17+$0xFFFFFFB0];
	v4 =	vmax.f32 v4, $0.0e+00  }
0x1d7: {  	v6 =	vmax.f32 v6, $0.0e+00;
	[tilespmem:s14+$0x20] =	vst v4;
	v11 =	vld [tilespmem:s14+$0x40]  }
0x1d8: {  	[tilespmem:s14+$0xFFFFFF20] =	vst v6;
	v4 =	vld [tilespmem:s17+$0x30];
	v5 =	vadd.f32 v5, v9  }
0x1d9: {  	v6 =	vld [tilespmem:s17+$0xFFFFFF30]  }
0x1da: {  	v9 =	vld [tilespmem:s14+$0xFFFFFF50];
	v5 =	vmax.f32 v5, $0.0e+00  }
0x1db: {  	v8 =	vadd.f32 v13, v8;
	[tilespmem:s14+$0xB0] =	vst v5;
	v5 =	vld [tilespmem:s14+$0xC0]  }
0x1dc: {  	v13 =	vld [tilespmem:s17+$0xC0]  }
0x1dd: {  	v8 =	vmax.f32 v8, $0.0e+00;
	v15 =	vld [tilespmem:s14+$0xFFFFFFD0];
	v4 =	vadd.f32 v10, v4  }
0x1de: {  	v6 =	vadd.f32 v12, v6;
	[tilespmem:s14+$0xFFFFFFB0] =	vst v8;
	v8 =	vld [tilespmem:s14+$0x50]  }
0x1df: {  	v10 =	vld [tilespmem:s17+$0xFFFFFFC0];
	v12 =	vmax.f32 v4, $0.0e+00  }
0x1e0: {  	v6 =	vmax.f32 v6, $0.0e+00;
	v4 =	vld [tilespmem:s14+$0xFFFFFF60];
	[tilespmem:s14+$0x30] =	vst v12  }
0x1e1: {  	[tilespmem:s14+$0xFFFFFF30] =	vst v6;
	v6 =	vld [tilespmem:s17+$0x40];
	v12 =	vadd.f32 v5, v13  }
0x1e2: {  	v13 =	vld [tilespmem:s17+$0xFFFFFF40]  }
0x1e3: {  	v5 =	vld [tilespmem:s14+$0xFFFFFFE0];
	v12 =	vmax.f32 v12, $0.0e+00  }
0x1e4: {  	v7 =	vadd.f32 v7, v10;
	[tilespmem:s14+$0xC0] =	vst v12;
	v10 =	vld [tilespmem:s14+$0xD0]  }
0x1e5: {  	v12 =	vld [tilespmem:s17+$0xD0]  }
0x1e6: {  	v7 =	vmax.f32 v7, $0.0e+00;
	v11 =	vadd.f32 v11, v6;
	v6 =	vld [tilespmem:s14+$0x60]  }
0x1e7: {  	v13 =	vadd.f32 v14, v13;
	[tilespmem:s14+$0xFFFFFFC0] =	vst v7;
	v7 =	vld [tilespmem:s13+$0xFFFFFF70]  }
0x1e8: {  	v14 =	vld [tilespmem:s17+$0xFFFFFFD0];
	v11 =	vmax.f32 v11, $0.0e+00  }
0x1e9: {  	v13 =	vmax.f32 v13, $0.0e+00;
	[tilespmem:s14+$0x40] =	vst v11;
	v11 =	vld [tilespmem:s13+$0xFFFFFFF0]  }
0x1ea: {  	[tilespmem:s14+$0xFFFFFF40] =	vst v13;
	v13 =	vld [tilespmem:s17+$0x50];
	v10 =	vadd.f32 v10, v12  }
0x1eb: {  	v12 =	vld [tilespmem:s17+$0xFFFFFF50]  }
0x1ec: {  	v10 =	vmax.f32 v10, $0.0e+00;
	v3 =	vadd.f32 v3, v7;
	v7 =	vld [tilespmem:s13+$0x70];
	s13 =	smov.u32 s17  }
0x1ed: {  	v14 =	vadd.f32 v15, v14;
	[tilespmem:s14+$0xD0] =	vst v10;
	v10 =	vld [tilespmem:s14+$0xE0]  }
0x1ee: {  	v15 =	vld [tilespmem:s17+$0xE0];
	v16 =	vmax.f32 v3, $0.0e+00;
	v11 =	vadd.f32 v2, v11  }
0x1ef: {  	v3 =	vld [tilespmem:s14+$0xFFFFFF70];
	v2 =	vmax.f32 v14, $0.0e+00;
	v13 =	vadd.f32 v8, v13;
	[tilespmem:s15+$0xFFFFFF70] =	vst v16  }
0x1f0: {  	v9 =	vadd.f32 v9, v12;
	[tilespmem:s14+$0xFFFFFFD0] =	vst v2;
	v2 =	vld [tilespmem:s14+$0xFFFFFFF0];
	v11 =	vmax.f32 v11, $0.0e+00  }
.Ltmp2:
0x1f1: {  	v8 =	vld [tilespmem:s17+$0xFFFFFFE0];
	v12 =	vmax.f32 v13, $0.0e+00;
	[tilespmem:s15+$0xFFFFFFF0] =	vst v11;
	v7 =	vadd.f32 v1, v7;
	(pc) =	sbr.rel @p1 .LBB2_6-.Ltmp2, $4  }
0x1f2: {  	v9 =	vmax.f32 v9, $0.0e+00;
	[tilespmem:s14+$0x50] =	vst v12;
	v1 =	vld [tilespmem:s14+$0x70]  }
0x1f3: {  	[tilespmem:s14+$0xFFFFFF50] =	vst v9;
	v9 =	vld [tilespmem:s17+$0x60];
	v11 =	vadd.f32 v10, v15;
	v7 =	vmax.f32 v7, $0.0e+00  }
0x1f4: {  	v10 =	vld [tilespmem:s17+$0xFFFFFF60];
	[tilespmem:s15+$0x70] =	vst v7;
	s15 =	smov.u32 s14  }
0x1f5: {  	s17 =	sadd.s32 $0x200, s17;
	v11 =	vmax.f32 v11, $0.0e+00;
	v7 =	vld [tilespmem:s14+$0xF0]  }
0x1f6: {  	_ =	sdelay $0x2  }
0x1f7: {  	v4 =	vadd.f32 v4, v10  }
0x1f8: {  	v5 =	vadd.f32 v5, v8  }
0x1f9: {  	[tilespmem:s14+$0xE0] =	vst v11;
	v6 =	vadd.f32 v6, v9;
	v4 =	vmax.f32 v4, $0.0e+00  }
0x1fa: {  	v8 =	vld [tilespmem:s13+$0xF0];
	v5 =	vmax.f32 v5, $0.0e+00;
	[tilespmem:s15+$0xFFFFFF60] =	vst v4  }
0x1fb: {  	[tilespmem:s15+$0xFFFFFFE0] =	vst v5;
	v4 =	vmax.f32 v6, $0.0e+00;
	v5 =	vld [tilespmem:s13+$0xFFFFFF70]  }
0x1fc: {  	[tilespmem:s15+$0x60] =	vst v4;
	v4 =	vld [tilespmem:s13+$0xFFFFFFF0]  }
0x1fd: {  	v6 =	vld [tilespmem:s13+$0x70];
	_ =	sdelay $0x1  }
0x1fe: {  	v7 =	vadd.f32 v7, v8  }
0x1ff: {  	v3 =	vadd.f32 v3, v5  }
0x200: {  	v5 =	vmax.f32 v7, $0.0e+00;
	v2 =	vadd.f32 v2, v4  }
0x201: {  	[tilespmem:s15+$0xF0] =	vst v5;
	v1 =	vadd.f32 v1, v6;
	v3 =	vmax.f32 v3, $0.0e+00  }
0x202: {  	v2 =	vmax.f32 v2, $0.0e+00;
	[tilespmem:s15+$0xFFFFFF70] =	vst v3  }
0x203: {  	[tilespmem:s15+$0xFFFFFFF0] =	vst v2;
	v1 =	vmax.f32 v1, $0.0e+00  }
0x204: {  	[tilespmem:s15+$0x70] =	vst v1  }
0x205: {  	[spmem:s4] =	stream.indirect.scatter.add.f32 [tilespmem:s25], [sflag:$0x5], $0x80, s26, s21, $0xb8;
	[tilespmem:$0x1D980] =	vst v63  }
0x206: {  	_ =	swait.ge [sflag:s0], $0x1400  }
0x207: {  	[sflag:s0] =	ssyncset.done $0x0  }
0x208: {  	s8 =	simm.s32 $0x78;
	[sflag:s0] =	ssyncadd.s32 $0xFFFFEC00  }
0x209: {  	[tilespmem:s22], [sflag:$0x1] =	stream.indirect.gather [hbm4b:s1+s21], $0x80, s8, s21, $0xb8;
	[tilespmem:$0x1D980] =	vst v63  }
0x20a: {  	s17 =	rddreg [dreg:$0xd]  }
0x20b: {  	[tilespmem:s19], [sflag:$0x1] =	stream.linear.gather [hbm4b:s17+s5], $0x1400, $0x38;
	[tilespmem:$0x1D980] =	vst v63  }
0x20c: {  	s18 =	rddreg [dreg:$0xe]  }
0x20d: {  	[tilespmem:s23], [sflag:$0x1] =	stream.linear.gather [hbm4b:s18+s5], $0x28, $0x38;
	[tilespmem:$0x1D980] =	vst v63  }
0x20e: {  	_ =	swait.ge [sflag:s9], $0x1400  }
0x20f: {  	[sflag:s9] =	ssyncset.done $0x0  }
0x210: {  	[sflag:s9] =	ssyncadd.s32 $0xFFFFEC00  }
0x211: {  	_ =	swait.ge [sflag:s9], $0x1400  }
0x212: {  	[sflag:s9] =	ssyncset.done $0x0  }
0x213: {  	[sflag:s9] =	ssyncadd.s32 $0xFFFFEC00  }
0x214: {  	_ =	swait.ge [sflag:s9], $0x28  }
0x215: {  	[sflag:s9] =	ssyncset.done $0x0  }
0x216: {  	s13 =	simm.s32 $0x5200;
	[sflag:s9] =	ssyncadd.s32 $0xFFFFFFD8  }
0x217: {  	s14 =	simm.s32 $0x8E00;
	v1 =	vld [tilespmem:s13+$0x80]  }
0x218: {  	v2 =	vld [tilespmem:s14+$0x80]  }
0x219: {  	v3 =	vld [tilespmem:s14+$0xFFFFFF00]  }
0x21a: {  	v4 =	vld [tilespmem:s13+$0xFFFFFF80]  }
0x21b: {  	v5 =	vld [tilespmem:s14+$0xFFFFFF80]  }
0x21c: {  	v6 =	vld [tilespmem:s14+$0x0]  }
0x21d: {  	v1 =	vadd.f32 v2, v1;
	v2 =	vld [tilespmem:s13+$0x0]  }
0x21e: {  	v7 =	vld [tilespmem:s13+$0xFFFFFF00]  }
0x21f: {  	v1 =	vmax.f32 v1, $0.0e+00  }
0x220: {  	v4 =	vadd.f32 v5, v4;
	[tilespmem:s14+$0x80] =	vst v1;
	v1 =	vld [tilespmem:s14+$0x90]  }
0x221: {  	v8 =	vld [tilespmem:s13+$0x90]  }
0x222: {  	v9 =	vld [tilespmem:s14+$0xFFFFFF90];
	v4 =	vmax.f32 v4, $0.0e+00;
	v2 =	vadd.f32 v6, v2  }
0x223: {  	v5 =	vld [tilespmem:s14+$0xFFFFFF10];
	v3 =	vadd.f32 v3, v7;
	[tilespmem:s14+$0xFFFFFF80] =	vst v4  }
0x224: {  	v6 =	vld [tilespmem:s13+$0xFFFFFF90];
	v2 =	vmax.f32 v2, $0.0e+00  }
0x225: {  	v3 =	vmax.f32 v3, $0.0e+00;
	v4 =	vld [tilespmem:s14+$0x10];
	[tilespmem:s14+$0x0] =	vst v2  }
0x226: {  	[tilespmem:s14+$0xFFFFFF00] =	vst v3;
	v1 =	vadd.f32 v1, v8;
	v2 =	vld [tilespmem:s13+$0x10]  }
0x227: {  	v3 =	vld [tilespmem:s13+$0xFFFFFF10]  }
0x228: {  	v1 =	vmax.f32 v1, $0.0e+00  }
0x229: {  	v6 =	vadd.f32 v9, v6;
	[tilespmem:s14+$0x90] =	vst v1;
	v1 =	vld [tilespmem:s14+$0xA0]  }
0x22a: {  	v8 =	vld [tilespmem:s13+$0xA0]  }
0x22b: {  	v7 =	vld [tilespmem:s14+$0xFFFFFF20];
	v6 =	vmax.f32 v6, $0.0e+00;
	v2 =	vadd.f32 v4, v2  }
0x22c: {  	v3 =	vadd.f32 v5, v3;
	v9 =	vld [tilespmem:s14+$0xFFFFFFA0];
	[tilespmem:s14+$0xFFFFFF90] =	vst v6  }
0x22d: {  	v5 =	vld [tilespmem:s13+$0xFFFFFFA0];
	v2 =	vmax.f32 v2, $0.0e+00  }
0x22e: {  	v3 =	vmax.f32 v3, $0.0e+00;
	v4 =	vld [tilespmem:s14+$0x20];
	[tilespmem:s14+$0x10] =	vst v2  }
0x22f: {  	[tilespmem:s14+$0xFFFFFF10] =	vst v3;
	v1 =	vadd.f32 v1, v8;
	v2 =	vld [tilespmem:s13+$0x20]  }
0x230: {  	v3 =	vld [tilespmem:s13+$0xFFFFFF20]  }
0x231: {  	v1 =	vmax.f32 v1, $0.0e+00  }
0x232: {  	v5 =	vadd.f32 v9, v5;
	[tilespmem:s14+$0xA0] =	vst v1;
	v1 =	vld [tilespmem:s14+$0xB0]  }
0x233: {  	v8 =	vld [tilespmem:s13+$0xB0]  }
0x234: {  	v10 =	vld [tilespmem:s14+$0x30];
	v5 =	vmax.f32 v5, $0.0e+00;
	v2 =	vadd.f32 v4, v2  }
0x235: {  	v3 =	vadd.f32 v7, v3;
	v9 =	vld [tilespmem:s14+$0xFFFFFFB0];
	[tilespmem:s14+$0xFFFFFFA0] =	vst v5  }
0x236: {  	v4 =	vld [tilespmem:s13+$0xFFFFFFB0];
	v2 =	vmax.f32 v2, $0.0e+00  }
0x237: {  	v6 =	vld [tilespmem:s14+$0xFFFFFF30];
	[tilespmem:s14+$0x20] =	vst v2;
	v2 =	vmax.f32 v3, $0.0e+00  }
0x238: {  	v1 =	vadd.f32 v1, v8;
	[tilespmem:s14+$0xFFFFFF20] =	vst v2;
	v2 =	vld [tilespmem:s13+$0x30]  }
0x239: {  	v7 =	vld [tilespmem:s13+$0xFFFFFF30]  }
0x23a: {  	v11 =	vld [tilespmem:s14+$0xFFFFFF40];
	v1 =	vmax.f32 v1, $0.0e+00  }
0x23b: {  	v4 =	vadd.f32 v9, v4;
	[tilespmem:s14+$0xB0] =	vst v1;
	v1 =	vld [tilespmem:s14+$0xC0]  }
0x23c: {  	v8 =	vld [tilespmem:s13+$0xC0]  }
0x23d: {  	v12 =	vld [tilespmem:s14+$0xFFFFFFD0];
	v4 =	vmax.f32 v4, $0.0e+00;
	v2 =	vadd.f32 v10, v2  }
0x23e: {  	v5 =	vld [tilespmem:s14+$0xFFFFFFC0];
	[tilespmem:s14+$0xFFFFFFB0] =	vst v4;
	v6 =	vadd.f32 v6, v7  }
0x23f: {  	v7 =	vld [tilespmem:s13+$0xFFFFFFC0];
	v2 =	vmax.f32 v2, $0.0e+00  }
0x240: {  	v3 =	vld [tilespmem:s14+$0x40];
	[tilespmem:s14+$0x30] =	vst v2;
	v2 =	vmax.f32 v6, $0.0e+00  }
0x241: {  	v1 =	vadd.f32 v1, v8;
	v6 =	vld [tilespmem:s13+$0x40];
	[tilespmem:s14+$0xFFFFFF30] =	vst v2  }
0x242: {  	v2 =	vld [tilespmem:s13+$0xFFFFFF40]  }
0x243: {  	v9 =	vld [tilespmem:s14+$0xFFFFFF50];
	v1 =	vmax.f32 v1, $0.0e+00  }
0x244: {  	[tilespmem:s14+$0xC0] =	vst v1;
	v1 =	vadd.f32 v5, v7;
	v7 =	vld [tilespmem:s14+$0xD0]  }
0x245: {  	v8 =	vld [tilespmem:s13+$0xD0]  }
0x246: {  	v4 =	vld [tilespmem:s14+$0xFFFFFF60];
	v1 =	vmax.f32 v1, $0.0e+00;
	v3 =	vadd.f32 v3, v6  }
0x247: {  	v10 =	vld [tilespmem:s14+$0x50];
	[tilespmem:s14+$0xFFFFFFC0] =	vst v1;
	v1 =	vadd.f32 v11, v2  }
0x248: {  	v2 =	vld [tilespmem:s13+$0xFFFFFFD0];
	v3 =	vmax.f32 v3, $0.0e+00  }
0x249: {  	v5 =	vld [tilespmem:s14+$0xFFFFFFE0];
	[tilespmem:s14+$0x40] =	vst v3;
	v1 =	vmax.f32 v1, $0.0e+00  }
0x24a: {  	v3 =	vld [tilespmem:s13+$0x50];
	v7 =	vadd.f32 v7, v8;
	[tilespmem:s14+$0xFFFFFF40] =	vst v1  }
0x24b: {  	v1 =	vld [tilespmem:s13+$0xFFFFFF50]  }
0x24c: {  	v6 =	vld [tilespmem:s14+$0x60];
	v7 =	vmax.f32 v7, $0.0e+00  }
0x24d: {  	v2 =	vadd.f32 v12, v2;
	[tilespmem:s14+$0xD0] =	vst v7;
	v7 =	vld [tilespmem:s14+$0xE0]  }
0x24e: {  	v11 =	vld [tilespmem:s13+$0xE0]  }
0x24f: {  	v2 =	vmax.f32 v2, $0.0e+00;
	v8 =	vadd.f32 v10, v3;
	v3 =	vld [tilespmem:s14+$0xFFFFFF70]  }
0x250: {  	[tilespmem:s14+$0xFFFFFFD0] =	vst v2;
	v1 =	vadd.f32 v9, v1;
	v2 =	vld [tilespmem:s14+$0xFFFFFFF0]  }
0x251: {  	v9 =	vmax.f32 v8, $0.0e+00;
	v8 =	vld [tilespmem:s13+$0xFFFFFFE0]  }
0x252: {  	[tilespmem:s14+$0x50] =	vst v9;
	v9 =	vmax.f32 v1, $0.0e+00;
	v1 =	vld [tilespmem:s14+$0x70]  }
0x253: {  	[tilespmem:s14+$0xFFFFFF50] =	vst v9;
	v9 =	vld [tilespmem:s13+$0x60];
	v7 =	vadd.f32 v7, v11  }
0x254: {  	v10 =	vld [tilespmem:s13+$0xFFFFFF60]  }
0x255: {  	s16 =	simm.s32 $0x0;
	s15 =	simm.s32 $0x8E00;
	s17 =	simm.s32 $0x5400;
	v11 =	vmax.f32 v7, $0.0e+00;
	v7 =	vld [tilespmem:s14+$0xF0]  }
.LBB2_8:
0x256: {  	v12 =	vld [tilespmem:s17+$0x80];
	v5 =	vadd.f32 v5, v8;
	[tilespmem:s14+$0xE0] =	vst v11  }
0x257: {  	s14 =	sadd.s32 $0x200, s14;
	v8 =	vld [tilespmem:s13+$0xF0]  }
0x258: {  	s16 =	sadd.s32 $0x4, s16;
	v11 =	vld [tilespmem:s14+$0x80];
	v5 =	vmax.f32 v5, $0.0e+00;
	v6 =	vadd.f32 v6, v9  }
0x259: {  	p1 =	slt.u32 s16, $0x24;
	v9 =	vld [tilespmem:s14+$0xFFFFFF00];
	v4 =	vadd.f32 v4, v10;
	[tilespmem:s15+$0xFFFFFFE0] =	vst v5  }
0x25a: {  	v5 =	vld [tilespmem:s17+$0xFFFFFF80];
	v6 =	vmax.f32 v6, $0.0e+00  }
0x25b: {  	v10 =	vld [tilespmem:s14+$0xFFFFFF80];
	v4 =	vmax.f32 v4, $0.0e+00;
	[tilespmem:s15+$0x60] =	vst v6  }
0x25c: {  	v6 =	vld [tilespmem:s17+$0x0];
	[tilespmem:s15+$0xFFFFFF60] =	vst v4;
	v4 =	vadd.f32 v7, v8  }
0x25d: {  	v7 =	vld [tilespmem:s14+$0x0];
	v8 =	vadd.f32 v11, v12  }
0x25e: {  	v11 =	vld [tilespmem:s17+$0xFFFFFF00];
	v4 =	vmax.f32 v4, $0.0e+00  }
0x25f: {  	v12 =	vld [tilespmem:s14+$0xFFFFFF10];
	v8 =	vmax.f32 v8, $0.0e+00;
	[tilespmem:s15+$0xF0] =	vst v4  }
0x260: {  	v4 =	vadd.f32 v10, v5;
	[tilespmem:s14+$0x80] =	vst v8;
	v5 =	vld [tilespmem:s14+$0x90]  }
0x261: {  	v8 =	vld [tilespmem:s17+$0x90]  }
0x262: {  	v4 =	vmax.f32 v4, $0.0e+00;
	v10 =	vld [tilespmem:s14+$0xFFFFFF90];
	v6 =	vadd.f32 v7, v6  }
0x263: {  	v7 =	vadd.f32 v9, v11;
	[tilespmem:s14+$0xFFFFFF80] =	vst v4;
	v4 =	vld [tilespmem:s14+$0x10]  }
0x264: {  	v9 =	vld [tilespmem:s17+$0xFFFFFF90];
	v6 =	vmax.f32 v6, $0.0e+00  }
0x265: {  	v7 =	vmax.f32 v7, $0.0e+00;
	v11 =	vld [tilespmem:s14+$0xFFFFFF20];
	[tilespmem:s14+$0x0] =	vst v6  }
0x266: {  	[tilespmem:s14+$0xFFFFFF00] =	vst v7;
	v6 =	vld [tilespmem:s17+$0x10];
	v5 =	vadd.f32 v5, v8  }
0x267: {  	v7 =	vld [tilespmem:s17+$0xFFFFFF10]  }
0x268: {  	v8 =	vld [tilespmem:s14+$0xFFFFFFA0];
	v5 =	vmax.f32 v5, $0.0e+00  }
0x269: {  	v9 =	vadd.f32 v10, v9;
	[tilespmem:s14+$0x90] =	vst v5;
	v5 =	vld [tilespmem:s14+$0xA0]  }
0x26a: {  	v10 =	vld [tilespmem:s17+$0xA0]  }
0x26b: {  	v9 =	vmax.f32 v9, $0.0e+00;
	v4 =	vadd.f32 v4, v6;
	v6 =	vld [tilespmem:s14+$0x20]  }
0x26c: {  	v7 =	vadd.f32 v12, v7;
	v12 =	vld [tilespmem:s14+$0xFFFFFF30];
	[tilespmem:s14+$0xFFFFFF90] =	vst v9  }
0x26d: {  	v9 =	vld [tilespmem:s17+$0xFFFFFFA0];
	v4 =	vmax.f32 v4, $0.0e+00  }
0x26e: {  	v7 =	vmax.f32 v7, $0.0e+00;
	v13 =	vld [tilespmem:s14+$0xFFFFFFB0];
	[tilespmem:s14+$0x10] =	vst v4  }
0x26f: {  	[tilespmem:s14+$0xFFFFFF10] =	vst v7;
	v4 =	vld [tilespmem:s17+$0x20];
	v5 =	vadd.f32 v5, v10  }
0x270: {  	v7 =	vld [tilespmem:s17+$0xFFFFFF20]  }
0x271: {  	v10 =	vld [tilespmem:s14+$0x30];
	v5 =	vmax.f32 v5, $0.0e+00  }
0x272: {  	v8 =	vadd.f32 v8, v9;
	[tilespmem:s14+$0xA0] =	vst v5;
	v5 =	vld [tilespmem:s14+$0xB0]  }
0x273: {  	v9 =	vld [tilespmem:s17+$0xB0]  }
0x274: {  	v14 =	vld [tilespmem:s14+$0xFFFFFF40];
	v8 =	vmax.f32 v8, $0.0e+00;
	v4 =	vadd.f32 v6, v4  }
0x275: {  	v6 =	vadd.f32 v11, v7;
	[tilespmem:s14+$0xFFFFFFA0] =	vst v8;
	v7 =	vld [tilespmem:s14+$0xFFFFFFC0]  }
0x276: {  	v8 =	vld [tilespmem:s17+$0xFFFFFFB0];
	v4 =	vmax.f32 v4, $0.0e+00  }
0x277: {  	v6 =	vmax.f32 v6, $0.0e+00;
	[tilespmem:s14+$0x20] =	vst v4;
	v11 =	vld [tilespmem:s14+$0x40]  }
0x278: {  	[tilespmem:s14+$0xFFFFFF20] =	vst v6;
	v4 =	vld [tilespmem:s17+$0x30];
	v5 =	vadd.f32 v5, v9  }
0x279: {  	v6 =	vld [tilespmem:s17+$0xFFFFFF30]  }
0x27a: {  	v9 =	vld [tilespmem:s14+$0xFFFFFF50];
	v5 =	vmax.f32 v5, $0.0e+00  }
0x27b: {  	v8 =	vadd.f32 v13, v8;
	[tilespmem:s14+$0xB0] =	vst v5;
	v5 =	vld [tilespmem:s14+$0xC0]  }
0x27c: {  	v13 =	vld [tilespmem:s17+$0xC0]  }
0x27d: {  	v8 =	vmax.f32 v8, $0.0e+00;
	v15 =	vld [tilespmem:s14+$0xFFFFFFD0];
	v4 =	vadd.f32 v10, v4  }
0x27e: {  	v6 =	vadd.f32 v12, v6;
	[tilespmem:s14+$0xFFFFFFB0] =	vst v8;
	v8 =	vld [tilespmem:s14+$0x50]  }
0x27f: {  	v10 =	vld [tilespmem:s17+$0xFFFFFFC0];
	v12 =	vmax.f32 v4, $0.0e+00  }
0x280: {  	v6 =	vmax.f32 v6, $0.0e+00;
	v4 =	vld [tilespmem:s14+$0xFFFFFF60];
	[tilespmem:s14+$0x30] =	vst v12  }
0x281: {  	[tilespmem:s14+$0xFFFFFF30] =	vst v6;
	v6 =	vld [tilespmem:s17+$0x40];
	v12 =	vadd.f32 v5, v13  }
0x282: {  	v13 =	vld [tilespmem:s17+$0xFFFFFF40]  }
0x283: {  	v5 =	vld [tilespmem:s14+$0xFFFFFFE0];
	v12 =	vmax.f32 v12, $0.0e+00  }
0x284: {  	v7 =	vadd.f32 v7, v10;
	[tilespmem:s14+$0xC0] =	vst v12;
	v10 =	vld [tilespmem:s14+$0xD0]  }
0x285: {  	v12 =	vld [tilespmem:s17+$0xD0]  }
0x286: {  	v7 =	vmax.f32 v7, $0.0e+00;
	v11 =	vadd.f32 v11, v6;
	v6 =	vld [tilespmem:s14+$0x60]  }
0x287: {  	v13 =	vadd.f32 v14, v13;
	[tilespmem:s14+$0xFFFFFFC0] =	vst v7;
	v7 =	vld [tilespmem:s13+$0xFFFFFF70]  }
0x288: {  	v14 =	vld [tilespmem:s17+$0xFFFFFFD0];
	v11 =	vmax.f32 v11, $0.0e+00  }
0x289: {  	v13 =	vmax.f32 v13, $0.0e+00;
	[tilespmem:s14+$0x40] =	vst v11;
	v11 =	vld [tilespmem:s13+$0xFFFFFFF0]  }
0x28a: {  	[tilespmem:s14+$0xFFFFFF40] =	vst v13;
	v13 =	vld [tilespmem:s17+$0x50];
	v10 =	vadd.f32 v10, v12  }
0x28b: {  	v12 =	vld [tilespmem:s17+$0xFFFFFF50]  }
0x28c: {  	v10 =	vmax.f32 v10, $0.0e+00;
	v3 =	vadd.f32 v3, v7;
	v7 =	vld [tilespmem:s13+$0x70];
	s13 =	smov.u32 s17  }
0x28d: {  	v14 =	vadd.f32 v15, v14;
	[tilespmem:s14+$0xD0] =	vst v10;
	v10 =	vld [tilespmem:s14+$0xE0]  }
0x28e: {  	v15 =	vld [tilespmem:s17+$0xE0];
	v16 =	vmax.f32 v3, $0.0e+00;
	v11 =	vadd.f32 v2, v11  }
0x28f: {  	v3 =	vld [tilespmem:s14+$0xFFFFFF70];
	v2 =	vmax.f32 v14, $0.0e+00;
	v13 =	vadd.f32 v8, v13;
	[tilespmem:s15+$0xFFFFFF70] =	vst v16  }
0x290: {  	v9 =	vadd.f32 v9, v12;
	[tilespmem:s14+$0xFFFFFFD0] =	vst v2;
	v2 =	vld [tilespmem:s14+$0xFFFFFFF0];
	v11 =	vmax.f32 v11, $0.0e+00  }
.Ltmp3:
0x291: {  	v8 =	vld [tilespmem:s17+$0xFFFFFFE0];
	v12 =	vmax.f32 v13, $0.0e+00;
	[tilespmem:s15+$0xFFFFFFF0] =	vst v11;
	v7 =	vadd.f32 v1, v7;
	(pc) =	sbr.rel @p1 .LBB2_8-.Ltmp3, $4  }
0x292: {  	v9 =	vmax.f32 v9, $0.0e+00;
	[tilespmem:s14+$0x50] =	vst v12;
	v1 =	vld [tilespmem:s14+$0x70]  }
0x293: {  	[tilespmem:s14+$0xFFFFFF50] =	vst v9;
	v9 =	vld [tilespmem:s17+$0x60];
	v11 =	vadd.f32 v10, v15;
	v7 =	vmax.f32 v7, $0.0e+00  }
0x294: {  	v10 =	vld [tilespmem:s17+$0xFFFFFF60];
	[tilespmem:s15+$0x70] =	vst v7;
	s15 =	smov.u32 s14  }
0x295: {  	s17 =	sadd.s32 $0x200, s17;
	v11 =	vmax.f32 v11, $0.0e+00;
	v7 =	vld [tilespmem:s14+$0xF0]  }
0x296: {  	_ = 	snop  }
0x297: {  	v5 =	vadd.f32 v5, v8  }
0x298: {  	v6 =	vadd.f32 v6, v9  }
0x299: {  	[tilespmem:s14+$0xE0] =	vst v11;
	v5 =	vmax.f32 v5, $0.0e+00;
	v4 =	vadd.f32 v4, v10  }
0x29a: {  	v58 =	vld [tilespmem:s13+$0xF0];
	[tilespmem:s15+$0xFFFFFFE0] =	vst v5;
	v59 =	vmax.f32 v6, $0.0e+00  }
0x29b: {  	v61 =	vld [tilespmem:s13+$0xFFFFFFF0];
	v4 =	vmax.f32 v4, $0.0e+00;
	[tilespmem:s15+$0x60] =	vst v59  }
0x29c: {  	[tilespmem:s15+$0xFFFFFF60] =	vst v4;
	v62 =	vld [tilespmem:s13+$0x70]  }
0x29d: {  	v60 =	vld [tilespmem:s13+$0xFFFFFF70];
	_ =	sdelay $0x1  }
0x29e: {  	v7 =	vadd.f32 v7, v58  }
0x29f: {  	v2 =	vadd.f32 v2, v61  }
0x2a0: {  	v63 =	vmax.f32 v7, $0.0e+00;
	v1 =	vadd.f32 v1, v62  }
0x2a1: {  	[tilespmem:s15+$0xF0] =	vst v63;
	v2 =	vmax.f32 v2, $0.0e+00;
	v3 =	vadd.f32 v3, v60  }
0x2a2: {  	[tilespmem:s15+$0xFFFFFFF0] =	vst v2;
	v1 =	vmax.f32 v1, $0.0e+00  }
0x2a3: {  	v3 =	vmax.f32 v3, $0.0e+00;
	[tilespmem:s15+$0x70] =	vst v1  }
0x2a4: {  	[tilespmem:s15+$0xFFFFFF70] =	vst v3  }
0x2a5: {  	[spmem:s4] =	stream.indirect.scatter.add.f32 [tilespmem:s30], [sflag:$0x6], $0x80, s31, s21, $0xb8;
	[tilespmem:$0x1D980] =	vst v63  }
0x2a6: {  	_ =	swait.ge [sflag:s10], $0x1400  }
0x2a7: {  	[sflag:s10] =	ssyncset.done $0x0  }
0x2a8: {  	s8 =	simm.s32 $0xA0;
	[sflag:s10] =	ssyncadd.s32 $0xFFFFEC00  }
0x2a9: {  	[tilespmem:s24], [sflag:$0x2] =	stream.indirect.gather [hbm4b:s1+s21], $0x80, s8, s21, $0xb8;
	[tilespmem:$0x1D980] =	vst v63  }
0x2aa: {  	s17 =	rddreg [dreg:$0xf]  }
0x2ab: {  	[tilespmem:s25], [sflag:$0x2] =	stream.linear.gather [hbm4b:s17+s5], $0x1400, $0x38;
	[tilespmem:$0x1D980] =	vst v63  }
0x2ac: {  	s13 =	simm.s32 $0x1;
	s18 =	rddreg [dreg:$0x10]  }
0x2ad: {  	[tilespmem:s26], [sflag:$0x2] =	stream.linear.gather [hbm4b:s18+s5], $0x28, $0x38;
	[tilespmem:$0x1D980] =	vst v63  }
.LBB2_10:
0x2ae: {  	_ =	swait.ge [sflag:s28], $0x1400  }
0x2af: {  	[sflag:s28] =	ssyncset.done $0x0  }
0x2b0: {  	[sflag:s28] =	ssyncadd.s32 $0xFFFFEC00  }
0x2b1: {  	_ =	swait.ge [sflag:s28], $0x1400  }
0x2b2: {  	[sflag:s28] =	ssyncset.done $0x0  }
0x2b3: {  	[sflag:s28] =	ssyncadd.s32 $0xFFFFEC00  }
0x2b4: {  	_ =	swait.ge [sflag:s28], $0x28  }
0x2b5: {  	[sflag:s28] =	ssyncset.done $0x0  }
0x2b6: {  	s14 =	simm.s32 $0x2A00;
	[sflag:s28] =	ssyncadd.s32 $0xFFFFFFD8  }
0x2b7: {  	s15 =	simm.s32 $0x6600;
	v1 =	vld [tilespmem:s14+$0x80]  }
0x2b8: {  	v2 =	vld [tilespmem:s15+$0x80]  }
0x2b9: {  	v3 =	vld [tilespmem:s15+$0xFFFFFF00]  }
0x2ba: {  	v4 =	vld [tilespmem:s14+$0xFFFFFF80]  }
0x2bb: {  	v5 =	vld [tilespmem:s15+$0xFFFFFF80]  }
0x2bc: {  	v6 =	vld [tilespmem:s15+$0x0]  }
0x2bd: {  	v1 =	vadd.f32 v2, v1;
	v2 =	vld [tilespmem:s14+$0x0]  }
0x2be: {  	v7 =	vld [tilespmem:s14+$0xFFFFFF00]  }
0x2bf: {  	v1 =	vmax.f32 v1, $0.0e+00  }
0x2c0: {  	v4 =	vadd.f32 v5, v4;
	[tilespmem:s15+$0x80] =	vst v1;
	v1 =	vld [tilespmem:s15+$0x90]  }
0x2c1: {  	v8 =	vld [tilespmem:s14+$0x90]  }
0x2c2: {  	v9 =	vld [tilespmem:s15+$0xFFFFFF90];
	v4 =	vmax.f32 v4, $0.0e+00;
	v2 =	vadd.f32 v6, v2  }
0x2c3: {  	v5 =	vld [tilespmem:s15+$0xFFFFFF10];
	v3 =	vadd.f32 v3, v7;
	[tilespmem:s15+$0xFFFFFF80] =	vst v4  }
0x2c4: {  	v6 =	vld [tilespmem:s14+$0xFFFFFF90];
	v2 =	vmax.f32 v2, $0.0e+00  }
0x2c5: {  	v3 =	vmax.f32 v3, $0.0e+00;
	v4 =	vld [tilespmem:s15+$0x10];
	[tilespmem:s15+$0x0] =	vst v2  }
0x2c6: {  	[tilespmem:s15+$0xFFFFFF00] =	vst v3;
	v1 =	vadd.f32 v1, v8;
	v2 =	vld [tilespmem:s14+$0x10]  }
0x2c7: {  	v3 =	vld [tilespmem:s14+$0xFFFFFF10]  }
0x2c8: {  	v1 =	vmax.f32 v1, $0.0e+00  }
0x2c9: {  	v6 =	vadd.f32 v9, v6;
	[tilespmem:s15+$0x90] =	vst v1;
	v1 =	vld [tilespmem:s15+$0xA0]  }
0x2ca: {  	v8 =	vld [tilespmem:s14+$0xA0]  }
0x2cb: {  	v7 =	vld [tilespmem:s15+$0xFFFFFF20];
	v6 =	vmax.f32 v6, $0.0e+00;
	v2 =	vadd.f32 v4, v2  }
0x2cc: {  	v3 =	vadd.f32 v5, v3;
	v9 =	vld [tilespmem:s15+$0xFFFFFFA0];
	[tilespmem:s15+$0xFFFFFF90] =	vst v6  }
0x2cd: {  	v5 =	vld [tilespmem:s14+$0xFFFFFFA0];
	v2 =	vmax.f32 v2, $0.0e+00  }
0x2ce: {  	v3 =	vmax.f32 v3, $0.0e+00;
	v4 =	vld [tilespmem:s15+$0x20];
	[tilespmem:s15+$0x10] =	vst v2  }
0x2cf: {  	[tilespmem:s15+$0xFFFFFF10] =	vst v3;
	v1 =	vadd.f32 v1, v8;
	v2 =	vld [tilespmem:s14+$0x20]  }
0x2d0: {  	v3 =	vld [tilespmem:s14+$0xFFFFFF20]  }
0x2d1: {  	v1 =	vmax.f32 v1, $0.0e+00  }
0x2d2: {  	v5 =	vadd.f32 v9, v5;
	[tilespmem:s15+$0xA0] =	vst v1;
	v1 =	vld [tilespmem:s15+$0xB0]  }
0x2d3: {  	v8 =	vld [tilespmem:s14+$0xB0]  }
0x2d4: {  	v10 =	vld [tilespmem:s15+$0x30];
	v5 =	vmax.f32 v5, $0.0e+00;
	v2 =	vadd.f32 v4, v2  }
0x2d5: {  	v3 =	vadd.f32 v7, v3;
	v9 =	vld [tilespmem:s15+$0xFFFFFFB0];
	[tilespmem:s15+$0xFFFFFFA0] =	vst v5  }
0x2d6: {  	v4 =	vld [tilespmem:s14+$0xFFFFFFB0];
	v2 =	vmax.f32 v2, $0.0e+00  }
0x2d7: {  	v6 =	vld [tilespmem:s15+$0xFFFFFF30];
	[tilespmem:s15+$0x20] =	vst v2;
	v2 =	vmax.f32 v3, $0.0e+00  }
0x2d8: {  	v1 =	vadd.f32 v1, v8;
	[tilespmem:s15+$0xFFFFFF20] =	vst v2;
	v2 =	vld [tilespmem:s14+$0x30]  }
0x2d9: {  	v7 =	vld [tilespmem:s14+$0xFFFFFF30]  }
0x2da: {  	v11 =	vld [tilespmem:s15+$0xFFFFFF40];
	v1 =	vmax.f32 v1, $0.0e+00  }
0x2db: {  	v4 =	vadd.f32 v9, v4;
	[tilespmem:s15+$0xB0] =	vst v1;
	v1 =	vld [tilespmem:s15+$0xC0]  }
0x2dc: {  	v8 =	vld [tilespmem:s14+$0xC0]  }
0x2dd: {  	v12 =	vld [tilespmem:s15+$0xFFFFFFD0];
	v4 =	vmax.f32 v4, $0.0e+00;
	v2 =	vadd.f32 v10, v2  }
0x2de: {  	v5 =	vld [tilespmem:s15+$0xFFFFFFC0];
	[tilespmem:s15+$0xFFFFFFB0] =	vst v4;
	v6 =	vadd.f32 v6, v7  }
0x2df: {  	v7 =	vld [tilespmem:s14+$0xFFFFFFC0];
	v2 =	vmax.f32 v2, $0.0e+00  }
0x2e0: {  	v3 =	vld [tilespmem:s15+$0x40];
	[tilespmem:s15+$0x30] =	vst v2;
	v2 =	vmax.f32 v6, $0.0e+00  }
0x2e1: {  	v1 =	vadd.f32 v1, v8;
	v6 =	vld [tilespmem:s14+$0x40];
	[tilespmem:s15+$0xFFFFFF30] =	vst v2  }
0x2e2: {  	v2 =	vld [tilespmem:s14+$0xFFFFFF40]  }
0x2e3: {  	v9 =	vld [tilespmem:s15+$0xFFFFFF50];
	v1 =	vmax.f32 v1, $0.0e+00  }
0x2e4: {  	[tilespmem:s15+$0xC0] =	vst v1;
	v1 =	vadd.f32 v5, v7;
	v7 =	vld [tilespmem:s15+$0xD0]  }
0x2e5: {  	v8 =	vld [tilespmem:s14+$0xD0]  }
0x2e6: {  	v4 =	vld [tilespmem:s15+$0xFFFFFF60];
	v1 =	vmax.f32 v1, $0.0e+00;
	v3 =	vadd.f32 v3, v6  }
0x2e7: {  	v10 =	vld [tilespmem:s15+$0x50];
	[tilespmem:s15+$0xFFFFFFC0] =	vst v1;
	v1 =	vadd.f32 v11, v2  }
0x2e8: {  	v2 =	vld [tilespmem:s14+$0xFFFFFFD0];
	v3 =	vmax.f32 v3, $0.0e+00  }
0x2e9: {  	v5 =	vld [tilespmem:s15+$0xFFFFFFE0];
	[tilespmem:s15+$0x40] =	vst v3;
	v1 =	vmax.f32 v1, $0.0e+00  }
0x2ea: {  	v3 =	vld [tilespmem:s14+$0x50];
	v7 =	vadd.f32 v7, v8;
	[tilespmem:s15+$0xFFFFFF40] =	vst v1  }
0x2eb: {  	v1 =	vld [tilespmem:s14+$0xFFFFFF50]  }
0x2ec: {  	v6 =	vld [tilespmem:s15+$0x60];
	v7 =	vmax.f32 v7, $0.0e+00  }
0x2ed: {  	v2 =	vadd.f32 v12, v2;
	[tilespmem:s15+$0xD0] =	vst v7;
	v7 =	vld [tilespmem:s15+$0xE0]  }
0x2ee: {  	v11 =	vld [tilespmem:s14+$0xE0]  }
0x2ef: {  	v2 =	vmax.f32 v2, $0.0e+00;
	v8 =	vadd.f32 v10, v3;
	v3 =	vld [tilespmem:s15+$0xFFFFFF70]  }
0x2f0: {  	[tilespmem:s15+$0xFFFFFFD0] =	vst v2;
	v1 =	vadd.f32 v9, v1;
	v2 =	vld [tilespmem:s15+$0xFFFFFFF0]  }
0x2f1: {  	v9 =	vmax.f32 v8, $0.0e+00;
	v8 =	vld [tilespmem:s14+$0xFFFFFFE0]  }
0x2f2: {  	[tilespmem:s15+$0x50] =	vst v9;
	v9 =	vmax.f32 v1, $0.0e+00;
	v1 =	vld [tilespmem:s15+$0x70]  }
0x2f3: {  	[tilespmem:s15+$0xFFFFFF50] =	vst v9;
	v9 =	vld [tilespmem:s14+$0x60];
	v7 =	vadd.f32 v7, v11  }
0x2f4: {  	v10 =	vld [tilespmem:s14+$0xFFFFFF60]  }
0x2f5: {  	s17 =	simm.s32 $0x0;
	s18 =	simm.s32 $0x2C00;
	s16 =	simm.s32 $0x6600;
	v11 =	vmax.f32 v7, $0.0e+00;
	v7 =	vld [tilespmem:s15+$0xF0]  }
.LBB2_11:
0x2f6: {  	v12 =	vld [tilespmem:s18+$0x80];
	v5 =	vadd.f32 v5, v8;
	[tilespmem:s15+$0xE0] =	vst v11  }
0x2f7: {  	s15 =	sadd.s32 $0x200, s15;
	v8 =	vld [tilespmem:s14+$0xF0]  }
0x2f8: {  	s17 =	sadd.s32 $0x4, s17;
	v11 =	vld [tilespmem:s15+$0x80];
	v5 =	vmax.f32 v5, $0.0e+00;
	v6 =	vadd.f32 v6, v9  }
0x2f9: {  	p1 =	slt.u32 s17, $0x24;
	v9 =	vld [tilespmem:s15+$0xFFFFFF00];
	v4 =	vadd.f32 v4, v10;
	[tilespmem:s16+$0xFFFFFFE0] =	vst v5  }
0x2fa: {  	v5 =	vld [tilespmem:s18+$0xFFFFFF80];
	v6 =	vmax.f32 v6, $0.0e+00  }
0x2fb: {  	v10 =	vld [tilespmem:s15+$0xFFFFFF80];
	v4 =	vmax.f32 v4, $0.0e+00;
	[tilespmem:s16+$0x60] =	vst v6  }
0x2fc: {  	v6 =	vld [tilespmem:s18+$0x0];
	[tilespmem:s16+$0xFFFFFF60] =	vst v4;
	v4 =	vadd.f32 v7, v8  }
0x2fd: {  	v7 =	vld [tilespmem:s15+$0x0];
	v8 =	vadd.f32 v11, v12  }
0x2fe: {  	v11 =	vld [tilespmem:s18+$0xFFFFFF00];
	v4 =	vmax.f32 v4, $0.0e+00  }
0x2ff: {  	v12 =	vld [tilespmem:s15+$0xFFFFFF10];
	v8 =	vmax.f32 v8, $0.0e+00;
	[tilespmem:s16+$0xF0] =	vst v4  }
0x300: {  	v4 =	vadd.f32 v10, v5;
	[tilespmem:s15+$0x80] =	vst v8;
	v5 =	vld [tilespmem:s15+$0x90]  }
0x301: {  	v8 =	vld [tilespmem:s18+$0x90]  }
0x302: {  	v4 =	vmax.f32 v4, $0.0e+00;
	v10 =	vld [tilespmem:s15+$0xFFFFFF90];
	v6 =	vadd.f32 v7, v6  }
0x303: {  	v7 =	vadd.f32 v9, v11;
	[tilespmem:s15+$0xFFFFFF80] =	vst v4;
	v4 =	vld [tilespmem:s15+$0x10]  }
0x304: {  	v9 =	vld [tilespmem:s18+$0xFFFFFF90];
	v6 =	vmax.f32 v6, $0.0e+00  }
0x305: {  	v7 =	vmax.f32 v7, $0.0e+00;
	v11 =	vld [tilespmem:s15+$0xFFFFFF20];
	[tilespmem:s15+$0x0] =	vst v6  }
0x306: {  	[tilespmem:s15+$0xFFFFFF00] =	vst v7;
	v6 =	vld [tilespmem:s18+$0x10];
	v5 =	vadd.f32 v5, v8  }
0x307: {  	v7 =	vld [tilespmem:s18+$0xFFFFFF10]  }
0x308: {  	v8 =	vld [tilespmem:s15+$0xFFFFFFA0];
	v5 =	vmax.f32 v5, $0.0e+00  }
0x309: {  	v9 =	vadd.f32 v10, v9;
	[tilespmem:s15+$0x90] =	vst v5;
	v5 =	vld [tilespmem:s15+$0xA0]  }
0x30a: {  	v10 =	vld [tilespmem:s18+$0xA0]  }
0x30b: {  	v9 =	vmax.f32 v9, $0.0e+00;
	v4 =	vadd.f32 v4, v6;
	v6 =	vld [tilespmem:s15+$0x20]  }
0x30c: {  	v7 =	vadd.f32 v12, v7;
	v12 =	vld [tilespmem:s15+$0xFFFFFF30];
	[tilespmem:s15+$0xFFFFFF90] =	vst v9  }
0x30d: {  	v9 =	vld [tilespmem:s18+$0xFFFFFFA0];
	v4 =	vmax.f32 v4, $0.0e+00  }
0x30e: {  	v7 =	vmax.f32 v7, $0.0e+00;
	v13 =	vld [tilespmem:s15+$0xFFFFFFB0];
	[tilespmem:s15+$0x10] =	vst v4  }
0x30f: {  	[tilespmem:s15+$0xFFFFFF10] =	vst v7;
	v4 =	vld [tilespmem:s18+$0x20];
	v5 =	vadd.f32 v5, v10  }
0x310: {  	v7 =	vld [tilespmem:s18+$0xFFFFFF20]  }
0x311: {  	v10 =	vld [tilespmem:s15+$0x30];
	v5 =	vmax.f32 v5, $0.0e+00  }
0x312: {  	v8 =	vadd.f32 v8, v9;
	[tilespmem:s15+$0xA0] =	vst v5;
	v5 =	vld [tilespmem:s15+$0xB0]  }
0x313: {  	v9 =	vld [tilespmem:s18+$0xB0]  }
0x314: {  	v14 =	vld [tilespmem:s15+$0xFFFFFF40];
	v8 =	vmax.f32 v8, $0.0e+00;
	v4 =	vadd.f32 v6, v4  }
0x315: {  	v6 =	vadd.f32 v11, v7;
	[tilespmem:s15+$0xFFFFFFA0] =	vst v8;
	v7 =	vld [tilespmem:s15+$0xFFFFFFC0]  }
0x316: {  	v8 =	vld [tilespmem:s18+$0xFFFFFFB0];
	v4 =	vmax.f32 v4, $0.0e+00  }
0x317: {  	v6 =	vmax.f32 v6, $0.0e+00;
	[tilespmem:s15+$0x20] =	vst v4;
	v11 =	vld [tilespmem:s15+$0x40]  }
0x318: {  	[tilespmem:s15+$0xFFFFFF20] =	vst v6;
	v4 =	vld [tilespmem:s18+$0x30];
	v5 =	vadd.f32 v5, v9  }
0x319: {  	v6 =	vld [tilespmem:s18+$0xFFFFFF30]  }
0x31a: {  	v9 =	vld [tilespmem:s15+$0xFFFFFF50];
	v5 =	vmax.f32 v5, $0.0e+00  }
0x31b: {  	v8 =	vadd.f32 v13, v8;
	[tilespmem:s15+$0xB0] =	vst v5;
	v5 =	vld [tilespmem:s15+$0xC0]  }
0x31c: {  	v13 =	vld [tilespmem:s18+$0xC0]  }
0x31d: {  	v8 =	vmax.f32 v8, $0.0e+00;
	v15 =	vld [tilespmem:s15+$0xFFFFFFD0];
	v4 =	vadd.f32 v10, v4  }
0x31e: {  	v6 =	vadd.f32 v12, v6;
	[tilespmem:s15+$0xFFFFFFB0] =	vst v8;
	v8 =	vld [tilespmem:s15+$0x50]  }
0x31f: {  	v10 =	vld [tilespmem:s18+$0xFFFFFFC0];
	v12 =	vmax.f32 v4, $0.0e+00  }
0x320: {  	v6 =	vmax.f32 v6, $0.0e+00;
	v4 =	vld [tilespmem:s15+$0xFFFFFF60];
	[tilespmem:s15+$0x30] =	vst v12  }
0x321: {  	[tilespmem:s15+$0xFFFFFF30] =	vst v6;
	v6 =	vld [tilespmem:s18+$0x40];
	v12 =	vadd.f32 v5, v13  }
0x322: {  	v13 =	vld [tilespmem:s18+$0xFFFFFF40]  }
0x323: {  	v5 =	vld [tilespmem:s15+$0xFFFFFFE0];
	v12 =	vmax.f32 v12, $0.0e+00  }
0x324: {  	v7 =	vadd.f32 v7, v10;
	[tilespmem:s15+$0xC0] =	vst v12;
	v10 =	vld [tilespmem:s15+$0xD0]  }
0x325: {  	v12 =	vld [tilespmem:s18+$0xD0]  }
0x326: {  	v7 =	vmax.f32 v7, $0.0e+00;
	v11 =	vadd.f32 v11, v6;
	v6 =	vld [tilespmem:s15+$0x60]  }
0x327: {  	v13 =	vadd.f32 v14, v13;
	[tilespmem:s15+$0xFFFFFFC0] =	vst v7;
	v7 =	vld [tilespmem:s14+$0xFFFFFF70]  }
0x328: {  	v14 =	vld [tilespmem:s18+$0xFFFFFFD0];
	v11 =	vmax.f32 v11, $0.0e+00  }
0x329: {  	v13 =	vmax.f32 v13, $0.0e+00;
	[tilespmem:s15+$0x40] =	vst v11;
	v11 =	vld [tilespmem:s14+$0xFFFFFFF0]  }
0x32a: {  	[tilespmem:s15+$0xFFFFFF40] =	vst v13;
	v13 =	vld [tilespmem:s18+$0x50];
	v10 =	vadd.f32 v10, v12  }
0x32b: {  	v12 =	vld [tilespmem:s18+$0xFFFFFF50]  }
0x32c: {  	v10 =	vmax.f32 v10, $0.0e+00;
	v3 =	vadd.f32 v3, v7;
	v7 =	vld [tilespmem:s14+$0x70];
	s14 =	smov.u32 s18  }
0x32d: {  	v14 =	vadd.f32 v15, v14;
	[tilespmem:s15+$0xD0] =	vst v10;
	v10 =	vld [tilespmem:s15+$0xE0]  }
0x32e: {  	v15 =	vld [tilespmem:s18+$0xE0];
	v16 =	vmax.f32 v3, $0.0e+00;
	v11 =	vadd.f32 v2, v11  }
0x32f: {  	v3 =	vld [tilespmem:s15+$0xFFFFFF70];
	v2 =	vmax.f32 v14, $0.0e+00;
	v13 =	vadd.f32 v8, v13;
	[tilespmem:s16+$0xFFFFFF70] =	vst v16  }
0x330: {  	v9 =	vadd.f32 v9, v12;
	[tilespmem:s15+$0xFFFFFFD0] =	vst v2;
	v2 =	vld [tilespmem:s15+$0xFFFFFFF0];
	v11 =	vmax.f32 v11, $0.0e+00  }
.Ltmp4:
0x331: {  	v8 =	vld [tilespmem:s18+$0xFFFFFFE0];
	v12 =	vmax.f32 v13, $0.0e+00;
	[tilespmem:s16+$0xFFFFFFF0] =	vst v11;
	v7 =	vadd.f32 v1, v7;
	(pc) =	sbr.rel @p1 .LBB2_11-.Ltmp4, $4  }
0x332: {  	v9 =	vmax.f32 v9, $0.0e+00;
	[tilespmem:s15+$0x50] =	vst v12;
	v1 =	vld [tilespmem:s15+$0x70]  }
0x333: {  	[tilespmem:s15+$0xFFFFFF50] =	vst v9;
	v9 =	vld [tilespmem:s18+$0x60];
	v11 =	vadd.f32 v10, v15;
	v7 =	vmax.f32 v7, $0.0e+00  }
0x334: {  	v10 =	vld [tilespmem:s18+$0xFFFFFF60];
	[tilespmem:s16+$0x70] =	vst v7;
	s16 =	smov.u32 s15  }
0x335: {  	s18 =	sadd.s32 $0x200, s18;
	v11 =	vmax.f32 v11, $0.0e+00;
	v7 =	vld [tilespmem:s15+$0xF0]  }
0x336: {  	_ =	sdelay $0x2  }
0x337: {  	v4 =	vadd.f32 v4, v10  }
0x338: {  	v5 =	vadd.f32 v5, v8  }
0x339: {  	[tilespmem:s15+$0xE0] =	vst v11;
	v6 =	vadd.f32 v6, v9;
	v4 =	vmax.f32 v4, $0.0e+00  }
0x33a: {  	v8 =	vld [tilespmem:s14+$0xF0];
	v5 =	vmax.f32 v5, $0.0e+00;
	[tilespmem:s16+$0xFFFFFF60] =	vst v4  }
0x33b: {  	[tilespmem:s16+$0xFFFFFFE0] =	vst v5;
	v4 =	vmax.f32 v6, $0.0e+00;
	v5 =	vld [tilespmem:s14+$0xFFFFFF70]  }
0x33c: {  	[tilespmem:s16+$0x60] =	vst v4;
	v4 =	vld [tilespmem:s14+$0xFFFFFFF0]  }
0x33d: {  	v6 =	vld [tilespmem:s14+$0x70];
	_ =	sdelay $0x1  }
0x33e: {  	v7 =	vadd.f32 v7, v8  }
0x33f: {  	v3 =	vadd.f32 v3, v5  }
0x340: {  	v5 =	vmax.f32 v7, $0.0e+00;
	v2 =	vadd.f32 v2, v4  }
0x341: {  	[tilespmem:s16+$0xF0] =	vst v5;
	v1 =	vadd.f32 v1, v6;
	v3 =	vmax.f32 v3, $0.0e+00  }
0x342: {  	v2 =	vmax.f32 v2, $0.0e+00;
	[tilespmem:s16+$0xFFFFFF70] =	vst v3  }
0x343: {  	[tilespmem:s16+$0xFFFFFFF0] =	vst v2;
	v1 =	vmax.f32 v1, $0.0e+00  }
0x344: {  	s14 =	smul.u32 $0x78, s13;
	[tilespmem:s16+$0x70] =	vst v1  }
0x345: {  	[spmem:s4] =	stream.indirect.scatter.add.f32 [tilespmem:s19], [sflag:$0x4], $0x80, s23, s21, $0xb8;
	[tilespmem:$0x1D980] =	vst v63  }
0x346: {  	s8 =	sadd.s32 $0x50, s14;
	_ =	swait.ge [sflag:s11], $0x1400  }
0x347: {  	s16 =	sadd.s32 s7, s8;
	[sflag:s11] =	ssyncset.done $0x0  }
0x348: {  	s17 =	sshll.u32 s16, $0x4;
	[sflag:s11] =	ssyncadd.s32 $0xFFFFEC00  }
0x349: {  	[tilespmem:s29], [sflag:$0x3] =	stream.indirect.gather [hbm4b:s1+s21], $0x80, s8, s21, $0xb8;
	[tilespmem:$0x1D980] =	vst v63  }
0x34a: {  	s18 =	sshrl.u32 s16, $0x3;
	s8 =	sadd.s32 s3, s17  }
0x34b: {  	[tilespmem:s30], [sflag:$0x3] =	stream.linear.gather [hbm4b:s8+s5], $0x1400, $0x38;
	[tilespmem:$0x1D980] =	vst v63  }
0x34c: {  	s8 =	sadd.s32 s6, s18  }
0x34d: {  	[tilespmem:s31], [sflag:$0x3] =	stream.linear.gather [hbm4b:s8+s5], $0x28, $0x38;
	[tilespmem:$0x1D980] =	vst v63  }
0x34e: {  	_ =	swait.ge [sflag:s2], $0x1400  }
0x34f: {  	[sflag:s2] =	ssyncset.done $0x0  }
0x350: {  	[sflag:s2] =	ssyncadd.s32 $0xFFFFEC00  }
0x351: {  	_ =	swait.ge [sflag:s2], $0x1400  }
0x352: {  	[sflag:s2] =	ssyncset.done $0x0  }
0x353: {  	[sflag:s2] =	ssyncadd.s32 $0xFFFFEC00  }
0x354: {  	_ =	swait.ge [sflag:s2], $0x28  }
0x355: {  	[sflag:s2] =	ssyncset.done $0x0  }
0x356: {  	s15 =	simm.s32 $0x3E00;
	[sflag:s2] =	ssyncadd.s32 $0xFFFFFFD8  }
0x357: {  	s16 =	simm.s32 $0x7A00;
	v1 =	vld [tilespmem:s15+$0x80]  }
0x358: {  	v2 =	vld [tilespmem:s16+$0x80]  }
0x359: {  	v3 =	vld [tilespmem:s16+$0xFFFFFF00]  }
0x35a: {  	v4 =	vld [tilespmem:s15+$0xFFFFFF80]  }
0x35b: {  	v5 =	vld [tilespmem:s16+$0xFFFFFF80]  }
0x35c: {  	v6 =	vld [tilespmem:s16+$0x0]  }
0x35d: {  	v1 =	vadd.f32 v2, v1;
	v2 =	vld [tilespmem:s15+$0x0]  }
0x35e: {  	v7 =	vld [tilespmem:s15+$0xFFFFFF00]  }
0x35f: {  	v1 =	vmax.f32 v1, $0.0e+00  }
0x360: {  	v4 =	vadd.f32 v5, v4;
	[tilespmem:s16+$0x80] =	vst v1;
	v1 =	vld [tilespmem:s16+$0x90]  }
0x361: {  	v8 =	vld [tilespmem:s15+$0x90]  }
0x362: {  	v9 =	vld [tilespmem:s16+$0xFFFFFF90];
	v4 =	vmax.f32 v4, $0.0e+00;
	v2 =	vadd.f32 v6, v2  }
0x363: {  	v5 =	vld [tilespmem:s16+$0xFFFFFF10];
	v3 =	vadd.f32 v3, v7;
	[tilespmem:s16+$0xFFFFFF80] =	vst v4  }
0x364: {  	v6 =	vld [tilespmem:s15+$0xFFFFFF90];
	v2 =	vmax.f32 v2, $0.0e+00  }
0x365: {  	v3 =	vmax.f32 v3, $0.0e+00;
	v4 =	vld [tilespmem:s16+$0x10];
	[tilespmem:s16+$0x0] =	vst v2  }
0x366: {  	[tilespmem:s16+$0xFFFFFF00] =	vst v3;
	v1 =	vadd.f32 v1, v8;
	v2 =	vld [tilespmem:s15+$0x10]  }
0x367: {  	v3 =	vld [tilespmem:s15+$0xFFFFFF10]  }
0x368: {  	v1 =	vmax.f32 v1, $0.0e+00  }
0x369: {  	v6 =	vadd.f32 v9, v6;
	[tilespmem:s16+$0x90] =	vst v1;
	v1 =	vld [tilespmem:s16+$0xA0]  }
0x36a: {  	v8 =	vld [tilespmem:s15+$0xA0]  }
0x36b: {  	v7 =	vld [tilespmem:s16+$0xFFFFFF20];
	v6 =	vmax.f32 v6, $0.0e+00;
	v2 =	vadd.f32 v4, v2  }
0x36c: {  	v3 =	vadd.f32 v5, v3;
	v9 =	vld [tilespmem:s16+$0xFFFFFFA0];
	[tilespmem:s16+$0xFFFFFF90] =	vst v6  }
0x36d: {  	v5 =	vld [tilespmem:s15+$0xFFFFFFA0];
	v2 =	vmax.f32 v2, $0.0e+00  }
0x36e: {  	v3 =	vmax.f32 v3, $0.0e+00;
	v4 =	vld [tilespmem:s16+$0x20];
	[tilespmem:s16+$0x10] =	vst v2  }
0x36f: {  	[tilespmem:s16+$0xFFFFFF10] =	vst v3;
	v1 =	vadd.f32 v1, v8;
	v2 =	vld [tilespmem:s15+$0x20]  }
0x370: {  	v3 =	vld [tilespmem:s15+$0xFFFFFF20]  }
0x371: {  	v1 =	vmax.f32 v1, $0.0e+00  }
0x372: {  	v5 =	vadd.f32 v9, v5;
	[tilespmem:s16+$0xA0] =	vst v1;
	v1 =	vld [tilespmem:s16+$0xB0]  }
0x373: {  	v8 =	vld [tilespmem:s15+$0xB0]  }
0x374: {  	v10 =	vld [tilespmem:s16+$0x30];
	v5 =	vmax.f32 v5, $0.0e+00;
	v2 =	vadd.f32 v4, v2  }
0x375: {  	v3 =	vadd.f32 v7, v3;
	v9 =	vld [tilespmem:s16+$0xFFFFFFB0];
	[tilespmem:s16+$0xFFFFFFA0] =	vst v5  }
0x376: {  	v4 =	vld [tilespmem:s15+$0xFFFFFFB0];
	v2 =	vmax.f32 v2, $0.0e+00  }
0x377: {  	v6 =	vld [tilespmem:s16+$0xFFFFFF30];
	[tilespmem:s16+$0x20] =	vst v2;
	v2 =	vmax.f32 v3, $0.0e+00  }
0x378: {  	v1 =	vadd.f32 v1, v8;
	[tilespmem:s16+$0xFFFFFF20] =	vst v2;
	v2 =	vld [tilespmem:s15+$0x30]  }
0x379: {  	v7 =	vld [tilespmem:s15+$0xFFFFFF30]  }
0x37a: {  	v11 =	vld [tilespmem:s16+$0xFFFFFF40];
	v1 =	vmax.f32 v1, $0.0e+00  }
0x37b: {  	v4 =	vadd.f32 v9, v4;
	[tilespmem:s16+$0xB0] =	vst v1;
	v1 =	vld [tilespmem:s16+$0xC0]  }
0x37c: {  	v8 =	vld [tilespmem:s15+$0xC0]  }
0x37d: {  	v12 =	vld [tilespmem:s16+$0xFFFFFFD0];
	v4 =	vmax.f32 v4, $0.0e+00;
	v2 =	vadd.f32 v10, v2  }
0x37e: {  	v5 =	vld [tilespmem:s16+$0xFFFFFFC0];
	[tilespmem:s16+$0xFFFFFFB0] =	vst v4;
	v6 =	vadd.f32 v6, v7  }
0x37f: {  	v7 =	vld [tilespmem:s15+$0xFFFFFFC0];
	v2 =	vmax.f32 v2, $0.0e+00  }
0x380: {  	v3 =	vld [tilespmem:s16+$0x40];
	[tilespmem:s16+$0x30] =	vst v2;
	v2 =	vmax.f32 v6, $0.0e+00  }
0x381: {  	v1 =	vadd.f32 v1, v8;
	v6 =	vld [tilespmem:s15+$0x40];
	[tilespmem:s16+$0xFFFFFF30] =	vst v2  }
0x382: {  	v2 =	vld [tilespmem:s15+$0xFFFFFF40]  }
0x383: {  	v9 =	vld [tilespmem:s16+$0xFFFFFF50];
	v1 =	vmax.f32 v1, $0.0e+00  }
0x384: {  	[tilespmem:s16+$0xC0] =	vst v1;
	v1 =	vadd.f32 v5, v7;
	v7 =	vld [tilespmem:s16+$0xD0]  }
0x385: {  	v8 =	vld [tilespmem:s15+$0xD0]  }
0x386: {  	v4 =	vld [tilespmem:s16+$0xFFFFFF60];
	v1 =	vmax.f32 v1, $0.0e+00;
	v3 =	vadd.f32 v3, v6  }
0x387: {  	v10 =	vld [tilespmem:s16+$0x50];
	[tilespmem:s16+$0xFFFFFFC0] =	vst v1;
	v1 =	vadd.f32 v11, v2  }
0x388: {  	v2 =	vld [tilespmem:s15+$0xFFFFFFD0];
	v3 =	vmax.f32 v3, $0.0e+00  }
0x389: {  	v5 =	vld [tilespmem:s16+$0xFFFFFFE0];
	[tilespmem:s16+$0x40] =	vst v3;
	v1 =	vmax.f32 v1, $0.0e+00  }
0x38a: {  	v3 =	vld [tilespmem:s15+$0x50];
	v7 =	vadd.f32 v7, v8;
	[tilespmem:s16+$0xFFFFFF40] =	vst v1  }
0x38b: {  	v1 =	vld [tilespmem:s15+$0xFFFFFF50]  }
0x38c: {  	v6 =	vld [tilespmem:s16+$0x60];
	v7 =	vmax.f32 v7, $0.0e+00  }
0x38d: {  	v2 =	vadd.f32 v12, v2;
	[tilespmem:s16+$0xD0] =	vst v7;
	v7 =	vld [tilespmem:s16+$0xE0]  }
0x38e: {  	v11 =	vld [tilespmem:s15+$0xE0]  }
0x38f: {  	v2 =	vmax.f32 v2, $0.0e+00;
	v8 =	vadd.f32 v10, v3;
	v3 =	vld [tilespmem:s16+$0xFFFFFF70]  }
0x390: {  	[tilespmem:s16+$0xFFFFFFD0] =	vst v2;
	v1 =	vadd.f32 v9, v1;
	v2 =	vld [tilespmem:s16+$0xFFFFFFF0]  }
0x391: {  	v9 =	vmax.f32 v8, $0.0e+00;
	v8 =	vld [tilespmem:s15+$0xFFFFFFE0]  }
0x392: {  	[tilespmem:s16+$0x50] =	vst v9;
	v9 =	vmax.f32 v1, $0.0e+00;
	v1 =	vld [tilespmem:s16+$0x70]  }
0x393: {  	[tilespmem:s16+$0xFFFFFF50] =	vst v9;
	v9 =	vld [tilespmem:s15+$0x60];
	v7 =	vadd.f32 v7, v11  }
0x394: {  	v10 =	vld [tilespmem:s15+$0xFFFFFF60]  }
0x395: {  	s17 =	simm.s32 $0x7A00;
	s18 =	simm.s32 $0x0;
	s8 =	simm.s32 $0x4000;
	v11 =	vmax.f32 v7, $0.0e+00;
	v7 =	vld [tilespmem:s16+$0xF0]  }
.LBB2_13:
0x396: {  	v12 =	vld [tilespmem:s8+$0x80];
	v5 =	vadd.f32 v5, v8;
	[tilespmem:s16+$0xE0] =	vst v11  }
0x397: {  	s16 =	sadd.s32 $0x200, s16;
	v8 =	vld [tilespmem:s15+$0xF0]  }
0x398: {  	s18 =	sadd.s32 $0x4, s18;
	v11 =	vld [tilespmem:s16+$0x80];
	v5 =	vmax.f32 v5, $0.0e+00;
	v6 =	vadd.f32 v6, v9  }
0x399: {  	p1 =	slt.u32 s18, $0x24;
	v9 =	vld [tilespmem:s16+$0xFFFFFF00];
	v4 =	vadd.f32 v4, v10;
	[tilespmem:s17+$0xFFFFFFE0] =	vst v5  }
0x39a: {  	v5 =	vld [tilespmem:s8+$0xFFFFFF80];
	v6 =	vmax.f32 v6, $0.0e+00  }
0x39b: {  	v10 =	vld [tilespmem:s16+$0xFFFFFF80];
	v4 =	vmax.f32 v4, $0.0e+00;
	[tilespmem:s17+$0x60] =	vst v6  }
0x39c: {  	v6 =	vld [tilespmem:s8+$0x0];
	[tilespmem:s17+$0xFFFFFF60] =	vst v4;
	v4 =	vadd.f32 v7, v8  }
0x39d: {  	v7 =	vld [tilespmem:s16+$0x0];
	v8 =	vadd.f32 v11, v12  }
0x39e: {  	v11 =	vld [tilespmem:s8+$0xFFFFFF00];
	v4 =	vmax.f32 v4, $0.0e+00  }
0x39f: {  	v12 =	vld [tilespmem:s16+$0xFFFFFF10];
	v8 =	vmax.f32 v8, $0.0e+00;
	[tilespmem:s17+$0xF0] =	vst v4  }
0x3a0: {  	v4 =	vadd.f32 v10, v5;
	[tilespmem:s16+$0x80] =	vst v8;
	v5 =	vld [tilespmem:s16+$0x90]  }
0x3a1: {  	v8 =	vld [tilespmem:s8+$0x90]  }
0x3a2: {  	v4 =	vmax.f32 v4, $0.0e+00;
	v10 =	vld [tilespmem:s16+$0xFFFFFF90];
	v6 =	vadd.f32 v7, v6  }
0x3a3: {  	v7 =	vadd.f32 v9, v11;
	[tilespmem:s16+$0xFFFFFF80] =	vst v4;
	v4 =	vld [tilespmem:s16+$0x10]  }
0x3a4: {  	v9 =	vld [tilespmem:s8+$0xFFFFFF90];
	v6 =	vmax.f32 v6, $0.0e+00  }
0x3a5: {  	v7 =	vmax.f32 v7, $0.0e+00;
	v11 =	vld [tilespmem:s16+$0xFFFFFF20];
	[tilespmem:s16+$0x0] =	vst v6  }
0x3a6: {  	[tilespmem:s16+$0xFFFFFF00] =	vst v7;
	v6 =	vld [tilespmem:s8+$0x10];
	v5 =	vadd.f32 v5, v8  }
0x3a7: {  	v7 =	vld [tilespmem:s8+$0xFFFFFF10]  }
0x3a8: {  	v8 =	vld [tilespmem:s16+$0xFFFFFFA0];
	v5 =	vmax.f32 v5, $0.0e+00  }
0x3a9: {  	v9 =	vadd.f32 v10, v9;
	[tilespmem:s16+$0x90] =	vst v5;
	v5 =	vld [tilespmem:s16+$0xA0]  }
0x3aa: {  	v10 =	vld [tilespmem:s8+$0xA0]  }
0x3ab: {  	v9 =	vmax.f32 v9, $0.0e+00;
	v4 =	vadd.f32 v4, v6;
	v6 =	vld [tilespmem:s16+$0x20]  }
0x3ac: {  	v7 =	vadd.f32 v12, v7;
	v12 =	vld [tilespmem:s16+$0xFFFFFF30];
	[tilespmem:s16+$0xFFFFFF90] =	vst v9  }
0x3ad: {  	v9 =	vld [tilespmem:s8+$0xFFFFFFA0];
	v4 =	vmax.f32 v4, $0.0e+00  }
0x3ae: {  	v7 =	vmax.f32 v7, $0.0e+00;
	v13 =	vld [tilespmem:s16+$0xFFFFFFB0];
	[tilespmem:s16+$0x10] =	vst v4  }
0x3af: {  	[tilespmem:s16+$0xFFFFFF10] =	vst v7;
	v4 =	vld [tilespmem:s8+$0x20];
	v5 =	vadd.f32 v5, v10  }
0x3b0: {  	v7 =	vld [tilespmem:s8+$0xFFFFFF20]  }
0x3b1: {  	v10 =	vld [tilespmem:s16+$0x30];
	v5 =	vmax.f32 v5, $0.0e+00  }
0x3b2: {  	v8 =	vadd.f32 v8, v9;
	[tilespmem:s16+$0xA0] =	vst v5;
	v5 =	vld [tilespmem:s16+$0xB0]  }
0x3b3: {  	v9 =	vld [tilespmem:s8+$0xB0]  }
0x3b4: {  	v14 =	vld [tilespmem:s16+$0xFFFFFF40];
	v8 =	vmax.f32 v8, $0.0e+00;
	v4 =	vadd.f32 v6, v4  }
0x3b5: {  	v6 =	vadd.f32 v11, v7;
	[tilespmem:s16+$0xFFFFFFA0] =	vst v8;
	v7 =	vld [tilespmem:s16+$0xFFFFFFC0]  }
0x3b6: {  	v8 =	vld [tilespmem:s8+$0xFFFFFFB0];
	v4 =	vmax.f32 v4, $0.0e+00  }
0x3b7: {  	v6 =	vmax.f32 v6, $0.0e+00;
	[tilespmem:s16+$0x20] =	vst v4;
	v11 =	vld [tilespmem:s16+$0x40]  }
0x3b8: {  	[tilespmem:s16+$0xFFFFFF20] =	vst v6;
	v4 =	vld [tilespmem:s8+$0x30];
	v5 =	vadd.f32 v5, v9  }
0x3b9: {  	v6 =	vld [tilespmem:s8+$0xFFFFFF30]  }
0x3ba: {  	v9 =	vld [tilespmem:s16+$0xFFFFFF50];
	v5 =	vmax.f32 v5, $0.0e+00  }
0x3bb: {  	v8 =	vadd.f32 v13, v8;
	[tilespmem:s16+$0xB0] =	vst v5;
	v5 =	vld [tilespmem:s16+$0xC0]  }
0x3bc: {  	v13 =	vld [tilespmem:s8+$0xC0]  }
0x3bd: {  	v8 =	vmax.f32 v8, $0.0e+00;
	v15 =	vld [tilespmem:s16+$0xFFFFFFD0];
	v4 =	vadd.f32 v10, v4  }
0x3be: {  	v6 =	vadd.f32 v12, v6;
	[tilespmem:s16+$0xFFFFFFB0] =	vst v8;
	v8 =	vld [tilespmem:s16+$0x50]  }
0x3bf: {  	v10 =	vld [tilespmem:s8+$0xFFFFFFC0];
	v12 =	vmax.f32 v4, $0.0e+00  }
0x3c0: {  	v6 =	vmax.f32 v6, $0.0e+00;
	v4 =	vld [tilespmem:s16+$0xFFFFFF60];
	[tilespmem:s16+$0x30] =	vst v12  }
0x3c1: {  	[tilespmem:s16+$0xFFFFFF30] =	vst v6;
	v6 =	vld [tilespmem:s8+$0x40];
	v12 =	vadd.f32 v5, v13  }
0x3c2: {  	v13 =	vld [tilespmem:s8+$0xFFFFFF40]  }
0x3c3: {  	v5 =	vld [tilespmem:s16+$0xFFFFFFE0];
	v12 =	vmax.f32 v12, $0.0e+00  }
0x3c4: {  	v7 =	vadd.f32 v7, v10;
	[tilespmem:s16+$0xC0] =	vst v12;
	v10 =	vld [tilespmem:s16+$0xD0]  }
0x3c5: {  	v12 =	vld [tilespmem:s8+$0xD0]  }
0x3c6: {  	v7 =	vmax.f32 v7, $0.0e+00;
	v11 =	vadd.f32 v11, v6;
	v6 =	vld [tilespmem:s16+$0x60]  }
0x3c7: {  	v13 =	vadd.f32 v14, v13;
	[tilespmem:s16+$0xFFFFFFC0] =	vst v7;
	v7 =	vld [tilespmem:s15+$0xFFFFFF70]  }
0x3c8: {  	v14 =	vld [tilespmem:s8+$0xFFFFFFD0];
	v11 =	vmax.f32 v11, $0.0e+00  }
0x3c9: {  	v13 =	vmax.f32 v13, $0.0e+00;
	[tilespmem:s16+$0x40] =	vst v11;
	v11 =	vld [tilespmem:s15+$0xFFFFFFF0]  }
0x3ca: {  	[tilespmem:s16+$0xFFFFFF40] =	vst v13;
	v13 =	vld [tilespmem:s8+$0x50];
	v10 =	vadd.f32 v10, v12  }
0x3cb: {  	v12 =	vld [tilespmem:s8+$0xFFFFFF50]  }
0x3cc: {  	v10 =	vmax.f32 v10, $0.0e+00;
	v3 =	vadd.f32 v3, v7;
	v7 =	vld [tilespmem:s15+$0x70];
	s15 =	smov.u32 s8  }
0x3cd: {  	v14 =	vadd.f32 v15, v14;
	[tilespmem:s16+$0xD0] =	vst v10;
	v10 =	vld [tilespmem:s16+$0xE0]  }
0x3ce: {  	v15 =	vld [tilespmem:s8+$0xE0];
	v16 =	vmax.f32 v3, $0.0e+00;
	v11 =	vadd.f32 v2, v11  }
0x3cf: {  	v3 =	vld [tilespmem:s16+$0xFFFFFF70];
	v2 =	vmax.f32 v14, $0.0e+00;
	v13 =	vadd.f32 v8, v13;
	[tilespmem:s17+$0xFFFFFF70] =	vst v16  }
0x3d0: {  	v9 =	vadd.f32 v9, v12;
	[tilespmem:s16+$0xFFFFFFD0] =	vst v2;
	v2 =	vld [tilespmem:s16+$0xFFFFFFF0];
	v11 =	vmax.f32 v11, $0.0e+00  }
.Ltmp5:
0x3d1: {  	v8 =	vld [tilespmem:s8+$0xFFFFFFE0];
	v12 =	vmax.f32 v13, $0.0e+00;
	[tilespmem:s17+$0xFFFFFFF0] =	vst v11;
	v7 =	vadd.f32 v1, v7;
	(pc) =	sbr.rel @p1 .LBB2_13-.Ltmp5, $4  }
0x3d2: {  	v9 =	vmax.f32 v9, $0.0e+00;
	[tilespmem:s16+$0x50] =	vst v12;
	v1 =	vld [tilespmem:s16+$0x70]  }
0x3d3: {  	[tilespmem:s16+$0xFFFFFF50] =	vst v9;
	v9 =	vld [tilespmem:s8+$0x60];
	v11 =	vadd.f32 v10, v15;
	v7 =	vmax.f32 v7, $0.0e+00  }
0x3d4: {  	v10 =	vld [tilespmem:s8+$0xFFFFFF60];
	[tilespmem:s17+$0x70] =	vst v7;
	s17 =	smov.u32 s16  }
0x3d5: {  	s8 =	sadd.s32 $0x200, s8;
	v11 =	vmax.f32 v11, $0.0e+00;
	v7 =	vld [tilespmem:s16+$0xF0]  }
0x3d6: {  	_ =	sdelay $0x2  }
0x3d7: {  	v4 =	vadd.f32 v4, v10  }
0x3d8: {  	v5 =	vadd.f32 v5, v8  }
0x3d9: {  	[tilespmem:s16+$0xE0] =	vst v11;
	v6 =	vadd.f32 v6, v9;
	v4 =	vmax.f32 v4, $0.0e+00  }
0x3da: {  	v8 =	vld [tilespmem:s15+$0xF0];
	v5 =	vmax.f32 v5, $0.0e+00;
	[tilespmem:s17+$0xFFFFFF60] =	vst v4  }
0x3db: {  	[tilespmem:s17+$0xFFFFFFE0] =	vst v5;
	v4 =	vmax.f32 v6, $0.0e+00;
	v5 =	vld [tilespmem:s15+$0xFFFFFF70]  }
0x3dc: {  	[tilespmem:s17+$0x60] =	vst v4;
	v4 =	vld [tilespmem:s15+$0xFFFFFFF0]  }
0x3dd: {  	v6 =	vld [tilespmem:s15+$0x70];
	_ =	sdelay $0x1  }
0x3de: {  	v7 =	vadd.f32 v7, v8  }
0x3df: {  	v3 =	vadd.f32 v3, v5  }
0x3e0: {  	v5 =	vmax.f32 v7, $0.0e+00;
	v2 =	vadd.f32 v2, v4  }
0x3e1: {  	[tilespmem:s17+$0xF0] =	vst v5;
	v1 =	vadd.f32 v1, v6;
	v3 =	vmax.f32 v3, $0.0e+00  }
0x3e2: {  	v2 =	vmax.f32 v2, $0.0e+00;
	[tilespmem:s17+$0xFFFFFF70] =	vst v3  }
0x3e3: {  	[tilespmem:s17+$0xFFFFFFF0] =	vst v2;
	v1 =	vmax.f32 v1, $0.0e+00  }
0x3e4: {  	[tilespmem:s17+$0x70] =	vst v1  }
0x3e5: {  	[spmem:s4] =	stream.indirect.scatter.add.f32 [tilespmem:s25], [sflag:$0x5], $0x80, s26, s21, $0xb8;
	[tilespmem:$0x1D980] =	vst v63  }
0x3e6: {  	s8 =	sadd.s32 $0x78, s14;
	_ =	swait.ge [sflag:s0], $0x1400  }
0x3e7: {  	s16 =	sadd.s32 s7, s8;
	[sflag:s0] =	ssyncset.done $0x0  }
0x3e8: {  	s17 =	sshll.u32 s16, $0x4;
	[sflag:s0] =	ssyncadd.s32 $0xFFFFEC00  }
0x3e9: {  	[tilespmem:s22], [sflag:$0x1] =	stream.indirect.gather [hbm4b:s1+s21], $0x80, s8, s21, $0xb8;
	[tilespmem:$0x1D980] =	vst v63  }
0x3ea: {  	s18 =	sshrl.u32 s16, $0x3;
	s8 =	sadd.s32 s3, s17  }
0x3eb: {  	[tilespmem:s19], [sflag:$0x1] =	stream.linear.gather [hbm4b:s8+s5], $0x1400, $0x38;
	[tilespmem:$0x1D980] =	vst v63  }
0x3ec: {  	s8 =	sadd.s32 s6, s18  }
0x3ed: {  	[tilespmem:s23], [sflag:$0x1] =	stream.linear.gather [hbm4b:s8+s5], $0x28, $0x38;
	[tilespmem:$0x1D980] =	vst v63  }
0x3ee: {  	_ =	swait.ge [sflag:s9], $0x1400  }
0x3ef: {  	[sflag:s9] =	ssyncset.done $0x0  }
0x3f0: {  	[sflag:s9] =	ssyncadd.s32 $0xFFFFEC00  }
0x3f1: {  	_ =	swait.ge [sflag:s9], $0x1400  }
0x3f2: {  	[sflag:s9] =	ssyncset.done $0x0  }
0x3f3: {  	[sflag:s9] =	ssyncadd.s32 $0xFFFFEC00  }
0x3f4: {  	_ =	swait.ge [sflag:s9], $0x28  }
0x3f5: {  	[sflag:s9] =	ssyncset.done $0x0  }
0x3f6: {  	s15 =	simm.s32 $0x5200;
	[sflag:s9] =	ssyncadd.s32 $0xFFFFFFD8  }
0x3f7: {  	s16 =	simm.s32 $0x8E00;
	v1 =	vld [tilespmem:s15+$0x80]  }
0x3f8: {  	v2 =	vld [tilespmem:s16+$0x80]  }
0x3f9: {  	v3 =	vld [tilespmem:s16+$0xFFFFFF00]  }
0x3fa: {  	v4 =	vld [tilespmem:s15+$0xFFFFFF80]  }
0x3fb: {  	v5 =	vld [tilespmem:s16+$0xFFFFFF80]  }
0x3fc: {  	v6 =	vld [tilespmem:s16+$0x0]  }
0x3fd: {  	v1 =	vadd.f32 v2, v1;
	v2 =	vld [tilespmem:s15+$0x0]  }
0x3fe: {  	v7 =	vld [tilespmem:s15+$0xFFFFFF00]  }
0x3ff: {  	v1 =	vmax.f32 v1, $0.0e+00  }
0x400: {  	v4 =	vadd.f32 v5, v4;
	[tilespmem:s16+$0x80] =	vst v1;
	v1 =	vld [tilespmem:s16+$0x90]  }
0x401: {  	v8 =	vld [tilespmem:s15+$0x90]  }
0x402: {  	v9 =	vld [tilespmem:s16+$0xFFFFFF90];
	v4 =	vmax.f32 v4, $0.0e+00;
	v2 =	vadd.f32 v6, v2  }
0x403: {  	v5 =	vld [tilespmem:s16+$0xFFFFFF10];
	v3 =	vadd.f32 v3, v7;
	[tilespmem:s16+$0xFFFFFF80] =	vst v4  }
0x404: {  	v6 =	vld [tilespmem:s15+$0xFFFFFF90];
	v2 =	vmax.f32 v2, $0.0e+00  }
0x405: {  	v3 =	vmax.f32 v3, $0.0e+00;
	v4 =	vld [tilespmem:s16+$0x10];
	[tilespmem:s16+$0x0] =	vst v2  }
0x406: {  	[tilespmem:s16+$0xFFFFFF00] =	vst v3;
	v1 =	vadd.f32 v1, v8;
	v2 =	vld [tilespmem:s15+$0x10]  }
0x407: {  	v3 =	vld [tilespmem:s15+$0xFFFFFF10]  }
0x408: {  	v1 =	vmax.f32 v1, $0.0e+00  }
0x409: {  	v6 =	vadd.f32 v9, v6;
	[tilespmem:s16+$0x90] =	vst v1;
	v1 =	vld [tilespmem:s16+$0xA0]  }
0x40a: {  	v8 =	vld [tilespmem:s15+$0xA0]  }
0x40b: {  	v7 =	vld [tilespmem:s16+$0xFFFFFF20];
	v6 =	vmax.f32 v6, $0.0e+00;
	v2 =	vadd.f32 v4, v2  }
0x40c: {  	v3 =	vadd.f32 v5, v3;
	v9 =	vld [tilespmem:s16+$0xFFFFFFA0];
	[tilespmem:s16+$0xFFFFFF90] =	vst v6  }
0x40d: {  	v5 =	vld [tilespmem:s15+$0xFFFFFFA0];
	v2 =	vmax.f32 v2, $0.0e+00  }
0x40e: {  	v3 =	vmax.f32 v3, $0.0e+00;
	v4 =	vld [tilespmem:s16+$0x20];
	[tilespmem:s16+$0x10] =	vst v2  }
0x40f: {  	[tilespmem:s16+$0xFFFFFF10] =	vst v3;
	v1 =	vadd.f32 v1, v8;
	v2 =	vld [tilespmem:s15+$0x20]  }
0x410: {  	v3 =	vld [tilespmem:s15+$0xFFFFFF20]  }
0x411: {  	v1 =	vmax.f32 v1, $0.0e+00  }
0x412: {  	v5 =	vadd.f32 v9, v5;
	[tilespmem:s16+$0xA0] =	vst v1;
	v1 =	vld [tilespmem:s16+$0xB0]  }
0x413: {  	v8 =	vld [tilespmem:s15+$0xB0]  }
0x414: {  	v10 =	vld [tilespmem:s16+$0x30];
	v5 =	vmax.f32 v5, $0.0e+00;
	v2 =	vadd.f32 v4, v2  }
0x415: {  	v3 =	vadd.f32 v7, v3;
	v9 =	vld [tilespmem:s16+$0xFFFFFFB0];
	[tilespmem:s16+$0xFFFFFFA0] =	vst v5  }
0x416: {  	v4 =	vld [tilespmem:s15+$0xFFFFFFB0];
	v2 =	vmax.f32 v2, $0.0e+00  }
0x417: {  	v6 =	vld [tilespmem:s16+$0xFFFFFF30];
	[tilespmem:s16+$0x20] =	vst v2;
	v2 =	vmax.f32 v3, $0.0e+00  }
0x418: {  	v1 =	vadd.f32 v1, v8;
	[tilespmem:s16+$0xFFFFFF20] =	vst v2;
	v2 =	vld [tilespmem:s15+$0x30]  }
0x419: {  	v7 =	vld [tilespmem:s15+$0xFFFFFF30]  }
0x41a: {  	v11 =	vld [tilespmem:s16+$0xFFFFFF40];
	v1 =	vmax.f32 v1, $0.0e+00  }
0x41b: {  	v4 =	vadd.f32 v9, v4;
	[tilespmem:s16+$0xB0] =	vst v1;
	v1 =	vld [tilespmem:s16+$0xC0]  }
0x41c: {  	v8 =	vld [tilespmem:s15+$0xC0]  }
0x41d: {  	v12 =	vld [tilespmem:s16+$0xFFFFFFD0];
	v4 =	vmax.f32 v4, $0.0e+00;
	v2 =	vadd.f32 v10, v2  }
0x41e: {  	v5 =	vld [tilespmem:s16+$0xFFFFFFC0];
	[tilespmem:s16+$0xFFFFFFB0] =	vst v4;
	v6 =	vadd.f32 v6, v7  }
0x41f: {  	v7 =	vld [tilespmem:s15+$0xFFFFFFC0];
	v2 =	vmax.f32 v2, $0.0e+00  }
0x420: {  	v3 =	vld [tilespmem:s16+$0x40];
	[tilespmem:s16+$0x30] =	vst v2;
	v2 =	vmax.f32 v6, $0.0e+00  }
0x421: {  	v1 =	vadd.f32 v1, v8;
	v6 =	vld [tilespmem:s15+$0x40];
	[tilespmem:s16+$0xFFFFFF30] =	vst v2  }
0x422: {  	v2 =	vld [tilespmem:s15+$0xFFFFFF40]  }
0x423: {  	v9 =	vld [tilespmem:s16+$0xFFFFFF50];
	v1 =	vmax.f32 v1, $0.0e+00  }
0x424: {  	[tilespmem:s16+$0xC0] =	vst v1;
	v1 =	vadd.f32 v5, v7;
	v7 =	vld [tilespmem:s16+$0xD0]  }
0x425: {  	v8 =	vld [tilespmem:s15+$0xD0]  }
0x426: {  	v4 =	vld [tilespmem:s16+$0xFFFFFF60];
	v1 =	vmax.f32 v1, $0.0e+00;
	v3 =	vadd.f32 v3, v6  }
0x427: {  	v10 =	vld [tilespmem:s16+$0x50];
	[tilespmem:s16+$0xFFFFFFC0] =	vst v1;
	v1 =	vadd.f32 v11, v2  }
0x428: {  	v2 =	vld [tilespmem:s15+$0xFFFFFFD0];
	v3 =	vmax.f32 v3, $0.0e+00  }
0x429: {  	v5 =	vld [tilespmem:s16+$0xFFFFFFE0];
	[tilespmem:s16+$0x40] =	vst v3;
	v1 =	vmax.f32 v1, $0.0e+00  }
0x42a: {  	v3 =	vld [tilespmem:s15+$0x50];
	v7 =	vadd.f32 v7, v8;
	[tilespmem:s16+$0xFFFFFF40] =	vst v1  }
0x42b: {  	v1 =	vld [tilespmem:s15+$0xFFFFFF50]  }
0x42c: {  	v6 =	vld [tilespmem:s16+$0x60];
	v7 =	vmax.f32 v7, $0.0e+00  }
0x42d: {  	v2 =	vadd.f32 v12, v2;
	[tilespmem:s16+$0xD0] =	vst v7;
	v7 =	vld [tilespmem:s16+$0xE0]  }
0x42e: {  	v11 =	vld [tilespmem:s15+$0xE0]  }
0x42f: {  	v2 =	vmax.f32 v2, $0.0e+00;
	v8 =	vadd.f32 v10, v3;
	v3 =	vld [tilespmem:s16+$0xFFFFFF70]  }
0x430: {  	[tilespmem:s16+$0xFFFFFFD0] =	vst v2;
	v1 =	vadd.f32 v9, v1;
	v2 =	vld [tilespmem:s16+$0xFFFFFFF0]  }
0x431: {  	v9 =	vmax.f32 v8, $0.0e+00;
	v8 =	vld [tilespmem:s15+$0xFFFFFFE0]  }
0x432: {  	[tilespmem:s16+$0x50] =	vst v9;
	v9 =	vmax.f32 v1, $0.0e+00;
	v1 =	vld [tilespmem:s16+$0x70]  }
0x433: {  	[tilespmem:s16+$0xFFFFFF50] =	vst v9;
	v9 =	vld [tilespmem:s15+$0x60];
	v7 =	vadd.f32 v7, v11  }
0x434: {  	v10 =	vld [tilespmem:s15+$0xFFFFFF60]  }
0x435: {  	s17 =	simm.s32 $0x8E00;
	s18 =	simm.s32 $0x0;
	s8 =	simm.s32 $0x5400;
	v11 =	vmax.f32 v7, $0.0e+00;
	v7 =	vld [tilespmem:s16+$0xF0]  }
.LBB2_15:
0x436: {  	v12 =	vld [tilespmem:s8+$0x80];
	v5 =	vadd.f32 v5, v8;
	[tilespmem:s16+$0xE0] =	vst v11  }
0x437: {  	s16 =	sadd.s32 $0x200, s16;
	v8 =	vld [tilespmem:s15+$0xF0]  }
0x438: {  	s18 =	sadd.s32 $0x4, s18;
	v11 =	vld [tilespmem:s16+$0x80];
	v5 =	vmax.f32 v5, $0.0e+00;
	v6 =	vadd.f32 v6, v9  }
0x439: {  	p1 =	slt.u32 s18, $0x24;
	v9 =	vld [tilespmem:s16+$0xFFFFFF00];
	v4 =	vadd.f32 v4, v10;
	[tilespmem:s17+$0xFFFFFFE0] =	vst v5  }
0x43a: {  	v5 =	vld [tilespmem:s8+$0xFFFFFF80];
	v6 =	vmax.f32 v6, $0.0e+00  }
0x43b: {  	v10 =	vld [tilespmem:s16+$0xFFFFFF80];
	v4 =	vmax.f32 v4, $0.0e+00;
	[tilespmem:s17+$0x60] =	vst v6  }
0x43c: {  	v6 =	vld [tilespmem:s8+$0x0];
	[tilespmem:s17+$0xFFFFFF60] =	vst v4;
	v4 =	vadd.f32 v7, v8  }
0x43d: {  	v7 =	vld [tilespmem:s16+$0x0];
	v8 =	vadd.f32 v11, v12  }
0x43e: {  	v11 =	vld [tilespmem:s8+$0xFFFFFF00];
	v4 =	vmax.f32 v4, $0.0e+00  }
0x43f: {  	v12 =	vld [tilespmem:s16+$0xFFFFFF10];
	v8 =	vmax.f32 v8, $0.0e+00;
	[tilespmem:s17+$0xF0] =	vst v4  }
0x440: {  	v4 =	vadd.f32 v10, v5;
	[tilespmem:s16+$0x80] =	vst v8;
	v5 =	vld [tilespmem:s16+$0x90]  }
0x441: {  	v8 =	vld [tilespmem:s8+$0x90]  }
0x442: {  	v4 =	vmax.f32 v4, $0.0e+00;
	v10 =	vld [tilespmem:s16+$0xFFFFFF90];
	v6 =	vadd.f32 v7, v6  }
0x443: {  	v7 =	vadd.f32 v9, v11;
	[tilespmem:s16+$0xFFFFFF80] =	vst v4;
	v4 =	vld [tilespmem:s16+$0x10]  }
0x444: {  	v9 =	vld [tilespmem:s8+$0xFFFFFF90];
	v6 =	vmax.f32 v6, $0.0e+00  }
0x445: {  	v7 =	vmax.f32 v7, $0.0e+00;
	v11 =	vld [tilespmem:s16+$0xFFFFFF20];
	[tilespmem:s16+$0x0] =	vst v6  }
0x446: {  	[tilespmem:s16+$0xFFFFFF00] =	vst v7;
	v6 =	vld [tilespmem:s8+$0x10];
	v5 =	vadd.f32 v5, v8  }
0x447: {  	v7 =	vld [tilespmem:s8+$0xFFFFFF10]  }
0x448: {  	v8 =	vld [tilespmem:s16+$0xFFFFFFA0];
	v5 =	vmax.f32 v5, $0.0e+00  }
0x449: {  	v9 =	vadd.f32 v10, v9;
	[tilespmem:s16+$0x90] =	vst v5;
	v5 =	vld [tilespmem:s16+$0xA0]  }
0x44a: {  	v10 =	vld [tilespmem:s8+$0xA0]  }
0x44b: {  	v9 =	vmax.f32 v9, $0.0e+00;
	v4 =	vadd.f32 v4, v6;
	v6 =	vld [tilespmem:s16+$0x20]  }
0x44c: {  	v7 =	vadd.f32 v12, v7;
	v12 =	vld [tilespmem:s16+$0xFFFFFF30];
	[tilespmem:s16+$0xFFFFFF90] =	vst v9  }
0x44d: {  	v9 =	vld [tilespmem:s8+$0xFFFFFFA0];
	v4 =	vmax.f32 v4, $0.0e+00  }
0x44e: {  	v7 =	vmax.f32 v7, $0.0e+00;
	v13 =	vld [tilespmem:s16+$0xFFFFFFB0];
	[tilespmem:s16+$0x10] =	vst v4  }
0x44f: {  	[tilespmem:s16+$0xFFFFFF10] =	vst v7;
	v4 =	vld [tilespmem:s8+$0x20];
	v5 =	vadd.f32 v5, v10  }
0x450: {  	v7 =	vld [tilespmem:s8+$0xFFFFFF20]  }
0x451: {  	v10 =	vld [tilespmem:s16+$0x30];
	v5 =	vmax.f32 v5, $0.0e+00  }
0x452: {  	v8 =	vadd.f32 v8, v9;
	[tilespmem:s16+$0xA0] =	vst v5;
	v5 =	vld [tilespmem:s16+$0xB0]  }
0x453: {  	v9 =	vld [tilespmem:s8+$0xB0]  }
0x454: {  	v14 =	vld [tilespmem:s16+$0xFFFFFF40];
	v8 =	vmax.f32 v8, $0.0e+00;
	v4 =	vadd.f32 v6, v4  }
0x455: {  	v6 =	vadd.f32 v11, v7;
	[tilespmem:s16+$0xFFFFFFA0] =	vst v8;
	v7 =	vld [tilespmem:s16+$0xFFFFFFC0]  }
0x456: {  	v8 =	vld [tilespmem:s8+$0xFFFFFFB0];
	v4 =	vmax.f32 v4, $0.0e+00  }
0x457: {  	v6 =	vmax.f32 v6, $0.0e+00;
	[tilespmem:s16+$0x20] =	vst v4;
	v11 =	vld [tilespmem:s16+$0x40]  }
0x458: {  	[tilespmem:s16+$0xFFFFFF20] =	vst v6;
	v4 =	vld [tilespmem:s8+$0x30];
	v5 =	vadd.f32 v5, v9  }
0x459: {  	v6 =	vld [tilespmem:s8+$0xFFFFFF30]  }
0x45a: {  	v9 =	vld [tilespmem:s16+$0xFFFFFF50];
	v5 =	vmax.f32 v5, $0.0e+00  }
0x45b: {  	v8 =	vadd.f32 v13, v8;
	[tilespmem:s16+$0xB0] =	vst v5;
	v5 =	vld [tilespmem:s16+$0xC0]  }
0x45c: {  	v13 =	vld [tilespmem:s8+$0xC0]  }
0x45d: {  	v8 =	vmax.f32 v8, $0.0e+00;
	v15 =	vld [tilespmem:s16+$0xFFFFFFD0];
	v4 =	vadd.f32 v10, v4  }
0x45e: {  	v6 =	vadd.f32 v12, v6;
	[tilespmem:s16+$0xFFFFFFB0] =	vst v8;
	v8 =	vld [tilespmem:s16+$0x50]  }
0x45f: {  	v10 =	vld [tilespmem:s8+$0xFFFFFFC0];
	v12 =	vmax.f32 v4, $0.0e+00  }
0x460: {  	v6 =	vmax.f32 v6, $0.0e+00;
	v4 =	vld [tilespmem:s16+$0xFFFFFF60];
	[tilespmem:s16+$0x30] =	vst v12  }
0x461: {  	[tilespmem:s16+$0xFFFFFF30] =	vst v6;
	v6 =	vld [tilespmem:s8+$0x40];
	v12 =	vadd.f32 v5, v13  }
0x462: {  	v13 =	vld [tilespmem:s8+$0xFFFFFF40]  }
0x463: {  	v5 =	vld [tilespmem:s16+$0xFFFFFFE0];
	v12 =	vmax.f32 v12, $0.0e+00  }
0x464: {  	v7 =	vadd.f32 v7, v10;
	[tilespmem:s16+$0xC0] =	vst v12;
	v10 =	vld [tilespmem:s16+$0xD0]  }
0x465: {  	v12 =	vld [tilespmem:s8+$0xD0]  }
0x466: {  	v7 =	vmax.f32 v7, $0.0e+00;
	v11 =	vadd.f32 v11, v6;
	v6 =	vld [tilespmem:s16+$0x60]  }
0x467: {  	v13 =	vadd.f32 v14, v13;
	[tilespmem:s16+$0xFFFFFFC0] =	vst v7;
	v7 =	vld [tilespmem:s15+$0xFFFFFF70]  }
0x468: {  	v14 =	vld [tilespmem:s8+$0xFFFFFFD0];
	v11 =	vmax.f32 v11, $0.0e+00  }
0x469: {  	v13 =	vmax.f32 v13, $0.0e+00;
	[tilespmem:s16+$0x40] =	vst v11;
	v11 =	vld [tilespmem:s15+$0xFFFFFFF0]  }
0x46a: {  	[tilespmem:s16+$0xFFFFFF40] =	vst v13;
	v13 =	vld [tilespmem:s8+$0x50];
	v10 =	vadd.f32 v10, v12  }
0x46b: {  	v12 =	vld [tilespmem:s8+$0xFFFFFF50]  }
0x46c: {  	v10 =	vmax.f32 v10, $0.0e+00;
	v3 =	vadd.f32 v3, v7;
	v7 =	vld [tilespmem:s15+$0x70];
	s15 =	smov.u32 s8  }
0x46d: {  	v14 =	vadd.f32 v15, v14;
	[tilespmem:s16+$0xD0] =	vst v10;
	v10 =	vld [tilespmem:s16+$0xE0]  }
0x46e: {  	v15 =	vld [tilespmem:s8+$0xE0];
	v16 =	vmax.f32 v3, $0.0e+00;
	v11 =	vadd.f32 v2, v11  }
0x46f: {  	v3 =	vld [tilespmem:s16+$0xFFFFFF70];
	v2 =	vmax.f32 v14, $0.0e+00;
	v13 =	vadd.f32 v8, v13;
	[tilespmem:s17+$0xFFFFFF70] =	vst v16  }
0x470: {  	v9 =	vadd.f32 v9, v12;
	[tilespmem:s16+$0xFFFFFFD0] =	vst v2;
	v2 =	vld [tilespmem:s16+$0xFFFFFFF0];
	v11 =	vmax.f32 v11, $0.0e+00  }
.Ltmp6:
0x471: {  	v8 =	vld [tilespmem:s8+$0xFFFFFFE0];
	v12 =	vmax.f32 v13, $0.0e+00;
	[tilespmem:s17+$0xFFFFFFF0] =	vst v11;
	v7 =	vadd.f32 v1, v7;
	(pc) =	sbr.rel @p1 .LBB2_15-.Ltmp6, $4  }
0x472: {  	v9 =	vmax.f32 v9, $0.0e+00;
	[tilespmem:s16+$0x50] =	vst v12;
	v1 =	vld [tilespmem:s16+$0x70]  }
0x473: {  	[tilespmem:s16+$0xFFFFFF50] =	vst v9;
	v9 =	vld [tilespmem:s8+$0x60];
	v11 =	vadd.f32 v10, v15;
	v7 =	vmax.f32 v7, $0.0e+00  }
0x474: {  	v10 =	vld [tilespmem:s8+$0xFFFFFF60];
	[tilespmem:s17+$0x70] =	vst v7;
	s17 =	smov.u32 s16  }
0x475: {  	s8 =	sadd.s32 $0x200, s8;
	v11 =	vmax.f32 v11, $0.0e+00;
	v7 =	vld [tilespmem:s16+$0xF0]  }
0x476: {  	_ = 	snop  }
0x477: {  	v5 =	vadd.f32 v5, v8  }
0x478: {  	v6 =	vadd.f32 v6, v9  }
0x479: {  	[tilespmem:s16+$0xE0] =	vst v11;
	v5 =	vmax.f32 v5, $0.0e+00;
	v4 =	vadd.f32 v4, v10  }
0x47a: {  	v58 =	vld [tilespmem:s15+$0xF0];
	[tilespmem:s17+$0xFFFFFFE0] =	vst v5;
	v59 =	vmax.f32 v6, $0.0e+00  }
0x47b: {  	v61 =	vld [tilespmem:s15+$0xFFFFFFF0];
	v4 =	vmax.f32 v4, $0.0e+00;
	[tilespmem:s17+$0x60] =	vst v59  }
0x47c: {  	[tilespmem:s17+$0xFFFFFF60] =	vst v4;
	v62 =	vld [tilespmem:s15+$0x70]  }
0x47d: {  	v60 =	vld [tilespmem:s15+$0xFFFFFF70];
	_ =	sdelay $0x1  }
0x47e: {  	v7 =	vadd.f32 v7, v58  }
0x47f: {  	v2 =	vadd.f32 v2, v61  }
0x480: {  	v63 =	vmax.f32 v7, $0.0e+00;
	v1 =	vadd.f32 v1, v62  }
0x481: {  	[tilespmem:s17+$0xF0] =	vst v63;
	v2 =	vmax.f32 v2, $0.0e+00;
	v3 =	vadd.f32 v3, v60  }
0x482: {  	[tilespmem:s17+$0xFFFFFFF0] =	vst v2;
	v1 =	vmax.f32 v1, $0.0e+00  }
0x483: {  	v3 =	vmax.f32 v3, $0.0e+00;
	[tilespmem:s17+$0x70] =	vst v1  }
0x484: {  	[tilespmem:s17+$0xFFFFFF70] =	vst v3  }
0x485: {  	[spmem:s4] =	stream.indirect.scatter.add.f32 [tilespmem:s30], [sflag:$0x6], $0x80, s31, s21, $0xb8;
	[tilespmem:$0x1D980] =	vst v63  }
0x486: {  	_ =	swait.ge [sflag:s10], $0x1400  }
0x487: {  	s8 =	sadd.s32 $0xA0, s14;
	s13 =	sadd.s32 $0x1, s13;
	[sflag:s10] =	ssyncset.done $0x0  }
0x488: {  	s14 =	sadd.s32 s7, s8;
	p1 =	sne.s32 s13, $0x52;
	[sflag:s10] =	ssyncadd.s32 $0xFFFFEC00  }
0x489: {  	[tilespmem:s24], [sflag:$0x2] =	stream.indirect.gather [hbm4b:s1+s21], $0x80, s8, s21, $0xb8;
	[tilespmem:$0x1D980] =	vst v63  }
.Ltmp7:
0x48a: {  	s17 =	sshll.u32 s14, $0x4;
	(pc) =	sbr.rel @p1 .LBB2_10-.Ltmp7, $4  }
0x48b: {  	s18 =	sshrl.u32 s14, $0x3;
	s8 =	sadd.s32 s3, s17  }
0x48c: {  	[tilespmem:s25], [sflag:$0x2] =	stream.linear.gather [hbm4b:s8+s5], $0x1400, $0x38;
	[tilespmem:$0x1D980] =	vst v63  }
0x48d: {  	s8 =	sadd.s32 s6, s18  }
0x48e: {  	[tilespmem:s26], [sflag:$0x2] =	stream.linear.gather [hbm4b:s8+s5], $0x28, $0x38;
	[tilespmem:$0x1D980] =	vst v63  }
0x48f: {  	_ =	swait.ge [sflag:s28], $0x1400  }
0x490: {  	[sflag:s28] =	ssyncset.done $0x0  }
0x491: {  	[sflag:s28] =	ssyncadd.s32 $0xFFFFEC00  }
0x492: {  	_ =	swait.ge [sflag:s28], $0x1400  }
0x493: {  	[sflag:s28] =	ssyncset.done $0x0  }
0x494: {  	[sflag:s28] =	ssyncadd.s32 $0xFFFFEC00  }
0x495: {  	_ =	swait.ge [sflag:s28], $0x28  }
0x496: {  	[sflag:s28] =	ssyncset.done $0x0  }
0x497: {  	s13 =	simm.s32 $0x2A00;
	[sflag:s28] =	ssyncadd.s32 $0xFFFFFFD8  }
0x498: {  	s14 =	simm.s32 $0x6600;
	v1 =	vld [tilespmem:s13+$0x80]  }
0x499: {  	v2 =	vld [tilespmem:s14+$0x80]  }
0x49a: {  	v3 =	vld [tilespmem:s14+$0xFFFFFF00]  }
0x49b: {  	v4 =	vld [tilespmem:s13+$0xFFFFFF80]  }
0x49c: {  	v5 =	vld [tilespmem:s14+$0xFFFFFF80]  }
0x49d: {  	v6 =	vld [tilespmem:s14+$0x0]  }
0x49e: {  	v1 =	vadd.f32 v2, v1;
	v2 =	vld [tilespmem:s13+$0x0]  }
0x49f: {  	v7 =	vld [tilespmem:s13+$0xFFFFFF00]  }
0x4a0: {  	v1 =	vmax.f32 v1, $0.0e+00  }
0x4a1: {  	v4 =	vadd.f32 v5, v4;
	[tilespmem:s14+$0x80] =	vst v1;
	v1 =	vld [tilespmem:s14+$0x90]  }
0x4a2: {  	v8 =	vld [tilespmem:s13+$0x90]  }
0x4a3: {  	v9 =	vld [tilespmem:s14+$0xFFFFFF90];
	v4 =	vmax.f32 v4, $0.0e+00;
	v2 =	vadd.f32 v6, v2  }
0x4a4: {  	v5 =	vld [tilespmem:s14+$0xFFFFFF10];
	v3 =	vadd.f32 v3, v7;
	[tilespmem:s14+$0xFFFFFF80] =	vst v4  }
0x4a5: {  	v6 =	vld [tilespmem:s13+$0xFFFFFF90];
	v2 =	vmax.f32 v2, $0.0e+00  }
0x4a6: {  	v3 =	vmax.f32 v3, $0.0e+00;
	v4 =	vld [tilespmem:s14+$0x10];
	[tilespmem:s14+$0x0] =	vst v2  }
0x4a7: {  	[tilespmem:s14+$0xFFFFFF00] =	vst v3;
	v1 =	vadd.f32 v1, v8;
	v2 =	vld [tilespmem:s13+$0x10]  }
0x4a8: {  	v3 =	vld [tilespmem:s13+$0xFFFFFF10]  }
0x4a9: {  	v1 =	vmax.f32 v1, $0.0e+00  }
0x4aa: {  	v6 =	vadd.f32 v9, v6;
	[tilespmem:s14+$0x90] =	vst v1;
	v1 =	vld [tilespmem:s14+$0xA0]  }
0x4ab: {  	v8 =	vld [tilespmem:s13+$0xA0]  }
0x4ac: {  	v7 =	vld [tilespmem:s14+$0xFFFFFF20];
	v6 =	vmax.f32 v6, $0.0e+00;
	v2 =	vadd.f32 v4, v2  }
0x4ad: {  	v3 =	vadd.f32 v5, v3;
	v9 =	vld [tilespmem:s14+$0xFFFFFFA0];
	[tilespmem:s14+$0xFFFFFF90] =	vst v6  }
0x4ae: {  	v5 =	vld [tilespmem:s13+$0xFFFFFFA0];
	v2 =	vmax.f32 v2, $0.0e+00  }
0x4af: {  	v3 =	vmax.f32 v3, $0.0e+00;
	v4 =	vld [tilespmem:s14+$0x20];
	[tilespmem:s14+$0x10] =	vst v2  }
0x4b0: {  	[tilespmem:s14+$0xFFFFFF10] =	vst v3;
	v1 =	vadd.f32 v1, v8;
	v2 =	vld [tilespmem:s13+$0x20]  }
0x4b1: {  	v3 =	vld [tilespmem:s13+$0xFFFFFF20]  }
0x4b2: {  	v1 =	vmax.f32 v1, $0.0e+00  }
0x4b3: {  	v5 =	vadd.f32 v9, v5;
	[tilespmem:s14+$0xA0] =	vst v1;
	v1 =	vld [tilespmem:s14+$0xB0]  }
0x4b4: {  	v8 =	vld [tilespmem:s13+$0xB0]  }
0x4b5: {  	v10 =	vld [tilespmem:s14+$0x30];
	v5 =	vmax.f32 v5, $0.0e+00;
	v2 =	vadd.f32 v4, v2  }
0x4b6: {  	v3 =	vadd.f32 v7, v3;
	v9 =	vld [tilespmem:s14+$0xFFFFFFB0];
	[tilespmem:s14+$0xFFFFFFA0] =	vst v5  }
0x4b7: {  	v4 =	vld [tilespmem:s13+$0xFFFFFFB0];
	v2 =	vmax.f32 v2, $0.0e+00  }
0x4b8: {  	v6 =	vld [tilespmem:s14+$0xFFFFFF30];
	[tilespmem:s14+$0x20] =	vst v2;
	v2 =	vmax.f32 v3, $0.0e+00  }
0x4b9: {  	v1 =	vadd.f32 v1, v8;
	[tilespmem:s14+$0xFFFFFF20] =	vst v2;
	v2 =	vld [tilespmem:s13+$0x30]  }
0x4ba: {  	v7 =	vld [tilespmem:s13+$0xFFFFFF30]  }
0x4bb: {  	v11 =	vld [tilespmem:s14+$0xFFFFFF40];
	v1 =	vmax.f32 v1, $0.0e+00  }
0x4bc: {  	v4 =	vadd.f32 v9, v4;
	[tilespmem:s14+$0xB0] =	vst v1;
	v1 =	vld [tilespmem:s14+$0xC0]  }
0x4bd: {  	v8 =	vld [tilespmem:s13+$0xC0]  }
0x4be: {  	v12 =	vld [tilespmem:s14+$0xFFFFFFD0];
	v4 =	vmax.f32 v4, $0.0e+00;
	v2 =	vadd.f32 v10, v2  }
0x4bf: {  	v5 =	vld [tilespmem:s14+$0xFFFFFFC0];
	[tilespmem:s14+$0xFFFFFFB0] =	vst v4;
	v6 =	vadd.f32 v6, v7  }
0x4c0: {  	v7 =	vld [tilespmem:s13+$0xFFFFFFC0];
	v2 =	vmax.f32 v2, $0.0e+00  }
0x4c1: {  	v3 =	vld [tilespmem:s14+$0x40];
	[tilespmem:s14+$0x30] =	vst v2;
	v2 =	vmax.f32 v6, $0.0e+00  }
0x4c2: {  	v1 =	vadd.f32 v1, v8;
	v6 =	vld [tilespmem:s13+$0x40];
	[tilespmem:s14+$0xFFFFFF30] =	vst v2  }
0x4c3: {  	v2 =	vld [tilespmem:s13+$0xFFFFFF40]  }
0x4c4: {  	v9 =	vld [tilespmem:s14+$0xFFFFFF50];
	v1 =	vmax.f32 v1, $0.0e+00  }
0x4c5: {  	[tilespmem:s14+$0xC0] =	vst v1;
	v1 =	vadd.f32 v5, v7;
	v7 =	vld [tilespmem:s14+$0xD0]  }
0x4c6: {  	v8 =	vld [tilespmem:s13+$0xD0]  }
0x4c7: {  	v4 =	vld [tilespmem:s14+$0xFFFFFF60];
	v1 =	vmax.f32 v1, $0.0e+00;
	v3 =	vadd.f32 v3, v6  }
0x4c8: {  	v10 =	vld [tilespmem:s14+$0x50];
	[tilespmem:s14+$0xFFFFFFC0] =	vst v1;
	v1 =	vadd.f32 v11, v2  }
0x4c9: {  	v2 =	vld [tilespmem:s13+$0xFFFFFFD0];
	v3 =	vmax.f32 v3, $0.0e+00  }
0x4ca: {  	v5 =	vld [tilespmem:s14+$0xFFFFFFE0];
	[tilespmem:s14+$0x40] =	vst v3;
	v1 =	vmax.f32 v1, $0.0e+00  }
0x4cb: {  	v3 =	vld [tilespmem:s13+$0x50];
	v7 =	vadd.f32 v7, v8;
	[tilespmem:s14+$0xFFFFFF40] =	vst v1  }
0x4cc: {  	v1 =	vld [tilespmem:s13+$0xFFFFFF50]  }
0x4cd: {  	v6 =	vld [tilespmem:s14+$0x60];
	v7 =	vmax.f32 v7, $0.0e+00  }
0x4ce: {  	v2 =	vadd.f32 v12, v2;
	[tilespmem:s14+$0xD0] =	vst v7;
	v7 =	vld [tilespmem:s14+$0xE0]  }
0x4cf: {  	v11 =	vld [tilespmem:s13+$0xE0]  }
0x4d0: {  	v2 =	vmax.f32 v2, $0.0e+00;
	v8 =	vadd.f32 v10, v3;
	v3 =	vld [tilespmem:s14+$0xFFFFFF70]  }
0x4d1: {  	[tilespmem:s14+$0xFFFFFFD0] =	vst v2;
	v1 =	vadd.f32 v9, v1;
	v2 =	vld [tilespmem:s14+$0xFFFFFFF0]  }
0x4d2: {  	v9 =	vmax.f32 v8, $0.0e+00;
	v8 =	vld [tilespmem:s13+$0xFFFFFFE0]  }
0x4d3: {  	[tilespmem:s14+$0x50] =	vst v9;
	v9 =	vmax.f32 v1, $0.0e+00;
	v1 =	vld [tilespmem:s14+$0x70]  }
0x4d4: {  	[tilespmem:s14+$0xFFFFFF50] =	vst v9;
	v9 =	vld [tilespmem:s13+$0x60];
	v7 =	vadd.f32 v7, v11  }
0x4d5: {  	v10 =	vld [tilespmem:s13+$0xFFFFFF60]  }
0x4d6: {  	s16 =	simm.s32 $0x0;
	s8 =	simm.s32 $0x2C00;
	s15 =	simm.s32 $0x6600;
	v11 =	vmax.f32 v7, $0.0e+00;
	v7 =	vld [tilespmem:s14+$0xF0]  }
.LBB2_18:
0x4d7: {  	v12 =	vld [tilespmem:s8+$0x80];
	v5 =	vadd.f32 v5, v8;
	[tilespmem:s14+$0xE0] =	vst v11  }
0x4d8: {  	s14 =	sadd.s32 $0x200, s14;
	v8 =	vld [tilespmem:s13+$0xF0]  }
0x4d9: {  	s16 =	sadd.s32 $0x4, s16;
	v11 =	vld [tilespmem:s14+$0x80];
	v5 =	vmax.f32 v5, $0.0e+00;
	v6 =	vadd.f32 v6, v9  }
0x4da: {  	p1 =	slt.u32 s16, $0x24;
	v9 =	vld [tilespmem:s14+$0xFFFFFF00];
	v4 =	vadd.f32 v4, v10;
	[tilespmem:s15+$0xFFFFFFE0] =	vst v5  }
0x4db: {  	v5 =	vld [tilespmem:s8+$0xFFFFFF80];
	v6 =	vmax.f32 v6, $0.0e+00  }
0x4dc: {  	v10 =	vld [tilespmem:s14+$0xFFFFFF80];
	v4 =	vmax.f32 v4, $0.0e+00;
	[tilespmem:s15+$0x60] =	vst v6  }
0x4dd: {  	v6 =	vld [tilespmem:s8+$0x0];
	[tilespmem:s15+$0xFFFFFF60] =	vst v4;
	v4 =	vadd.f32 v7, v8  }
0x4de: {  	v7 =	vld [tilespmem:s14+$0x0];
	v8 =	vadd.f32 v11, v12  }
0x4df: {  	v11 =	vld [tilespmem:s8+$0xFFFFFF00];
	v4 =	vmax.f32 v4, $0.0e+00  }
0x4e0: {  	v12 =	vld [tilespmem:s14+$0xFFFFFF10];
	v8 =	vmax.f32 v8, $0.0e+00;
	[tilespmem:s15+$0xF0] =	vst v4  }
0x4e1: {  	v4 =	vadd.f32 v10, v5;
	[tilespmem:s14+$0x80] =	vst v8;
	v5 =	vld [tilespmem:s14+$0x90]  }
0x4e2: {  	v8 =	vld [tilespmem:s8+$0x90]  }
0x4e3: {  	v4 =	vmax.f32 v4, $0.0e+00;
	v10 =	vld [tilespmem:s14+$0xFFFFFF90];
	v6 =	vadd.f32 v7, v6  }
0x4e4: {  	v7 =	vadd.f32 v9, v11;
	[tilespmem:s14+$0xFFFFFF80] =	vst v4;
	v4 =	vld [tilespmem:s14+$0x10]  }
0x4e5: {  	v9 =	vld [tilespmem:s8+$0xFFFFFF90];
	v6 =	vmax.f32 v6, $0.0e+00  }
0x4e6: {  	v7 =	vmax.f32 v7, $0.0e+00;
	v11 =	vld [tilespmem:s14+$0xFFFFFF20];
	[tilespmem:s14+$0x0] =	vst v6  }
0x4e7: {  	[tilespmem:s14+$0xFFFFFF00] =	vst v7;
	v6 =	vld [tilespmem:s8+$0x10];
	v5 =	vadd.f32 v5, v8  }
0x4e8: {  	v7 =	vld [tilespmem:s8+$0xFFFFFF10]  }
0x4e9: {  	v8 =	vld [tilespmem:s14+$0xFFFFFFA0];
	v5 =	vmax.f32 v5, $0.0e+00  }
0x4ea: {  	v9 =	vadd.f32 v10, v9;
	[tilespmem:s14+$0x90] =	vst v5;
	v5 =	vld [tilespmem:s14+$0xA0]  }
0x4eb: {  	v10 =	vld [tilespmem:s8+$0xA0]  }
0x4ec: {  	v9 =	vmax.f32 v9, $0.0e+00;
	v4 =	vadd.f32 v4, v6;
	v6 =	vld [tilespmem:s14+$0x20]  }
0x4ed: {  	v7 =	vadd.f32 v12, v7;
	v12 =	vld [tilespmem:s14+$0xFFFFFF30];
	[tilespmem:s14+$0xFFFFFF90] =	vst v9  }
0x4ee: {  	v9 =	vld [tilespmem:s8+$0xFFFFFFA0];
	v4 =	vmax.f32 v4, $0.0e+00  }
0x4ef: {  	v7 =	vmax.f32 v7, $0.0e+00;
	v13 =	vld [tilespmem:s14+$0xFFFFFFB0];
	[tilespmem:s14+$0x10] =	vst v4  }
0x4f0: {  	[tilespmem:s14+$0xFFFFFF10] =	vst v7;
	v4 =	vld [tilespmem:s8+$0x20];
	v5 =	vadd.f32 v5, v10  }
0x4f1: {  	v7 =	vld [tilespmem:s8+$0xFFFFFF20]  }
0x4f2: {  	v10 =	vld [tilespmem:s14+$0x30];
	v5 =	vmax.f32 v5, $0.0e+00  }
0x4f3: {  	v8 =	vadd.f32 v8, v9;
	[tilespmem:s14+$0xA0] =	vst v5;
	v5 =	vld [tilespmem:s14+$0xB0]  }
0x4f4: {  	v9 =	vld [tilespmem:s8+$0xB0]  }
0x4f5: {  	v14 =	vld [tilespmem:s14+$0xFFFFFF40];
	v8 =	vmax.f32 v8, $0.0e+00;
	v4 =	vadd.f32 v6, v4  }
0x4f6: {  	v6 =	vadd.f32 v11, v7;
	[tilespmem:s14+$0xFFFFFFA0] =	vst v8;
	v7 =	vld [tilespmem:s14+$0xFFFFFFC0]  }
0x4f7: {  	v8 =	vld [tilespmem:s8+$0xFFFFFFB0];
	v4 =	vmax.f32 v4, $0.0e+00  }
0x4f8: {  	v6 =	vmax.f32 v6, $0.0e+00;
	[tilespmem:s14+$0x20] =	vst v4;
	v11 =	vld [tilespmem:s14+$0x40]  }
0x4f9: {  	[tilespmem:s14+$0xFFFFFF20] =	vst v6;
	v4 =	vld [tilespmem:s8+$0x30];
	v5 =	vadd.f32 v5, v9  }
0x4fa: {  	v6 =	vld [tilespmem:s8+$0xFFFFFF30]  }
0x4fb: {  	v9 =	vld [tilespmem:s14+$0xFFFFFF50];
	v5 =	vmax.f32 v5, $0.0e+00  }
0x4fc: {  	v8 =	vadd.f32 v13, v8;
	[tilespmem:s14+$0xB0] =	vst v5;
	v5 =	vld [tilespmem:s14+$0xC0]  }
0x4fd: {  	v13 =	vld [tilespmem:s8+$0xC0]  }
0x4fe: {  	v8 =	vmax.f32 v8, $0.0e+00;
	v15 =	vld [tilespmem:s14+$0xFFFFFFD0];
	v4 =	vadd.f32 v10, v4  }
0x4ff: {  	v6 =	vadd.f32 v12, v6;
	[tilespmem:s14+$0xFFFFFFB0] =	vst v8;
	v8 =	vld [tilespmem:s14+$0x50]  }
0x500: {  	v10 =	vld [tilespmem:s8+$0xFFFFFFC0];
	v12 =	vmax.f32 v4, $0.0e+00  }
0x501: {  	v6 =	vmax.f32 v6, $0.0e+00;
	v4 =	vld [tilespmem:s14+$0xFFFFFF60];
	[tilespmem:s14+$0x30] =	vst v12  }
0x502: {  	[tilespmem:s14+$0xFFFFFF30] =	vst v6;
	v6 =	vld [tilespmem:s8+$0x40];
	v12 =	vadd.f32 v5, v13  }
0x503: {  	v13 =	vld [tilespmem:s8+$0xFFFFFF40]  }
0x504: {  	v5 =	vld [tilespmem:s14+$0xFFFFFFE0];
	v12 =	vmax.f32 v12, $0.0e+00  }
0x505: {  	v7 =	vadd.f32 v7, v10;
	[tilespmem:s14+$0xC0] =	vst v12;
	v10 =	vld [tilespmem:s14+$0xD0]  }
0x506: {  	v12 =	vld [tilespmem:s8+$0xD0]  }
0x507: {  	v7 =	vmax.f32 v7, $0.0e+00;
	v11 =	vadd.f32 v11, v6;
	v6 =	vld [tilespmem:s14+$0x60]  }
0x508: {  	v13 =	vadd.f32 v14, v13;
	[tilespmem:s14+$0xFFFFFFC0] =	vst v7;
	v7 =	vld [tilespmem:s13+$0xFFFFFF70]  }
0x509: {  	v14 =	vld [tilespmem:s8+$0xFFFFFFD0];
	v11 =	vmax.f32 v11, $0.0e+00  }
0x50a: {  	v13 =	vmax.f32 v13, $0.0e+00;
	[tilespmem:s14+$0x40] =	vst v11;
	v11 =	vld [tilespmem:s13+$0xFFFFFFF0]  }
0x50b: {  	[tilespmem:s14+$0xFFFFFF40] =	vst v13;
	v13 =	vld [tilespmem:s8+$0x50];
	v10 =	vadd.f32 v10, v12  }
0x50c: {  	v12 =	vld [tilespmem:s8+$0xFFFFFF50]  }
0x50d: {  	v10 =	vmax.f32 v10, $0.0e+00;
	v3 =	vadd.f32 v3, v7;
	v7 =	vld [tilespmem:s13+$0x70];
	s13 =	smov.u32 s8  }
0x50e: {  	v14 =	vadd.f32 v15, v14;
	[tilespmem:s14+$0xD0] =	vst v10;
	v10 =	vld [tilespmem:s14+$0xE0]  }
0x50f: {  	v15 =	vld [tilespmem:s8+$0xE0];
	v16 =	vmax.f32 v3, $0.0e+00;
	v11 =	vadd.f32 v2, v11  }
0x510: {  	v3 =	vld [tilespmem:s14+$0xFFFFFF70];
	v2 =	vmax.f32 v14, $0.0e+00;
	v13 =	vadd.f32 v8, v13;
	[tilespmem:s15+$0xFFFFFF70] =	vst v16  }
0x511: {  	v9 =	vadd.f32 v9, v12;
	[tilespmem:s14+$0xFFFFFFD0] =	vst v2;
	v2 =	vld [tilespmem:s14+$0xFFFFFFF0];
	v11 =	vmax.f32 v11, $0.0e+00  }
.Ltmp8:
0x512: {  	v8 =	vld [tilespmem:s8+$0xFFFFFFE0];
	v12 =	vmax.f32 v13, $0.0e+00;
	[tilespmem:s15+$0xFFFFFFF0] =	vst v11;
	v7 =	vadd.f32 v1, v7;
	(pc) =	sbr.rel @p1 .LBB2_18-.Ltmp8, $4  }
0x513: {  	v9 =	vmax.f32 v9, $0.0e+00;
	[tilespmem:s14+$0x50] =	vst v12;
	v1 =	vld [tilespmem:s14+$0x70]  }
0x514: {  	[tilespmem:s14+$0xFFFFFF50] =	vst v9;
	v9 =	vld [tilespmem:s8+$0x60];
	v11 =	vadd.f32 v10, v15;
	v7 =	vmax.f32 v7, $0.0e+00  }
0x515: {  	v10 =	vld [tilespmem:s8+$0xFFFFFF60];
	[tilespmem:s15+$0x70] =	vst v7;
	s15 =	smov.u32 s14  }
0x516: {  	s8 =	sadd.s32 $0x200, s8;
	v11 =	vmax.f32 v11, $0.0e+00;
	v7 =	vld [tilespmem:s14+$0xF0]  }
0x517: {  	_ =	sdelay $0x2  }
0x518: {  	v4 =	vadd.f32 v4, v10  }
0x519: {  	v5 =	vadd.f32 v5, v8  }
0x51a: {  	[tilespmem:s14+$0xE0] =	vst v11;
	v6 =	vadd.f32 v6, v9;
	v4 =	vmax.f32 v4, $0.0e+00  }
0x51b: {  	v8 =	vld [tilespmem:s13+$0xF0];
	v5 =	vmax.f32 v5, $0.0e+00;
	[tilespmem:s15+$0xFFFFFF60] =	vst v4  }
0x51c: {  	[tilespmem:s15+$0xFFFFFFE0] =	vst v5;
	v4 =	vmax.f32 v6, $0.0e+00;
	v5 =	vld [tilespmem:s13+$0xFFFFFF70]  }
0x51d: {  	[tilespmem:s15+$0x60] =	vst v4;
	v4 =	vld [tilespmem:s13+$0xFFFFFFF0]  }
0x51e: {  	v6 =	vld [tilespmem:s13+$0x70];
	_ =	sdelay $0x1  }
0x51f: {  	v7 =	vadd.f32 v7, v8  }
0x520: {  	v3 =	vadd.f32 v3, v5  }
0x521: {  	v5 =	vmax.f32 v7, $0.0e+00;
	v2 =	vadd.f32 v2, v4  }
0x522: {  	[tilespmem:s15+$0xF0] =	vst v5;
	v1 =	vadd.f32 v1, v6;
	v3 =	vmax.f32 v3, $0.0e+00  }
0x523: {  	v2 =	vmax.f32 v2, $0.0e+00;
	[tilespmem:s15+$0xFFFFFF70] =	vst v3  }
0x524: {  	[tilespmem:s15+$0xFFFFFFF0] =	vst v2;
	v1 =	vmax.f32 v1, $0.0e+00  }
0x525: {  	[tilespmem:s15+$0x70] =	vst v1  }
0x526: {  	[spmem:s4] =	stream.indirect.scatter.add.f32 [tilespmem:s19], [sflag:$0x4], $0x80, s23, s21, $0xb8;
	[tilespmem:$0x1D980] =	vst v63  }
0x527: {  	_ =	swait.ge [sflag:s11], $0x1400  }
0x528: {  	[sflag:s11] =	ssyncset.done $0x0  }
0x529: {  	s8 =	simm.s32 $0x26C0;
	[sflag:s11] =	ssyncadd.s32 $0xFFFFEC00  }
0x52a: {  	[tilespmem:s29], [sflag:$0x3] =	stream.indirect.gather [hbm4b:s1+s21], $0x80, s8, s21, $0xb8;
	[tilespmem:$0x1D980] =	vst v63  }
0x52b: {  	s17 =	rddreg [dreg:$0x12]  }
0x52c: {  	[tilespmem:s30], [sflag:$0x3] =	stream.linear.gather [hbm4b:s17+s5], $0x1400, $0x38;
	[tilespmem:$0x1D980] =	vst v63  }
0x52d: {  	s18 =	rddreg [dreg:$0x13]  }
0x52e: {  	[tilespmem:s31], [sflag:$0x3] =	stream.linear.gather [hbm4b:s18+s5], $0x28, $0x38;
	[tilespmem:$0x1D980] =	vst v63  }
0x52f: {  	_ =	swait.ge [sflag:s2], $0x1400  }
0x530: {  	[sflag:s2] =	ssyncset.done $0x0  }
0x531: {  	[sflag:s2] =	ssyncadd.s32 $0xFFFFEC00  }
0x532: {  	_ =	swait.ge [sflag:s2], $0x1400  }
0x533: {  	[sflag:s2] =	ssyncset.done $0x0  }
0x534: {  	[sflag:s2] =	ssyncadd.s32 $0xFFFFEC00  }
0x535: {  	_ =	swait.ge [sflag:s2], $0x28  }
0x536: {  	[sflag:s2] =	ssyncset.done $0x0  }
0x537: {  	s13 =	simm.s32 $0x3E00;
	[sflag:s2] =	ssyncadd.s32 $0xFFFFFFD8  }
0x538: {  	s14 =	simm.s32 $0x7A00;
	v1 =	vld [tilespmem:s13+$0x80]  }
0x539: {  	v2 =	vld [tilespmem:s14+$0x80]  }
0x53a: {  	v3 =	vld [tilespmem:s14+$0xFFFFFF00]  }
0x53b: {  	v4 =	vld [tilespmem:s13+$0xFFFFFF80]  }
0x53c: {  	v5 =	vld [tilespmem:s14+$0xFFFFFF80]  }
0x53d: {  	v6 =	vld [tilespmem:s14+$0x0]  }
0x53e: {  	v1 =	vadd.f32 v2, v1;
	v2 =	vld [tilespmem:s13+$0x0]  }
0x53f: {  	v7 =	vld [tilespmem:s13+$0xFFFFFF00]  }
0x540: {  	v1 =	vmax.f32 v1, $0.0e+00  }
0x541: {  	v4 =	vadd.f32 v5, v4;
	[tilespmem:s14+$0x80] =	vst v1;
	v1 =	vld [tilespmem:s14+$0x90]  }
0x542: {  	v8 =	vld [tilespmem:s13+$0x90]  }
0x543: {  	v9 =	vld [tilespmem:s14+$0xFFFFFF90];
	v4 =	vmax.f32 v4, $0.0e+00;
	v2 =	vadd.f32 v6, v2  }
0x544: {  	v5 =	vld [tilespmem:s14+$0xFFFFFF10];
	v3 =	vadd.f32 v3, v7;
	[tilespmem:s14+$0xFFFFFF80] =	vst v4  }
0x545: {  	v6 =	vld [tilespmem:s13+$0xFFFFFF90];
	v2 =	vmax.f32 v2, $0.0e+00  }
0x546: {  	v3 =	vmax.f32 v3, $0.0e+00;
	v4 =	vld [tilespmem:s14+$0x10];
	[tilespmem:s14+$0x0] =	vst v2  }
0x547: {  	[tilespmem:s14+$0xFFFFFF00] =	vst v3;
	v1 =	vadd.f32 v1, v8;
	v2 =	vld [tilespmem:s13+$0x10]  }
0x548: {  	v3 =	vld [tilespmem:s13+$0xFFFFFF10]  }
0x549: {  	v1 =	vmax.f32 v1, $0.0e+00  }
0x54a: {  	v6 =	vadd.f32 v9, v6;
	[tilespmem:s14+$0x90] =	vst v1;
	v1 =	vld [tilespmem:s14+$0xA0]  }
0x54b: {  	v8 =	vld [tilespmem:s13+$0xA0]  }
0x54c: {  	v7 =	vld [tilespmem:s14+$0xFFFFFF20];
	v6 =	vmax.f32 v6, $0.0e+00;
	v2 =	vadd.f32 v4, v2  }
0x54d: {  	v3 =	vadd.f32 v5, v3;
	v9 =	vld [tilespmem:s14+$0xFFFFFFA0];
	[tilespmem:s14+$0xFFFFFF90] =	vst v6  }
0x54e: {  	v5 =	vld [tilespmem:s13+$0xFFFFFFA0];
	v2 =	vmax.f32 v2, $0.0e+00  }
0x54f: {  	v3 =	vmax.f32 v3, $0.0e+00;
	v4 =	vld [tilespmem:s14+$0x20];
	[tilespmem:s14+$0x10] =	vst v2  }
0x550: {  	[tilespmem:s14+$0xFFFFFF10] =	vst v3;
	v1 =	vadd.f32 v1, v8;
	v2 =	vld [tilespmem:s13+$0x20]  }
0x551: {  	v3 =	vld [tilespmem:s13+$0xFFFFFF20]  }
0x552: {  	v1 =	vmax.f32 v1, $0.0e+00  }
0x553: {  	v5 =	vadd.f32 v9, v5;
	[tilespmem:s14+$0xA0] =	vst v1;
	v1 =	vld [tilespmem:s14+$0xB0]  }
0x554: {  	v8 =	vld [tilespmem:s13+$0xB0]  }
0x555: {  	v10 =	vld [tilespmem:s14+$0x30];
	v5 =	vmax.f32 v5, $0.0e+00;
	v2 =	vadd.f32 v4, v2  }
0x556: {  	v3 =	vadd.f32 v7, v3;
	v9 =	vld [tilespmem:s14+$0xFFFFFFB0];
	[tilespmem:s14+$0xFFFFFFA0] =	vst v5  }
0x557: {  	v4 =	vld [tilespmem:s13+$0xFFFFFFB0];
	v2 =	vmax.f32 v2, $0.0e+00  }
0x558: {  	v6 =	vld [tilespmem:s14+$0xFFFFFF30];
	[tilespmem:s14+$0x20] =	vst v2;
	v2 =	vmax.f32 v3, $0.0e+00  }
0x559: {  	v1 =	vadd.f32 v1, v8;
	[tilespmem:s14+$0xFFFFFF20] =	vst v2;
	v2 =	vld [tilespmem:s13+$0x30]  }
0x55a: {  	v7 =	vld [tilespmem:s13+$0xFFFFFF30]  }
0x55b: {  	v11 =	vld [tilespmem:s14+$0xFFFFFF40];
	v1 =	vmax.f32 v1, $0.0e+00  }
0x55c: {  	v4 =	vadd.f32 v9, v4;
	[tilespmem:s14+$0xB0] =	vst v1;
	v1 =	vld [tilespmem:s14+$0xC0]  }
0x55d: {  	v8 =	vld [tilespmem:s13+$0xC0]  }
0x55e: {  	v12 =	vld [tilespmem:s14+$0xFFFFFFD0];
	v4 =	vmax.f32 v4, $0.0e+00;
	v2 =	vadd.f32 v10, v2  }
0x55f: {  	v5 =	vld [tilespmem:s14+$0xFFFFFFC0];
	[tilespmem:s14+$0xFFFFFFB0] =	vst v4;
	v6 =	vadd.f32 v6, v7  }
0x560: {  	v7 =	vld [tilespmem:s13+$0xFFFFFFC0];
	v2 =	vmax.f32 v2, $0.0e+00  }
0x561: {  	v3 =	vld [tilespmem:s14+$0x40];
	[tilespmem:s14+$0x30] =	vst v2;
	v2 =	vmax.f32 v6, $0.0e+00  }
0x562: {  	v1 =	vadd.f32 v1, v8;
	v6 =	vld [tilespmem:s13+$0x40];
	[tilespmem:s14+$0xFFFFFF30] =	vst v2  }
0x563: {  	v2 =	vld [tilespmem:s13+$0xFFFFFF40]  }
0x564: {  	v9 =	vld [tilespmem:s14+$0xFFFFFF50];
	v1 =	vmax.f32 v1, $0.0e+00  }
0x565: {  	[tilespmem:s14+$0xC0] =	vst v1;
	v1 =	vadd.f32 v5, v7;
	v7 =	vld [tilespmem:s14+$0xD0]  }
0x566: {  	v8 =	vld [tilespmem:s13+$0xD0]  }
0x567: {  	v4 =	vld [tilespmem:s14+$0xFFFFFF60];
	v1 =	vmax.f32 v1, $0.0e+00;
	v3 =	vadd.f32 v3, v6  }
0x568: {  	v10 =	vld [tilespmem:s14+$0x50];
	[tilespmem:s14+$0xFFFFFFC0] =	vst v1;
	v1 =	vadd.f32 v11, v2  }
0x569: {  	v2 =	vld [tilespmem:s13+$0xFFFFFFD0];
	v3 =	vmax.f32 v3, $0.0e+00  }
0x56a: {  	v5 =	vld [tilespmem:s14+$0xFFFFFFE0];
	[tilespmem:s14+$0x40] =	vst v3;
	v1 =	vmax.f32 v1, $0.0e+00  }
0x56b: {  	v3 =	vld [tilespmem:s13+$0x50];
	v7 =	vadd.f32 v7, v8;
	[tilespmem:s14+$0xFFFFFF40] =	vst v1  }
0x56c: {  	v1 =	vld [tilespmem:s13+$0xFFFFFF50]  }
0x56d: {  	v6 =	vld [tilespmem:s14+$0x60];
	v7 =	vmax.f32 v7, $0.0e+00  }
0x56e: {  	v2 =	vadd.f32 v12, v2;
	[tilespmem:s14+$0xD0] =	vst v7;
	v7 =	vld [tilespmem:s14+$0xE0]  }
0x56f: {  	v11 =	vld [tilespmem:s13+$0xE0]  }
0x570: {  	v2 =	vmax.f32 v2, $0.0e+00;
	v8 =	vadd.f32 v10, v3;
	v3 =	vld [tilespmem:s14+$0xFFFFFF70]  }
0x571: {  	[tilespmem:s14+$0xFFFFFFD0] =	vst v2;
	v1 =	vadd.f32 v9, v1;
	v2 =	vld [tilespmem:s14+$0xFFFFFFF0]  }
0x572: {  	v9 =	vmax.f32 v8, $0.0e+00;
	v8 =	vld [tilespmem:s13+$0xFFFFFFE0]  }
0x573: {  	[tilespmem:s14+$0x50] =	vst v9;
	v9 =	vmax.f32 v1, $0.0e+00;
	v1 =	vld [tilespmem:s14+$0x70]  }
0x574: {  	[tilespmem:s14+$0xFFFFFF50] =	vst v9;
	v9 =	vld [tilespmem:s13+$0x60];
	v7 =	vadd.f32 v7, v11  }
0x575: {  	v10 =	vld [tilespmem:s13+$0xFFFFFF60]  }
0x576: {  	s16 =	simm.s32 $0x0;
	s15 =	simm.s32 $0x7A00;
	s8 =	simm.s32 $0x4000;
	v11 =	vmax.f32 v7, $0.0e+00;
	v7 =	vld [tilespmem:s14+$0xF0]  }
.LBB2_20:
0x577: {  	v12 =	vld [tilespmem:s8+$0x80];
	v5 =	vadd.f32 v5, v8;
	[tilespmem:s14+$0xE0] =	vst v11  }
0x578: {  	s14 =	sadd.s32 $0x200, s14;
	v8 =	vld [tilespmem:s13+$0xF0]  }
0x579: {  	s16 =	sadd.s32 $0x4, s16;
	v11 =	vld [tilespmem:s14+$0x80];
	v5 =	vmax.f32 v5, $0.0e+00;
	v6 =	vadd.f32 v6, v9  }
0x57a: {  	p1 =	slt.u32 s16, $0x24;
	v9 =	vld [tilespmem:s14+$0xFFFFFF00];
	v4 =	vadd.f32 v4, v10;
	[tilespmem:s15+$0xFFFFFFE0] =	vst v5  }
0x57b: {  	v5 =	vld [tilespmem:s8+$0xFFFFFF80];
	v6 =	vmax.f32 v6, $0.0e+00  }
0x57c: {  	v10 =	vld [tilespmem:s14+$0xFFFFFF80];
	v4 =	vmax.f32 v4, $0.0e+00;
	[tilespmem:s15+$0x60] =	vst v6  }
0x57d: {  	v6 =	vld [tilespmem:s8+$0x0];
	[tilespmem:s15+$0xFFFFFF60] =	vst v4;
	v4 =	vadd.f32 v7, v8  }
0x57e: {  	v7 =	vld [tilespmem:s14+$0x0];
	v8 =	vadd.f32 v11, v12  }
0x57f: {  	v11 =	vld [tilespmem:s8+$0xFFFFFF00];
	v4 =	vmax.f32 v4, $0.0e+00  }
0x580: {  	v12 =	vld [tilespmem:s14+$0xFFFFFF10];
	v8 =	vmax.f32 v8, $0.0e+00;
	[tilespmem:s15+$0xF0] =	vst v4  }
0x581: {  	v4 =	vadd.f32 v10, v5;
	[tilespmem:s14+$0x80] =	vst v8;
	v5 =	vld [tilespmem:s14+$0x90]  }
0x582: {  	v8 =	vld [tilespmem:s8+$0x90]  }
0x583: {  	v4 =	vmax.f32 v4, $0.0e+00;
	v10 =	vld [tilespmem:s14+$0xFFFFFF90];
	v6 =	vadd.f32 v7, v6  }
0x584: {  	v7 =	vadd.f32 v9, v11;
	[tilespmem:s14+$0xFFFFFF80] =	vst v4;
	v4 =	vld [tilespmem:s14+$0x10]  }
0x585: {  	v9 =	vld [tilespmem:s8+$0xFFFFFF90];
	v6 =	vmax.f32 v6, $0.0e+00  }
0x586: {  	v7 =	vmax.f32 v7, $0.0e+00;
	v11 =	vld [tilespmem:s14+$0xFFFFFF20];
	[tilespmem:s14+$0x0] =	vst v6  }
0x587: {  	[tilespmem:s14+$0xFFFFFF00] =	vst v7;
	v6 =	vld [tilespmem:s8+$0x10];
	v5 =	vadd.f32 v5, v8  }
0x588: {  	v7 =	vld [tilespmem:s8+$0xFFFFFF10]  }
0x589: {  	v8 =	vld [tilespmem:s14+$0xFFFFFFA0];
	v5 =	vmax.f32 v5, $0.0e+00  }
0x58a: {  	v9 =	vadd.f32 v10, v9;
	[tilespmem:s14+$0x90] =	vst v5;
	v5 =	vld [tilespmem:s14+$0xA0]  }
0x58b: {  	v10 =	vld [tilespmem:s8+$0xA0]  }
0x58c: {  	v9 =	vmax.f32 v9, $0.0e+00;
	v4 =	vadd.f32 v4, v6;
	v6 =	vld [tilespmem:s14+$0x20]  }
0x58d: {  	v7 =	vadd.f32 v12, v7;
	v12 =	vld [tilespmem:s14+$0xFFFFFF30];
	[tilespmem:s14+$0xFFFFFF90] =	vst v9  }
0x58e: {  	v9 =	vld [tilespmem:s8+$0xFFFFFFA0];
	v4 =	vmax.f32 v4, $0.0e+00  }
0x58f: {  	v7 =	vmax.f32 v7, $0.0e+00;
	v13 =	vld [tilespmem:s14+$0xFFFFFFB0];
	[tilespmem:s14+$0x10] =	vst v4  }
0x590: {  	[tilespmem:s14+$0xFFFFFF10] =	vst v7;
	v4 =	vld [tilespmem:s8+$0x20];
	v5 =	vadd.f32 v5, v10  }
0x591: {  	v7 =	vld [tilespmem:s8+$0xFFFFFF20]  }
0x592: {  	v10 =	vld [tilespmem:s14+$0x30];
	v5 =	vmax.f32 v5, $0.0e+00  }
0x593: {  	v8 =	vadd.f32 v8, v9;
	[tilespmem:s14+$0xA0] =	vst v5;
	v5 =	vld [tilespmem:s14+$0xB0]  }
0x594: {  	v9 =	vld [tilespmem:s8+$0xB0]  }
0x595: {  	v14 =	vld [tilespmem:s14+$0xFFFFFF40];
	v8 =	vmax.f32 v8, $0.0e+00;
	v4 =	vadd.f32 v6, v4  }
0x596: {  	v6 =	vadd.f32 v11, v7;
	[tilespmem:s14+$0xFFFFFFA0] =	vst v8;
	v7 =	vld [tilespmem:s14+$0xFFFFFFC0]  }
0x597: {  	v8 =	vld [tilespmem:s8+$0xFFFFFFB0];
	v4 =	vmax.f32 v4, $0.0e+00  }
0x598: {  	v6 =	vmax.f32 v6, $0.0e+00;
	[tilespmem:s14+$0x20] =	vst v4;
	v11 =	vld [tilespmem:s14+$0x40]  }
0x599: {  	[tilespmem:s14+$0xFFFFFF20] =	vst v6;
	v4 =	vld [tilespmem:s8+$0x30];
	v5 =	vadd.f32 v5, v9  }
0x59a: {  	v6 =	vld [tilespmem:s8+$0xFFFFFF30]  }
0x59b: {  	v9 =	vld [tilespmem:s14+$0xFFFFFF50];
	v5 =	vmax.f32 v5, $0.0e+00  }
0x59c: {  	v8 =	vadd.f32 v13, v8;
	[tilespmem:s14+$0xB0] =	vst v5;
	v5 =	vld [tilespmem:s14+$0xC0]  }
0x59d: {  	v13 =	vld [tilespmem:s8+$0xC0]  }
0x59e: {  	v8 =	vmax.f32 v8, $0.0e+00;
	v15 =	vld [tilespmem:s14+$0xFFFFFFD0];
	v4 =	vadd.f32 v10, v4  }
0x59f: {  	v6 =	vadd.f32 v12, v6;
	[tilespmem:s14+$0xFFFFFFB0] =	vst v8;
	v8 =	vld [tilespmem:s14+$0x50]  }
0x5a0: {  	v10 =	vld [tilespmem:s8+$0xFFFFFFC0];
	v12 =	vmax.f32 v4, $0.0e+00  }
0x5a1: {  	v6 =	vmax.f32 v6, $0.0e+00;
	v4 =	vld [tilespmem:s14+$0xFFFFFF60];
	[tilespmem:s14+$0x30] =	vst v12  }
0x5a2: {  	[tilespmem:s14+$0xFFFFFF30] =	vst v6;
	v6 =	vld [tilespmem:s8+$0x40];
	v12 =	vadd.f32 v5, v13  }
0x5a3: {  	v13 =	vld [tilespmem:s8+$0xFFFFFF40]  }
0x5a4: {  	v5 =	vld [tilespmem:s14+$0xFFFFFFE0];
	v12 =	vmax.f32 v12, $0.0e+00  }
0x5a5: {  	v7 =	vadd.f32 v7, v10;
	[tilespmem:s14+$0xC0] =	vst v12;
	v10 =	vld [tilespmem:s14+$0xD0]  }
0x5a6: {  	v12 =	vld [tilespmem:s8+$0xD0]  }
0x5a7: {  	v7 =	vmax.f32 v7, $0.0e+00;
	v11 =	vadd.f32 v11, v6;
	v6 =	vld [tilespmem:s14+$0x60]  }
0x5a8: {  	v13 =	vadd.f32 v14, v13;
	[tilespmem:s14+$0xFFFFFFC0] =	vst v7;
	v7 =	vld [tilespmem:s13+$0xFFFFFF70]  }
0x5a9: {  	v14 =	vld [tilespmem:s8+$0xFFFFFFD0];
	v11 =	vmax.f32 v11, $0.0e+00  }
0x5aa: {  	v13 =	vmax.f32 v13, $0.0e+00;
	[tilespmem:s14+$0x40] =	vst v11;
	v11 =	vld [tilespmem:s13+$0xFFFFFFF0]  }
0x5ab: {  	[tilespmem:s14+$0xFFFFFF40] =	vst v13;
	v13 =	vld [tilespmem:s8+$0x50];
	v10 =	vadd.f32 v10, v12  }
0x5ac: {  	v12 =	vld [tilespmem:s8+$0xFFFFFF50]  }
0x5ad: {  	v10 =	vmax.f32 v10, $0.0e+00;
	v3 =	vadd.f32 v3, v7;
	v7 =	vld [tilespmem:s13+$0x70];
	s13 =	smov.u32 s8  }
0x5ae: {  	v14 =	vadd.f32 v15, v14;
	[tilespmem:s14+$0xD0] =	vst v10;
	v10 =	vld [tilespmem:s14+$0xE0]  }
0x5af: {  	v15 =	vld [tilespmem:s8+$0xE0];
	v16 =	vmax.f32 v3, $0.0e+00;
	v11 =	vadd.f32 v2, v11  }
0x5b0: {  	v3 =	vld [tilespmem:s14+$0xFFFFFF70];
	v2 =	vmax.f32 v14, $0.0e+00;
	v13 =	vadd.f32 v8, v13;
	[tilespmem:s15+$0xFFFFFF70] =	vst v16  }
0x5b1: {  	v9 =	vadd.f32 v9, v12;
	[tilespmem:s14+$0xFFFFFFD0] =	vst v2;
	v2 =	vld [tilespmem:s14+$0xFFFFFFF0];
	v11 =	vmax.f32 v11, $0.0e+00  }
.Ltmp9:
0x5b2: {  	v8 =	vld [tilespmem:s8+$0xFFFFFFE0];
	v12 =	vmax.f32 v13, $0.0e+00;
	[tilespmem:s15+$0xFFFFFFF0] =	vst v11;
	v7 =	vadd.f32 v1, v7;
	(pc) =	sbr.rel @p1 .LBB2_20-.Ltmp9, $4  }
0x5b3: {  	v9 =	vmax.f32 v9, $0.0e+00;
	[tilespmem:s14+$0x50] =	vst v12;
	v1 =	vld [tilespmem:s14+$0x70]  }
0x5b4: {  	[tilespmem:s14+$0xFFFFFF50] =	vst v9;
	v9 =	vld [tilespmem:s8+$0x60];
	v11 =	vadd.f32 v10, v15;
	v7 =	vmax.f32 v7, $0.0e+00  }
0x5b5: {  	v10 =	vld [tilespmem:s8+$0xFFFFFF60];
	[tilespmem:s15+$0x70] =	vst v7;
	s15 =	smov.u32 s14  }
0x5b6: {  	s8 =	sadd.s32 $0x200, s8;
	v11 =	vmax.f32 v11, $0.0e+00;
	v7 =	vld [tilespmem:s14+$0xF0]  }
0x5b7: {  	_ =	sdelay $0x2  }
0x5b8: {  	v4 =	vadd.f32 v4, v10  }
0x5b9: {  	v5 =	vadd.f32 v5, v8  }
0x5ba: {  	[tilespmem:s14+$0xE0] =	vst v11;
	v6 =	vadd.f32 v6, v9;
	v4 =	vmax.f32 v4, $0.0e+00  }
0x5bb: {  	v8 =	vld [tilespmem:s13+$0xF0];
	v5 =	vmax.f32 v5, $0.0e+00;
	[tilespmem:s15+$0xFFFFFF60] =	vst v4  }
0x5bc: {  	[tilespmem:s15+$0xFFFFFFE0] =	vst v5;
	v4 =	vmax.f32 v6, $0.0e+00;
	v5 =	vld [tilespmem:s13+$0xFFFFFF70]  }
0x5bd: {  	[tilespmem:s15+$0x60] =	vst v4;
	v4 =	vld [tilespmem:s13+$0xFFFFFFF0]  }
0x5be: {  	v6 =	vld [tilespmem:s13+$0x70];
	_ =	sdelay $0x1  }
0x5bf: {  	v7 =	vadd.f32 v7, v8  }
0x5c0: {  	v3 =	vadd.f32 v3, v5  }
0x5c1: {  	v5 =	vmax.f32 v7, $0.0e+00;
	v2 =	vadd.f32 v2, v4  }
0x5c2: {  	[tilespmem:s15+$0xF0] =	vst v5;
	v1 =	vadd.f32 v1, v6;
	v3 =	vmax.f32 v3, $0.0e+00  }
0x5c3: {  	v2 =	vmax.f32 v2, $0.0e+00;
	[tilespmem:s15+$0xFFFFFF70] =	vst v3  }
0x5c4: {  	[tilespmem:s15+$0xFFFFFFF0] =	vst v2;
	v1 =	vmax.f32 v1, $0.0e+00  }
0x5c5: {  	[tilespmem:s15+$0x70] =	vst v1  }
0x5c6: {  	[spmem:s4] =	stream.indirect.scatter.add.f32 [tilespmem:s25], [sflag:$0x5], $0x80, s26, s21, $0xb8;
	[tilespmem:$0x1D980] =	vst v63  }
0x5c7: {  	_ =	swait.ge [sflag:s0], $0x1400  }
0x5c8: {  	[sflag:s0] =	ssyncset.done $0x0  }
0x5c9: {  	s8 =	simm.s32 $0x26E8;
	[sflag:s0] =	ssyncadd.s32 $0xFFFFEC00  }
0x5ca: {  	[tilespmem:s22], [sflag:$0x1] =	stream.indirect.gather [hbm4b:s1+s21], $0x80, s8, s21, $0xb8;
	[tilespmem:$0x1D980] =	vst v63  }
0x5cb: {  	s17 =	rddreg [dreg:$0x14]  }
0x5cc: {  	[tilespmem:s19], [sflag:$0x1] =	stream.linear.gather [hbm4b:s17+s5], $0x1400, $0x38;
	[tilespmem:$0x1D980] =	vst v63  }
0x5cd: {  	s18 =	rddreg [dreg:$0x15]  }
0x5ce: {  	[tilespmem:s23], [sflag:$0x1] =	stream.linear.gather [hbm4b:s18+s5], $0x28, $0x38;
	[tilespmem:$0x1D980] =	vst v63  }
0x5cf: {  	_ =	swait.ge [sflag:s9], $0x1400  }
0x5d0: {  	[sflag:s9] =	ssyncset.done $0x0  }
0x5d1: {  	[sflag:s9] =	ssyncadd.s32 $0xFFFFEC00  }
0x5d2: {  	_ =	swait.ge [sflag:s9], $0x1400  }
0x5d3: {  	[sflag:s9] =	ssyncset.done $0x0  }
0x5d4: {  	[sflag:s9] =	ssyncadd.s32 $0xFFFFEC00  }
0x5d5: {  	_ =	swait.ge [sflag:s9], $0x28  }
0x5d6: {  	[sflag:s9] =	ssyncset.done $0x0  }
0x5d7: {  	s13 =	simm.s32 $0x5200;
	[sflag:s9] =	ssyncadd.s32 $0xFFFFFFD8  }
0x5d8: {  	s14 =	simm.s32 $0x8E00;
	v1 =	vld [tilespmem:s13+$0x80]  }
0x5d9: {  	v2 =	vld [tilespmem:s14+$0x80]  }
0x5da: {  	v3 =	vld [tilespmem:s14+$0xFFFFFF00]  }
0x5db: {  	v4 =	vld [tilespmem:s13+$0xFFFFFF80]  }
0x5dc: {  	v5 =	vld [tilespmem:s14+$0xFFFFFF80]  }
0x5dd: {  	v6 =	vld [tilespmem:s14+$0x0]  }
0x5de: {  	v1 =	vadd.f32 v2, v1;
	v2 =	vld [tilespmem:s13+$0x0]  }
0x5df: {  	v7 =	vld [tilespmem:s13+$0xFFFFFF00]  }
0x5e0: {  	v1 =	vmax.f32 v1, $0.0e+00  }
0x5e1: {  	v4 =	vadd.f32 v5, v4;
	[tilespmem:s14+$0x80] =	vst v1;
	v1 =	vld [tilespmem:s14+$0x90]  }
0x5e2: {  	v8 =	vld [tilespmem:s13+$0x90]  }
0x5e3: {  	v9 =	vld [tilespmem:s14+$0xFFFFFF90];
	v4 =	vmax.f32 v4, $0.0e+00;
	v2 =	vadd.f32 v6, v2  }
0x5e4: {  	v5 =	vld [tilespmem:s14+$0xFFFFFF10];
	v3 =	vadd.f32 v3, v7;
	[tilespmem:s14+$0xFFFFFF80] =	vst v4  }
0x5e5: {  	v6 =	vld [tilespmem:s13+$0xFFFFFF90];
	v2 =	vmax.f32 v2, $0.0e+00  }
0x5e6: {  	v3 =	vmax.f32 v3, $0.0e+00;
	v4 =	vld [tilespmem:s14+$0x10];
	[tilespmem:s14+$0x0] =	vst v2  }
0x5e7: {  	[tilespmem:s14+$0xFFFFFF00] =	vst v3;
	v1 =	vadd.f32 v1, v8;
	v2 =	vld [tilespmem:s13+$0x10]  }
0x5e8: {  	v3 =	vld [tilespmem:s13+$0xFFFFFF10]  }
0x5e9: {  	v1 =	vmax.f32 v1, $0.0e+00  }
0x5ea: {  	v6 =	vadd.f32 v9, v6;
	[tilespmem:s14+$0x90] =	vst v1;
	v1 =	vld [tilespmem:s14+$0xA0]  }
0x5eb: {  	v8 =	vld [tilespmem:s13+$0xA0]  }
0x5ec: {  	v7 =	vld [tilespmem:s14+$0xFFFFFF20];
	v6 =	vmax.f32 v6, $0.0e+00;
	v2 =	vadd.f32 v4, v2  }
0x5ed: {  	v3 =	vadd.f32 v5, v3;
	v9 =	vld [tilespmem:s14+$0xFFFFFFA0];
	[tilespmem:s14+$0xFFFFFF90] =	vst v6  }
0x5ee: {  	v5 =	vld [tilespmem:s13+$0xFFFFFFA0];
	v2 =	vmax.f32 v2, $0.0e+00  }
0x5ef: {  	v3 =	vmax.f32 v3, $0.0e+00;
	v4 =	vld [tilespmem:s14+$0x20];
	[tilespmem:s14+$0x10] =	vst v2  }
0x5f0: {  	[tilespmem:s14+$0xFFFFFF10] =	vst v3;
	v1 =	vadd.f32 v1, v8;
	v2 =	vld [tilespmem:s13+$0x20]  }
0x5f1: {  	v3 =	vld [tilespmem:s13+$0xFFFFFF20]  }
0x5f2: {  	v1 =	vmax.f32 v1, $0.0e+00  }
0x5f3: {  	v5 =	vadd.f32 v9, v5;
	[tilespmem:s14+$0xA0] =	vst v1;
	v1 =	vld [tilespmem:s14+$0xB0]  }
0x5f4: {  	v8 =	vld [tilespmem:s13+$0xB0]  }
0x5f5: {  	v10 =	vld [tilespmem:s14+$0x30];
	v5 =	vmax.f32 v5, $0.0e+00;
	v2 =	vadd.f32 v4, v2  }
0x5f6: {  	v3 =	vadd.f32 v7, v3;
	v9 =	vld [tilespmem:s14+$0xFFFFFFB0];
	[tilespmem:s14+$0xFFFFFFA0] =	vst v5  }
0x5f7: {  	v4 =	vld [tilespmem:s13+$0xFFFFFFB0];
	v2 =	vmax.f32 v2, $0.0e+00  }
0x5f8: {  	v6 =	vld [tilespmem:s14+$0xFFFFFF30];
	[tilespmem:s14+$0x20] =	vst v2;
	v2 =	vmax.f32 v3, $0.0e+00  }
0x5f9: {  	v1 =	vadd.f32 v1, v8;
	[tilespmem:s14+$0xFFFFFF20] =	vst v2;
	v2 =	vld [tilespmem:s13+$0x30]  }
0x5fa: {  	v7 =	vld [tilespmem:s13+$0xFFFFFF30]  }
0x5fb: {  	v11 =	vld [tilespmem:s14+$0xFFFFFF40];
	v1 =	vmax.f32 v1, $0.0e+00  }
0x5fc: {  	v4 =	vadd.f32 v9, v4;
	[tilespmem:s14+$0xB0] =	vst v1;
	v1 =	vld [tilespmem:s14+$0xC0]  }
0x5fd: {  	v8 =	vld [tilespmem:s13+$0xC0]  }
0x5fe: {  	v12 =	vld [tilespmem:s14+$0xFFFFFFD0];
	v4 =	vmax.f32 v4, $0.0e+00;
	v2 =	vadd.f32 v10, v2  }
0x5ff: {  	v5 =	vld [tilespmem:s14+$0xFFFFFFC0];
	[tilespmem:s14+$0xFFFFFFB0] =	vst v4;
	v6 =	vadd.f32 v6, v7  }
0x600: {  	v7 =	vld [tilespmem:s13+$0xFFFFFFC0];
	v2 =	vmax.f32 v2, $0.0e+00  }
0x601: {  	v3 =	vld [tilespmem:s14+$0x40];
	[tilespmem:s14+$0x30] =	vst v2;
	v2 =	vmax.f32 v6, $0.0e+00  }
0x602: {  	v1 =	vadd.f32 v1, v8;
	v6 =	vld [tilespmem:s13+$0x40];
	[tilespmem:s14+$0xFFFFFF30] =	vst v2  }
0x603: {  	v2 =	vld [tilespmem:s13+$0xFFFFFF40]  }
0x604: {  	v9 =	vld [tilespmem:s14+$0xFFFFFF50];
	v1 =	vmax.f32 v1, $0.0e+00  }
0x605: {  	[tilespmem:s14+$0xC0] =	vst v1;
	v1 =	vadd.f32 v5, v7;
	v7 =	vld [tilespmem:s14+$0xD0]  }
0x606: {  	v8 =	vld [tilespmem:s13+$0xD0]  }
0x607: {  	v4 =	vld [tilespmem:s14+$0xFFFFFF60];
	v1 =	vmax.f32 v1, $0.0e+00;
	v3 =	vadd.f32 v3, v6  }
0x608: {  	v10 =	vld [tilespmem:s14+$0x50];
	[tilespmem:s14+$0xFFFFFFC0] =	vst v1;
	v1 =	vadd.f32 v11, v2  }
0x609: {  	v2 =	vld [tilespmem:s13+$0xFFFFFFD0];
	v3 =	vmax.f32 v3, $0.0e+00  }
0x60a: {  	v5 =	vld [tilespmem:s14+$0xFFFFFFE0];
	[tilespmem:s14+$0x40] =	vst v3;
	v1 =	vmax.f32 v1, $0.0e+00  }
0x60b: {  	v3 =	vld [tilespmem:s13+$0x50];
	v7 =	vadd.f32 v7, v8;
	[tilespmem:s14+$0xFFFFFF40] =	vst v1  }
0x60c: {  	v1 =	vld [tilespmem:s13+$0xFFFFFF50]  }
0x60d: {  	v6 =	vld [tilespmem:s14+$0x60];
	v7 =	vmax.f32 v7, $0.0e+00  }
0x60e: {  	v2 =	vadd.f32 v12, v2;
	[tilespmem:s14+$0xD0] =	vst v7;
	v7 =	vld [tilespmem:s14+$0xE0]  }
0x60f: {  	v11 =	vld [tilespmem:s13+$0xE0]  }
0x610: {  	v2 =	vmax.f32 v2, $0.0e+00;
	v8 =	vadd.f32 v10, v3;
	v3 =	vld [tilespmem:s14+$0xFFFFFF70]  }
0x611: {  	[tilespmem:s14+$0xFFFFFFD0] =	vst v2;
	v1 =	vadd.f32 v9, v1;
	v2 =	vld [tilespmem:s14+$0xFFFFFFF0]  }
0x612: {  	v9 =	vmax.f32 v8, $0.0e+00;
	v8 =	vld [tilespmem:s13+$0xFFFFFFE0]  }
0x613: {  	[tilespmem:s14+$0x50] =	vst v9;
	v9 =	vmax.f32 v1, $0.0e+00;
	v1 =	vld [tilespmem:s14+$0x70]  }
0x614: {  	[tilespmem:s14+$0xFFFFFF50] =	vst v9;
	v9 =	vld [tilespmem:s13+$0x60];
	v7 =	vadd.f32 v7, v11  }
0x615: {  	v10 =	vld [tilespmem:s13+$0xFFFFFF60]  }
0x616: {  	s16 =	simm.s32 $0x0;
	s15 =	simm.s32 $0x8E00;
	s8 =	simm.s32 $0x5400;
	v11 =	vmax.f32 v7, $0.0e+00;
	v7 =	vld [tilespmem:s14+$0xF0]  }
.LBB2_22:
0x617: {  	v12 =	vld [tilespmem:s8+$0x80];
	v5 =	vadd.f32 v5, v8;
	[tilespmem:s14+$0xE0] =	vst v11  }
0x618: {  	s14 =	sadd.s32 $0x200, s14;
	v8 =	vld [tilespmem:s13+$0xF0]  }
0x619: {  	s16 =	sadd.s32 $0x4, s16;
	v11 =	vld [tilespmem:s14+$0x80];
	v5 =	vmax.f32 v5, $0.0e+00;
	v6 =	vadd.f32 v6, v9  }
0x61a: {  	p1 =	slt.u32 s16, $0x24;
	v9 =	vld [tilespmem:s14+$0xFFFFFF00];
	v4 =	vadd.f32 v4, v10;
	[tilespmem:s15+$0xFFFFFFE0] =	vst v5  }
0x61b: {  	v5 =	vld [tilespmem:s8+$0xFFFFFF80];
	v6 =	vmax.f32 v6, $0.0e+00  }
0x61c: {  	v10 =	vld [tilespmem:s14+$0xFFFFFF80];
	v4 =	vmax.f32 v4, $0.0e+00;
	[tilespmem:s15+$0x60] =	vst v6  }
0x61d: {  	v6 =	vld [tilespmem:s8+$0x0];
	[tilespmem:s15+$0xFFFFFF60] =	vst v4;
	v4 =	vadd.f32 v7, v8  }
0x61e: {  	v7 =	vld [tilespmem:s14+$0x0];
	v8 =	vadd.f32 v11, v12  }
0x61f: {  	v11 =	vld [tilespmem:s8+$0xFFFFFF00];
	v4 =	vmax.f32 v4, $0.0e+00  }
0x620: {  	v12 =	vld [tilespmem:s14+$0xFFFFFF10];
	v8 =	vmax.f32 v8, $0.0e+00;
	[tilespmem:s15+$0xF0] =	vst v4  }
0x621: {  	v4 =	vadd.f32 v10, v5;
	[tilespmem:s14+$0x80] =	vst v8;
	v5 =	vld [tilespmem:s14+$0x90]  }
0x622: {  	v8 =	vld [tilespmem:s8+$0x90]  }
0x623: {  	v4 =	vmax.f32 v4, $0.0e+00;
	v10 =	vld [tilespmem:s14+$0xFFFFFF90];
	v6 =	vadd.f32 v7, v6  }
0x624: {  	v7 =	vadd.f32 v9, v11;
	[tilespmem:s14+$0xFFFFFF80] =	vst v4;
	v4 =	vld [tilespmem:s14+$0x10]  }
0x625: {  	v9 =	vld [tilespmem:s8+$0xFFFFFF90];
	v6 =	vmax.f32 v6, $0.0e+00  }
0x626: {  	v7 =	vmax.f32 v7, $0.0e+00;
	v11 =	vld [tilespmem:s14+$0xFFFFFF20];
	[tilespmem:s14+$0x0] =	vst v6  }
0x627: {  	[tilespmem:s14+$0xFFFFFF00] =	vst v7;
	v6 =	vld [tilespmem:s8+$0x10];
	v5 =	vadd.f32 v5, v8  }
0x628: {  	v7 =	vld [tilespmem:s8+$0xFFFFFF10]  }
0x629: {  	v8 =	vld [tilespmem:s14+$0xFFFFFFA0];
	v5 =	vmax.f32 v5, $0.0e+00  }
0x62a: {  	v9 =	vadd.f32 v10, v9;
	[tilespmem:s14+$0x90] =	vst v5;
	v5 =	vld [tilespmem:s14+$0xA0]  }
0x62b: {  	v10 =	vld [tilespmem:s8+$0xA0]  }
0x62c: {  	v9 =	vmax.f32 v9, $0.0e+00;
	v4 =	vadd.f32 v4, v6;
	v6 =	vld [tilespmem:s14+$0x20]  }
0x62d: {  	v7 =	vadd.f32 v12, v7;
	v12 =	vld [tilespmem:s14+$0xFFFFFF30];
	[tilespmem:s14+$0xFFFFFF90] =	vst v9  }
0x62e: {  	v9 =	vld [tilespmem:s8+$0xFFFFFFA0];
	v4 =	vmax.f32 v4, $0.0e+00  }
0x62f: {  	v7 =	vmax.f32 v7, $0.0e+00;
	v13 =	vld [tilespmem:s14+$0xFFFFFFB0];
	[tilespmem:s14+$0x10] =	vst v4  }
0x630: {  	[tilespmem:s14+$0xFFFFFF10] =	vst v7;
	v4 =	vld [tilespmem:s8+$0x20];
	v5 =	vadd.f32 v5, v10  }
0x631: {  	v7 =	vld [tilespmem:s8+$0xFFFFFF20]  }
0x632: {  	v10 =	vld [tilespmem:s14+$0x30];
	v5 =	vmax.f32 v5, $0.0e+00  }
0x633: {  	v8 =	vadd.f32 v8, v9;
	[tilespmem:s14+$0xA0] =	vst v5;
	v5 =	vld [tilespmem:s14+$0xB0]  }
0x634: {  	v9 =	vld [tilespmem:s8+$0xB0]  }
0x635: {  	v14 =	vld [tilespmem:s14+$0xFFFFFF40];
	v8 =	vmax.f32 v8, $0.0e+00;
	v4 =	vadd.f32 v6, v4  }
0x636: {  	v6 =	vadd.f32 v11, v7;
	[tilespmem:s14+$0xFFFFFFA0] =	vst v8;
	v7 =	vld [tilespmem:s14+$0xFFFFFFC0]  }
0x637: {  	v8 =	vld [tilespmem:s8+$0xFFFFFFB0];
	v4 =	vmax.f32 v4, $0.0e+00  }
0x638: {  	v6 =	vmax.f32 v6, $0.0e+00;
	[tilespmem:s14+$0x20] =	vst v4;
	v11 =	vld [tilespmem:s14+$0x40]  }
0x639: {  	[tilespmem:s14+$0xFFFFFF20] =	vst v6;
	v4 =	vld [tilespmem:s8+$0x30];
	v5 =	vadd.f32 v5, v9  }
0x63a: {  	v6 =	vld [tilespmem:s8+$0xFFFFFF30]  }
0x63b: {  	v9 =	vld [tilespmem:s14+$0xFFFFFF50];
	v5 =	vmax.f32 v5, $0.0e+00  }
0x63c: {  	v8 =	vadd.f32 v13, v8;
	[tilespmem:s14+$0xB0] =	vst v5;
	v5 =	vld [tilespmem:s14+$0xC0]  }
0x63d: {  	v13 =	vld [tilespmem:s8+$0xC0]  }
0x63e: {  	v8 =	vmax.f32 v8, $0.0e+00;
	v15 =	vld [tilespmem:s14+$0xFFFFFFD0];
	v4 =	vadd.f32 v10, v4  }
0x63f: {  	v6 =	vadd.f32 v12, v6;
	[tilespmem:s14+$0xFFFFFFB0] =	vst v8;
	v8 =	vld [tilespmem:s14+$0x50]  }
0x640: {  	v10 =	vld [tilespmem:s8+$0xFFFFFFC0];
	v12 =	vmax.f32 v4, $0.0e+00  }
0x641: {  	v6 =	vmax.f32 v6, $0.0e+00;
	v4 =	vld [tilespmem:s14+$0xFFFFFF60];
	[tilespmem:s14+$0x30] =	vst v12  }
0x642: {  	[tilespmem:s14+$0xFFFFFF30] =	vst v6;
	v6 =	vld [tilespmem:s8+$0x40];
	v12 =	vadd.f32 v5, v13  }
0x643: {  	v13 =	vld [tilespmem:s8+$0xFFFFFF40]  }
0x644: {  	v5 =	vld [tilespmem:s14+$0xFFFFFFE0];
	v12 =	vmax.f32 v12, $0.0e+00  }
0x645: {  	v7 =	vadd.f32 v7, v10;
	[tilespmem:s14+$0xC0] =	vst v12;
	v10 =	vld [tilespmem:s14+$0xD0]  }
0x646: {  	v12 =	vld [tilespmem:s8+$0xD0]  }
0x647: {  	v7 =	vmax.f32 v7, $0.0e+00;
	v11 =	vadd.f32 v11, v6;
	v6 =	vld [tilespmem:s14+$0x60]  }
0x648: {  	v13 =	vadd.f32 v14, v13;
	[tilespmem:s14+$0xFFFFFFC0] =	vst v7;
	v7 =	vld [tilespmem:s13+$0xFFFFFF70]  }
0x649: {  	v14 =	vld [tilespmem:s8+$0xFFFFFFD0];
	v11 =	vmax.f32 v11, $0.0e+00  }
0x64a: {  	v13 =	vmax.f32 v13, $0.0e+00;
	[tilespmem:s14+$0x40] =	vst v11;
	v11 =	vld [tilespmem:s13+$0xFFFFFFF0]  }
0x64b: {  	[tilespmem:s14+$0xFFFFFF40] =	vst v13;
	v13 =	vld [tilespmem:s8+$0x50];
	v10 =	vadd.f32 v10, v12  }
0x64c: {  	v12 =	vld [tilespmem:s8+$0xFFFFFF50]  }
0x64d: {  	v10 =	vmax.f32 v10, $0.0e+00;
	v3 =	vadd.f32 v3, v7;
	v7 =	vld [tilespmem:s13+$0x70];
	s13 =	smov.u32 s8  }
0x64e: {  	v14 =	vadd.f32 v15, v14;
	[tilespmem:s14+$0xD0] =	vst v10;
	v10 =	vld [tilespmem:s14+$0xE0]  }
0x64f: {  	v15 =	vld [tilespmem:s8+$0xE0];
	v16 =	vmax.f32 v3, $0.0e+00;
	v11 =	vadd.f32 v2, v11  }
0x650: {  	v3 =	vld [tilespmem:s14+$0xFFFFFF70];
	v2 =	vmax.f32 v14, $0.0e+00;
	v13 =	vadd.f32 v8, v13;
	[tilespmem:s15+$0xFFFFFF70] =	vst v16  }
0x651: {  	v9 =	vadd.f32 v9, v12;
	[tilespmem:s14+$0xFFFFFFD0] =	vst v2;
	v2 =	vld [tilespmem:s14+$0xFFFFFFF0];
	v11 =	vmax.f32 v11, $0.0e+00  }
.Ltmp10:
0x652: {  	v8 =	vld [tilespmem:s8+$0xFFFFFFE0];
	v12 =	vmax.f32 v13, $0.0e+00;
	[tilespmem:s15+$0xFFFFFFF0] =	vst v11;
	v7 =	vadd.f32 v1, v7;
	(pc) =	sbr.rel @p1 .LBB2_22-.Ltmp10, $4  }
0x653: {  	v9 =	vmax.f32 v9, $0.0e+00;
	[tilespmem:s14+$0x50] =	vst v12;
	v1 =	vld [tilespmem:s14+$0x70]  }
0x654: {  	[tilespmem:s14+$0xFFFFFF50] =	vst v9;
	v9 =	vld [tilespmem:s8+$0x60];
	v11 =	vadd.f32 v10, v15;
	v7 =	vmax.f32 v7, $0.0e+00  }
0x655: {  	v10 =	vld [tilespmem:s8+$0xFFFFFF60];
	[tilespmem:s15+$0x70] =	vst v7;
	s15 =	smov.u32 s14  }
0x656: {  	s8 =	sadd.s32 $0x200, s8;
	v11 =	vmax.f32 v11, $0.0e+00;
	v7 =	vld [tilespmem:s14+$0xF0]  }
0x657: {  	_ =	sdelay $0x2  }
0x658: {  	v4 =	vadd.f32 v4, v10  }
0x659: {  	v5 =	vadd.f32 v5, v8  }
0x65a: {  	[tilespmem:s14+$0xE0] =	vst v11;
	v6 =	vadd.f32 v6, v9;
	v4 =	vmax.f32 v4, $0.0e+00  }
0x65b: {  	v8 =	vld [tilespmem:s13+$0xF0];
	v5 =	vmax.f32 v5, $0.0e+00;
	[tilespmem:s15+$0xFFFFFF60] =	vst v4  }
0x65c: {  	[tilespmem:s15+$0xFFFFFFE0] =	vst v5;
	v4 =	vmax.f32 v6, $0.0e+00;
	v5 =	vld [tilespmem:s13+$0xFFFFFF70]  }
0x65d: {  	[tilespmem:s15+$0x60] =	vst v4;
	v4 =	vld [tilespmem:s13+$0xFFFFFFF0]  }
0x65e: {  	v6 =	vld [tilespmem:s13+$0x70];
	_ =	sdelay $0x1  }
0x65f: {  	v7 =	vadd.f32 v7, v8  }
0x660: {  	v3 =	vadd.f32 v3, v5  }
0x661: {  	v5 =	vmax.f32 v7, $0.0e+00;
	v2 =	vadd.f32 v2, v4  }
0x662: {  	[tilespmem:s15+$0xF0] =	vst v5;
	v1 =	vadd.f32 v1, v6;
	v3 =	vmax.f32 v3, $0.0e+00  }
0x663: {  	v2 =	vmax.f32 v2, $0.0e+00;
	[tilespmem:s15+$0xFFFFFF70] =	vst v3  }
0x664: {  	[tilespmem:s15+$0xFFFFFFF0] =	vst v2;
	v1 =	vmax.f32 v1, $0.0e+00  }
0x665: {  	[tilespmem:s15+$0x70] =	vst v1  }
0x666: {  	[spmem:s4] =	stream.indirect.scatter.add.f32 [tilespmem:s30], [sflag:$0x6], $0x80, s31, s21, $0xb8;
	[tilespmem:$0x1D980] =	vst v63  }
0x667: {  	_ =	swait.ge [sflag:s28], $0x1400  }
0x668: {  	[sflag:s28] =	ssyncset.done $0x0  }
0x669: {  	[sflag:s28] =	ssyncadd.s32 $0xFFFFEC00  }
0x66a: {  	_ =	swait.ge [sflag:s28], $0x1400  }
0x66b: {  	[sflag:s28] =	ssyncset.done $0x0  }
0x66c: {  	[sflag:s28] =	ssyncadd.s32 $0xFFFFEC00  }
0x66d: {  	_ =	swait.ge [sflag:s28], $0x28  }
0x66e: {  	[sflag:s28] =	ssyncset.done $0x0  }
0x66f: {  	s13 =	simm.s32 $0x2A00;
	[sflag:s28] =	ssyncadd.s32 $0xFFFFFFD8  }
0x670: {  	s14 =	simm.s32 $0x6600;
	v1 =	vld [tilespmem:s13+$0x80]  }
0x671: {  	v2 =	vld [tilespmem:s14+$0x80]  }
0x672: {  	v3 =	vld [tilespmem:s14+$0xFFFFFF00]  }
0x673: {  	v4 =	vld [tilespmem:s13+$0xFFFFFF80]  }
0x674: {  	v5 =	vld [tilespmem:s14+$0xFFFFFF80]  }
0x675: {  	v6 =	vld [tilespmem:s14+$0x0]  }
0x676: {  	v1 =	vadd.f32 v2, v1;
	v2 =	vld [tilespmem:s13+$0x0]  }
0x677: {  	v7 =	vld [tilespmem:s13+$0xFFFFFF00]  }
0x678: {  	v1 =	vmax.f32 v1, $0.0e+00  }
0x679: {  	v4 =	vadd.f32 v5, v4;
	[tilespmem:s14+$0x80] =	vst v1;
	v1 =	vld [tilespmem:s14+$0x90]  }
0x67a: {  	v8 =	vld [tilespmem:s13+$0x90]  }
0x67b: {  	v9 =	vld [tilespmem:s14+$0xFFFFFF90];
	v4 =	vmax.f32 v4, $0.0e+00;
	v2 =	vadd.f32 v6, v2  }
0x67c: {  	v5 =	vld [tilespmem:s14+$0xFFFFFF10];
	v3 =	vadd.f32 v3, v7;
	[tilespmem:s14+$0xFFFFFF80] =	vst v4  }
0x67d: {  	v6 =	vld [tilespmem:s13+$0xFFFFFF90];
	v2 =	vmax.f32 v2, $0.0e+00  }
0x67e: {  	v3 =	vmax.f32 v3, $0.0e+00;
	v4 =	vld [tilespmem:s14+$0x10];
	[tilespmem:s14+$0x0] =	vst v2  }
0x67f: {  	[tilespmem:s14+$0xFFFFFF00] =	vst v3;
	v1 =	vadd.f32 v1, v8;
	v2 =	vld [tilespmem:s13+$0x10]  }
0x680: {  	v3 =	vld [tilespmem:s13+$0xFFFFFF10]  }
0x681: {  	v1 =	vmax.f32 v1, $0.0e+00  }
0x682: {  	v6 =	vadd.f32 v9, v6;
	[tilespmem:s14+$0x90] =	vst v1;
	v1 =	vld [tilespmem:s14+$0xA0]  }
0x683: {  	v8 =	vld [tilespmem:s13+$0xA0]  }
0x684: {  	v7 =	vld [tilespmem:s14+$0xFFFFFF20];
	v6 =	vmax.f32 v6, $0.0e+00;
	v2 =	vadd.f32 v4, v2  }
0x685: {  	v3 =	vadd.f32 v5, v3;
	v9 =	vld [tilespmem:s14+$0xFFFFFFA0];
	[tilespmem:s14+$0xFFFFFF90] =	vst v6  }
0x686: {  	v5 =	vld [tilespmem:s13+$0xFFFFFFA0];
	v2 =	vmax.f32 v2, $0.0e+00  }
0x687: {  	v3 =	vmax.f32 v3, $0.0e+00;
	v4 =	vld [tilespmem:s14+$0x20];
	[tilespmem:s14+$0x10] =	vst v2  }
0x688: {  	[tilespmem:s14+$0xFFFFFF10] =	vst v3;
	v1 =	vadd.f32 v1, v8;
	v2 =	vld [tilespmem:s13+$0x20]  }
0x689: {  	v3 =	vld [tilespmem:s13+$0xFFFFFF20]  }
0x68a: {  	v1 =	vmax.f32 v1, $0.0e+00  }
0x68b: {  	v5 =	vadd.f32 v9, v5;
	[tilespmem:s14+$0xA0] =	vst v1;
	v1 =	vld [tilespmem:s14+$0xB0]  }
0x68c: {  	v8 =	vld [tilespmem:s13+$0xB0]  }
0x68d: {  	v10 =	vld [tilespmem:s14+$0x30];
	v5 =	vmax.f32 v5, $0.0e+00;
	v2 =	vadd.f32 v4, v2  }
0x68e: {  	v3 =	vadd.f32 v7, v3;
	v9 =	vld [tilespmem:s14+$0xFFFFFFB0];
	[tilespmem:s14+$0xFFFFFFA0] =	vst v5  }
0x68f: {  	v4 =	vld [tilespmem:s13+$0xFFFFFFB0];
	v2 =	vmax.f32 v2, $0.0e+00  }
0x690: {  	v6 =	vld [tilespmem:s14+$0xFFFFFF30];
	[tilespmem:s14+$0x20] =	vst v2;
	v2 =	vmax.f32 v3, $0.0e+00  }
0x691: {  	v1 =	vadd.f32 v1, v8;
	[tilespmem:s14+$0xFFFFFF20] =	vst v2;
	v2 =	vld [tilespmem:s13+$0x30]  }
0x692: {  	v7 =	vld [tilespmem:s13+$0xFFFFFF30]  }
0x693: {  	v11 =	vld [tilespmem:s14+$0xFFFFFF40];
	v1 =	vmax.f32 v1, $0.0e+00  }
0x694: {  	v4 =	vadd.f32 v9, v4;
	[tilespmem:s14+$0xB0] =	vst v1;
	v1 =	vld [tilespmem:s14+$0xC0]  }
0x695: {  	v8 =	vld [tilespmem:s13+$0xC0]  }
0x696: {  	v12 =	vld [tilespmem:s14+$0xFFFFFFD0];
	v4 =	vmax.f32 v4, $0.0e+00;
	v2 =	vadd.f32 v10, v2  }
0x697: {  	v5 =	vld [tilespmem:s14+$0xFFFFFFC0];
	[tilespmem:s14+$0xFFFFFFB0] =	vst v4;
	v6 =	vadd.f32 v6, v7  }
0x698: {  	v7 =	vld [tilespmem:s13+$0xFFFFFFC0];
	v2 =	vmax.f32 v2, $0.0e+00  }
0x699: {  	v3 =	vld [tilespmem:s14+$0x40];
	[tilespmem:s14+$0x30] =	vst v2;
	v2 =	vmax.f32 v6, $0.0e+00  }
0x69a: {  	v1 =	vadd.f32 v1, v8;
	v6 =	vld [tilespmem:s13+$0x40];
	[tilespmem:s14+$0xFFFFFF30] =	vst v2  }
0x69b: {  	v2 =	vld [tilespmem:s13+$0xFFFFFF40]  }
0x69c: {  	v9 =	vld [tilespmem:s14+$0xFFFFFF50];
	v1 =	vmax.f32 v1, $0.0e+00  }
0x69d: {  	[tilespmem:s14+$0xC0] =	vst v1;
	v1 =	vadd.f32 v5, v7;
	v7 =	vld [tilespmem:s14+$0xD0]  }
0x69e: {  	v8 =	vld [tilespmem:s13+$0xD0]  }
0x69f: {  	v4 =	vld [tilespmem:s14+$0xFFFFFF60];
	v1 =	vmax.f32 v1, $0.0e+00;
	v3 =	vadd.f32 v3, v6  }
0x6a0: {  	v10 =	vld [tilespmem:s14+$0x50];
	[tilespmem:s14+$0xFFFFFFC0] =	vst v1;
	v1 =	vadd.f32 v11, v2  }
0x6a1: {  	v2 =	vld [tilespmem:s13+$0xFFFFFFD0];
	v3 =	vmax.f32 v3, $0.0e+00  }
0x6a2: {  	v5 =	vld [tilespmem:s14+$0xFFFFFFE0];
	[tilespmem:s14+$0x40] =	vst v3;
	v1 =	vmax.f32 v1, $0.0e+00  }
0x6a3: {  	v3 =	vld [tilespmem:s13+$0x50];
	v7 =	vadd.f32 v7, v8;
	[tilespmem:s14+$0xFFFFFF40] =	vst v1  }
0x6a4: {  	v1 =	vld [tilespmem:s13+$0xFFFFFF50]  }
0x6a5: {  	v6 =	vld [tilespmem:s14+$0x60];
	v7 =	vmax.f32 v7, $0.0e+00  }
0x6a6: {  	v2 =	vadd.f32 v12, v2;
	[tilespmem:s14+$0xD0] =	vst v7;
	v7 =	vld [tilespmem:s14+$0xE0]  }
0x6a7: {  	v11 =	vld [tilespmem:s13+$0xE0]  }
0x6a8: {  	v2 =	vmax.f32 v2, $0.0e+00;
	v8 =	vadd.f32 v10, v3;
	v3 =	vld [tilespmem:s14+$0xFFFFFF70]  }
0x6a9: {  	[tilespmem:s14+$0xFFFFFFD0] =	vst v2;
	v1 =	vadd.f32 v9, v1;
	v2 =	vld [tilespmem:s14+$0xFFFFFFF0]  }
0x6aa: {  	v9 =	vmax.f32 v8, $0.0e+00;
	v8 =	vld [tilespmem:s13+$0xFFFFFFE0]  }
0x6ab: {  	[tilespmem:s14+$0x50] =	vst v9;
	v9 =	vmax.f32 v1, $0.0e+00;
	v1 =	vld [tilespmem:s14+$0x70]  }
0x6ac: {  	[tilespmem:s14+$0xFFFFFF50] =	vst v9;
	v9 =	vld [tilespmem:s13+$0x60];
	v7 =	vadd.f32 v7, v11  }
0x6ad: {  	v10 =	vld [tilespmem:s13+$0xFFFFFF60]  }
0x6ae: {  	s16 =	simm.s32 $0x0;
	s8 =	simm.s32 $0x2C00;
	s15 =	simm.s32 $0x6600;
	v11 =	vmax.f32 v7, $0.0e+00;
	v7 =	vld [tilespmem:s14+$0xF0]  }
.LBB2_24:
0x6af: {  	v12 =	vld [tilespmem:s8+$0x80];
	v5 =	vadd.f32 v5, v8;
	[tilespmem:s14+$0xE0] =	vst v11  }
0x6b0: {  	s14 =	sadd.s32 $0x200, s14;
	v8 =	vld [tilespmem:s13+$0xF0]  }
0x6b1: {  	s16 =	sadd.s32 $0x4, s16;
	v11 =	vld [tilespmem:s14+$0x80];
	v5 =	vmax.f32 v5, $0.0e+00;
	v6 =	vadd.f32 v6, v9  }
0x6b2: {  	p1 =	slt.u32 s16, $0x24;
	v9 =	vld [tilespmem:s14+$0xFFFFFF00];
	v4 =	vadd.f32 v4, v10;
	[tilespmem:s15+$0xFFFFFFE0] =	vst v5  }
0x6b3: {  	v5 =	vld [tilespmem:s8+$0xFFFFFF80];
	v6 =	vmax.f32 v6, $0.0e+00  }
0x6b4: {  	v10 =	vld [tilespmem:s14+$0xFFFFFF80];
	v4 =	vmax.f32 v4, $0.0e+00;
	[tilespmem:s15+$0x60] =	vst v6  }
0x6b5: {  	v6 =	vld [tilespmem:s8+$0x0];
	[tilespmem:s15+$0xFFFFFF60] =	vst v4;
	v4 =	vadd.f32 v7, v8  }
0x6b6: {  	v7 =	vld [tilespmem:s14+$0x0];
	v8 =	vadd.f32 v11, v12  }
0x6b7: {  	v11 =	vld [tilespmem:s8+$0xFFFFFF00];
	v4 =	vmax.f32 v4, $0.0e+00  }
0x6b8: {  	v12 =	vld [tilespmem:s14+$0xFFFFFF10];
	v8 =	vmax.f32 v8, $0.0e+00;
	[tilespmem:s15+$0xF0] =	vst v4  }
0x6b9: {  	v4 =	vadd.f32 v10, v5;
	[tilespmem:s14+$0x80] =	vst v8;
	v5 =	vld [tilespmem:s14+$0x90]  }
0x6ba: {  	v8 =	vld [tilespmem:s8+$0x90]  }
0x6bb: {  	v4 =	vmax.f32 v4, $0.0e+00;
	v10 =	vld [tilespmem:s14+$0xFFFFFF90];
	v6 =	vadd.f32 v7, v6  }
0x6bc: {  	v7 =	vadd.f32 v9, v11;
	[tilespmem:s14+$0xFFFFFF80] =	vst v4;
	v4 =	vld [tilespmem:s14+$0x10]  }
0x6bd: {  	v9 =	vld [tilespmem:s8+$0xFFFFFF90];
	v6 =	vmax.f32 v6, $0.0e+00  }
0x6be: {  	v7 =	vmax.f32 v7, $0.0e+00;
	v11 =	vld [tilespmem:s14+$0xFFFFFF20];
	[tilespmem:s14+$0x0] =	vst v6  }
0x6bf: {  	[tilespmem:s14+$0xFFFFFF00] =	vst v7;
	v6 =	vld [tilespmem:s8+$0x10];
	v5 =	vadd.f32 v5, v8  }
0x6c0: {  	v7 =	vld [tilespmem:s8+$0xFFFFFF10]  }
0x6c1: {  	v8 =	vld [tilespmem:s14+$0xFFFFFFA0];
	v5 =	vmax.f32 v5, $0.0e+00  }
0x6c2: {  	v9 =	vadd.f32 v10, v9;
	[tilespmem:s14+$0x90] =	vst v5;
	v5 =	vld [tilespmem:s14+$0xA0]  }
0x6c3: {  	v10 =	vld [tilespmem:s8+$0xA0]  }
0x6c4: {  	v9 =	vmax.f32 v9, $0.0e+00;
	v4 =	vadd.f32 v4, v6;
	v6 =	vld [tilespmem:s14+$0x20]  }
0x6c5: {  	v7 =	vadd.f32 v12, v7;
	v12 =	vld [tilespmem:s14+$0xFFFFFF30];
	[tilespmem:s14+$0xFFFFFF90] =	vst v9  }
0x6c6: {  	v9 =	vld [tilespmem:s8+$0xFFFFFFA0];
	v4 =	vmax.f32 v4, $0.0e+00  }
0x6c7: {  	v7 =	vmax.f32 v7, $0.0e+00;
	v13 =	vld [tilespmem:s14+$0xFFFFFFB0];
	[tilespmem:s14+$0x10] =	vst v4  }
0x6c8: {  	[tilespmem:s14+$0xFFFFFF10] =	vst v7;
	v4 =	vld [tilespmem:s8+$0x20];
	v5 =	vadd.f32 v5, v10  }
0x6c9: {  	v7 =	vld [tilespmem:s8+$0xFFFFFF20]  }
0x6ca: {  	v10 =	vld [tilespmem:s14+$0x30];
	v5 =	vmax.f32 v5, $0.0e+00  }
0x6cb: {  	v8 =	vadd.f32 v8, v9;
	[tilespmem:s14+$0xA0] =	vst v5;
	v5 =	vld [tilespmem:s14+$0xB0]  }
0x6cc: {  	v9 =	vld [tilespmem:s8+$0xB0]  }
0x6cd: {  	v14 =	vld [tilespmem:s14+$0xFFFFFF40];
	v8 =	vmax.f32 v8, $0.0e+00;
	v4 =	vadd.f32 v6, v4  }
0x6ce: {  	v6 =	vadd.f32 v11, v7;
	[tilespmem:s14+$0xFFFFFFA0] =	vst v8;
	v7 =	vld [tilespmem:s14+$0xFFFFFFC0]  }
0x6cf: {  	v8 =	vld [tilespmem:s8+$0xFFFFFFB0];
	v4 =	vmax.f32 v4, $0.0e+00  }
0x6d0: {  	v6 =	vmax.f32 v6, $0.0e+00;
	[tilespmem:s14+$0x20] =	vst v4;
	v11 =	vld [tilespmem:s14+$0x40]  }
0x6d1: {  	[tilespmem:s14+$0xFFFFFF20] =	vst v6;
	v4 =	vld [tilespmem:s8+$0x30];
	v5 =	vadd.f32 v5, v9  }
0x6d2: {  	v6 =	vld [tilespmem:s8+$0xFFFFFF30]  }
0x6d3: {  	v9 =	vld [tilespmem:s14+$0xFFFFFF50];
	v5 =	vmax.f32 v5, $0.0e+00  }
0x6d4: {  	v8 =	vadd.f32 v13, v8;
	[tilespmem:s14+$0xB0] =	vst v5;
	v5 =	vld [tilespmem:s14+$0xC0]  }
0x6d5: {  	v13 =	vld [tilespmem:s8+$0xC0]  }
0x6d6: {  	v8 =	vmax.f32 v8, $0.0e+00;
	v15 =	vld [tilespmem:s14+$0xFFFFFFD0];
	v4 =	vadd.f32 v10, v4  }
0x6d7: {  	v6 =	vadd.f32 v12, v6;
	[tilespmem:s14+$0xFFFFFFB0] =	vst v8;
	v8 =	vld [tilespmem:s14+$0x50]  }
0x6d8: {  	v10 =	vld [tilespmem:s8+$0xFFFFFFC0];
	v12 =	vmax.f32 v4, $0.0e+00  }
0x6d9: {  	v6 =	vmax.f32 v6, $0.0e+00;
	v4 =	vld [tilespmem:s14+$0xFFFFFF60];
	[tilespmem:s14+$0x30] =	vst v12  }
0x6da: {  	[tilespmem:s14+$0xFFFFFF30] =	vst v6;
	v6 =	vld [tilespmem:s8+$0x40];
	v12 =	vadd.f32 v5, v13  }
0x6db: {  	v13 =	vld [tilespmem:s8+$0xFFFFFF40]  }
0x6dc: {  	v5 =	vld [tilespmem:s14+$0xFFFFFFE0];
	v12 =	vmax.f32 v12, $0.0e+00  }
0x6dd: {  	v7 =	vadd.f32 v7, v10;
	[tilespmem:s14+$0xC0] =	vst v12;
	v10 =	vld [tilespmem:s14+$0xD0]  }
0x6de: {  	v12 =	vld [tilespmem:s8+$0xD0]  }
0x6df: {  	v7 =	vmax.f32 v7, $0.0e+00;
	v11 =	vadd.f32 v11, v6;
	v6 =	vld [tilespmem:s14+$0x60]  }
0x6e0: {  	v13 =	vadd.f32 v14, v13;
	[tilespmem:s14+$0xFFFFFFC0] =	vst v7;
	v7 =	vld [tilespmem:s13+$0xFFFFFF70]  }
0x6e1: {  	v14 =	vld [tilespmem:s8+$0xFFFFFFD0];
	v11 =	vmax.f32 v11, $0.0e+00  }
0x6e2: {  	v13 =	vmax.f32 v13, $0.0e+00;
	[tilespmem:s14+$0x40] =	vst v11;
	v11 =	vld [tilespmem:s13+$0xFFFFFFF0]  }
0x6e3: {  	[tilespmem:s14+$0xFFFFFF40] =	vst v13;
	v13 =	vld [tilespmem:s8+$0x50];
	v10 =	vadd.f32 v10, v12  }
0x6e4: {  	v12 =	vld [tilespmem:s8+$0xFFFFFF50]  }
0x6e5: {  	v10 =	vmax.f32 v10, $0.0e+00;
	v3 =	vadd.f32 v3, v7;
	v7 =	vld [tilespmem:s13+$0x70];
	s13 =	smov.u32 s8  }
0x6e6: {  	v14 =	vadd.f32 v15, v14;
	[tilespmem:s14+$0xD0] =	vst v10;
	v10 =	vld [tilespmem:s14+$0xE0]  }
0x6e7: {  	v15 =	vld [tilespmem:s8+$0xE0];
	v16 =	vmax.f32 v3, $0.0e+00;
	v11 =	vadd.f32 v2, v11  }
0x6e8: {  	v3 =	vld [tilespmem:s14+$0xFFFFFF70];
	v2 =	vmax.f32 v14, $0.0e+00;
	v13 =	vadd.f32 v8, v13;
	[tilespmem:s15+$0xFFFFFF70] =	vst v16  }
0x6e9: {  	v9 =	vadd.f32 v9, v12;
	[tilespmem:s14+$0xFFFFFFD0] =	vst v2;
	v2 =	vld [tilespmem:s14+$0xFFFFFFF0];
	v11 =	vmax.f32 v11, $0.0e+00  }
.Ltmp11:
0x6ea: {  	v8 =	vld [tilespmem:s8+$0xFFFFFFE0];
	v12 =	vmax.f32 v13, $0.0e+00;
	[tilespmem:s15+$0xFFFFFFF0] =	vst v11;
	v7 =	vadd.f32 v1, v7;
	(pc) =	sbr.rel @p1 .LBB2_24-.Ltmp11, $4  }
0x6eb: {  	v9 =	vmax.f32 v9, $0.0e+00;
	[tilespmem:s14+$0x50] =	vst v12;
	v1 =	vld [tilespmem:s14+$0x70]  }
0x6ec: {  	[tilespmem:s14+$0xFFFFFF50] =	vst v9;
	v9 =	vld [tilespmem:s8+$0x60];
	v11 =	vadd.f32 v10, v15;
	v7 =	vmax.f32 v7, $0.0e+00  }
0x6ed: {  	v10 =	vld [tilespmem:s8+$0xFFFFFF60];
	[tilespmem:s15+$0x70] =	vst v7;
	s15 =	smov.u32 s14  }
0x6ee: {  	s8 =	sadd.s32 $0x200, s8;
	v11 =	vmax.f32 v11, $0.0e+00;
	v7 =	vld [tilespmem:s14+$0xF0]  }
0x6ef: {  	_ = 	snop  }
0x6f0: {  	v5 =	vadd.f32 v5, v8  }
0x6f1: {  	v6 =	vadd.f32 v6, v9  }
0x6f2: {  	[tilespmem:s14+$0xE0] =	vst v11;
	v5 =	vmax.f32 v5, $0.0e+00;
	v4 =	vadd.f32 v4, v10  }
0x6f3: {  	v58 =	vld [tilespmem:s13+$0xF0];
	[tilespmem:s15+$0xFFFFFFE0] =	vst v5;
	v59 =	vmax.f32 v6, $0.0e+00  }
0x6f4: {  	v61 =	vld [tilespmem:s13+$0xFFFFFFF0];
	v4 =	vmax.f32 v4, $0.0e+00;
	[tilespmem:s15+$0x60] =	vst v59  }
0x6f5: {  	[tilespmem:s15+$0xFFFFFF60] =	vst v4;
	v62 =	vld [tilespmem:s13+$0x70]  }
0x6f6: {  	v60 =	vld [tilespmem:s13+$0xFFFFFF70];
	_ =	sdelay $0x1  }
0x6f7: {  	v7 =	vadd.f32 v7, v58  }
0x6f8: {  	v2 =	vadd.f32 v2, v61  }
0x6f9: {  	v63 =	vmax.f32 v7, $0.0e+00;
	v1 =	vadd.f32 v1, v62  }
0x6fa: {  	[tilespmem:s15+$0xF0] =	vst v63;
	v2 =	vmax.f32 v2, $0.0e+00;
	v3 =	vadd.f32 v3, v60  }
0x6fb: {  	[tilespmem:s15+$0xFFFFFFF0] =	vst v2;
	v1 =	vmax.f32 v1, $0.0e+00  }
0x6fc: {  	v3 =	vmax.f32 v3, $0.0e+00;
	[tilespmem:s15+$0x70] =	vst v1  }
0x6fd: {  	[tilespmem:s15+$0xFFFFFF70] =	vst v3  }
0x6fe: {  	[spmem:s4] =	stream.indirect.scatter.add.f32 [tilespmem:s19], [sflag:$0x4], $0x80, s23, s21, $0xb8;
	[tilespmem:$0x1D980] =	vst v63  }
0x6ff: {  	_ =	swait.ge [sflag:s10], $0x1400  }
0x700: {  	[sflag:s10] =	ssyncset.done $0x0  }
0x701: {  	[sflag:s10] =	ssyncadd.s32 $0xFFFFEC00  }
0x702: {  	_ =	swait.ge [sflag:s11], $0x1400  }
0x703: {  	[sflag:s11] =	ssyncset.done $0x0  }
0x704: {  	[sflag:s11] =	ssyncadd.s32 $0xFFFFEC00  }
0x705: {  	_ =	swait.ge [sflag:s0], $0x1400  }
0x706: {  	[sflag:s0] =	ssyncset.done $0x0  }
0x707: {  	[sflag:s0] =	ssyncadd.s32 $0xFFFFEC00  }
0x708: {  	s8 =	stileid.u32;
	[bflag:$0x0] =	sbarrier.arrive $0xFFFF  }
0x709: {  	s8 =	sshll.u32 s8, $0x6;
	s14 =	rddreg [dreg:$0x5]  }
0x70a: {  	s8 =	sor.u32 $0x1C07, s8;
	s17 =	rddreg [dreg:$0x11];
	s16 =	sshrl.u32 s14, $0x3  }
0x70b: {  	[hbm:s17], [sflag:s8] =	dma.local [spmem:s16], $0x2700  }
0x70c: {  	_ =	swait.ge [sflag:s20], $0x2700  }
0x70d: {  	s16 =	sld [smem:$0x7FD];
	_ =	sdelay $0x1  }
0x70e: {  	[sflag:s20] =	ssyncset.done $0x0  }
0x70f: {  	s15 =	rddreg [dreg:$0x16];
	[sflag:s20] =	ssyncadd.s32 $0xFFFFD900;
	s13 =	sshrl.u32 @!p0 s16, $0x3  }
0x710: {  	[hbm:s15], [sflag:s8] =	dma.local @!p0 [spmem:s13], $0x100  }
0x711: {  	s8 =	simm.s32 @!p0 $0x7  }
0x712: {  	_ =	swait.ge @!p0 [sflag:s8], $0x100  }
0x713: {  	s12 =	sadd.s32 $0x1, s12;
	s18 =	rddreg [dreg:$0x17]  }
0x714: {  	p1 =	sne.s32 s12, s18  }
.Ltmp12:
0x715: {  	_ = 	snop;
	(pc) =	sbr.rel @p1 .LBB2_1-.Ltmp12, $3  }
0x716: {  	_ =	sdelay $0x1  }
0x717: {  	[sflag:s8] =	ssyncset.done @!p0 $0x0  }
0x718: {  	[sflag:s8] =	ssyncadd.s32 @!p0 $0xFFFFFF00  }
0x719: {  	_ =	sfence.sel $0x180000  }
0x71a: {  	[bflag:$0x0] =	sbarrier.arrive $0xFFFF  }
0x71b: {  	_ =	strace $0x90000047  }
0x71c: {  	s0 =	stileid.u32;
	[bflag:$0x2] =	sbarrier.arrive $0xFFFF  }
0x71d: {  	p0 =	sne.s32 s0, $0x0;
	s0 =	rddreg [dreg:$0x4]  }
0x71e: {  	s0 =	sadd.s32 @!p0 $0x100000, s0  }
0x71f: {  	[sflag:s0] =	ssyncadd.tile.s32 @!p0 $0x1;
	_ =	shalt  }
.Lfunc_end2:
_tile_overlayer_lowered:
.L_overlay_start_2:
0x720: {  	(tag) =	ssettag $0x2  }
0x721: {  	s0 =	rddreg [dreg:$0x0];
	s2 =	stileid.u32  }
0x722: {  	s1 =	rddreg [dreg:$0x1];
	p0 =	sne.s32 s2, $0x0  }
0x723: {  	s3 =	rddreg [dreg:$0x2];
	[bflag:$0x3] =	sbarrier.arrive $0xFFFF;
	s2 =	simm.s32 @!p0 $0x1C07  }
0x724: {  	[timem:s3], [sflag:s2] =	dma.local @!p0 [hbm:s0], s1  }
0x725: {  	s0 =	simm.s32 @!p0 $0x7  }
0x726: {  	_ =	swait.ge @!p0 [sflag:s0], s1  }
0x727: {  	s1 =	ssub.s32 @!p0 $0x0, s1;
	[sflag:s0] =	ssyncset.done @!p0 $0x0  }
0x728: {  	[sflag:s0] =	ssyncadd.s32 @!p0 s1  }
0x729: {  	[bflag:$0x3] =	sbarrier.arrive $0xFFFF  }
0x72a: {  	_ =	shalt  }

</sc_bundles>
